<compile_context>
chip_gen: v7x
topology: tpu7x:2x2x1
jax: 0.10.2.dev20260603
libtpu: 0.0.44.dev20260713+nightly
codegen_flags: <defaults>
</compile_context>

<pallas_src>
import jax
import jax.numpy as jnp
from jax import lax
from jax.experimental import pallas as pl
from jax.experimental.pallas import tpu as pltpu
from jax.experimental.pallas import tpu_sc as plsc

NF = 1
NLOC = 10000
NALL = 12000
NNEI = 32
M = 64
AXIS = 8
NTYPES = 2

B = 64
P = B * NNEI
NLOCP = 10240
NBLK = NLOCP // B
NPF = NLOCP * NNEI
NP = NLOC * NNEI

TILES = 32
APT = NLOCP // TILES
FPAD = 30720
SL = FPAD // TILES
SH = 1200


def _tc_body(rx_r, ry_r, rz_r, at_r, W0T_r, b0c_r, W1_r, W1T_r, b1c_r, W2_r,
             W2T_r, b2c_r, FW0r_r, FW0rT_r, Fb0c_r, FW1_r, FW1T_r, Fb1c_r,
             FW2c_r, bias_r, Seg_r, E_r, gx_r, gy_r, gz_r, cs_r, acc_r):
    i = pl.program_id(0)
    f32 = jnp.float32

    pair_atom = jax.lax.broadcasted_iota(jnp.int32, (1, P), 1) // NNEI
    pmask = (pair_atom + i * B) < NLOC
    amask = (jax.lax.broadcasted_iota(jnp.int32, (1, B), 1) + i * B) < NLOC

    rx = jnp.where(pmask, rx_r[0], 1.0)
    ry = jnp.where(pmask, ry_r[0], 1.0)
    rz = jnp.where(pmask, rz_r[0], 1.0)

    rr = rx * rx + ry * ry + rz * rz + 1e-6
    inv_rr = 1.0 / rr
    s = 1.0 / jnp.sqrt(rr)


    def bl(x, rows):
        return jnp.broadcast_to(x, (rows, x.shape[1]))

    def bc(col, cols):
        return jnp.broadcast_to(col, (col.shape[0], cols))

    h0 = jnp.tanh(bc(W0T_r[...], P) * bl(s, 16) + bc(b0c_r[...], P))
    h1 = jnp.tanh(jnp.dot(W1T_r[...], h0, preferred_element_type=f32, precision=lax.Precision.DEFAULT)
                  + bc(b1c_r[...], P))
    g = jnp.tanh(jnp.dot(W2T_r[...], h1, preferred_element_type=f32, precision=lax.Precision.DEFAULT)
                 + bc(b2c_r[...], P))

    env = (s, rx / rr, ry / rr, rz / rr)

    Seg = Seg_r[...]
    E = E_r[...]

    GR = [jnp.dot(g * bl(env[c], M), Seg, preferred_element_type=f32, precision=lax.Precision.DEFAULT)
          for c in range(4)]

    accf = bc(Fb0c_r[...], B)
    for a in range(AXIS):
        d_a = GR[0] * bl(GR[0][a:a + 1, :], M)
        for c in range(1, 4):
            d_a = d_a + GR[c] * bl(GR[c][a:a + 1, :], M)
        accf = accf + jnp.dot(FW0rT_r[a], d_a, preferred_element_type=f32, precision=lax.Precision.DEFAULT)
    h0f = jnp.tanh(accf)
    h1f = jnp.tanh(jnp.dot(FW1T_r[...], h0f, preferred_element_type=f32, precision=lax.Precision.DEFAULT)
                   + bc(Fb1c_r[...], B))
    fw2b = bc(FW2c_r[...], B)
    aepre = jnp.sum(h1f * fw2b, axis=0, keepdims=True)
    bias0 = bias_r[0, 0]
    bias1 = bias_r[0, 1]
    atv = at_r[0]
    ae = aepre + jnp.where(atv == 0, bias0, bias1)
    esum = jnp.sum(jnp.where(amask, ae, 0.0))

    u1 = (1.0 - h1f * h1f) * fw2b
    u0 = jnp.dot(FW1_r[...], u1, preferred_element_type=f32, precision=lax.Precision.DEFAULT) * (1.0 - h0f * h0f)
    dGR = []
    dDa = [jnp.dot(FW0r_r[a], u0, preferred_element_type=f32, precision=lax.Precision.DEFAULT)
           for a in range(AXIS)]
    for c in range(4):
        t = dDa[0] * bl(GR[c][0:1, :], M)
        for a in range(1, AXIS):
            t = t + dDa[a] * bl(GR[c][a:a + 1, :], M)
        rows = [jnp.sum(dDa[m] * GR[c], axis=0, keepdims=True)
                for m in range(AXIS)]
        t2 = jnp.concatenate(rows + [jnp.zeros((M - AXIS, B), f32)], axis=0)
        dGR.append(t + t2)

    dGRe = [jnp.dot(dGR[c], E, preferred_element_type=f32, precision=lax.Precision.DEFAULT) for c in range(4)]
    dg = dGRe[0] * bl(env[0], M)
    for c in range(1, 4):
        dg = dg + dGRe[c] * bl(env[c], M)
    denv = [jnp.sum(dGRe[c] * g, axis=0, keepdims=True)
            for c in range(4)]

    t2e = dg * (1.0 - g * g)
    dh1e = jnp.dot(W2_r[...], t2e, preferred_element_type=f32, precision=lax.Precision.DEFAULT) * (1.0 - h1 * h1)
    dh0e = jnp.dot(W1_r[...], dh1e, preferred_element_type=f32, precision=lax.Precision.DEFAULT) * (1.0 - h0 * h0)
    ds_embed = jnp.sum(dh0e * bc(W0T_r[...], P), axis=0, keepdims=True)

    ds_total = denv[0] + ds_embed
    dot = denv[1] * rx + denv[2] * ry + denv[3] * rz
    s3 = s * inv_rr
    common = 2.0 * dot * inv_rr * inv_rr
    gx = denv[1] * inv_rr - rx * common - ds_total * rx * s3
    gy = denv[2] * inv_rr - ry * common - ds_total * ry * s3
    gz = denv[3] * inv_rr - rz * common - ds_total * rz * s3
    gx = jnp.where(pmask, gx, 0.0)
    gy = jnp.where(pmask, gy, 0.0)
    gz = jnp.where(pmask, gz, 0.0)
    gx_r[...] = gx[None]
    gy_r[...] = gy[None]
    gz_r[...] = gz[None]

    csx = jnp.dot(gx, Seg, preferred_element_type=f32, precision=lax.Precision.HIGHEST) * f32(NNEI)
    csy = jnp.dot(gy, Seg, preferred_element_type=f32, precision=lax.Precision.HIGHEST) * f32(NNEI)
    csz = jnp.dot(gz, Seg, preferred_element_type=f32, precision=lax.Precision.HIGHEST) * f32(NNEI)
    cs_r[...] = jnp.concatenate([csx, csy, csz], axis=1)[None]

    parts = [esum]
    for rc in (rx, ry, rz):
        for gc in (gx, gy, gz):
            parts.append(-jnp.sum(rc * gc))
    pvec = jnp.concatenate([x.reshape(1, 1) for x in parts], axis=1)
    pvec = jnp.concatenate([pvec, jnp.zeros((1, 128 - len(parts)), f32)],
                           axis=1)

    @pl.when(i == 0)
    def _():
        acc_r[...] = jnp.zeros_like(acc_r)

    acc_r[...] += pvec


def _tc_call(rx, ry, rz, atype_p, W0T, b0c, W1, W1T, b1c, W2, W2T, b2c, FW0r,
             FW0rT, Fb0c, FW1, FW1T, Fb1c, FW2c, biasadj, Seg, E):
    f32 = jnp.float32
    full = lambda shp: pl.BlockSpec(shp, lambda i: (0,) * len(shp))
    row = pl.BlockSpec((1, 1, P), lambda i: (i, 0, 0))
    out = pl.pallas_call(
        _tc_body,
        grid=(NBLK,),
        in_specs=[
            row, row, row,
            pl.BlockSpec((1, 1, B), lambda i: (i, 0, 0)),
            full((16, 1)), full((16, 1)), full((16, 32)), full((32, 16)),
            full((32, 1)), full((32, 64)), full((64, 32)), full((64, 1)),
            full((8, 64, 128)), full((8, 128, 64)), full((128, 1)),
            full((128, 128)), full((128, 128)), full((128, 1)),
            full((128, 1)), full((1, NTYPES)),
            full((P, B)), full((B, P)),
        ],
        out_specs=[
            row, row, row,
            pl.BlockSpec((1, 1, 192), lambda i: (i, 0, 0)),
            pl.BlockSpec((1, 128), lambda i: (0, 0)),
        ],
        out_shape=[
            jax.ShapeDtypeStruct((NBLK, 1, P), f32),
            jax.ShapeDtypeStruct((NBLK, 1, P), f32),
            jax.ShapeDtypeStruct((NBLK, 1, P), f32),
            jax.ShapeDtypeStruct((NBLK, 1, 192), f32),
            jax.ShapeDtypeStruct((1, 128), f32),
        ],
        compiler_params=pltpu.CompilerParams(
            dimension_semantics=("arbitrary",)),
    )(rx, ry, rz, atype_p, W0T, b0c, W1, W1T, b1c, W2, W2T, b2c, FW0r, FW0rT,
      Fb0c, FW1, FW1T, Fb1c, FW2c, biasadj, Seg, E)
    return out


def _sc_gather_body(cx_h, cy_h, cz_h, map_h, shx_h, shy_h, shz_h, sel_h,
                    rx_h, ry_h, rz_h,
                    cx, cy, cz, mp, ecx, ecy, ecz, sx, sy, sz, selv,
                    ox, oy, oz):
    info = plsc.get_sparse_core_info()
    wid = lax.axis_index("s") * info.num_cores + lax.axis_index("c")

    pltpu.sync_copy(cx_h, cx)
    pltpu.sync_copy(cy_h, cy)
    pltpu.sync_copy(cz_h, cz)
    pltpu.sync_copy(map_h, mp)

    def chunk_body(ci, carry):
        base = ci * SH
        pltpu.sync_copy(shx_h.at[pl.ds(base, SH)], sx)
        pltpu.sync_copy(shy_h.at[pl.ds(base, SH)], sy)
        pltpu.sync_copy(shz_h.at[pl.ds(base, SH)], sz)

        def vec_body(vi, c2):
            o = vi * 16
            idx = mp[pl.ds(base + o, 16)]
            ecx[pl.ds(base + o, 16)] = plsc.load_gather(cx, [idx]) - sx[pl.ds(o, 16)]
            ecy[pl.ds(base + o, 16)] = plsc.load_gather(cy, [idx]) - sy[pl.ds(o, 16)]
            ecz[pl.ds(base + o, 16)] = plsc.load_gather(cz, [idx]) - sz[pl.ds(o, 16)]
            return c2

        return lax.fori_loop(0, SH // 16, vec_body, carry)

    lax.fori_loop(0, NALL // SH, chunk_body, 0)

    a0 = wid * APT
    pltpu.sync_copy(sel_h.at[pl.ds(a0 * NNEI, APT * NNEI)], selv)

    CH = 16

    def out_chunk(oi, carry):
        def atom_body(ai, c2):
            i = oi * CH + ai
            n = a0 + i
            nv = jnp.full((16,), n, jnp.int32)
            cx0 = plsc.load_gather(ecx, [nv])
            cy0 = plsc.load_gather(ecy, [nv])
            cz0 = plsc.load_gather(ecz, [nv])
            for u in range(NNEI // 16):
                jo = i * NNEI + u * 16
                so = ai * NNEI + u * 16
                jdx = selv[pl.ds(jo, 16)]
                ox[pl.ds(so, 16)] = plsc.load_gather(ecx, [jdx]) - cx0
                oy[pl.ds(so, 16)] = plsc.load_gather(ecy, [jdx]) - cy0
                oz[pl.ds(so, 16)] = plsc.load_gather(ecz, [jdx]) - cz0
            return c2

        lax.fori_loop(0, CH, atom_body, 0)
        dst = pl.ds((a0 + oi * CH) * NNEI, CH * NNEI)
        pltpu.sync_copy(ox, rx_h.at[dst])
        pltpu.sync_copy(oy, ry_h.at[dst])
        pltpu.sync_copy(oz, rz_h.at[dst])
        return carry

    lax.fori_loop(0, APT // CH, out_chunk, 0)


def _sc_gather(cx, cy, cz, mapping, shx, shy, shz, sel_pad):
    f32 = jnp.float32
    mesh = plsc.VectorSubcoreMesh(core_axis_name="c", subcore_axis_name="s")
    kern = pl.kernel(
        _sc_gather_body,
        out_type=[jax.ShapeDtypeStruct((NPF,), f32)] * 3,
        mesh=mesh,
        scratch_types=[
            pltpu.VMEM((NLOC,), f32),
            pltpu.VMEM((NLOC,), f32),
            pltpu.VMEM((NLOC,), f32),
            pltpu.VMEM((NALL,), jnp.int32),
            pltpu.VMEM((NALL,), f32),
            pltpu.VMEM((NALL,), f32),
            pltpu.VMEM((NALL,), f32),
            pltpu.VMEM((SH,), f32),
            pltpu.VMEM((SH,), f32),
            pltpu.VMEM((SH,), f32),
            pltpu.VMEM((APT * NNEI,), jnp.int32),
            pltpu.VMEM((16 * NNEI,), f32),
            pltpu.VMEM((16 * NNEI,), f32),
            pltpu.VMEM((16 * NNEI,), f32),
        ],
        compiler_params=pltpu.CompilerParams(needs_layout_passes=False),
    )
    return kern(cx, cy, cz, mapping, shx, shy, shz, sel_pad)


def _sc_scatter_body(gx_h, gy_h, gz_h, cs_h, map_h, sel_h, part_h,
                     facc, mp, selv, gxv, gyv, gzv, csv):
    info = plsc.get_sparse_core_info()
    wid = lax.axis_index("s") * info.num_cores + lax.axis_index("c")
    a0 = wid * APT

    pltpu.sync_copy(map_h, mp)
    pltpu.sync_copy(sel_h.at[pl.ds(a0 * NNEI, APT * NNEI)], selv)
    pltpu.sync_copy(gx_h.at[pl.ds(a0 * NNEI, APT * NNEI)], gxv)
    pltpu.sync_copy(gy_h.at[pl.ds(a0 * NNEI, APT * NNEI)], gyv)
    pltpu.sync_copy(gz_h.at[pl.ds(a0 * NNEI, APT * NNEI)], gzv)
    pltpu.sync_copy(cs_h.at[pl.ds((a0 // B) * 192, (APT // B) * 192)], csv)

    zero16 = jnp.zeros((16,), jnp.float32)

    def zero_body(i, c):
        facc[pl.ds(i * 16, 16)] = zero16
        return c

    lax.fori_loop(0, FPAD // 16, zero_body, 0)

    nvalid = jnp.maximum(0, jnp.minimum(APT, NLOC - a0))

    def scatter3(midx, vx, vy, vz):
        cnt, _ = plsc.scan_count(midx)
        maxc = jnp.max(cnt, axis=0)
        t = midx * 3

        def round_body(r, c):
            m = cnt == r
            plsc.addupdate_scatter(facc, [t], vx, mask=m)
            plsc.addupdate_scatter(facc, [t + 1], vy, mask=m)
            plsc.addupdate_scatter(facc, [t + 2], vz, mask=m)
            return c

        return lax.fori_loop(1, maxc + 1, round_body, 0)

    def atom_body(i, c):
        for u in range(NNEI // 16):
            off = i * NNEI + u * 16
            jdx = selv[pl.ds(off, 16)]
            msel = plsc.load_gather(mp, [jdx])
            scatter3(msel, -gxv[pl.ds(off, 16)], -gyv[pl.ds(off, 16)],
                     -gzv[pl.ds(off, 16)])
        return c

    lax.fori_loop(0, nvalid, atom_body, 0)

    def cent_body(k, c):
        i = k * 16
        mvec = mp[pl.ds(a0 + i, 16)]
        blk = (i // B) * 192
        io = i % B
        scatter3(mvec, csv[pl.ds(blk + io, 16)], csv[pl.ds(blk + B + io, 16)],
                 csv[pl.ds(blk + 2 * B + io, 16)])
        return c

    lax.fori_loop(0, nvalid // 16, cent_body, 0)

    pltpu.sync_copy(facc, part_h.at[pl.ds(wid * FPAD, FPAD)])


def _sc_scatter(gx, gy, gz, cs, mapping, sel_pad):
    f32 = jnp.float32
    mesh = plsc.VectorSubcoreMesh(core_axis_name="c", subcore_axis_name="s")
    kern = pl.kernel(
        _sc_scatter_body,
        out_type=jax.ShapeDtypeStruct((TILES * FPAD,), f32),
        mesh=mesh,
        scratch_types=[
            pltpu.VMEM((FPAD,), f32),
            pltpu.VMEM((NALL,), jnp.int32),
            pltpu.VMEM((APT * NNEI,), jnp.int32),
            pltpu.VMEM((APT * NNEI,), f32),
            pltpu.VMEM((APT * NNEI,), f32),
            pltpu.VMEM((APT * NNEI,), f32),
            pltpu.VMEM(((APT // B) * 192,), f32),
        ],
        compiler_params=pltpu.CompilerParams(needs_layout_passes=False),
    )
    return kern(gx, gy, gz, cs, mapping, sel_pad)


def _sc_reduce_body(part_h, force_h, pbuf, obuf):
    info = plsc.get_sparse_core_info()
    wid = lax.axis_index("s") * info.num_cores + lax.axis_index("c")
    base = wid * SL
    for t in range(TILES):
        pltpu.sync_copy(part_h.at[pl.ds(t * FPAD + base, SL)],
                        pbuf.at[pl.ds(t * SL, SL)])

    def vec_body(v, c):
        o = v * 16
        acc = pbuf[pl.ds(o, 16)]
        for t in range(1, TILES):
            acc = acc + pbuf[pl.ds(t * SL + o, 16)]
        obuf[pl.ds(o, 16)] = acc
        return c

    lax.fori_loop(0, SL // 16, vec_body, 0)
    pltpu.sync_copy(obuf, force_h.at[pl.ds(base, SL)])


def _sc_reduce(partials):
    f32 = jnp.float32
    mesh = plsc.VectorSubcoreMesh(core_axis_name="c", subcore_axis_name="s")
    kern = pl.kernel(
        _sc_reduce_body,
        out_type=jax.ShapeDtypeStruct((FPAD,), f32),
        mesh=mesh,
        scratch_types=[
            pltpu.VMEM((TILES * SL,), f32),
            pltpu.VMEM((SL,), f32),
        ],
        compiler_params=pltpu.CompilerParams(needs_layout_passes=False),
    )
    return kern(partials)


def kernel(coord, atype, natoms, mapping, shift, selected, box, W0, b0, W1,
           b1, W2, b2, FW0, Fb0, FW1, Fb1, FW2, Fb2, bias_atom_e):
    f32 = jnp.float32
    cx = coord[0, :, 0]
    cy = coord[0, :, 1]
    cz = coord[0, :, 2]
    shx = shift[0, :, 0]
    shy = shift[0, :, 1]
    shz = shift[0, :, 2]
    map0 = mapping[0].astype(jnp.int32)
    sel_pad = jnp.concatenate(
        [selected[0].reshape(NP).astype(jnp.int32),
         jnp.zeros((NPF - NP,), jnp.int32)])

    rx, ry, rz = _sc_gather(cx, cy, cz, map0, shx, shy, shz, sel_pad)
    rx = rx.reshape(NBLK, 1, P)
    ry = ry.reshape(NBLK, 1, P)
    rz = rz.reshape(NBLK, 1, P)

    atype_p = jnp.concatenate(
        [atype[0].astype(jnp.int32), jnp.zeros((NLOCP - NLOC,), jnp.int32)]
    ).reshape(NBLK, 1, B)
    W0T = W0.T
    b0c = b0.reshape(16, 1)
    W1T = W1.T
    b1c = b1.reshape(32, 1)
    W2T = W2.T
    b2c = b2.reshape(M, 1)
    FW0r = FW0.reshape(M, AXIS, 128).transpose(1, 0, 2)
    FW0rT = FW0r.transpose(0, 2, 1)
    Fb0c = Fb0.reshape(128, 1)
    FW1T = FW1.T
    Fb1c = Fb1.reshape(128, 1)
    biasadj = (bias_atom_e + Fb2[0]).reshape(1, NTYPES)
    pa = jnp.arange(P, dtype=jnp.int32)[:, None] // NNEI
    nb = jnp.arange(B, dtype=jnp.int32)[None, :]
    Seg = jnp.where(pa == nb, jnp.float32(1.0 / NNEI), 0.0)
    E = Seg.T

    gx, gy, gz, cs, acc = _tc_call(rx, ry, rz, atype_p, W0T, b0c, W1, W1T,
                                   b1c, W2, W2T, b2c, FW0r, FW0rT, Fb0c, FW1,
                                   FW1T, Fb1c, FW2, biasadj, Seg, E)

    partials = _sc_scatter(gx.reshape(NPF), gy.reshape(NPF), gz.reshape(NPF),
                           cs.reshape(NBLK * 192), map0, sel_pad)
    force_flat = _sc_reduce(partials)

    energy = acc[0, 0:1]
    virial = acc[0, 1:10].reshape(1, 3, 3)
    force = force_flat[:NLOC * 3].reshape(1, NLOC, 3)
    return energy, force, virial

# --- scband reference (transcript-rebuilt; emitter-appended) ---
"""Pipeline reference for scband-energy-model-79379585565534 (READ-ONLY COPY).

The authoritative reference and input builder live on the scoring server;
editing this copy changes nothing except your own understanding.
"""

import jax, jax.numpy as jnp
import numpy as np

NF = 1
NLOC = 10000
NALL = 12000
NNEI = 32
NTYPES = 2
M = 64
AXIS = 8


def _embed(s, W0, b0, W1, b1, W2, b2):
    h = jnp.tanh(s @ W0 + b0)
    h = jnp.tanh(h @ W1 + b1)
    h = jnp.tanh(h @ W2 + b2)
    return h


def _forward(coord, shift, box, W0, b0, W1, b1, W2, b2, FW0, Fb0, FW1, Fb1, FW2, Fb2, bias_atom_e, atype, mapping, selected):
    # extended_coord = gather(coord, mapping) - shift
    idx = jnp.broadcast_to(mapping[..., None], (NF, NALL, 3))
    extended_coord = jnp.take_along_axis(coord, idx, axis=1) - shift

    def atom_energy_fn(ec):
        # se_e2_a descriptor: environment matrix from neighbor list `selected`
        center = ec[:, :NLOC, :]
        sel_flat = selected.reshape(NF, NLOC * NNEI)
        neigh = jnp.take_along_axis(ec, sel_flat[..., None], axis=1).reshape(NF, NLOC, NNEI, 3)
        rij = neigh - center[:, :, None, :]
        rr = jnp.sum(rij * rij, axis=-1) + 1e-6
        s = 1.0 / jnp.sqrt(rr)
        env = jnp.concatenate([s[..., None], rij / rr[..., None]], axis=-1)  # [NF, NLOC, NNEI, 4]
        g = _embed(s[..., None], W0, b0, W1, b1, W2, b2)  # [NF, NLOC, NNEI, M]
        GR = jnp.einsum('fnim,fnic->fnmc', g, env) / NNEI  # [NF, NLOC, M, 4]
        GR2 = GR[:, :, :AXIS, :]
        D = jnp.einsum('fnmc,fnac->fnma', GR, GR2).reshape(NF, NLOC, M * AXIS)
        # energy fitting net with per-type atomic bias
        h = jnp.tanh(D @ FW0 + Fb0)
        h = jnp.tanh(h @ FW1 + Fb1)
        ae = (h @ FW2 + Fb2)[..., 0] + bias_atom_e[atype]
        return ae  # [NF, NLOC]

    # force = -dE/d extended_coord (differentiable, matches create_graph=True)
    extended_force = jax.grad(lambda ec: jnp.sum(atom_energy_fn(ec)))(extended_coord)
    energy = jnp.sum(atom_energy_fn(extended_coord), axis=1)
    virial = -jnp.einsum('fai,faj->fij', extended_coord, extended_force)
    force = jnp.zeros_like(coord)
    force = force.at[jnp.arange(NF)[:, None], mapping].add(extended_force)
    force = -force
    return energy, force, virial


def setup_inputs(seed: int = 0):
    key = jax.random.key(seed)
    ks = jax.random.split(key, 24)
    d = {}
    d['coord'] = jax.random.normal(ks[0], (NF, NLOC, 3), jnp.float32) * 3.0
    d['atype'] = jax.random.randint(ks[1], (NF, NLOC), 0, NTYPES)
    d['natoms'] = jnp.array([NLOC, NALL, NLOC // 2, NLOC - NLOC // 2], dtype=jnp.int32)
    d['mapping'] = jax.random.randint(ks[2], (NF, NALL), 0, NLOC)
    d['shift'] = jax.random.normal(ks[3], (NF, NALL, 3), jnp.float32) * 0.1
    d['selected'] = jax.random.randint(ks[4], (NF, NLOC, NNEI), 0, NALL)
    d['box'] = jax.random.normal(ks[5], (NF, 9), jnp.float32)
    d['W0'] = jax.random.normal(ks[6], (1, 16), jnp.float32) * 0.5
    d['b0'] = jax.random.normal(ks[7], (16,), jnp.float32) * 0.1
    d['W1'] = jax.random.normal(ks[8], (16, 32), jnp.float32) * 0.25
    d['b1'] = jax.random.normal(ks[9], (32,), jnp.float32) * 0.1
    d['W2'] = jax.random.normal(ks[10], (32, M), jnp.float32) * 0.18
    d['b2'] = jax.random.normal(ks[11], (M,), jnp.float32) * 0.1
    d['FW0'] = jax.random.normal(ks[12], (M * AXIS, 128), jnp.float32) * 0.05
    d['Fb0'] = jax.random.normal(ks[13], (128,), jnp.float32) * 0.1
    d['FW1'] = jax.random.normal(ks[14], (128, 128), jnp.float32) * 0.09
    d['Fb1'] = jax.random.normal(ks[15], (128,), jnp.float32) * 0.1
    d['FW2'] = jax.random.normal(ks[16], (128, 1), jnp.float32) * 0.09
    d['Fb2'] = jax.random.normal(ks[17], (1,), jnp.float32) * 0.1
    d['bias_atom_e'] = jax.random.normal(ks[18], (NTYPES,), jnp.float32)
    return d


def reference(coord, atype, natoms, mapping, shift, selected, box, W0, b0, W1, b1, W2, b2, FW0, Fb0, FW1, Fb1, FW2, Fb2, bias_atom_e):
    return _forward(coord, shift, box, W0, b0, W1, b1, W2, b2, FW0, Fb0, FW1, Fb1, FW2, Fb2, bias_atom_e, atype, mapping, selected)

if __name__ == "__main__":
    import jax
    _d = setup_inputs()
    print(jax.jit(kernel)(*tuple(_d.values())))

</pallas_src>

<mosaic_0001>
#map = affine_map<(d0, d1) -> (0)>
module attributes {stable_mosaic.version = 14 : i64} {
  func.func @_sc_reduce_body(%arg0: i32, %arg1: i32, %arg2: memref<983040xf32, #tpu.memory_space<hbm>>, %arg3: memref<30720xf32, #tpu.memory_space<hbm>>, %arg4: memref<30720xf32, #tpu.memory_space<vmem>>, %arg5: memref<960xf32, #tpu.memory_space<vmem>>) attributes {dimension_semantics = [#tpu.dimension_semantics<core_parallel>, #tpu.dimension_semantics<subcore_parallel>], iteration_bounds = array<i64: 2, 16>, scalar_prefetch = 0 : i64, scratch_operands = 2 : i64, tpu.core_type = #tpu.core_type<sc_vector_subcore>, window_params = [{transform_indices = #map}, {transform_indices = #map}]} {
    %mul3A = arith.constant 2 : i32
    %mul3A_0 = arith.muli %arg1, %mul3A : i32
    %add3A = arith.addi %mul3A_0, %arg0 : i32
    %mul3A_1 = arith.constant 960 : i32
    %mul3A_2 = arith.muli %add3A, %mul3A_1 : i32
    %add3A_3 = arith.constant 0 : i32
    %add3A_4 = arith.addi %add3A_3, %mul3A_2 : i32
    "tpu.region"() ({
      %run_scoped3A = tpu.sem_alloc : memref<!tpu.dma_semaphore, #tpu.memory_space<semaphore_mem>>
      %dma_start3A = arith.constant 0 : i32
      %dma_start3A_72 = tpu.memref_slice %arg4[%dma_start3A] : memref<30720xf32, #tpu.memory_space<vmem>> -> memref<960xf32, #tpu.memory_space<vmem>>
      %dma_start3A_73 = tpu.memref_slice %arg2[%add3A_4] : memref<983040xf32, #tpu.memory_space<hbm>> -> memref<960xf32, #tpu.memory_space<hbm>>
      %dma_start3A_74 = arith.constant 0 : i32
      %dma_start3A_75 = tpu.memref_slice %arg4[%dma_start3A_74] : memref<30720xf32, #tpu.memory_space<vmem>> -> memref<960xf32, #tpu.memory_space<vmem>>
      %dma_start3A_76 = tpu.memref_slice %arg2[%add3A_4] : memref<983040xf32, #tpu.memory_space<hbm>> -> memref<960xf32, #tpu.memory_space<hbm>>
      tpu.enqueue_dma source(%dma_start3A_76 : memref<960xf32, #tpu.memory_space<hbm>>) target(%dma_start3A_75 : memref<960xf32, #tpu.memory_space<vmem>>) target_semaphore(%run_scoped3A : memref<!tpu.dma_semaphore, #tpu.memory_space<semaphore_mem>>)
      %dma_wait3A = arith.constant 0 : i32
      %dma_wait3A_77 = tpu.memref_slice %arg4[%dma_wait3A] : memref<30720xf32, #tpu.memory_space<vmem>> -> memref<960xf32, #tpu.memory_space<vmem>>
      %dma_wait3A_78 = tpu.memref_slice %arg2[%add3A_4] : memref<983040xf32, #tpu.memory_space<hbm>> -> memref<960xf32, #tpu.memory_space<hbm>>
      %dma_wait3A_79 = arith.constant 0 : i32
      %dma_wait3A_80 = tpu.memref_slice %arg4[%dma_wait3A_79] : memref<30720xf32, #tpu.memory_space<vmem>> -> memref<960xf32, #tpu.memory_space<vmem>>
      %dma_wait3A_81 = tpu.memref_slice %arg2[%add3A_4] : memref<983040xf32, #tpu.memory_space<hbm>> -> memref<960xf32, #tpu.memory_space<hbm>>
      tpu.wait_dma2 semaphore(%run_scoped3A : memref<!tpu.dma_semaphore, #tpu.memory_space<semaphore_mem>>) src(%dma_wait3A_81 : memref<960xf32, #tpu.memory_space<hbm>>) dst(%dma_wait3A_80 : memref<960xf32, #tpu.memory_space<vmem>>)
      tpu.yield
    }) : () -> ()
    %add3A_5 = arith.constant 30720 : i32
    %add3A_6 = arith.addi %add3A_5, %mul3A_2 : i32
    "tpu.region"() ({
      %run_scoped3A = tpu.sem_alloc : memref<!tpu.dma_semaphore, #tpu.memory_space<semaphore_mem>>
      %dma_start3A = arith.constant 960 : i32
      %dma_start3A_72 = tpu.memref_slice %arg4[%dma_start3A] : memref<30720xf32, #tpu.memory_space<vmem>> -> memref<960xf32, #tpu.memory_space<vmem>>
      %dma_start3A_73 = tpu.memref_slice %arg2[%add3A_6] : memref<983040xf32, #tpu.memory_space<hbm>> -> memref<960xf32, #tpu.memory_space<hbm>>
      %dma_start3A_74 = arith.constant 960 : i32
      %dma_start3A_75 = tpu.memref_slice %arg4[%dma_start3A_74] : memref<30720xf32, #tpu.memory_space<vmem>> -> memref<960xf32, #tpu.memory_space<vmem>>
      %dma_start3A_76 = tpu.memref_slice %arg2[%add3A_6] : memref<983040xf32, #tpu.memory_space<hbm>> -> memref<960xf32, #tpu.memory_space<hbm>>
      tpu.enqueue_dma source(%dma_start3A_76 : memref<960xf32, #tpu.memory_space<hbm>>) target(%dma_start3A_75 : memref<960xf32, #tpu.memory_space<vmem>>) target_semaphore(%run_scoped3A : memref<!tpu.dma_semaphore, #tpu.memory_space<semaphore_mem>>)
      %dma_wait3A = arith.constant 960 : i32
      %dma_wait3A_77 = tpu.memref_slice %arg4[%dma_wait3A] : memref<30720xf32, #tpu.memory_space<vmem>> -> memref<960xf32, #tpu.memory_space<vmem>>
      %dma_wait3A_78 = tpu.memref_slice %arg2[%add3A_6] : memref<983040xf32, #tpu.memory_space<hbm>> -> memref<960xf32, #tpu.memory_space<hbm>>
      %dma_wait3A_79 = arith.constant 960 : i32
      %dma_wait3A_80 = tpu.memref_slice %arg4[%dma_wait3A_79] : memref<30720xf32, #tpu.memory_space<vmem>> -> memref<960xf32, #tpu.memory_space<vmem>>
      %dma_wait3A_81 = tpu.memref_slice %arg2[%add3A_6] : memref<983040xf32, #tpu.memory_space<hbm>> -> memref<960xf32, #tpu.memory_space<hbm>>
      tpu.wait_dma2 semaphore(%run_scoped3A : memref<!tpu.dma_semaphore, #tpu.memory_space<semaphore_mem>>) src(%dma_wait3A_81 : memref<960xf32, #tpu.memory_space<hbm>>) dst(%dma_wait3A_80 : memref<960xf32, #tpu.memory_space<vmem>>)
      tpu.yield
    }) : () -> ()
    %add3A_7 = arith.constant 61440 : i32
    %add3A_8 = arith.addi %add3A_7, %mul3A_2 : i32
    "tpu.region"() ({
      %run_scoped3A = tpu.sem_alloc : memref<!tpu.dma_semaphore, #tpu.memory_space<semaphore_mem>>
      %dma_start3A = arith.constant 1920 : i32
      %dma_start3A_72 = tpu.memref_slice %arg4[%dma_start3A] : memref<30720xf32, #tpu.memory_space<vmem>> -> memref<960xf32, #tpu.memory_space<vmem>>
      %dma_start3A_73 = tpu.memref_slice %arg2[%add3A_8] : memref<983040xf32, #tpu.memory_space<hbm>> -> memref<960xf32, #tpu.memory_space<hbm>>
      %dma_start3A_74 = arith.constant 1920 : i32
      %dma_start3A_75 = tpu.memref_slice %arg4[%dma_start3A_74] : memref<30720xf32, #tpu.memory_space<vmem>> -> memref<960xf32, #tpu.memory_space<vmem>>
      %dma_start3A_76 = tpu.memref_slice %arg2[%add3A_8] : memref<983040xf32, #tpu.memory_space<hbm>> -> memref<960xf32, #tpu.memory_space<hbm>>
      tpu.enqueue_dma source(%dma_start3A_76 : memref<960xf32, #tpu.memory_space<hbm>>) target(%dma_start3A_75 : memref<960xf32, #tpu.memory_space<vmem>>) target_semaphore(%run_scoped3A : memref<!tpu.dma_semaphore, #tpu.memory_space<semaphore_mem>>)
      %dma_wait3A = arith.constant 1920 : i32
      %dma_wait3A_77 = tpu.memref_slice %arg4[%dma_wait3A] : memref<30720xf32, #tpu.memory_space<vmem>> -> memref<960xf32, #tpu.memory_space<vmem>>
      %dma_wait3A_78 = tpu.memref_slice %arg2[%add3A_8] : memref<983040xf32, #tpu.memory_space<hbm>> -> memref<960xf32, #tpu.memory_space<hbm>>
      %dma_wait3A_79 = arith.constant 1920 : i32
      %dma_wait3A_80 = tpu.memref_slice %arg4[%dma_wait3A_79] : memref<30720xf32, #tpu.memory_space<vmem>> -> memref<960xf32, #tpu.memory_space<vmem>>
      %dma_wait3A_81 = tpu.memref_slice %arg2[%add3A_8] : memref<983040xf32, #tpu.memory_space<hbm>> -> memref<960xf32, #tpu.memory_space<hbm>>
      tpu.wait_dma2 semaphore(%run_scoped3A : memref<!tpu.dma_semaphore, #tpu.memory_space<semaphore_mem>>) src(%dma_wait3A_81 : memref<960xf32, #tpu.memory_space<hbm>>) dst(%dma_wait3A_80 : memref<960xf32, #tpu.memory_space<vmem>>)
      tpu.yield
    }) : () -> ()
    %add3A_9 = arith.constant 92160 : i32
    %add3A_10 = arith.addi %add3A_9, %mul3A_2 : i32
    "tpu.region"() ({
      %run_scoped3A = tpu.sem_alloc : memref<!tpu.dma_semaphore, #tpu.memory_space<semaphore_mem>>
      %dma_start3A = arith.constant 2880 : i32
      %dma_start3A_72 = tpu.memref_slice %arg4[%dma_start3A] : memref<30720xf32, #tpu.memory_space<vmem>> -> memref<960xf32, #tpu.memory_space<vmem>>
      %dma_start3A_73 = tpu.memref_slice %arg2[%add3A_10] : memref<983040xf32, #tpu.memory_space<hbm>> -> memref<960xf32, #tpu.memory_space<hbm>>
      %dma_start3A_74 = arith.constant 2880 : i32
      %dma_start3A_75 = tpu.memref_slice %arg4[%dma_start3A_74] : memref<30720xf32, #tpu.memory_space<vmem>> -> memref<960xf32, #tpu.memory_space<vmem>>
      %dma_start3A_76 = tpu.memref_slice %arg2[%add3A_10] : memref<983040xf32, #tpu.memory_space<hbm>> -> memref<960xf32, #tpu.memory_space<hbm>>
      tpu.enqueue_dma source(%dma_start3A_76 : memref<960xf32, #tpu.memory_space<hbm>>) target(%dma_start3A_75 : memref<960xf32, #tpu.memory_space<vmem>>) target_semaphore(%run_scoped3A : memref<!tpu.dma_semaphore, #tpu.memory_space<semaphore_mem>>)
      %dma_wait3A = arith.constant 2880 : i32
      %dma_wait3A_77 = tpu.memref_slice %arg4[%dma_wait3A] : memref<30720xf32, #tpu.memory_space<vmem>> -> memref<960xf32, #tpu.memory_space<vmem>>
      %dma_wait3A_78 = tpu.memref_slice %arg2[%add3A_10] : memref<983040xf32, #tpu.memory_space<hbm>> -> memref<960xf32, #tpu.memory_space<hbm>>
      %dma_wait3A_79 = arith.constant 2880 : i32
      %dma_wait3A_80 = tpu.memref_slice %arg4[%dma_wait3A_79] : memref<30720xf32, #tpu.memory_space<vmem>> -> memref<960xf32, #tpu.memory_space<vmem>>
      %dma_wait3A_81 = tpu.memref_slice %arg2[%add3A_10] : memref<983040xf32, #tpu.memory_space<hbm>> -> memref<960xf32, #tpu.memory_space<hbm>>
      tpu.wait_dma2 semaphore(%run_scoped3A : memref<!tpu.dma_semaphore, #tpu.memory_space<semaphore_mem>>) src(%dma_wait3A_81 : memref<960xf32, #tpu.memory_space<hbm>>) dst(%dma_wait3A_80 : memref<960xf32, #tpu.memory_space<vmem>>)
      tpu.yield
    }) : () -> ()
    %add3A_11 = arith.constant 122880 : i32
    %add3A_12 = arith.addi %add3A_11, %mul3A_2 : i32
    "tpu.region"() ({
      %run_scoped3A = tpu.sem_alloc : memref<!tpu.dma_semaphore, #tpu.memory_space<semaphore_mem>>
      %dma_start3A = arith.constant 3840 : i32
      %dma_start3A_72 = tpu.memref_slice %arg4[%dma_start3A] : memref<30720xf32, #tpu.memory_space<vmem>> -> memref<960xf32, #tpu.memory_space<vmem>>
      %dma_start3A_73 = tpu.memref_slice %arg2[%add3A_12] : memref<983040xf32, #tpu.memory_space<hbm>> -> memref<960xf32, #tpu.memory_space<hbm>>
      %dma_start3A_74 = arith.constant 3840 : i32
      %dma_start3A_75 = tpu.memref_slice %arg4[%dma_start3A_74] : memref<30720xf32, #tpu.memory_space<vmem>> -> memref<960xf32, #tpu.memory_space<vmem>>
      %dma_start3A_76 = tpu.memref_slice %arg2[%add3A_12] : memref<983040xf32, #tpu.memory_space<hbm>> -> memref<960xf32, #tpu.memory_space<hbm>>
      tpu.enqueue_dma source(%dma_start3A_76 : memref<960xf32, #tpu.memory_space<hbm>>) target(%dma_start3A_75 : memref<960xf32, #tpu.memory_space<vmem>>) target_semaphore(%run_scoped3A : memref<!tpu.dma_semaphore, #tpu.memory_space<semaphore_mem>>)
      %dma_wait3A = arith.constant 3840 : i32
      %dma_wait3A_77 = tpu.memref_slice %arg4[%dma_wait3A] : memref<30720xf32, #tpu.memory_space<vmem>> -> memref<960xf32, #tpu.memory_space<vmem>>
      %dma_wait3A_78 = tpu.memref_slice %arg2[%add3A_12] : memref<983040xf32, #tpu.memory_space<hbm>> -> memref<960xf32, #tpu.memory_space<hbm>>
      %dma_wait3A_79 = arith.constant 3840 : i32
      %dma_wait3A_80 = tpu.memref_slice %arg4[%dma_wait3A_79] : memref<30720xf32, #tpu.memory_space<vmem>> -> memref<960xf32, #tpu.memory_space<vmem>>
      %dma_wait3A_81 = tpu.memref_slice %arg2[%add3A_12] : memref<983040xf32, #tpu.memory_space<hbm>> -> memref<960xf32, #tpu.memory_space<hbm>>
      tpu.wait_dma2 semaphore(%run_scoped3A : memref<!tpu.dma_semaphore, #tpu.memory_space<semaphore_mem>>) src(%dma_wait3A_81 : memref<960xf32, #tpu.memory_space<hbm>>) dst(%dma_wait3A_80 : memref<960xf32, #tpu.memory_space<vmem>>)
      tpu.yield
    }) : () -> ()
    %add3A_13 = arith.constant 153600 : i32
    %add3A_14 = arith.addi %add3A_13, %mul3A_2 : i32
    "tpu.region"() ({
      %run_scoped3A = tpu.sem_alloc : memref<!tpu.dma_semaphore, #tpu.memory_space<semaphore_mem>>
      %dma_start3A = arith.constant 4800 : i32
      %dma_start3A_72 = tpu.memref_slice %arg4[%dma_start3A] : memref<30720xf32, #tpu.memory_space<vmem>> -> memref<960xf32, #tpu.memory_space<vmem>>
      %dma_start3A_73 = tpu.memref_slice %arg2[%add3A_14] : memref<983040xf32, #tpu.memory_space<hbm>> -> memref<960xf32, #tpu.memory_space<hbm>>
      %dma_start3A_74 = arith.constant 4800 : i32
      %dma_start3A_75 = tpu.memref_slice %arg4[%dma_start3A_74] : memref<30720xf32, #tpu.memory_space<vmem>> -> memref<960xf32, #tpu.memory_space<vmem>>
      %dma_start3A_76 = tpu.memref_slice %arg2[%add3A_14] : memref<983040xf32, #tpu.memory_space<hbm>> -> memref<960xf32, #tpu.memory_space<hbm>>
      tpu.enqueue_dma source(%dma_start3A_76 : memref<960xf32, #tpu.memory_space<hbm>>) target(%dma_start3A_75 : memref<960xf32, #tpu.memory_space<vmem>>) target_semaphore(%run_scoped3A : memref<!tpu.dma_semaphore, #tpu.memory_space<semaphore_mem>>)
      %dma_wait3A = arith.constant 4800 : i32
      %dma_wait3A_77 = tpu.memref_slice %arg4[%dma_wait3A] : memref<30720xf32, #tpu.memory_space<vmem>> -> memref<960xf32, #tpu.memory_space<vmem>>
      %dma_wait3A_78 = tpu.memref_slice %arg2[%add3A_14] : memref<983040xf32, #tpu.memory_space<hbm>> -> memref<960xf32, #tpu.memory_space<hbm>>
      %dma_wait3A_79 = arith.constant 4800 : i32
      %dma_wait3A_80 = tpu.memref_slice %arg4[%dma_wait3A_79] : memref<30720xf32, #tpu.memory_space<vmem>> -> memref<960xf32, #tpu.memory_space<vmem>>
      %dma_wait3A_81 = tpu.memref_slice %arg2[%add3A_14] : memref<983040xf32, #tpu.memory_space<hbm>> -> memref<960xf32, #tpu.memory_space<hbm>>
      tpu.wait_dma2 semaphore(%run_scoped3A : memref<!tpu.dma_semaphore, #tpu.memory_space<semaphore_mem>>) src(%dma_wait3A_81 : memref<960xf32, #tpu.memory_space<hbm>>) dst(%dma_wait3A_80 : memref<960xf32, #tpu.memory_space<vmem>>)
      tpu.yield
    }) : () -> ()
    %add3A_15 = arith.constant 184320 : i32
    %add3A_16 = arith.addi %add3A_15, %mul3A_2 : i32
    "tpu.region"() ({
      %run_scoped3A = tpu.sem_alloc : memref<!tpu.dma_semaphore, #tpu.memory_space<semaphore_mem>>
      %dma_start3A = arith.constant 5760 : i32
      %dma_start3A_72 = tpu.memref_slice %arg4[%dma_start3A] : memref<30720xf32, #tpu.memory_space<vmem>> -> memref<960xf32, #tpu.memory_space<vmem>>
      %dma_start3A_73 = tpu.memref_slice %arg2[%add3A_16] : memref<983040xf32, #tpu.memory_space<hbm>> -> memref<960xf32, #tpu.memory_space<hbm>>
      %dma_start3A_74 = arith.constant 5760 : i32
      %dma_start3A_75 = tpu.memref_slice %arg4[%dma_start3A_74] : memref<30720xf32, #tpu.memory_space<vmem>> -> memref<960xf32, #tpu.memory_space<vmem>>
      %dma_start3A_76 = tpu.memref_slice %arg2[%add3A_16] : memref<983040xf32, #tpu.memory_space<hbm>> -> memref<960xf32, #tpu.memory_space<hbm>>
      tpu.enqueue_dma source(%dma_start3A_76 : memref<960xf32, #tpu.memory_space<hbm>>) target(%dma_start3A_75 : memref<960xf32, #tpu.memory_space<vmem>>) target_semaphore(%run_scoped3A : memref<!tpu.dma_semaphore, #tpu.memory_space<semaphore_mem>>)
      %dma_wait3A = arith.constant 5760 : i32
      %dma_wait3A_77 = tpu.memref_slice %arg4[%dma_wait3A] : memref<30720xf32, #tpu.memory_space<vmem>> -> memref<960xf32, #tpu.memory_space<vmem>>
      %dma_wait3A_78 = tpu.memref_slice %arg2[%add3A_16] : memref<983040xf32, #tpu.memory_space<hbm>> -> memref<960xf32, #tpu.memory_space<hbm>>
      %dma_wait3A_79 = arith.constant 5760 : i32
      %dma_wait3A_80 = tpu.memref_slice %arg4[%dma_wait3A_79] : memref<30720xf32, #tpu.memory_space<vmem>> -> memref<960xf32, #tpu.memory_space<vmem>>
      %dma_wait3A_81 = tpu.memref_slice %arg2[%add3A_16] : memref<983040xf32, #tpu.memory_space<hbm>> -> memref<960xf32, #tpu.memory_space<hbm>>
      tpu.wait_dma2 semaphore(%run_scoped3A : memref<!tpu.dma_semaphore, #tpu.memory_space<semaphore_mem>>) src(%dma_wait3A_81 : memref<960xf32, #tpu.memory_space<hbm>>) dst(%dma_wait3A_80 : memref<960xf32, #tpu.memory_space<vmem>>)
      tpu.yield
    }) : () -> ()
    %add3A_17 = arith.constant 215040 : i32
    %add3A_18 = arith.addi %add3A_17, %mul3A_2 : i32
    "tpu.region"() ({
      %run_scoped3A = tpu.sem_alloc : memref<!tpu.dma_semaphore, #tpu.memory_space<semaphore_mem>>
      %dma_start3A = arith.constant 6720 : i32
      %dma_start3A_72 = tpu.memref_slice %arg4[%dma_start3A] : memref<30720xf32, #tpu.memory_space<vmem>> -> memref<960xf32, #tpu.memory_space<vmem>>
      %dma_start3A_73 = tpu.memref_slice %arg2[%add3A_18] : memref<983040xf32, #tpu.memory_space<hbm>> -> memref<960xf32, #tpu.memory_space<hbm>>
      %dma_start3A_74 = arith.constant 6720 : i32
      %dma_start3A_75 = tpu.memref_slice %arg4[%dma_start3A_74] : memref<30720xf32, #tpu.memory_space<vmem>> -> memref<960xf32, #tpu.memory_space<vmem>>
      %dma_start3A_76 = tpu.memref_slice %arg2[%add3A_18] : memref<983040xf32, #tpu.memory_space<hbm>> -> memref<960xf32, #tpu.memory_space<hbm>>
      tpu.enqueue_dma source(%dma_start3A_76 : memref<960xf32, #tpu.memory_space<hbm>>) target(%dma_start3A_75 : memref<960xf32, #tpu.memory_space<vmem>>) target_semaphore(%run_scoped3A : memref<!tpu.dma_semaphore, #tpu.memory_space<semaphore_mem>>)
      %dma_wait3A = arith.constant 6720 : i32
      %dma_wait3A_77 = tpu.memref_slice %arg4[%dma_wait3A] : memref<30720xf32, #tpu.memory_space<vmem>> -> memref<960xf32, #tpu.memory_space<vmem>>
      %dma_wait3A_78 = tpu.memref_slice %arg2[%add3A_18] : memref<983040xf32, #tpu.memory_space<hbm>> -> memref<960xf32, #tpu.memory_space<hbm>>
      %dma_wait3A_79 = arith.constant 6720 : i32
      %dma_wait3A_80 = tpu.memref_slice %arg4[%dma_wait3A_79] : memref<30720xf32, #tpu.memory_space<vmem>> -> memref<960xf32, #tpu.memory_space<vmem>>
      %dma_wait3A_81 = tpu.memref_slice %arg2[%add3A_18] : memref<983040xf32, #tpu.memory_space<hbm>> -> memref<960xf32, #tpu.memory_space<hbm>>
      tpu.wait_dma2 semaphore(%run_scoped3A : memref<!tpu.dma_semaphore, #tpu.memory_space<semaphore_mem>>) src(%dma_wait3A_81 : memref<960xf32, #tpu.memory_space<hbm>>) dst(%dma_wait3A_80 : memref<960xf32, #tpu.memory_space<vmem>>)
      tpu.yield
    }) : () -> ()
    %add3A_19 = arith.constant 245760 : i32
    %add3A_20 = arith.addi %add3A_19, %mul3A_2 : i32
    "tpu.region"() ({
      %run_scoped3A = tpu.sem_alloc : memref<!tpu.dma_semaphore, #tpu.memory_space<semaphore_mem>>
      %dma_start3A = arith.constant 7680 : i32
      %dma_start3A_72 = tpu.memref_slice %arg4[%dma_start3A] : memref<30720xf32, #tpu.memory_space<vmem>> -> memref<960xf32, #tpu.memory_space<vmem>>
      %dma_start3A_73 = tpu.memref_slice %arg2[%add3A_20] : memref<983040xf32, #tpu.memory_space<hbm>> -> memref<960xf32, #tpu.memory_space<hbm>>
      %dma_start3A_74 = arith.constant 7680 : i32
      %dma_start3A_75 = tpu.memref_slice %arg4[%dma_start3A_74] : memref<30720xf32, #tpu.memory_space<vmem>> -> memref<960xf32, #tpu.memory_space<vmem>>
      %dma_start3A_76 = tpu.memref_slice %arg2[%add3A_20] : memref<983040xf32, #tpu.memory_space<hbm>> -> memref<960xf32, #tpu.memory_space<hbm>>
      tpu.enqueue_dma source(%dma_start3A_76 : memref<960xf32, #tpu.memory_space<hbm>>) target(%dma_start3A_75 : memref<960xf32, #tpu.memory_space<vmem>>) target_semaphore(%run_scoped3A : memref<!tpu.dma_semaphore, #tpu.memory_space<semaphore_mem>>)
      %dma_wait3A = arith.constant 7680 : i32
      %dma_wait3A_77 = tpu.memref_slice %arg4[%dma_wait3A] : memref<30720xf32, #tpu.memory_space<vmem>> -> memref<960xf32, #tpu.memory_space<vmem>>
      %dma_wait3A_78 = tpu.memref_slice %arg2[%add3A_20] : memref<983040xf32, #tpu.memory_space<hbm>> -> memref<960xf32, #tpu.memory_space<hbm>>
      %dma_wait3A_79 = arith.constant 7680 : i32
      %dma_wait3A_80 = tpu.memref_slice %arg4[%dma_wait3A_79] : memref<30720xf32, #tpu.memory_space<vmem>> -> memref<960xf32, #tpu.memory_space<vmem>>
      %dma_wait3A_81 = tpu.memref_slice %arg2[%add3A_20] : memref<983040xf32, #tpu.memory_space<hbm>> -> memref<960xf32, #tpu.memory_space<hbm>>
      tpu.wait_dma2 semaphore(%run_scoped3A : memref<!tpu.dma_semaphore, #tpu.memory_space<semaphore_mem>>) src(%dma_wait3A_81 : memref<960xf32, #tpu.memory_space<hbm>>) dst(%dma_wait3A_80 : memref<960xf32, #tpu.memory_space<vmem>>)
      tpu.yield
    }) : () -> ()
    %add3A_21 = arith.constant 276480 : i32
    %add3A_22 = arith.addi %add3A_21, %mul3A_2 : i32
    "tpu.region"() ({
      %run_scoped3A = tpu.sem_alloc : memref<!tpu.dma_semaphore, #tpu.memory_space<semaphore_mem>>
      %dma_start3A = arith.constant 8640 : i32
      %dma_start3A_72 = tpu.memref_slice %arg4[%dma_start3A] : memref<30720xf32, #tpu.memory_space<vmem>> -> memref<960xf32, #tpu.memory_space<vmem>>
      %dma_start3A_73 = tpu.memref_slice %arg2[%add3A_22] : memref<983040xf32, #tpu.memory_space<hbm>> -> memref<960xf32, #tpu.memory_space<hbm>>
      %dma_start3A_74 = arith.constant 8640 : i32
      %dma_start3A_75 = tpu.memref_slice %arg4[%dma_start3A_74] : memref<30720xf32, #tpu.memory_space<vmem>> -> memref<960xf32, #tpu.memory_space<vmem>>
      %dma_start3A_76 = tpu.memref_slice %arg2[%add3A_22] : memref<983040xf32, #tpu.memory_space<hbm>> -> memref<960xf32, #tpu.memory_space<hbm>>
      tpu.enqueue_dma source(%dma_start3A_76 : memref<960xf32, #tpu.memory_space<hbm>>) target(%dma_start3A_75 : memref<960xf32, #tpu.memory_space<vmem>>) target_semaphore(%run_scoped3A : memref<!tpu.dma_semaphore, #tpu.memory_space<semaphore_mem>>)
      %dma_wait3A = arith.constant 8640 : i32
      %dma_wait3A_77 = tpu.memref_slice %arg4[%dma_wait3A] : memref<30720xf32, #tpu.memory_space<vmem>> -> memref<960xf32, #tpu.memory_space<vmem>>
      %dma_wait3A_78 = tpu.memref_slice %arg2[%add3A_22] : memref<983040xf32, #tpu.memory_space<hbm>> -> memref<960xf32, #tpu.memory_space<hbm>>
      %dma_wait3A_79 = arith.constant 8640 : i32
      %dma_wait3A_80 = tpu.memref_slice %arg4[%dma_wait3A_79] : memref<30720xf32, #tpu.memory_space<vmem>> -> memref<960xf32, #tpu.memory_space<vmem>>
      %dma_wait3A_81 = tpu.memref_slice %arg2[%add3A_22] : memref<983040xf32, #tpu.memory_space<hbm>> -> memref<960xf32, #tpu.memory_space<hbm>>
      tpu.wait_dma2 semaphore(%run_scoped3A : memref<!tpu.dma_semaphore, #tpu.memory_space<semaphore_mem>>) src(%dma_wait3A_81 : memref<960xf32, #tpu.memory_space<hbm>>) dst(%dma_wait3A_80 : memref<960xf32, #tpu.memory_space<vmem>>)
      tpu.yield
    }) : () -> ()
    %add3A_23 = arith.constant 307200 : i32
    %add3A_24 = arith.addi %add3A_23, %mul3A_2 : i32
    "tpu.region"() ({
      %run_scoped3A = tpu.sem_alloc : memref<!tpu.dma_semaphore, #tpu.memory_space<semaphore_mem>>
      %dma_start3A = arith.constant 9600 : i32
      %dma_start3A_72 = tpu.memref_slice %arg4[%dma_start3A] : memref<30720xf32, #tpu.memory_space<vmem>> -> memref<960xf32, #tpu.memory_space<vmem>>
      %dma_start3A_73 = tpu.memref_slice %arg2[%add3A_24] : memref<983040xf32, #tpu.memory_space<hbm>> -> memref<960xf32, #tpu.memory_space<hbm>>
      %dma_start3A_74 = arith.constant 9600 : i32
      %dma_start3A_75 = tpu.memref_slice %arg4[%dma_start3A_74] : memref<30720xf32, #tpu.memory_space<vmem>> -> memref<960xf32, #tpu.memory_space<vmem>>
      %dma_start3A_76 = tpu.memref_slice %arg2[%add3A_24] : memref<983040xf32, #tpu.memory_space<hbm>> -> memref<960xf32, #tpu.memory_space<hbm>>
      tpu.enqueue_dma source(%dma_start3A_76 : memref<960xf32, #tpu.memory_space<hbm>>) target(%dma_start3A_75 : memref<960xf32, #tpu.memory_space<vmem>>) target_semaphore(%run_scoped3A : memref<!tpu.dma_semaphore, #tpu.memory_space<semaphore_mem>>)
      %dma_wait3A = arith.constant 9600 : i32
      %dma_wait3A_77 = tpu.memref_slice %arg4[%dma_wait3A] : memref<30720xf32, #tpu.memory_space<vmem>> -> memref<960xf32, #tpu.memory_space<vmem>>
      %dma_wait3A_78 = tpu.memref_slice %arg2[%add3A_24] : memref<983040xf32, #tpu.memory_space<hbm>> -> memref<960xf32, #tpu.memory_space<hbm>>
      %dma_wait3A_79 = arith.constant 9600 : i32
      %dma_wait3A_80 = tpu.memref_slice %arg4[%dma_wait3A_79] : memref<30720xf32, #tpu.memory_space<vmem>> -> memref<960xf32, #tpu.memory_space<vmem>>
      %dma_wait3A_81 = tpu.memref_slice %arg2[%add3A_24] : memref<983040xf32, #tpu.memory_space<hbm>> -> memref<960xf32, #tpu.memory_space<hbm>>
      tpu.wait_dma2 semaphore(%run_scoped3A : memref<!tpu.dma_semaphore, #tpu.memory_space<semaphore_mem>>) src(%dma_wait3A_81 : memref<960xf32, #tpu.memory_space<hbm>>) dst(%dma_wait3A_80 : memref<960xf32, #tpu.memory_space<vmem>>)
      tpu.yield
    }) : () -> ()
    %add3A_25 = arith.constant 337920 : i32
    %add3A_26 = arith.addi %add3A_25, %mul3A_2 : i32
    "tpu.region"() ({
      %run_scoped3A = tpu.sem_alloc : memref<!tpu.dma_semaphore, #tpu.memory_space<semaphore_mem>>
      %dma_start3A = arith.constant 10560 : i32
      %dma_start3A_72 = tpu.memref_slice %arg4[%dma_start3A] : memref<30720xf32, #tpu.memory_space<vmem>> -> memref<960xf32, #tpu.memory_space<vmem>>
      %dma_start3A_73 = tpu.memref_slice %arg2[%add3A_26] : memref<983040xf32, #tpu.memory_space<hbm>> -> memref<960xf32, #tpu.memory_space<hbm>>
      %dma_start3A_74 = arith.constant 10560 : i32
      %dma_start3A_75 = tpu.memref_slice %arg4[%dma_start3A_74] : memref<30720xf32, #tpu.memory_space<vmem>> -> memref<960xf32, #tpu.memory_space<vmem>>
      %dma_start3A_76 = tpu.memref_slice %arg2[%add3A_26] : memref<983040xf32, #tpu.memory_space<hbm>> -> memref<960xf32, #tpu.memory_space<hbm>>
      tpu.enqueue_dma source(%dma_start3A_76 : memref<960xf32, #tpu.memory_space<hbm>>) target(%dma_start3A_75 : memref<960xf32, #tpu.memory_space<vmem>>) target_semaphore(%run_scoped3A : memref<!tpu.dma_semaphore, #tpu.memory_space<semaphore_mem>>)
      %dma_wait3A = arith.constant 10560 : i32
      %dma_wait3A_77 = tpu.memref_slice %arg4[%dma_wait3A] : memref<30720xf32, #tpu.memory_space<vmem>> -> memref<960xf32, #tpu.memory_space<vmem>>
      %dma_wait3A_78 = tpu.memref_slice %arg2[%add3A_26] : memref<983040xf32, #tpu.memory_space<hbm>> -> memref<960xf32, #tpu.memory_space<hbm>>
      %dma_wait3A_79 = arith.constant 10560 : i32
      %dma_wait3A_80 = tpu.memref_slice %arg4[%dma_wait3A_79] : memref<30720xf32, #tpu.memory_space<vmem>> -> memref<960xf32, #tpu.memory_space<vmem>>
      %dma_wait3A_81 = tpu.memref_slice %arg2[%add3A_26] : memref<983040xf32, #tpu.memory_space<hbm>> -> memref<960xf32, #tpu.memory_space<hbm>>
      tpu.wait_dma2 semaphore(%run_scoped3A : memref<!tpu.dma_semaphore, #tpu.memory_space<semaphore_mem>>) src(%dma_wait3A_81 : memref<960xf32, #tpu.memory_space<hbm>>) dst(%dma_wait3A_80 : memref<960xf32, #tpu.memory_space<vmem>>)
      tpu.yield
    }) : () -> ()
    %add3A_27 = arith.constant 368640 : i32
    %add3A_28 = arith.addi %add3A_27, %mul3A_2 : i32
    "tpu.region"() ({
      %run_scoped3A = tpu.sem_alloc : memref<!tpu.dma_semaphore, #tpu.memory_space<semaphore_mem>>
      %dma_start3A = arith.constant 11520 : i32
      %dma_start3A_72 = tpu.memref_slice %arg4[%dma_start3A] : memref<30720xf32, #tpu.memory_space<vmem>> -> memref<960xf32, #tpu.memory_space<vmem>>
      %dma_start3A_73 = tpu.memref_slice %arg2[%add3A_28] : memref<983040xf32, #tpu.memory_space<hbm>> -> memref<960xf32, #tpu.memory_space<hbm>>
      %dma_start3A_74 = arith.constant 11520 : i32
      %dma_start3A_75 = tpu.memref_slice %arg4[%dma_start3A_74] : memref<30720xf32, #tpu.memory_space<vmem>> -> memref<960xf32, #tpu.memory_space<vmem>>
      %dma_start3A_76 = tpu.memref_slice %arg2[%add3A_28] : memref<983040xf32, #tpu.memory_space<hbm>> -> memref<960xf32, #tpu.memory_space<hbm>>
      tpu.enqueue_dma source(%dma_start3A_76 : memref<960xf32, #tpu.memory_space<hbm>>) target(%dma_start3A_75 : memref<960xf32, #tpu.memory_space<vmem>>) target_semaphore(%run_scoped3A : memref<!tpu.dma_semaphore, #tpu.memory_space<semaphore_mem>>)
      %dma_wait3A = arith.constant 11520 : i32
      %dma_wait3A_77 = tpu.memref_slice %arg4[%dma_wait3A] : memref<30720xf32, #tpu.memory_space<vmem>> -> memref<960xf32, #tpu.memory_space<vmem>>
      %dma_wait3A_78 = tpu.memref_slice %arg2[%add3A_28] : memref<983040xf32, #tpu.memory_space<hbm>> -> memref<960xf32, #tpu.memory_space<hbm>>
      %dma_wait3A_79 = arith.constant 11520 : i32
      %dma_wait3A_80 = tpu.memref_slice %arg4[%dma_wait3A_79] : memref<30720xf32, #tpu.memory_space<vmem>> -> memref<960xf32, #tpu.memory_space<vmem>>
      %dma_wait3A_81 = tpu.memref_slice %arg2[%add3A_28] : memref<983040xf32, #tpu.memory_space<hbm>> -> memref<960xf32, #tpu.memory_space<hbm>>
      tpu.wait_dma2 semaphore(%run_scoped3A : memref<!tpu.dma_semaphore, #tpu.memory_space<semaphore_mem>>) src(%dma_wait3A_81 : memref<960xf32, #tpu.memory_space<hbm>>) dst(%dma_wait3A_80 : memref<960xf32, #tpu.memory_space<vmem>>)
      tpu.yield
    }) : () -> ()
    %add3A_29 = arith.constant 399360 : i32
    %add3A_30 = arith.addi %add3A_29, %mul3A_2 : i32
    "tpu.region"() ({
      %run_scoped3A = tpu.sem_alloc : memref<!tpu.dma_semaphore, #tpu.memory_space<semaphore_mem>>
      %dma_start3A = arith.constant 12480 : i32
      %dma_start3A_72 = tpu.memref_slice %arg4[%dma_start3A] : memref<30720xf32, #tpu.memory_space<vmem>> -> memref<960xf32, #tpu.memory_space<vmem>>
      %dma_start3A_73 = tpu.memref_slice %arg2[%add3A_30] : memref<983040xf32, #tpu.memory_space<hbm>> -> memref<960xf32, #tpu.memory_space<hbm>>
      %dma_start3A_74 = arith.constant 12480 : i32
      %dma_start3A_75 = tpu.memref_slice %arg4[%dma_start3A_74] : memref<30720xf32, #tpu.memory_space<vmem>> -> memref<960xf32, #tpu.memory_space<vmem>>
      %dma_start3A_76 = tpu.memref_slice %arg2[%add3A_30] : memref<983040xf32, #tpu.memory_space<hbm>> -> memref<960xf32, #tpu.memory_space<hbm>>
      tpu.enqueue_dma source(%dma_start3A_76 : memref<960xf32, #tpu.memory_space<hbm>>) target(%dma_start3A_75 : memref<960xf32, #tpu.memory_space<vmem>>) target_semaphore(%run_scoped3A : memref<!tpu.dma_semaphore, #tpu.memory_space<semaphore_mem>>)
      %dma_wait3A = arith.constant 12480 : i32
      %dma_wait3A_77 = tpu.memref_slice %arg4[%dma_wait3A] : memref<30720xf32, #tpu.memory_space<vmem>> -> memref<960xf32, #tpu.memory_space<vmem>>
      %dma_wait3A_78 = tpu.memref_slice %arg2[%add3A_30] : memref<983040xf32, #tpu.memory_space<hbm>> -> memref<960xf32, #tpu.memory_space<hbm>>
      %dma_wait3A_79 = arith.constant 12480 : i32
      %dma_wait3A_80 = tpu.memref_slice %arg4[%dma_wait3A_79] : memref<30720xf32, #tpu.memory_space<vmem>> -> memref<960xf32, #tpu.memory_space<vmem>>
      %dma_wait3A_81 = tpu.memref_slice %arg2[%add3A_30] : memref<983040xf32, #tpu.memory_space<hbm>> -> memref<960xf32, #tpu.memory_space<hbm>>
      tpu.wait_dma2 semaphore(%run_scoped3A : memref<!tpu.dma_semaphore, #tpu.memory_space<semaphore_mem>>) src(%dma_wait3A_81 : memref<960xf32, #tpu.memory_space<hbm>>) dst(%dma_wait3A_80 : memref<960xf32, #tpu.memory_space<vmem>>)
      tpu.yield
    }) : () -> ()
    %add3A_31 = arith.constant 430080 : i32
    %add3A_32 = arith.addi %add3A_31, %mul3A_2 : i32
    "tpu.region"() ({
      %run_scoped3A = tpu.sem_alloc : memref<!tpu.dma_semaphore, #tpu.memory_space<semaphore_mem>>
      %dma_start3A = arith.constant 13440 : i32
      %dma_start3A_72 = tpu.memref_slice %arg4[%dma_start3A] : memref<30720xf32, #tpu.memory_space<vmem>> -> memref<960xf32, #tpu.memory_space<vmem>>
      %dma_start3A_73 = tpu.memref_slice %arg2[%add3A_32] : memref<983040xf32, #tpu.memory_space<hbm>> -> memref<960xf32, #tpu.memory_space<hbm>>
      %dma_start3A_74 = arith.constant 13440 : i32
      %dma_start3A_75 = tpu.memref_slice %arg4[%dma_start3A_74] : memref<30720xf32, #tpu.memory_space<vmem>> -> memref<960xf32, #tpu.memory_space<vmem>>
      %dma_start3A_76 = tpu.memref_slice %arg2[%add3A_32] : memref<983040xf32, #tpu.memory_space<hbm>> -> memref<960xf32, #tpu.memory_space<hbm>>
      tpu.enqueue_dma source(%dma_start3A_76 : memref<960xf32, #tpu.memory_space<hbm>>) target(%dma_start3A_75 : memref<960xf32, #tpu.memory_space<vmem>>) target_semaphore(%run_scoped3A : memref<!tpu.dma_semaphore, #tpu.memory_space<semaphore_mem>>)
      %dma_wait3A = arith.constant 13440 : i32
      %dma_wait3A_77 = tpu.memref_slice %arg4[%dma_wait3A] : memref<30720xf32, #tpu.memory_space<vmem>> -> memref<960xf32, #tpu.memory_space<vmem>>
      %dma_wait3A_78 = tpu.memref_slice %arg2[%add3A_32] : memref<983040xf32, #tpu.memory_space<hbm>> -> memref<960xf32, #tpu.memory_space<hbm>>
      %dma_wait3A_79 = arith.constant 13440 : i32
      %dma_wait3A_80 = tpu.memref_slice %arg4[%dma_wait3A_79] : memref<30720xf32, #tpu.memory_space<vmem>> -> memref<960xf32, #tpu.memory_space<vmem>>
      %dma_wait3A_81 = tpu.memref_slice %arg2[%add3A_32] : memref<983040xf32, #tpu.memory_space<hbm>> -> memref<960xf32, #tpu.memory_space<hbm>>
      tpu.wait_dma2 semaphore(%run_scoped3A : memref<!tpu.dma_semaphore, #tpu.memory_space<semaphore_mem>>) src(%dma_wait3A_81 : memref<960xf32, #tpu.memory_space<hbm>>) dst(%dma_wait3A_80 : memref<960xf32, #tpu.memory_space<vmem>>)
      tpu.yield
    }) : () -> ()
    %add3A_33 = arith.constant 460800 : i32
    %add3A_34 = arith.addi %add3A_33, %mul3A_2 : i32
    "tpu.region"() ({
      %run_scoped3A = tpu.sem_alloc : memref<!tpu.dma_semaphore, #tpu.memory_space<semaphore_mem>>
      %dma_start3A = arith.constant 14400 : i32
      %dma_start3A_72 = tpu.memref_slice %arg4[%dma_start3A] : memref<30720xf32, #tpu.memory_space<vmem>> -> memref<960xf32, #tpu.memory_space<vmem>>
      %dma_start3A_73 = tpu.memref_slice %arg2[%add3A_34] : memref<983040xf32, #tpu.memory_space<hbm>> -> memref<960xf32, #tpu.memory_space<hbm>>
      %dma_start3A_74 = arith.constant 14400 : i32
      %dma_start3A_75 = tpu.memref_slice %arg4[%dma_start3A_74] : memref<30720xf32, #tpu.memory_space<vmem>> -> memref<960xf32, #tpu.memory_space<vmem>>
      %dma_start3A_76 = tpu.memref_slice %arg2[%add3A_34] : memref<983040xf32, #tpu.memory_space<hbm>> -> memref<960xf32, #tpu.memory_space<hbm>>
      tpu.enqueue_dma source(%dma_start3A_76 : memref<960xf32, #tpu.memory_space<hbm>>) target(%dma_start3A_75 : memref<960xf32, #tpu.memory_space<vmem>>) target_semaphore(%run_scoped3A : memref<!tpu.dma_semaphore, #tpu.memory_space<semaphore_mem>>)
      %dma_wait3A = arith.constant 14400 : i32
      %dma_wait3A_77 = tpu.memref_slice %arg4[%dma_wait3A] : memref<30720xf32, #tpu.memory_space<vmem>> -> memref<960xf32, #tpu.memory_space<vmem>>
      %dma_wait3A_78 = tpu.memref_slice %arg2[%add3A_34] : memref<983040xf32, #tpu.memory_space<hbm>> -> memref<960xf32, #tpu.memory_space<hbm>>
      %dma_wait3A_79 = arith.constant 14400 : i32
      %dma_wait3A_80 = tpu.memref_slice %arg4[%dma_wait3A_79] : memref<30720xf32, #tpu.memory_space<vmem>> -> memref<960xf32, #tpu.memory_space<vmem>>
      %dma_wait3A_81 = tpu.memref_slice %arg2[%add3A_34] : memref<983040xf32, #tpu.memory_space<hbm>> -> memref<960xf32, #tpu.memory_space<hbm>>
      tpu.wait_dma2 semaphore(%run_scoped3A : memref<!tpu.dma_semaphore, #tpu.memory_space<semaphore_mem>>) src(%dma_wait3A_81 : memref<960xf32, #tpu.memory_space<hbm>>) dst(%dma_wait3A_80 : memref<960xf32, #tpu.memory_space<vmem>>)
      tpu.yield
    }) : () -> ()
    %add3A_35 = arith.constant 491520 : i32
    %add3A_36 = arith.addi %add3A_35, %mul3A_2 : i32
    "tpu.region"() ({
      %run_scoped3A = tpu.sem_alloc : memref<!tpu.dma_semaphore, #tpu.memory_space<semaphore_mem>>
      %dma_start3A = arith.constant 15360 : i32
      %dma_start3A_72 = tpu.memref_slice %arg4[%dma_start3A] : memref<30720xf32, #tpu.memory_space<vmem>> -> memref<960xf32, #tpu.memory_space<vmem>>
      %dma_start3A_73 = tpu.memref_slice %arg2[%add3A_36] : memref<983040xf32, #tpu.memory_space<hbm>> -> memref<960xf32, #tpu.memory_space<hbm>>
      %dma_start3A_74 = arith.constant 15360 : i32
      %dma_start3A_75 = tpu.memref_slice %arg4[%dma_start3A_74] : memref<30720xf32, #tpu.memory_space<vmem>> -> memref<960xf32, #tpu.memory_space<vmem>>
      %dma_start3A_76 = tpu.memref_slice %arg2[%add3A_36] : memref<983040xf32, #tpu.memory_space<hbm>> -> memref<960xf32, #tpu.memory_space<hbm>>
      tpu.enqueue_dma source(%dma_start3A_76 : memref<960xf32, #tpu.memory_space<hbm>>) target(%dma_start3A_75 : memref<960xf32, #tpu.memory_space<vmem>>) target_semaphore(%run_scoped3A : memref<!tpu.dma_semaphore, #tpu.memory_space<semaphore_mem>>)
      %dma_wait3A = arith.constant 15360 : i32
      %dma_wait3A_77 = tpu.memref_slice %arg4[%dma_wait3A] : memref<30720xf32, #tpu.memory_space<vmem>> -> memref<960xf32, #tpu.memory_space<vmem>>
      %dma_wait3A_78 = tpu.memref_slice %arg2[%add3A_36] : memref<983040xf32, #tpu.memory_space<hbm>> -> memref<960xf32, #tpu.memory_space<hbm>>
      %dma_wait3A_79 = arith.constant 15360 : i32
      %dma_wait3A_80 = tpu.memref_slice %arg4[%dma_wait3A_79] : memref<30720xf32, #tpu.memory_space<vmem>> -> memref<960xf32, #tpu.memory_space<vmem>>
      %dma_wait3A_81 = tpu.memref_slice %arg2[%add3A_36] : memref<983040xf32, #tpu.memory_space<hbm>> -> memref<960xf32, #tpu.memory_space<hbm>>
      tpu.wait_dma2 semaphore(%run_scoped3A : memref<!tpu.dma_semaphore, #tpu.memory_space<semaphore_mem>>) src(%dma_wait3A_81 : memref<960xf32, #tpu.memory_space<hbm>>) dst(%dma_wait3A_80 : memref<960xf32, #tpu.memory_space<vmem>>)
      tpu.yield
    }) : () -> ()
    %add3A_37 = arith.constant 522240 : i32
    %add3A_38 = arith.addi %add3A_37, %mul3A_2 : i32
    "tpu.region"() ({
      %run_scoped3A = tpu.sem_alloc : memref<!tpu.dma_semaphore, #tpu.memory_space<semaphore_mem>>
      %dma_start3A = arith.constant 16320 : i32
      %dma_start3A_72 = tpu.memref_slice %arg4[%dma_start3A] : memref<30720xf32, #tpu.memory_space<vmem>> -> memref<960xf32, #tpu.memory_space<vmem>>
      %dma_start3A_73 = tpu.memref_slice %arg2[%add3A_38] : memref<983040xf32, #tpu.memory_space<hbm>> -> memref<960xf32, #tpu.memory_space<hbm>>
      %dma_start3A_74 = arith.constant 16320 : i32
      %dma_start3A_75 = tpu.memref_slice %arg4[%dma_start3A_74] : memref<30720xf32, #tpu.memory_space<vmem>> -> memref<960xf32, #tpu.memory_space<vmem>>
      %dma_start3A_76 = tpu.memref_slice %arg2[%add3A_38] : memref<983040xf32, #tpu.memory_space<hbm>> -> memref<960xf32, #tpu.memory_space<hbm>>
      tpu.enqueue_dma source(%dma_start3A_76 : memref<960xf32, #tpu.memory_space<hbm>>) target(%dma_start3A_75 : memref<960xf32, #tpu.memory_space<vmem>>) target_semaphore(%run_scoped3A : memref<!tpu.dma_semaphore, #tpu.memory_space<semaphore_mem>>)
      %dma_wait3A = arith.constant 16320 : i32
      %dma_wait3A_77 = tpu.memref_slice %arg4[%dma_wait3A] : memref<30720xf32, #tpu.memory_space<vmem>> -> memref<960xf32, #tpu.memory_space<vmem>>
      %dma_wait3A_78 = tpu.memref_slice %arg2[%add3A_38] : memref<983040xf32, #tpu.memory_space<hbm>> -> memref<960xf32, #tpu.memory_space<hbm>>
      %dma_wait3A_79 = arith.constant 16320 : i32
      %dma_wait3A_80 = tpu.memref_slice %arg4[%dma_wait3A_79] : memref<30720xf32, #tpu.memory_space<vmem>> -> memref<960xf32, #tpu.memory_space<vmem>>
      %dma_wait3A_81 = tpu.memref_slice %arg2[%add3A_38] : memref<983040xf32, #tpu.memory_space<hbm>> -> memref<960xf32, #tpu.memory_space<hbm>>
      tpu.wait_dma2 semaphore(%run_scoped3A : memref<!tpu.dma_semaphore, #tpu.memory_space<semaphore_mem>>) src(%dma_wait3A_81 : memref<960xf32, #tpu.memory_space<hbm>>) dst(%dma_wait3A_80 : memref<960xf32, #tpu.memory_space<vmem>>)
      tpu.yield
    }) : () -> ()
    %add3A_39 = arith.constant 552960 : i32
    %add3A_40 = arith.addi %add3A_39, %mul3A_2 : i32
    "tpu.region"() ({
      %run_scoped3A = tpu.sem_alloc : memref<!tpu.dma_semaphore, #tpu.memory_space<semaphore_mem>>
      %dma_start3A = arith.constant 17280 : i32
      %dma_start3A_72 = tpu.memref_slice %arg4[%dma_start3A] : memref<30720xf32, #tpu.memory_space<vmem>> -> memref<960xf32, #tpu.memory_space<vmem>>
      %dma_start3A_73 = tpu.memref_slice %arg2[%add3A_40] : memref<983040xf32, #tpu.memory_space<hbm>> -> memref<960xf32, #tpu.memory_space<hbm>>
      %dma_start3A_74 = arith.constant 17280 : i32
      %dma_start3A_75 = tpu.memref_slice %arg4[%dma_start3A_74] : memref<30720xf32, #tpu.memory_space<vmem>> -> memref<960xf32, #tpu.memory_space<vmem>>
      %dma_start3A_76 = tpu.memref_slice %arg2[%add3A_40] : memref<983040xf32, #tpu.memory_space<hbm>> -> memref<960xf32, #tpu.memory_space<hbm>>
      tpu.enqueue_dma source(%dma_start3A_76 : memref<960xf32, #tpu.memory_space<hbm>>) target(%dma_start3A_75 : memref<960xf32, #tpu.memory_space<vmem>>) target_semaphore(%run_scoped3A : memref<!tpu.dma_semaphore, #tpu.memory_space<semaphore_mem>>)
      %dma_wait3A = arith.constant 17280 : i32
      %dma_wait3A_77 = tpu.memref_slice %arg4[%dma_wait3A] : memref<30720xf32, #tpu.memory_space<vmem>> -> memref<960xf32, #tpu.memory_space<vmem>>
      %dma_wait3A_78 = tpu.memref_slice %arg2[%add3A_40] : memref<983040xf32, #tpu.memory_space<hbm>> -> memref<960xf32, #tpu.memory_space<hbm>>
      %dma_wait3A_79 = arith.constant 17280 : i32
      %dma_wait3A_80 = tpu.memref_slice %arg4[%dma_wait3A_79] : memref<30720xf32, #tpu.memory_space<vmem>> -> memref<960xf32, #tpu.memory_space<vmem>>
      %dma_wait3A_81 = tpu.memref_slice %arg2[%add3A_40] : memref<983040xf32, #tpu.memory_space<hbm>> -> memref<960xf32, #tpu.memory_space<hbm>>
      tpu.wait_dma2 semaphore(%run_scoped3A : memref<!tpu.dma_semaphore, #tpu.memory_space<semaphore_mem>>) src(%dma_wait3A_81 : memref<960xf32, #tpu.memory_space<hbm>>) dst(%dma_wait3A_80 : memref<960xf32, #tpu.memory_space<vmem>>)
      tpu.yield
    }) : () -> ()
    %add3A_41 = arith.constant 583680 : i32
    %add3A_42 = arith.addi %add3A_41, %mul3A_2 : i32
    "tpu.region"() ({
      %run_scoped3A = tpu.sem_alloc : memref<!tpu.dma_semaphore, #tpu.memory_space<semaphore_mem>>
      %dma_start3A = arith.constant 18240 : i32
      %dma_start3A_72 = tpu.memref_slice %arg4[%dma_start3A] : memref<30720xf32, #tpu.memory_space<vmem>> -> memref<960xf32, #tpu.memory_space<vmem>>
      %dma_start3A_73 = tpu.memref_slice %arg2[%add3A_42] : memref<983040xf32, #tpu.memory_space<hbm>> -> memref<960xf32, #tpu.memory_space<hbm>>
      %dma_start3A_74 = arith.constant 18240 : i32
      %dma_start3A_75 = tpu.memref_slice %arg4[%dma_start3A_74] : memref<30720xf32, #tpu.memory_space<vmem>> -> memref<960xf32, #tpu.memory_space<vmem>>
      %dma_start3A_76 = tpu.memref_slice %arg2[%add3A_42] : memref<983040xf32, #tpu.memory_space<hbm>> -> memref<960xf32, #tpu.memory_space<hbm>>
      tpu.enqueue_dma source(%dma_start3A_76 : memref<960xf32, #tpu.memory_space<hbm>>) target(%dma_start3A_75 : memref<960xf32, #tpu.memory_space<vmem>>) target_semaphore(%run_scoped3A : memref<!tpu.dma_semaphore, #tpu.memory_space<semaphore_mem>>)
      %dma_wait3A = arith.constant 18240 : i32
      %dma_wait3A_77 = tpu.memref_slice %arg4[%dma_wait3A] : memref<30720xf32, #tpu.memory_space<vmem>> -> memref<960xf32, #tpu.memory_space<vmem>>
      %dma_wait3A_78 = tpu.memref_slice %arg2[%add3A_42] : memref<983040xf32, #tpu.memory_space<hbm>> -> memref<960xf32, #tpu.memory_space<hbm>>
      %dma_wait3A_79 = arith.constant 18240 : i32
      %dma_wait3A_80 = tpu.memref_slice %arg4[%dma_wait3A_79] : memref<30720xf32, #tpu.memory_space<vmem>> -> memref<960xf32, #tpu.memory_space<vmem>>
      %dma_wait3A_81 = tpu.memref_slice %arg2[%add3A_42] : memref<983040xf32, #tpu.memory_space<hbm>> -> memref<960xf32, #tpu.memory_space<hbm>>
      tpu.wait_dma2 semaphore(%run_scoped3A : memref<!tpu.dma_semaphore, #tpu.memory_space<semaphore_mem>>) src(%dma_wait3A_81 : memref<960xf32, #tpu.memory_space<hbm>>) dst(%dma_wait3A_80 : memref<960xf32, #tpu.memory_space<vmem>>)
      tpu.yield
    }) : () -> ()
    %add3A_43 = arith.constant 614400 : i32
    %add3A_44 = arith.addi %add3A_43, %mul3A_2 : i32
    "tpu.region"() ({
      %run_scoped3A = tpu.sem_alloc : memref<!tpu.dma_semaphore, #tpu.memory_space<semaphore_mem>>
      %dma_start3A = arith.constant 19200 : i32
      %dma_start3A_72 = tpu.memref_slice %arg4[%dma_start3A] : memref<30720xf32, #tpu.memory_space<vmem>> -> memref<960xf32, #tpu.memory_space<vmem>>
      %dma_start3A_73 = tpu.memref_slice %arg2[%add3A_44] : memref<983040xf32, #tpu.memory_space<hbm>> -> memref<960xf32, #tpu.memory_space<hbm>>
      %dma_start3A_74 = arith.constant 19200 : i32
      %dma_start3A_75 = tpu.memref_slice %arg4[%dma_start3A_74] : memref<30720xf32, #tpu.memory_space<vmem>> -> memref<960xf32, #tpu.memory_space<vmem>>
      %dma_start3A_76 = tpu.memref_slice %arg2[%add3A_44] : memref<983040xf32, #tpu.memory_space<hbm>> -> memref<960xf32, #tpu.memory_space<hbm>>
      tpu.enqueue_dma source(%dma_start3A_76 : memref<960xf32, #tpu.memory_space<hbm>>) target(%dma_start3A_75 : memref<960xf32, #tpu.memory_space<vmem>>) target_semaphore(%run_scoped3A : memref<!tpu.dma_semaphore, #tpu.memory_space<semaphore_mem>>)
      %dma_wait3A = arith.constant 19200 : i32
      %dma_wait3A_77 = tpu.memref_slice %arg4[%dma_wait3A] : memref<30720xf32, #tpu.memory_space<vmem>> -> memref<960xf32, #tpu.memory_space<vmem>>
      %dma_wait3A_78 = tpu.memref_slice %arg2[%add3A_44] : memref<983040xf32, #tpu.memory_space<hbm>> -> memref<960xf32, #tpu.memory_space<hbm>>
      %dma_wait3A_79 = arith.constant 19200 : i32
      %dma_wait3A_80 = tpu.memref_slice %arg4[%dma_wait3A_79] : memref<30720xf32, #tpu.memory_space<vmem>> -> memref<960xf32, #tpu.memory_space<vmem>>
      %dma_wait3A_81 = tpu.memref_slice %arg2[%add3A_44] : memref<983040xf32, #tpu.memory_space<hbm>> -> memref<960xf32, #tpu.memory_space<hbm>>
      tpu.wait_dma2 semaphore(%run_scoped3A : memref<!tpu.dma_semaphore, #tpu.memory_space<semaphore_mem>>) src(%dma_wait3A_81 : memref<960xf32, #tpu.memory_space<hbm>>) dst(%dma_wait3A_80 : memref<960xf32, #tpu.memory_space<vmem>>)
      tpu.yield
    }) : () -> ()
    %add3A_45 = arith.constant 645120 : i32
    %add3A_46 = arith.addi %add3A_45, %mul3A_2 : i32
    "tpu.region"() ({
      %run_scoped3A = tpu.sem_alloc : memref<!tpu.dma_semaphore, #tpu.memory_space<semaphore_mem>>
      %dma_start3A = arith.constant 20160 : i32
      %dma_start3A_72 = tpu.memref_slice %arg4[%dma_start3A] : memref<30720xf32, #tpu.memory_space<vmem>> -> memref<960xf32, #tpu.memory_space<vmem>>
      %dma_start3A_73 = tpu.memref_slice %arg2[%add3A_46] : memref<983040xf32, #tpu.memory_space<hbm>> -> memref<960xf32, #tpu.memory_space<hbm>>
      %dma_start3A_74 = arith.constant 20160 : i32
      %dma_start3A_75 = tpu.memref_slice %arg4[%dma_start3A_74] : memref<30720xf32, #tpu.memory_space<vmem>> -> memref<960xf32, #tpu.memory_space<vmem>>
      %dma_start3A_76 = tpu.memref_slice %arg2[%add3A_46] : memref<983040xf32, #tpu.memory_space<hbm>> -> memref<960xf32, #tpu.memory_space<hbm>>
      tpu.enqueue_dma source(%dma_start3A_76 : memref<960xf32, #tpu.memory_space<hbm>>) target(%dma_start3A_75 : memref<960xf32, #tpu.memory_space<vmem>>) target_semaphore(%run_scoped3A : memref<!tpu.dma_semaphore, #tpu.memory_space<semaphore_mem>>)
      %dma_wait3A = arith.constant 20160 : i32
      %dma_wait3A_77 = tpu.memref_slice %arg4[%dma_wait3A] : memref<30720xf32, #tpu.memory_space<vmem>> -> memref<960xf32, #tpu.memory_space<vmem>>
      %dma_wait3A_78 = tpu.memref_slice %arg2[%add3A_46] : memref<983040xf32, #tpu.memory_space<hbm>> -> memref<960xf32, #tpu.memory_space<hbm>>
      %dma_wait3A_79 = arith.constant 20160 : i32
      %dma_wait3A_80 = tpu.memref_slice %arg4[%dma_wait3A_79] : memref<30720xf32, #tpu.memory_space<vmem>> -> memref<960xf32, #tpu.memory_space<vmem>>
      %dma_wait3A_81 = tpu.memref_slice %arg2[%add3A_46] : memref<983040xf32, #tpu.memory_space<hbm>> -> memref<960xf32, #tpu.memory_space<hbm>>
      tpu.wait_dma2 semaphore(%run_scoped3A : memref<!tpu.dma_semaphore, #tpu.memory_space<semaphore_mem>>) src(%dma_wait3A_81 : memref<960xf32, #tpu.memory_space<hbm>>) dst(%dma_wait3A_80 : memref<960xf32, #tpu.memory_space<vmem>>)
      tpu.yield
    }) : () -> ()
    %add3A_47 = arith.constant 675840 : i32
    %add3A_48 = arith.addi %add3A_47, %mul3A_2 : i32
    "tpu.region"() ({
      %run_scoped3A = tpu.sem_alloc : memref<!tpu.dma_semaphore, #tpu.memory_space<semaphore_mem>>
      %dma_start3A = arith.constant 21120 : i32
      %dma_start3A_72 = tpu.memref_slice %arg4[%dma_start3A] : memref<30720xf32, #tpu.memory_space<vmem>> -> memref<960xf32, #tpu.memory_space<vmem>>
      %dma_start3A_73 = tpu.memref_slice %arg2[%add3A_48] : memref<983040xf32, #tpu.memory_space<hbm>> -> memref<960xf32, #tpu.memory_space<hbm>>
      %dma_start3A_74 = arith.constant 21120 : i32
      %dma_start3A_75 = tpu.memref_slice %arg4[%dma_start3A_74] : memref<30720xf32, #tpu.memory_space<vmem>> -> memref<960xf32, #tpu.memory_space<vmem>>
      %dma_start3A_76 = tpu.memref_slice %arg2[%add3A_48] : memref<983040xf32, #tpu.memory_space<hbm>> -> memref<960xf32, #tpu.memory_space<hbm>>
      tpu.enqueue_dma source(%dma_start3A_76 : memref<960xf32, #tpu.memory_space<hbm>>) target(%dma_start3A_75 : memref<960xf32, #tpu.memory_space<vmem>>) target_semaphore(%run_scoped3A : memref<!tpu.dma_semaphore, #tpu.memory_space<semaphore_mem>>)
      %dma_wait3A = arith.constant 21120 : i32
      %dma_wait3A_77 = tpu.memref_slice %arg4[%dma_wait3A] : memref<30720xf32, #tpu.memory_space<vmem>> -> memref<960xf32, #tpu.memory_space<vmem>>
      %dma_wait3A_78 = tpu.memref_slice %arg2[%add3A_48] : memref<983040xf32, #tpu.memory_space<hbm>> -> memref<960xf32, #tpu.memory_space<hbm>>
      %dma_wait3A_79 = arith.constant 21120 : i32
      %dma_wait3A_80 = tpu.memref_slice %arg4[%dma_wait3A_79] : memref<30720xf32, #tpu.memory_space<vmem>> -> memref<960xf32, #tpu.memory_space<vmem>>
      %dma_wait3A_81 = tpu.memref_slice %arg2[%add3A_48] : memref<983040xf32, #tpu.memory_space<hbm>> -> memref<960xf32, #tpu.memory_space<hbm>>
      tpu.wait_dma2 semaphore(%run_scoped3A : memref<!tpu.dma_semaphore, #tpu.memory_space<semaphore_mem>>) src(%dma_wait3A_81 : memref<960xf32, #tpu.memory_space<hbm>>) dst(%dma_wait3A_80 : memref<960xf32, #tpu.memory_space<vmem>>)
      tpu.yield
    }) : () -> ()
    %add3A_49 = arith.constant 706560 : i32
    %add3A_50 = arith.addi %add3A_49, %mul3A_2 : i32
    "tpu.region"() ({
      %run_scoped3A = tpu.sem_alloc : memref<!tpu.dma_semaphore, #tpu.memory_space<semaphore_mem>>
      %dma_start3A = arith.constant 22080 : i32
      %dma_start3A_72 = tpu.memref_slice %arg4[%dma_start3A] : memref<30720xf32, #tpu.memory_space<vmem>> -> memref<960xf32, #tpu.memory_space<vmem>>
      %dma_start3A_73 = tpu.memref_slice %arg2[%add3A_50] : memref<983040xf32, #tpu.memory_space<hbm>> -> memref<960xf32, #tpu.memory_space<hbm>>
      %dma_start3A_74 = arith.constant 22080 : i32
      %dma_start3A_75 = tpu.memref_slice %arg4[%dma_start3A_74] : memref<30720xf32, #tpu.memory_space<vmem>> -> memref<960xf32, #tpu.memory_space<vmem>>
      %dma_start3A_76 = tpu.memref_slice %arg2[%add3A_50] : memref<983040xf32, #tpu.memory_space<hbm>> -> memref<960xf32, #tpu.memory_space<hbm>>
      tpu.enqueue_dma source(%dma_start3A_76 : memref<960xf32, #tpu.memory_space<hbm>>) target(%dma_start3A_75 : memref<960xf32, #tpu.memory_space<vmem>>) target_semaphore(%run_scoped3A : memref<!tpu.dma_semaphore, #tpu.memory_space<semaphore_mem>>)
      %dma_wait3A = arith.constant 22080 : i32
      %dma_wait3A_77 = tpu.memref_slice %arg4[%dma_wait3A] : memref<30720xf32, #tpu.memory_space<vmem>> -> memref<960xf32, #tpu.memory_space<vmem>>
      %dma_wait3A_78 = tpu.memref_slice %arg2[%add3A_50] : memref<983040xf32, #tpu.memory_space<hbm>> -> memref<960xf32, #tpu.memory_space<hbm>>
      %dma_wait3A_79 = arith.constant 22080 : i32
      %dma_wait3A_80 = tpu.memref_slice %arg4[%dma_wait3A_79] : memref<30720xf32, #tpu.memory_space<vmem>> -> memref<960xf32, #tpu.memory_space<vmem>>
      %dma_wait3A_81 = tpu.memref_slice %arg2[%add3A_50] : memref<983040xf32, #tpu.memory_space<hbm>> -> memref<960xf32, #tpu.memory_space<hbm>>
      tpu.wait_dma2 semaphore(%run_scoped3A : memref<!tpu.dma_semaphore, #tpu.memory_space<semaphore_mem>>) src(%dma_wait3A_81 : memref<960xf32, #tpu.memory_space<hbm>>) dst(%dma_wait3A_80 : memref<960xf32, #tpu.memory_space<vmem>>)
      tpu.yield
    }) : () -> ()
    %add3A_51 = arith.constant 737280 : i32
    %add3A_52 = arith.addi %add3A_51, %mul3A_2 : i32
    "tpu.region"() ({
      %run_scoped3A = tpu.sem_alloc : memref<!tpu.dma_semaphore, #tpu.memory_space<semaphore_mem>>
      %dma_start3A = arith.constant 23040 : i32
      %dma_start3A_72 = tpu.memref_slice %arg4[%dma_start3A] : memref<30720xf32, #tpu.memory_space<vmem>> -> memref<960xf32, #tpu.memory_space<vmem>>
      %dma_start3A_73 = tpu.memref_slice %arg2[%add3A_52] : memref<983040xf32, #tpu.memory_space<hbm>> -> memref<960xf32, #tpu.memory_space<hbm>>
      %dma_start3A_74 = arith.constant 23040 : i32
      %dma_start3A_75 = tpu.memref_slice %arg4[%dma_start3A_74] : memref<30720xf32, #tpu.memory_space<vmem>> -> memref<960xf32, #tpu.memory_space<vmem>>
      %dma_start3A_76 = tpu.memref_slice %arg2[%add3A_52] : memref<983040xf32, #tpu.memory_space<hbm>> -> memref<960xf32, #tpu.memory_space<hbm>>
      tpu.enqueue_dma source(%dma_start3A_76 : memref<960xf32, #tpu.memory_space<hbm>>) target(%dma_start3A_75 : memref<960xf32, #tpu.memory_space<vmem>>) target_semaphore(%run_scoped3A : memref<!tpu.dma_semaphore, #tpu.memory_space<semaphore_mem>>)
      %dma_wait3A = arith.constant 23040 : i32
      %dma_wait3A_77 = tpu.memref_slice %arg4[%dma_wait3A] : memref<30720xf32, #tpu.memory_space<vmem>> -> memref<960xf32, #tpu.memory_space<vmem>>
      %dma_wait3A_78 = tpu.memref_slice %arg2[%add3A_52] : memref<983040xf32, #tpu.memory_space<hbm>> -> memref<960xf32, #tpu.memory_space<hbm>>
      %dma_wait3A_79 = arith.constant 23040 : i32
      %dma_wait3A_80 = tpu.memref_slice %arg4[%dma_wait3A_79] : memref<30720xf32, #tpu.memory_space<vmem>> -> memref<960xf32, #tpu.memory_space<vmem>>
      %dma_wait3A_81 = tpu.memref_slice %arg2[%add3A_52] : memref<983040xf32, #tpu.memory_space<hbm>> -> memref<960xf32, #tpu.memory_space<hbm>>
      tpu.wait_dma2 semaphore(%run_scoped3A : memref<!tpu.dma_semaphore, #tpu.memory_space<semaphore_mem>>) src(%dma_wait3A_81 : memref<960xf32, #tpu.memory_space<hbm>>) dst(%dma_wait3A_80 : memref<960xf32, #tpu.memory_space<vmem>>)
      tpu.yield
    }) : () -> ()
    %add3A_53 = arith.constant 768000 : i32
    %add3A_54 = arith.addi %add3A_53, %mul3A_2 : i32
    "tpu.region"() ({
      %run_scoped3A = tpu.sem_alloc : memref<!tpu.dma_semaphore, #tpu.memory_space<semaphore_mem>>
      %dma_start3A = arith.constant 24000 : i32
      %dma_start3A_72 = tpu.memref_slice %arg4[%dma_start3A] : memref<30720xf32, #tpu.memory_space<vmem>> -> memref<960xf32, #tpu.memory_space<vmem>>
      %dma_start3A_73 = tpu.memref_slice %arg2[%add3A_54] : memref<983040xf32, #tpu.memory_space<hbm>> -> memref<960xf32, #tpu.memory_space<hbm>>
      %dma_start3A_74 = arith.constant 24000 : i32
      %dma_start3A_75 = tpu.memref_slice %arg4[%dma_start3A_74] : memref<30720xf32, #tpu.memory_space<vmem>> -> memref<960xf32, #tpu.memory_space<vmem>>
      %dma_start3A_76 = tpu.memref_slice %arg2[%add3A_54] : memref<983040xf32, #tpu.memory_space<hbm>> -> memref<960xf32, #tpu.memory_space<hbm>>
      tpu.enqueue_dma source(%dma_start3A_76 : memref<960xf32, #tpu.memory_space<hbm>>) target(%dma_start3A_75 : memref<960xf32, #tpu.memory_space<vmem>>) target_semaphore(%run_scoped3A : memref<!tpu.dma_semaphore, #tpu.memory_space<semaphore_mem>>)
      %dma_wait3A = arith.constant 24000 : i32
      %dma_wait3A_77 = tpu.memref_slice %arg4[%dma_wait3A] : memref<30720xf32, #tpu.memory_space<vmem>> -> memref<960xf32, #tpu.memory_space<vmem>>
      %dma_wait3A_78 = tpu.memref_slice %arg2[%add3A_54] : memref<983040xf32, #tpu.memory_space<hbm>> -> memref<960xf32, #tpu.memory_space<hbm>>
      %dma_wait3A_79 = arith.constant 24000 : i32
      %dma_wait3A_80 = tpu.memref_slice %arg4[%dma_wait3A_79] : memref<30720xf32, #tpu.memory_space<vmem>> -> memref<960xf32, #tpu.memory_space<vmem>>
      %dma_wait3A_81 = tpu.memref_slice %arg2[%add3A_54] : memref<983040xf32, #tpu.memory_space<hbm>> -> memref<960xf32, #tpu.memory_space<hbm>>
      tpu.wait_dma2 semaphore(%run_scoped3A : memref<!tpu.dma_semaphore, #tpu.memory_space<semaphore_mem>>) src(%dma_wait3A_81 : memref<960xf32, #tpu.memory_space<hbm>>) dst(%dma_wait3A_80 : memref<960xf32, #tpu.memory_space<vmem>>)
      tpu.yield
    }) : () -> ()
    %add3A_55 = arith.constant 798720 : i32
    %add3A_56 = arith.addi %add3A_55, %mul3A_2 : i32
    "tpu.region"() ({
      %run_scoped3A = tpu.sem_alloc : memref<!tpu.dma_semaphore, #tpu.memory_space<semaphore_mem>>
      %dma_start3A = arith.constant 24960 : i32
      %dma_start3A_72 = tpu.memref_slice %arg4[%dma_start3A] : memref<30720xf32, #tpu.memory_space<vmem>> -> memref<960xf32, #tpu.memory_space<vmem>>
      %dma_start3A_73 = tpu.memref_slice %arg2[%add3A_56] : memref<983040xf32, #tpu.memory_space<hbm>> -> memref<960xf32, #tpu.memory_space<hbm>>
      %dma_start3A_74 = arith.constant 24960 : i32
      %dma_start3A_75 = tpu.memref_slice %arg4[%dma_start3A_74] : memref<30720xf32, #tpu.memory_space<vmem>> -> memref<960xf32, #tpu.memory_space<vmem>>
      %dma_start3A_76 = tpu.memref_slice %arg2[%add3A_56] : memref<983040xf32, #tpu.memory_space<hbm>> -> memref<960xf32, #tpu.memory_space<hbm>>
      tpu.enqueue_dma source(%dma_start3A_76 : memref<960xf32, #tpu.memory_space<hbm>>) target(%dma_start3A_75 : memref<960xf32, #tpu.memory_space<vmem>>) target_semaphore(%run_scoped3A : memref<!tpu.dma_semaphore, #tpu.memory_space<semaphore_mem>>)
      %dma_wait3A = arith.constant 24960 : i32
      %dma_wait3A_77 = tpu.memref_slice %arg4[%dma_wait3A] : memref<30720xf32, #tpu.memory_space<vmem>> -> memref<960xf32, #tpu.memory_space<vmem>>
      %dma_wait3A_78 = tpu.memref_slice %arg2[%add3A_56] : memref<983040xf32, #tpu.memory_space<hbm>> -> memref<960xf32, #tpu.memory_space<hbm>>
      %dma_wait3A_79 = arith.constant 24960 : i32
      %dma_wait3A_80 = tpu.memref_slice %arg4[%dma_wait3A_79] : memref<30720xf32, #tpu.memory_space<vmem>> -> memref<960xf32, #tpu.memory_space<vmem>>
      %dma_wait3A_81 = tpu.memref_slice %arg2[%add3A_56] : memref<983040xf32, #tpu.memory_space<hbm>> -> memref<960xf32, #tpu.memory_space<hbm>>
      tpu.wait_dma2 semaphore(%run_scoped3A : memref<!tpu.dma_semaphore, #tpu.memory_space<semaphore_mem>>) src(%dma_wait3A_81 : memref<960xf32, #tpu.memory_space<hbm>>) dst(%dma_wait3A_80 : memref<960xf32, #tpu.memory_space<vmem>>)
      tpu.yield
    }) : () -> ()
    %add3A_57 = arith.constant 829440 : i32
    %add3A_58 = arith.addi %add3A_57, %mul3A_2 : i32
    "tpu.region"() ({
      %run_scoped3A = tpu.sem_alloc : memref<!tpu.dma_semaphore, #tpu.memory_space<semaphore_mem>>
      %dma_start3A = arith.constant 25920 : i32
      %dma_start3A_72 = tpu.memref_slice %arg4[%dma_start3A] : memref<30720xf32, #tpu.memory_space<vmem>> -> memref<960xf32, #tpu.memory_space<vmem>>
      %dma_start3A_73 = tpu.memref_slice %arg2[%add3A_58] : memref<983040xf32, #tpu.memory_space<hbm>> -> memref<960xf32, #tpu.memory_space<hbm>>
      %dma_start3A_74 = arith.constant 25920 : i32
      %dma_start3A_75 = tpu.memref_slice %arg4[%dma_start3A_74] : memref<30720xf32, #tpu.memory_space<vmem>> -> memref<960xf32, #tpu.memory_space<vmem>>
      %dma_start3A_76 = tpu.memref_slice %arg2[%add3A_58] : memref<983040xf32, #tpu.memory_space<hbm>> -> memref<960xf32, #tpu.memory_space<hbm>>
      tpu.enqueue_dma source(%dma_start3A_76 : memref<960xf32, #tpu.memory_space<hbm>>) target(%dma_start3A_75 : memref<960xf32, #tpu.memory_space<vmem>>) target_semaphore(%run_scoped3A : memref<!tpu.dma_semaphore, #tpu.memory_space<semaphore_mem>>)
      %dma_wait3A = arith.constant 25920 : i32
      %dma_wait3A_77 = tpu.memref_slice %arg4[%dma_wait3A] : memref<30720xf32, #tpu.memory_space<vmem>> -> memref<960xf32, #tpu.memory_space<vmem>>
      %dma_wait3A_78 = tpu.memref_slice %arg2[%add3A_58] : memref<983040xf32, #tpu.memory_space<hbm>> -> memref<960xf32, #tpu.memory_space<hbm>>
      %dma_wait3A_79 = arith.constant 25920 : i32
      %dma_wait3A_80 = tpu.memref_slice %arg4[%dma_wait3A_79] : memref<30720xf32, #tpu.memory_space<vmem>> -> memref<960xf32, #tpu.memory_space<vmem>>
      %dma_wait3A_81 = tpu.memref_slice %arg2[%add3A_58] : memref<983040xf32, #tpu.memory_space<hbm>> -> memref<960xf32, #tpu.memory_space<hbm>>
      tpu.wait_dma2 semaphore(%run_scoped3A : memref<!tpu.dma_semaphore, #tpu.memory_space<semaphore_mem>>) src(%dma_wait3A_81 : memref<960xf32, #tpu.memory_space<hbm>>) dst(%dma_wait3A_80 : memref<960xf32, #tpu.memory_space<vmem>>)
      tpu.yield
    }) : () -> ()
    %add3A_59 = arith.constant 860160 : i32
    %add3A_60 = arith.addi %add3A_59, %mul3A_2 : i32
    "tpu.region"() ({
      %run_scoped3A = tpu.sem_alloc : memref<!tpu.dma_semaphore, #tpu.memory_space<semaphore_mem>>
      %dma_start3A = arith.constant 26880 : i32
      %dma_start3A_72 = tpu.memref_slice %arg4[%dma_start3A] : memref<30720xf32, #tpu.memory_space<vmem>> -> memref<960xf32, #tpu.memory_space<vmem>>
      %dma_start3A_73 = tpu.memref_slice %arg2[%add3A_60] : memref<983040xf32, #tpu.memory_space<hbm>> -> memref<960xf32, #tpu.memory_space<hbm>>
      %dma_start3A_74 = arith.constant 26880 : i32
      %dma_start3A_75 = tpu.memref_slice %arg4[%dma_start3A_74] : memref<30720xf32, #tpu.memory_space<vmem>> -> memref<960xf32, #tpu.memory_space<vmem>>
      %dma_start3A_76 = tpu.memref_slice %arg2[%add3A_60] : memref<983040xf32, #tpu.memory_space<hbm>> -> memref<960xf32, #tpu.memory_space<hbm>>
      tpu.enqueue_dma source(%dma_start3A_76 : memref<960xf32, #tpu.memory_space<hbm>>) target(%dma_start3A_75 : memref<960xf32, #tpu.memory_space<vmem>>) target_semaphore(%run_scoped3A : memref<!tpu.dma_semaphore, #tpu.memory_space<semaphore_mem>>)
      %dma_wait3A = arith.constant 26880 : i32
      %dma_wait3A_77 = tpu.memref_slice %arg4[%dma_wait3A] : memref<30720xf32, #tpu.memory_space<vmem>> -> memref<960xf32, #tpu.memory_space<vmem>>
      %dma_wait3A_78 = tpu.memref_slice %arg2[%add3A_60] : memref<983040xf32, #tpu.memory_space<hbm>> -> memref<960xf32, #tpu.memory_space<hbm>>
      %dma_wait3A_79 = arith.constant 26880 : i32
      %dma_wait3A_80 = tpu.memref_slice %arg4[%dma_wait3A_79] : memref<30720xf32, #tpu.memory_space<vmem>> -> memref<960xf32, #tpu.memory_space<vmem>>
      %dma_wait3A_81 = tpu.memref_slice %arg2[%add3A_60] : memref<983040xf32, #tpu.memory_space<hbm>> -> memref<960xf32, #tpu.memory_space<hbm>>
      tpu.wait_dma2 semaphore(%run_scoped3A : memref<!tpu.dma_semaphore, #tpu.memory_space<semaphore_mem>>) src(%dma_wait3A_81 : memref<960xf32, #tpu.memory_space<hbm>>) dst(%dma_wait3A_80 : memref<960xf32, #tpu.memory_space<vmem>>)
      tpu.yield
    }) : () -> ()
    %add3A_61 = arith.constant 890880 : i32
    %add3A_62 = arith.addi %add3A_61, %mul3A_2 : i32
    "tpu.region"() ({
      %run_scoped3A = tpu.sem_alloc : memref<!tpu.dma_semaphore, #tpu.memory_space<semaphore_mem>>
      %dma_start3A = arith.constant 27840 : i32
      %dma_start3A_72 = tpu.memref_slice %arg4[%dma_start3A] : memref<30720xf32, #tpu.memory_space<vmem>> -> memref<960xf32, #tpu.memory_space<vmem>>
      %dma_start3A_73 = tpu.memref_slice %arg2[%add3A_62] : memref<983040xf32, #tpu.memory_space<hbm>> -> memref<960xf32, #tpu.memory_space<hbm>>
      %dma_start3A_74 = arith.constant 27840 : i32
      %dma_start3A_75 = tpu.memref_slice %arg4[%dma_start3A_74] : memref<30720xf32, #tpu.memory_space<vmem>> -> memref<960xf32, #tpu.memory_space<vmem>>
      %dma_start3A_76 = tpu.memref_slice %arg2[%add3A_62] : memref<983040xf32, #tpu.memory_space<hbm>> -> memref<960xf32, #tpu.memory_space<hbm>>
      tpu.enqueue_dma source(%dma_start3A_76 : memref<960xf32, #tpu.memory_space<hbm>>) target(%dma_start3A_75 : memref<960xf32, #tpu.memory_space<vmem>>) target_semaphore(%run_scoped3A : memref<!tpu.dma_semaphore, #tpu.memory_space<semaphore_mem>>)
      %dma_wait3A = arith.constant 27840 : i32
      %dma_wait3A_77 = tpu.memref_slice %arg4[%dma_wait3A] : memref<30720xf32, #tpu.memory_space<vmem>> -> memref<960xf32, #tpu.memory_space<vmem>>
      %dma_wait3A_78 = tpu.memref_slice %arg2[%add3A_62] : memref<983040xf32, #tpu.memory_space<hbm>> -> memref<960xf32, #tpu.memory_space<hbm>>
      %dma_wait3A_79 = arith.constant 27840 : i32
      %dma_wait3A_80 = tpu.memref_slice %arg4[%dma_wait3A_79] : memref<30720xf32, #tpu.memory_space<vmem>> -> memref<960xf32, #tpu.memory_space<vmem>>
      %dma_wait3A_81 = tpu.memref_slice %arg2[%add3A_62] : memref<983040xf32, #tpu.memory_space<hbm>> -> memref<960xf32, #tpu.memory_space<hbm>>
      tpu.wait_dma2 semaphore(%run_scoped3A : memref<!tpu.dma_semaphore, #tpu.memory_space<semaphore_mem>>) src(%dma_wait3A_81 : memref<960xf32, #tpu.memory_space<hbm>>) dst(%dma_wait3A_80 : memref<960xf32, #tpu.memory_space<vmem>>)
      tpu.yield
    }) : () -> ()
    %add3A_63 = arith.constant 921600 : i32
    %add3A_64 = arith.addi %add3A_63, %mul3A_2 : i32
    "tpu.region"() ({
      %run_scoped3A = tpu.sem_alloc : memref<!tpu.dma_semaphore, #tpu.memory_space<semaphore_mem>>
      %dma_start3A = arith.constant 28800 : i32
      %dma_start3A_72 = tpu.memref_slice %arg4[%dma_start3A] : memref<30720xf32, #tpu.memory_space<vmem>> -> memref<960xf32, #tpu.memory_space<vmem>>
      %dma_start3A_73 = tpu.memref_slice %arg2[%add3A_64] : memref<983040xf32, #tpu.memory_space<hbm>> -> memref<960xf32, #tpu.memory_space<hbm>>
      %dma_start3A_74 = arith.constant 28800 : i32
      %dma_start3A_75 = tpu.memref_slice %arg4[%dma_start3A_74] : memref<30720xf32, #tpu.memory_space<vmem>> -> memref<960xf32, #tpu.memory_space<vmem>>
      %dma_start3A_76 = tpu.memref_slice %arg2[%add3A_64] : memref<983040xf32, #tpu.memory_space<hbm>> -> memref<960xf32, #tpu.memory_space<hbm>>
      tpu.enqueue_dma source(%dma_start3A_76 : memref<960xf32, #tpu.memory_space<hbm>>) target(%dma_start3A_75 : memref<960xf32, #tpu.memory_space<vmem>>) target_semaphore(%run_scoped3A : memref<!tpu.dma_semaphore, #tpu.memory_space<semaphore_mem>>)
      %dma_wait3A = arith.constant 28800 : i32
      %dma_wait3A_77 = tpu.memref_slice %arg4[%dma_wait3A] : memref<30720xf32, #tpu.memory_space<vmem>> -> memref<960xf32, #tpu.memory_space<vmem>>
      %dma_wait3A_78 = tpu.memref_slice %arg2[%add3A_64] : memref<983040xf32, #tpu.memory_space<hbm>> -> memref<960xf32, #tpu.memory_space<hbm>>
      %dma_wait3A_79 = arith.constant 28800 : i32
      %dma_wait3A_80 = tpu.memref_slice %arg4[%dma_wait3A_79] : memref<30720xf32, #tpu.memory_space<vmem>> -> memref<960xf32, #tpu.memory_space<vmem>>
      %dma_wait3A_81 = tpu.memref_slice %arg2[%add3A_64] : memref<983040xf32, #tpu.memory_space<hbm>> -> memref<960xf32, #tpu.memory_space<hbm>>
      tpu.wait_dma2 semaphore(%run_scoped3A : memref<!tpu.dma_semaphore, #tpu.memory_space<semaphore_mem>>) src(%dma_wait3A_81 : memref<960xf32, #tpu.memory_space<hbm>>) dst(%dma_wait3A_80 : memref<960xf32, #tpu.memory_space<vmem>>)
      tpu.yield
    }) : () -> ()
    %add3A_65 = arith.constant 952320 : i32
    %add3A_66 = arith.addi %add3A_65, %mul3A_2 : i32
    "tpu.region"() ({
      %run_scoped3A = tpu.sem_alloc : memref<!tpu.dma_semaphore, #tpu.memory_space<semaphore_mem>>
      %dma_start3A = arith.constant 29760 : i32
      %dma_start3A_72 = tpu.memref_slice %arg4[%dma_start3A] : memref<30720xf32, #tpu.memory_space<vmem>> -> memref<960xf32, #tpu.memory_space<vmem>>
      %dma_start3A_73 = tpu.memref_slice %arg2[%add3A_66] : memref<983040xf32, #tpu.memory_space<hbm>> -> memref<960xf32, #tpu.memory_space<hbm>>
      %dma_start3A_74 = arith.constant 29760 : i32
      %dma_start3A_75 = tpu.memref_slice %arg4[%dma_start3A_74] : memref<30720xf32, #tpu.memory_space<vmem>> -> memref<960xf32, #tpu.memory_space<vmem>>
      %dma_start3A_76 = tpu.memref_slice %arg2[%add3A_66] : memref<983040xf32, #tpu.memory_space<hbm>> -> memref<960xf32, #tpu.memory_space<hbm>>
      tpu.enqueue_dma source(%dma_start3A_76 : memref<960xf32, #tpu.memory_space<hbm>>) target(%dma_start3A_75 : memref<960xf32, #tpu.memory_space<vmem>>) target_semaphore(%run_scoped3A : memref<!tpu.dma_semaphore, #tpu.memory_space<semaphore_mem>>)
      %dma_wait3A = arith.constant 29760 : i32
      %dma_wait3A_77 = tpu.memref_slice %arg4[%dma_wait3A] : memref<30720xf32, #tpu.memory_space<vmem>> -> memref<960xf32, #tpu.memory_space<vmem>>
      %dma_wait3A_78 = tpu.memref_slice %arg2[%add3A_66] : memref<983040xf32, #tpu.memory_space<hbm>> -> memref<960xf32, #tpu.memory_space<hbm>>
      %dma_wait3A_79 = arith.constant 29760 : i32
      %dma_wait3A_80 = tpu.memref_slice %arg4[%dma_wait3A_79] : memref<30720xf32, #tpu.memory_space<vmem>> -> memref<960xf32, #tpu.memory_space<vmem>>
      %dma_wait3A_81 = tpu.memref_slice %arg2[%add3A_66] : memref<983040xf32, #tpu.memory_space<hbm>> -> memref<960xf32, #tpu.memory_space<hbm>>
      tpu.wait_dma2 semaphore(%run_scoped3A : memref<!tpu.dma_semaphore, #tpu.memory_space<semaphore_mem>>) src(%dma_wait3A_81 : memref<960xf32, #tpu.memory_space<hbm>>) dst(%dma_wait3A_80 : memref<960xf32, #tpu.memory_space<vmem>>)
      tpu.yield
    }) : () -> ()
    %scan3A = arith.constant 0 : i32
    %scan3A_67 = arith.constant 0 : i32
    %scan3A_68 = arith.constant 60 : i32
    %scan3A_69 = arith.addi %scan3A_67, %scan3A_68 : i32
    %scan3A_70 = arith.constant 1 : i32
    scf.for %scan3A_72 = %scan3A_67 to %scan3A_69 step %scan3A_70  : i32 {
      %mul3A_73 = arith.constant 16 : i32
      %mul3A_74 = arith.muli %scan3A_72, %mul3A_73 : i32
      %get3A = arith.index_cast %mul3A_74 : i32 to index
      %get3A_75 = tpu.vector_load %arg4[%get3A] {strides = array<i32>} : memref<30720xf32, #tpu.memory_space<vmem>>, vector<16xf32>,
      %add3A_76 = arith.constant 960 : i32
      %add3A_77 = arith.addi %add3A_76, %mul3A_74 : i32
      %get3A_78 = arith.index_cast %add3A_77 : i32 to index
      %get3A_79 = tpu.vector_load %arg4[%get3A_78] {strides = array<i32>} : memref<30720xf32, #tpu.memory_space<vmem>>, vector<16xf32>,
      %add3A_80 = arith.addf %get3A_75, %get3A_79 : vector<16xf32>
      %add3A_81 = arith.constant 1920 : i32
      %add3A_82 = arith.addi %add3A_81, %mul3A_74 : i32
      %get3A_83 = arith.index_cast %add3A_82 : i32 to index
      %get3A_84 = tpu.vector_load %arg4[%get3A_83] {strides = array<i32>} : memref<30720xf32, #tpu.memory_space<vmem>>, vector<16xf32>,
      %add3A_85 = arith.addf %add3A_80, %get3A_84 : vector<16xf32>
      %add3A_86 = arith.constant 2880 : i32
      %add3A_87 = arith.addi %add3A_86, %mul3A_74 : i32
      %get3A_88 = arith.index_cast %add3A_87 : i32 to index
      %get3A_89 = tpu.vector_load %arg4[%get3A_88] {strides = array<i32>} : memref<30720xf32, #tpu.memory_space<vmem>>, vector<16xf32>,
      %add3A_90 = arith.addf %add3A_85, %get3A_89 : vector<16xf32>
      %add3A_91 = arith.constant 3840 : i32
      %add3A_92 = arith.addi %add3A_91, %mul3A_74 : i32
      %get3A_93 = arith.index_cast %add3A_92 : i32 to index
      %get3A_94 = tpu.vector_load %arg4[%get3A_93] {strides = array<i32>} : memref<30720xf32, #tpu.memory_space<vmem>>, vector<16xf32>,
      %add3A_95 = arith.addf %add3A_90, %get3A_94 : vector<16xf32>
      %add3A_96 = arith.constant 4800 : i32
      %add3A_97 = arith.addi %add3A_96, %mul3A_74 : i32
      %get3A_98 = arith.index_cast %add3A_97 : i32 to index
      %get3A_99 = tpu.vector_load %arg4[%get3A_98] {strides = array<i32>} : memref<30720xf32, #tpu.memory_space<vmem>>, vector<16xf32>,
      %add3A_100 = arith.addf %add3A_95, %get3A_99 : vector<16xf32>
      %add3A_101 = arith.constant 5760 : i32
      %add3A_102 = arith.addi %add3A_101, %mul3A_74 : i32
      %get3A_103 = arith.index_cast %add3A_102 : i32 to index
      %get3A_104 = tpu.vector_load %arg4[%get3A_103] {strides = array<i32>} : memref<30720xf32, #tpu.memory_space<vmem>>, vector<16xf32>,
      %add3A_105 = arith.addf %add3A_100, %get3A_104 : vector<16xf32>
      %add3A_106 = arith.constant 6720 : i32
      %add3A_107 = arith.addi %add3A_106, %mul3A_74 : i32
      %get3A_108 = arith.index_cast %add3A_107 : i32 to index
      %get3A_109 = tpu.vector_load %arg4[%get3A_108] {strides = array<i32>} : memref<30720xf32, #tpu.memory_space<vmem>>, vector<16xf32>,
      %add3A_110 = arith.addf %add3A_105, %get3A_109 : vector<16xf32>
      %add3A_111 = arith.constant 7680 : i32
      %add3A_112 = arith.addi %add3A_111, %mul3A_74 : i32
      %get3A_113 = arith.index_cast %add3A_112 : i32 to index
      %get3A_114 = tpu.vector_load %arg4[%get3A_113] {strides = array<i32>} : memref<30720xf32, #tpu.memory_space<vmem>>, vector<16xf32>,
      %add3A_115 = arith.addf %add3A_110, %get3A_114 : vector<16xf32>
      %add3A_116 = arith.constant 8640 : i32
      %add3A_117 = arith.addi %add3A_116, %mul3A_74 : i32
      %get3A_118 = arith.index_cast %add3A_117 : i32 to index
      %get3A_119 = tpu.vector_load %arg4[%get3A_118] {strides = array<i32>} : memref<30720xf32, #tpu.memory_space<vmem>>, vector<16xf32>,
      %add3A_120 = arith.addf %add3A_115, %get3A_119 : vector<16xf32>
      %add3A_121 = arith.constant 9600 : i32
      %add3A_122 = arith.addi %add3A_121, %mul3A_74 : i32
      %get3A_123 = arith.index_cast %add3A_122 : i32 to index
      %get3A_124 = tpu.vector_load %arg4[%get3A_123] {strides = array<i32>} : memref<30720xf32, #tpu.memory_space<vmem>>, vector<16xf32>,
      %add3A_125 = arith.addf %add3A_120, %get3A_124 : vector<16xf32>
      %add3A_126 = arith.constant 10560 : i32
      %add3A_127 = arith.addi %add3A_126, %mul3A_74 : i32
      %get3A_128 = arith.index_cast %add3A_127 : i32 to index
      %get3A_129 = tpu.vector_load %arg4[%get3A_128] {strides = array<i32>} : memref<30720xf32, #tpu.memory_space<vmem>>, vector<16xf32>,
      %add3A_130 = arith.addf %add3A_125, %get3A_129 : vector<16xf32>
      %add3A_131 = arith.constant 11520 : i32
      %add3A_132 = arith.addi %add3A_131, %mul3A_74 : i32
      %get3A_133 = arith.index_cast %add3A_132 : i32 to index
      %get3A_134 = tpu.vector_load %arg4[%get3A_133] {strides = array<i32>} : memref<30720xf32, #tpu.memory_space<vmem>>, vector<16xf32>,
      %add3A_135 = arith.addf %add3A_130, %get3A_134 : vector<16xf32>
      %add3A_136 = arith.constant 12480 : i32
      %add3A_137 = arith.addi %add3A_136, %mul3A_74 : i32
      %get3A_138 = arith.index_cast %add3A_137 : i32 to index
      %get3A_139 = tpu.vector_load %arg4[%get3A_138] {strides = array<i32>} : memref<30720xf32, #tpu.memory_space<vmem>>, vector<16xf32>,
      %add3A_140 = arith.addf %add3A_135, %get3A_139 : vector<16xf32>
      %add3A_141 = arith.constant 13440 : i32
      %add3A_142 = arith.addi %add3A_141, %mul3A_74 : i32
      %get3A_143 = arith.index_cast %add3A_142 : i32 to index
      %get3A_144 = tpu.vector_load %arg4[%get3A_143] {strides = array<i32>} : memref<30720xf32, #tpu.memory_space<vmem>>, vector<16xf32>,
      %add3A_145 = arith.addf %add3A_140, %get3A_144 : vector<16xf32>
      %add3A_146 = arith.constant 14400 : i32
      %add3A_147 = arith.addi %add3A_146, %mul3A_74 : i32
      %get3A_148 = arith.index_cast %add3A_147 : i32 to index
      %get3A_149 = tpu.vector_load %arg4[%get3A_148] {strides = array<i32>} : memref<30720xf32, #tpu.memory_space<vmem>>, vector<16xf32>,
      %add3A_150 = arith.addf %add3A_145, %get3A_149 : vector<16xf32>
      %add3A_151 = arith.constant 15360 : i32
      %add3A_152 = arith.addi %add3A_151, %mul3A_74 : i32
      %get3A_153 = arith.index_cast %add3A_152 : i32 to index
      %get3A_154 = tpu.vector_load %arg4[%get3A_153] {strides = array<i32>} : memref<30720xf32, #tpu.memory_space<vmem>>, vector<16xf32>,
      %add3A_155 = arith.addf %add3A_150, %get3A_154 : vector<16xf32>
      %add3A_156 = arith.constant 16320 : i32
      %add3A_157 = arith.addi %add3A_156, %mul3A_74 : i32
      %get3A_158 = arith.index_cast %add3A_157 : i32 to index
      %get3A_159 = tpu.vector_load %arg4[%get3A_158] {strides = array<i32>} : memref<30720xf32, #tpu.memory_space<vmem>>, vector<16xf32>,
      %add3A_160 = arith.addf %add3A_155, %get3A_159 : vector<16xf32>
      %add3A_161 = arith.constant 17280 : i32
      %add3A_162 = arith.addi %add3A_161, %mul3A_74 : i32
      %get3A_163 = arith.index_cast %add3A_162 : i32 to index
      %get3A_164 = tpu.vector_load %arg4[%get3A_163] {strides = array<i32>} : memref<30720xf32, #tpu.memory_space<vmem>>, vector<16xf32>,
      %add3A_165 = arith.addf %add3A_160, %get3A_164 : vector<16xf32>
      %add3A_166 = arith.constant 18240 : i32
      %add3A_167 = arith.addi %add3A_166, %mul3A_74 : i32
      %get3A_168 = arith.index_cast %add3A_167 : i32 to index
      %get3A_169 = tpu.vector_load %arg4[%get3A_168] {strides = array<i32>} : memref<30720xf32, #tpu.memory_space<vmem>>, vector<16xf32>,
      %add3A_170 = arith.addf %add3A_165, %get3A_169 : vector<16xf32>
      %add3A_171 = arith.constant 19200 : i32
      %add3A_172 = arith.addi %add3A_171, %mul3A_74 : i32
      %get3A_173 = arith.index_cast %add3A_172 : i32 to index
      %get3A_174 = tpu.vector_load %arg4[%get3A_173] {strides = array<i32>} : memref<30720xf32, #tpu.memory_space<vmem>>, vector<16xf32>,
      %add3A_175 = arith.addf %add3A_170, %get3A_174 : vector<16xf32>
      %add3A_176 = arith.constant 20160 : i32
      %add3A_177 = arith.addi %add3A_176, %mul3A_74 : i32
      %get3A_178 = arith.index_cast %add3A_177 : i32 to index
      %get3A_179 = tpu.vector_load %arg4[%get3A_178] {strides = array<i32>} : memref<30720xf32, #tpu.memory_space<vmem>>, vector<16xf32>,
      %add3A_180 = arith.addf %add3A_175, %get3A_179 : vector<16xf32>
      %add3A_181 = arith.constant 21120 : i32
      %add3A_182 = arith.addi %add3A_181, %mul3A_74 : i32
      %get3A_183 = arith.index_cast %add3A_182 : i32 to index
      %get3A_184 = tpu.vector_load %arg4[%get3A_183] {strides = array<i32>} : memref<30720xf32, #tpu.memory_space<vmem>>, vector<16xf32>,
      %add3A_185 = arith.addf %add3A_180, %get3A_184 : vector<16xf32>
      %add3A_186 = arith.constant 22080 : i32
      %add3A_187 = arith.addi %add3A_186, %mul3A_74 : i32
      %get3A_188 = arith.index_cast %add3A_187 : i32 to index
      %get3A_189 = tpu.vector_load %arg4[%get3A_188] {strides = array<i32>} : memref<30720xf32, #tpu.memory_space<vmem>>, vector<16xf32>,
      %add3A_190 = arith.addf %add3A_185, %get3A_189 : vector<16xf32>
      %add3A_191 = arith.constant 23040 : i32
      %add3A_192 = arith.addi %add3A_191, %mul3A_74 : i32
      %get3A_193 = arith.index_cast %add3A_192 : i32 to index
      %get3A_194 = tpu.vector_load %arg4[%get3A_193] {strides = array<i32>} : memref<30720xf32, #tpu.memory_space<vmem>>, vector<16xf32>,
      %add3A_195 = arith.addf %add3A_190, %get3A_194 : vector<16xf32>
      %add3A_196 = arith.constant 24000 : i32
      %add3A_197 = arith.addi %add3A_196, %mul3A_74 : i32
      %get3A_198 = arith.index_cast %add3A_197 : i32 to index
      %get3A_199 = tpu.vector_load %arg4[%get3A_198] {strides = array<i32>} : memref<30720xf32, #tpu.memory_space<vmem>>, vector<16xf32>,
      %add3A_200 = arith.addf %add3A_195, %get3A_199 : vector<16xf32>
      %add3A_201 = arith.constant 24960 : i32
      %add3A_202 = arith.addi %add3A_201, %mul3A_74 : i32
      %get3A_203 = arith.index_cast %add3A_202 : i32 to index
      %get3A_204 = tpu.vector_load %arg4[%get3A_203] {strides = array<i32>} : memref<30720xf32, #tpu.memory_space<vmem>>, vector<16xf32>,
      %add3A_205 = arith.addf %add3A_200, %get3A_204 : vector<16xf32>
      %add3A_206 = arith.constant 25920 : i32
      %add3A_207 = arith.addi %add3A_206, %mul3A_74 : i32
      %get3A_208 = arith.index_cast %add3A_207 : i32 to index
      %get3A_209 = tpu.vector_load %arg4[%get3A_208] {strides = array<i32>} : memref<30720xf32, #tpu.memory_space<vmem>>, vector<16xf32>,
      %add3A_210 = arith.addf %add3A_205, %get3A_209 : vector<16xf32>
      %add3A_211 = arith.constant 26880 : i32
      %add3A_212 = arith.addi %add3A_211, %mul3A_74 : i32
      %get3A_213 = arith.index_cast %add3A_212 : i32 to index
      %get3A_214 = tpu.vector_load %arg4[%get3A_213] {strides = array<i32>} : memref<30720xf32, #tpu.memory_space<vmem>>, vector<16xf32>,
      %add3A_215 = arith.addf %add3A_210, %get3A_214 : vector<16xf32>
      %add3A_216 = arith.constant 27840 : i32
      %add3A_217 = arith.addi %add3A_216, %mul3A_74 : i32
      %get3A_218 = arith.index_cast %add3A_217 : i32 to index
      %get3A_219 = tpu.vector_load %arg4[%get3A_218] {strides = array<i32>} : memref<30720xf32, #tpu.memory_space<vmem>>, vector<16xf32>,
      %add3A_220 = arith.addf %add3A_215, %get3A_219 : vector<16xf32>
      %add3A_221 = arith.constant 28800 : i32
      %add3A_222 = arith.addi %add3A_221, %mul3A_74 : i32
      %get3A_223 = arith.index_cast %add3A_222 : i32 to index
      %get3A_224 = tpu.vector_load %arg4[%get3A_223] {strides = array<i32>} : memref<30720xf32, #tpu.memory_space<vmem>>, vector<16xf32>,
      %add3A_225 = arith.addf %add3A_220, %get3A_224 : vector<16xf32>
      %add3A_226 = arith.constant 29760 : i32
      %add3A_227 = arith.addi %add3A_226, %mul3A_74 : i32
      %get3A_228 = arith.index_cast %add3A_227 : i32 to index
      %get3A_229 = tpu.vector_load %arg4[%get3A_228] {strides = array<i32>} : memref<30720xf32, #tpu.memory_space<vmem>>, vector<16xf32>,
      %add3A_230 = arith.addf %add3A_225, %get3A_229 : vector<16xf32>
      %swap3A = arith.index_cast %mul3A_74 : i32 to index
      %swap3A_231 = tpu.vector_load %arg5[%swap3A] {strides = array<i32>} : memref<960xf32, #tpu.memory_space<vmem>>, vector<16xf32>,
      tpu.vector_store %arg5[%swap3A], %add3A_230 {strides = array<i32>} : memref<960xf32, #tpu.memory_space<vmem>>, vector<16xf32>,
    }
    %scan3A_71 = arith.constant 60 : i32
    "tpu.region"() ({
      %run_scoped3A = tpu.sem_alloc : memref<!tpu.dma_semaphore, #tpu.memory_space<semaphore_mem>>
      %dma_start3A = tpu.memref_slice %arg3[%mul3A_2] : memref<30720xf32, #tpu.memory_space<hbm>> -> memref<960xf32, #tpu.memory_space<hbm>>
      %dma_start3A_72 = tpu.memref_slice %arg3[%mul3A_2] : memref<30720xf32, #tpu.memory_space<hbm>> -> memref<960xf32, #tpu.memory_space<hbm>>
      tpu.enqueue_dma source(%arg5 : memref<960xf32, #tpu.memory_space<vmem>>) target(%dma_start3A_72 : memref<960xf32, #tpu.memory_space<hbm>>) target_semaphore(%run_scoped3A : memref<!tpu.dma_semaphore, #tpu.memory_space<semaphore_mem>>)
      %dma_wait3A = tpu.memref_slice %arg3[%mul3A_2] : memref<30720xf32, #tpu.memory_space<hbm>> -> memref<960xf32, #tpu.memory_space<hbm>>
      %dma_wait3A_73 = tpu.memref_slice %arg3[%mul3A_2] : memref<30720xf32, #tpu.memory_space<hbm>> -> memref<960xf32, #tpu.memory_space<hbm>>
      tpu.wait_dma2 semaphore(%run_scoped3A : memref<!tpu.dma_semaphore, #tpu.memory_space<semaphore_mem>>) src(%arg5 : memref<960xf32, #tpu.memory_space<vmem>>) dst(%dma_wait3A_73 : memref<960xf32, #tpu.memory_space<hbm>>)
      tpu.yield
    }) : () -> ()
    return
  }
}

#map = affine_map<(d0, d1) -> (0)>
module attributes {stable_mosaic.version = 14 : i64} {
  func.func @_sc_gather_body(%arg0: i32, %arg1: i32, %arg2: memref<10000xf32, #tpu.memory_space<hbm>>, %arg3: memref<10000xf32, #tpu.memory_space<hbm>>, %arg4: memref<10000xf32, #tpu.memory_space<hbm>>, %arg5: memref<12000xi32, #tpu.memory_space<hbm>>, %arg6: memref<12000xf32, #tpu.memory_space<hbm>>, %arg7: memref<12000xf32, #tpu.memory_space<hbm>>, %arg8: memref<12000xf32, #tpu.memory_space<hbm>>, %arg9: memref<327680xi32, #tpu.memory_space<hbm>>, %arg10: memref<327680xf32, #tpu.memory_space<hbm>>, %arg11: memref<327680xf32, #tpu.memory_space<hbm>>, %arg12: memref<327680xf32, #tpu.memory_space<hbm>>, %arg13: memref<10000xf32, #tpu.memory_space<vmem>>, %arg14: memref<10000xf32, #tpu.memory_space<vmem>>, %arg15: memref<10000xf32, #tpu.memory_space<vmem>>, %arg16: memref<12000xi32, #tpu.memory_space<vmem>>, %arg17: memref<12000xf32, #tpu.memory_space<vmem>>, %arg18: memref<12000xf32, #tpu.memory_space<vmem>>, %arg19: memref<12000xf32, #tpu.memory_space<vmem>>, %arg20: memref<1200xf32, #tpu.memory_space<vmem>>, %arg21: memref<1200xf32, #tpu.memory_space<vmem>>, %arg22: memref<1200xf32, #tpu.memory_space<vmem>>, %arg23: memref<10240xi32, #tpu.memory_space<vmem>>, %arg24: memref<512xf32, #tpu.memory_space<vmem>>, %arg25: memref<512xf32, #tpu.memory_space<vmem>>, %arg26: memref<512xf32, #tpu.memory_space<vmem>>) attributes {dimension_semantics = [#tpu.dimension_semantics<core_parallel>, #tpu.dimension_semantics<subcore_parallel>], iteration_bounds = array<i64: 2, 16>, scalar_prefetch = 0 : i64, scratch_operands = 14 : i64, tpu.core_type = #tpu.core_type<sc_vector_subcore>, window_params = [{transform_indices = #map}, {transform_indices = #map}, {transform_indices = #map}, {transform_indices = #map}, {transform_indices = #map}, {transform_indices = #map}, {transform_indices = #map}, {transform_indices = #map}, {transform_indices = #map}, {transform_indices = #map}, {transform_indices = #map}]} {
    %mul3A = arith.constant 2 : i32
    %mul3A_0 = arith.muli %arg1, %mul3A : i32
    %add3A = arith.addi %mul3A_0, %arg0 : i32
    "tpu.region"() ({
      %run_scoped3A = tpu.sem_alloc : memref<!tpu.dma_semaphore, #tpu.memory_space<semaphore_mem>>
      tpu.enqueue_dma source(%arg2 : memref<10000xf32, #tpu.memory_space<hbm>>) target(%arg13 : memref<10000xf32, #tpu.memory_space<vmem>>) target_semaphore(%run_scoped3A : memref<!tpu.dma_semaphore, #tpu.memory_space<semaphore_mem>>)
      tpu.wait_dma2 semaphore(%run_scoped3A : memref<!tpu.dma_semaphore, #tpu.memory_space<semaphore_mem>>) src(%arg2 : memref<10000xf32, #tpu.memory_space<hbm>>) dst(%arg13 : memref<10000xf32, #tpu.memory_space<vmem>>)
      tpu.yield
    }) : () -> ()
    "tpu.region"() ({
      %run_scoped3A = tpu.sem_alloc : memref<!tpu.dma_semaphore, #tpu.memory_space<semaphore_mem>>
      tpu.enqueue_dma source(%arg3 : memref<10000xf32, #tpu.memory_space<hbm>>) target(%arg14 : memref<10000xf32, #tpu.memory_space<vmem>>) target_semaphore(%run_scoped3A : memref<!tpu.dma_semaphore, #tpu.memory_space<semaphore_mem>>)
      tpu.wait_dma2 semaphore(%run_scoped3A : memref<!tpu.dma_semaphore, #tpu.memory_space<semaphore_mem>>) src(%arg3 : memref<10000xf32, #tpu.memory_space<hbm>>) dst(%arg14 : memref<10000xf32, #tpu.memory_space<vmem>>)
      tpu.yield
    }) : () -> ()
    "tpu.region"() ({
      %run_scoped3A = tpu.sem_alloc : memref<!tpu.dma_semaphore, #tpu.memory_space<semaphore_mem>>
      tpu.enqueue_dma source(%arg4 : memref<10000xf32, #tpu.memory_space<hbm>>) target(%arg15 : memref<10000xf32, #tpu.memory_space<vmem>>) target_semaphore(%run_scoped3A : memref<!tpu.dma_semaphore, #tpu.memory_space<semaphore_mem>>)
      tpu.wait_dma2 semaphore(%run_scoped3A : memref<!tpu.dma_semaphore, #tpu.memory_space<semaphore_mem>>) src(%arg4 : memref<10000xf32, #tpu.memory_space<hbm>>) dst(%arg15 : memref<10000xf32, #tpu.memory_space<vmem>>)
      tpu.yield
    }) : () -> ()
    "tpu.region"() ({
      %run_scoped3A = tpu.sem_alloc : memref<!tpu.dma_semaphore, #tpu.memory_space<semaphore_mem>>
      tpu.enqueue_dma source(%arg5 : memref<12000xi32, #tpu.memory_space<hbm>>) target(%arg16 : memref<12000xi32, #tpu.memory_space<vmem>>) target_semaphore(%run_scoped3A : memref<!tpu.dma_semaphore, #tpu.memory_space<semaphore_mem>>)
      tpu.wait_dma2 semaphore(%run_scoped3A : memref<!tpu.dma_semaphore, #tpu.memory_space<semaphore_mem>>) src(%arg5 : memref<12000xi32, #tpu.memory_space<hbm>>) dst(%arg16 : memref<12000xi32, #tpu.memory_space<vmem>>)
      tpu.yield
    }) : () -> ()
    %scan3A = arith.constant 0 : i32
    %scan3A_1 = arith.constant 0 : i32
    %scan3A_2 = arith.constant 10 : i32
    %scan3A_3 = arith.addi %scan3A_1, %scan3A_2 : i32
    %scan3A_4 = arith.constant 1 : i32
    scf.for %scan3A_16 = %scan3A_1 to %scan3A_3 step %scan3A_4  : i32 {
      %mul3A_17 = arith.constant 1200 : i32
      %mul3A_18 = arith.muli %scan3A_16, %mul3A_17 : i32
      "tpu.region"() ({
        %run_scoped3A = tpu.sem_alloc : memref<!tpu.dma_semaphore, #tpu.memory_space<semaphore_mem>>
        %dma_start3A = tpu.memref_slice %arg6[%mul3A_18] : memref<12000xf32, #tpu.memory_space<hbm>> -> memref<1200xf32, #tpu.memory_space<hbm>>
        %dma_start3A_24 = tpu.memref_slice %arg6[%mul3A_18] : memref<12000xf32, #tpu.memory_space<hbm>> -> memref<1200xf32, #tpu.memory_space<hbm>>
        tpu.enqueue_dma source(%dma_start3A_24 : memref<1200xf32, #tpu.memory_space<hbm>>) target(%arg20 : memref<1200xf32, #tpu.memory_space<vmem>>) target_semaphore(%run_scoped3A : memref<!tpu.dma_semaphore, #tpu.memory_space<semaphore_mem>>)
        %dma_wait3A = tpu.memref_slice %arg6[%mul3A_18] : memref<12000xf32, #tpu.memory_space<hbm>> -> memref<1200xf32, #tpu.memory_space<hbm>>
        %dma_wait3A_25 = tpu.memref_slice %arg6[%mul3A_18] : memref<12000xf32, #tpu.memory_space<hbm>> -> memref<1200xf32, #tpu.memory_space<hbm>>
        tpu.wait_dma2 semaphore(%run_scoped3A : memref<!tpu.dma_semaphore, #tpu.memory_space<semaphore_mem>>) src(%dma_wait3A_25 : memref<1200xf32, #tpu.memory_space<hbm>>) dst(%arg20 : memref<1200xf32, #tpu.memory_space<vmem>>)
        tpu.yield
      }) : () -> ()
      "tpu.region"() ({
        %run_scoped3A = tpu.sem_alloc : memref<!tpu.dma_semaphore, #tpu.memory_space<semaphore_mem>>
        %dma_start3A = tpu.memref_slice %arg7[%mul3A_18] : memref<12000xf32, #tpu.memory_space<hbm>> -> memref<1200xf32, #tpu.memory_space<hbm>>
        %dma_start3A_24 = tpu.memref_slice %arg7[%mul3A_18] : memref<12000xf32, #tpu.memory_space<hbm>> -> memref<1200xf32, #tpu.memory_space<hbm>>
        tpu.enqueue_dma source(%dma_start3A_24 : memref<1200xf32, #tpu.memory_space<hbm>>) target(%arg21 : memref<1200xf32, #tpu.memory_space<vmem>>) target_semaphore(%run_scoped3A : memref<!tpu.dma_semaphore, #tpu.memory_space<semaphore_mem>>)
        %dma_wait3A = tpu.memref_slice %arg7[%mul3A_18] : memref<12000xf32, #tpu.memory_space<hbm>> -> memref<1200xf32, #tpu.memory_space<hbm>>
        %dma_wait3A_25 = tpu.memref_slice %arg7[%mul3A_18] : memref<12000xf32, #tpu.memory_space<hbm>> -> memref<1200xf32, #tpu.memory_space<hbm>>
        tpu.wait_dma2 semaphore(%run_scoped3A : memref<!tpu.dma_semaphore, #tpu.memory_space<semaphore_mem>>) src(%dma_wait3A_25 : memref<1200xf32, #tpu.memory_space<hbm>>) dst(%arg21 : memref<1200xf32, #tpu.memory_space<vmem>>)
        tpu.yield
      }) : () -> ()
      "tpu.region"() ({
        %run_scoped3A = tpu.sem_alloc : memref<!tpu.dma_semaphore, #tpu.memory_space<semaphore_mem>>
        %dma_start3A = tpu.memref_slice %arg8[%mul3A_18] : memref<12000xf32, #tpu.memory_space<hbm>> -> memref<1200xf32, #tpu.memory_space<hbm>>
        %dma_start3A_24 = tpu.memref_slice %arg8[%mul3A_18] : memref<12000xf32, #tpu.memory_space<hbm>> -> memref<1200xf32, #tpu.memory_space<hbm>>
        tpu.enqueue_dma source(%dma_start3A_24 : memref<1200xf32, #tpu.memory_space<hbm>>) target(%arg22 : memref<1200xf32, #tpu.memory_space<vmem>>) target_semaphore(%run_scoped3A : memref<!tpu.dma_semaphore, #tpu.memory_space<semaphore_mem>>)
        %dma_wait3A = tpu.memref_slice %arg8[%mul3A_18] : memref<12000xf32, #tpu.memory_space<hbm>> -> memref<1200xf32, #tpu.memory_space<hbm>>
        %dma_wait3A_25 = tpu.memref_slice %arg8[%mul3A_18] : memref<12000xf32, #tpu.memory_space<hbm>> -> memref<1200xf32, #tpu.memory_space<hbm>>
        tpu.wait_dma2 semaphore(%run_scoped3A : memref<!tpu.dma_semaphore, #tpu.memory_space<semaphore_mem>>) src(%dma_wait3A_25 : memref<1200xf32, #tpu.memory_space<hbm>>) dst(%arg22 : memref<1200xf32, #tpu.memory_space<vmem>>)
        tpu.yield
      }) : () -> ()
      %scan3A_19 = arith.constant 0 : i32
      %scan3A_20 = arith.constant 75 : i32
      %scan3A_21 = arith.addi %scan3A_19, %scan3A_20 : i32
      %scan3A_22 = arith.constant 1 : i32
      scf.for %scan3A_24 = %scan3A_19 to %scan3A_21 step %scan3A_22  : i32 {
        %mul3A_25 = arith.constant 16 : i32
        %mul3A_26 = arith.muli %scan3A_24, %mul3A_25 : i32
        %add3A_27 = arith.addi %mul3A_18, %mul3A_26 : i32
        %get3A = arith.index_cast %add3A_27 : i32 to index
        %get3A_28 = tpu.vector_load %arg16[%get3A] {strides = array<i32>} : memref<12000xi32, #tpu.memory_space<vmem>>, vector<16xi32>,
        %gather3A = tpu.vector_load_idx %arg13[%get3A_28] : memref<10000xf32, #tpu.memory_space<vmem>>[vector<16xi32>], vector<16xf32>,
        %get3A_29 = arith.index_cast %mul3A_26 : i32 to index
        %get3A_30 = tpu.vector_load %arg20[%get3A_29] {strides = array<i32>} : memref<1200xf32, #tpu.memory_space<vmem>>, vector<16xf32>,
        %sub3A = arith.subf %gather3A, %get3A_30 : vector<16xf32>
        %add3A_31 = arith.addi %mul3A_18, %mul3A_26 : i32
        %swap3A = arith.index_cast %add3A_31 : i32 to index
        %swap3A_32 = tpu.vector_load %arg17[%swap3A] {strides = array<i32>} : memref<12000xf32, #tpu.memory_space<vmem>>, vector<16xf32>,
        tpu.vector_store %arg17[%swap3A], %sub3A {strides = array<i32>} : memref<12000xf32, #tpu.memory_space<vmem>>, vector<16xf32>,
        %gather3A_33 = tpu.vector_load_idx %arg14[%get3A_28] : memref<10000xf32, #tpu.memory_space<vmem>>[vector<16xi32>], vector<16xf32>,
        %get3A_34 = arith.index_cast %mul3A_26 : i32 to index
        %get3A_35 = tpu.vector_load %arg21[%get3A_34] {strides = array<i32>} : memref<1200xf32, #tpu.memory_space<vmem>>, vector<16xf32>,
        %sub3A_36 = arith.subf %gather3A_33, %get3A_35 : vector<16xf32>
        %add3A_37 = arith.addi %mul3A_18, %mul3A_26 : i32
        %swap3A_38 = arith.index_cast %add3A_37 : i32 to index
        %swap3A_39 = tpu.vector_load %arg18[%swap3A_38] {strides = array<i32>} : memref<12000xf32, #tpu.memory_space<vmem>>, vector<16xf32>,
        tpu.vector_store %arg18[%swap3A_38], %sub3A_36 {strides = array<i32>} : memref<12000xf32, #tpu.memory_space<vmem>>, vector<16xf32>,
        %gather3A_40 = tpu.vector_load_idx %arg15[%get3A_28] : memref<10000xf32, #tpu.memory_space<vmem>>[vector<16xi32>], vector<16xf32>,
        %get3A_41 = arith.index_cast %mul3A_26 : i32 to index
        %get3A_42 = tpu.vector_load %arg22[%get3A_41] {strides = array<i32>} : memref<1200xf32, #tpu.memory_space<vmem>>, vector<16xf32>,
        %sub3A_43 = arith.subf %gather3A_40, %get3A_42 : vector<16xf32>
        %add3A_44 = arith.addi %mul3A_18, %mul3A_26 : i32
        %swap3A_45 = arith.index_cast %add3A_44 : i32 to index
        %swap3A_46 = tpu.vector_load %arg19[%swap3A_45] {strides = array<i32>} : memref<12000xf32, #tpu.memory_space<vmem>>, vector<16xf32>,
        tpu.vector_store %arg19[%swap3A_45], %sub3A_43 {strides = array<i32>} : memref<12000xf32, #tpu.memory_space<vmem>>, vector<16xf32>,
      }
      %scan3A_23 = arith.constant 75 : i32
    }
    %scan3A_5 = arith.constant 10 : i32
    %mul3A_6 = arith.constant 320 : i32
    %mul3A_7 = arith.muli %add3A, %mul3A_6 : i32
    %mul3A_8 = arith.constant 32 : i32
    %mul3A_9 = arith.muli %mul3A_7, %mul3A_8 : i32
    "tpu.region"() ({
      %run_scoped3A = tpu.sem_alloc : memref<!tpu.dma_semaphore, #tpu.memory_space<semaphore_mem>>
      %dma_start3A = tpu.memref_slice %arg9[%mul3A_9] : memref<327680xi32, #tpu.memory_space<hbm>> -> memref<10240xi32, #tpu.memory_space<hbm>>
      %dma_start3A_16 = tpu.memref_slice %arg9[%mul3A_9] : memref<327680xi32, #tpu.memory_space<hbm>> -> memref<10240xi32, #tpu.memory_space<hbm>>
      tpu.enqueue_dma source(%dma_start3A_16 : memref<10240xi32, #tpu.memory_space<hbm>>) target(%arg23 : memref<10240xi32, #tpu.memory_space<vmem>>) target_semaphore(%run_scoped3A : memref<!tpu.dma_semaphore, #tpu.memory_space<semaphore_mem>>)
      %dma_wait3A = tpu.memref_slice %arg9[%mul3A_9] : memref<327680xi32, #tpu.memory_space<hbm>> -> memref<10240xi32, #tpu.memory_space<hbm>>
      %dma_wait3A_17 = tpu.memref_slice %arg9[%mul3A_9] : memref<327680xi32, #tpu.memory_space<hbm>> -> memref<10240xi32, #tpu.memory_space<hbm>>
      tpu.wait_dma2 semaphore(%run_scoped3A : memref<!tpu.dma_semaphore, #tpu.memory_space<semaphore_mem>>) src(%dma_wait3A_17 : memref<10240xi32, #tpu.memory_space<hbm>>) dst(%arg23 : memref<10240xi32, #tpu.memory_space<vmem>>)
      tpu.yield
    }) : () -> ()
    %scan3A_10 = arith.constant 0 : i32
    %scan3A_11 = arith.constant 0 : i32
    %scan3A_12 = arith.constant 20 : i32
    %scan3A_13 = arith.addi %scan3A_11, %scan3A_12 : i32
    %scan3A_14 = arith.constant 1 : i32
    scf.for %scan3A_16 = %scan3A_11 to %scan3A_13 step %scan3A_14  : i32 {
      %scan3A_17 = arith.constant 0 : i32
      %scan3A_18 = arith.constant 0 : i32
      %scan3A_19 = arith.constant 16 : i32
      %scan3A_20 = arith.addi %scan3A_18, %scan3A_19 : i32
      %scan3A_21 = arith.constant 1 : i32
      scf.for %scan3A_28 = %scan3A_18 to %scan3A_20 step %scan3A_21  : i32 {
        %mul3A_29 = arith.constant 16 : i32
        %mul3A_30 = arith.muli %scan3A_16, %mul3A_29 : i32
        %add3A_31 = arith.addi %mul3A_30, %scan3A_28 : i32
        %add3A_32 = arith.addi %mul3A_7, %add3A_31 : i32
        %broadcast_in_dim3A = vector.broadcast %add3A_32 : i32 to vector<16xi32>
        %gather3A = tpu.vector_load_idx %arg17[%broadcast_in_dim3A] : memref<12000xf32, #tpu.memory_space<vmem>>[vector<16xi32>], vector<16xf32>,
        %gather3A_33 = tpu.vector_load_idx %arg18[%broadcast_in_dim3A] : memref<12000xf32, #tpu.memory_space<vmem>>[vector<16xi32>], vector<16xf32>,
        %gather3A_34 = tpu.vector_load_idx %arg19[%broadcast_in_dim3A] : memref<12000xf32, #tpu.memory_space<vmem>>[vector<16xi32>], vector<16xf32>,
        %mul3A_35 = arith.constant 32 : i32
        %mul3A_36 = arith.muli %add3A_31, %mul3A_35 : i32
        %add3A_37 = arith.constant 0 : i32
        %add3A_38 = arith.addi %mul3A_36, %add3A_37 : i32
        %mul3A_39 = arith.constant 32 : i32
        %mul3A_40 = arith.muli %scan3A_28, %mul3A_39 : i32
        %add3A_41 = arith.constant 0 : i32
        %add3A_42 = arith.addi %mul3A_40, %add3A_41 : i32
        %get3A = arith.index_cast %add3A_38 : i32 to index
        %get3A_43 = tpu.vector_load %arg23[%get3A] {strides = array<i32>} : memref<10240xi32, #tpu.memory_space<vmem>>, vector<16xi32>,
        %gather3A_44 = tpu.vector_load_idx %arg17[%get3A_43] : memref<12000xf32, #tpu.memory_space<vmem>>[vector<16xi32>], vector<16xf32>,
        %sub3A = arith.subf %gather3A_44, %gather3A : vector<16xf32>
        %swap3A = arith.index_cast %add3A_42 : i32 to index
        %swap3A_45 = tpu.vector_load %arg24[%swap3A] {strides = array<i32>} : memref<512xf32, #tpu.memory_space<vmem>>, vector<16xf32>,
        tpu.vector_store %arg24[%swap3A], %sub3A {strides = array<i32>} : memref<512xf32, #tpu.memory_space<vmem>>, vector<16xf32>,
        %gather3A_46 = tpu.vector_load_idx %arg18[%get3A_43] : memref<12000xf32, #tpu.memory_space<vmem>>[vector<16xi32>], vector<16xf32>,
        %sub3A_47 = arith.subf %gather3A_46, %gather3A_33 : vector<16xf32>
        %swap3A_48 = arith.index_cast %add3A_42 : i32 to index
        %swap3A_49 = tpu.vector_load %arg25[%swap3A_48] {strides = array<i32>} : memref<512xf32, #tpu.memory_space<vmem>>, vector<16xf32>,
        tpu.vector_store %arg25[%swap3A_48], %sub3A_47 {strides = array<i32>} : memref<512xf32, #tpu.memory_space<vmem>>, vector<16xf32>,
        %gather3A_50 = tpu.vector_load_idx %arg19[%get3A_43] : memref<12000xf32, #tpu.memory_space<vmem>>[vector<16xi32>], vector<16xf32>,
        %sub3A_51 = arith.subf %gather3A_50, %gather3A_34 : vector<16xf32>
        %swap3A_52 = arith.index_cast %add3A_42 : i32 to index
        %swap3A_53 = tpu.vector_load %arg26[%swap3A_52] {strides = array<i32>} : memref<512xf32, #tpu.memory_space<vmem>>, vector<16xf32>,
        tpu.vector_store %arg26[%swap3A_52], %sub3A_51 {strides = array<i32>} : memref<512xf32, #tpu.memory_space<vmem>>, vector<16xf32>,
        %mul3A_54 = arith.constant 32 : i32
        %mul3A_55 = arith.muli %add3A_31, %mul3A_54 : i32
        %add3A_56 = arith.constant 16 : i32
        %add3A_57 = arith.addi %mul3A_55, %add3A_56 : i32
        %mul3A_58 = arith.constant 32 : i32
        %mul3A_59 = arith.muli %scan3A_28, %mul3A_58 : i32
        %add3A_60 = arith.constant 16 : i32
        %add3A_61 = arith.addi %mul3A_59, %add3A_60 : i32
        %get3A_62 = arith.index_cast %add3A_57 : i32 to index
        %get3A_63 = tpu.vector_load %arg23[%get3A_62] {strides = array<i32>} : memref<10240xi32, #tpu.memory_space<vmem>>, vector<16xi32>,
        %gather3A_64 = tpu.vector_load_idx %arg17[%get3A_63] : memref<12000xf32, #tpu.memory_space<vmem>>[vector<16xi32>], vector<16xf32>,
        %sub3A_65 = arith.subf %gather3A_64, %gather3A : vector<16xf32>
        %swap3A_66 = arith.index_cast %add3A_61 : i32 to index
        %swap3A_67 = tpu.vector_load %arg24[%swap3A_66] {strides = array<i32>} : memref<512xf32, #tpu.memory_space<vmem>>, vector<16xf32>,
        tpu.vector_store %arg24[%swap3A_66], %sub3A_65 {strides = array<i32>} : memref<512xf32, #tpu.memory_space<vmem>>, vector<16xf32>,
        %gather3A_68 = tpu.vector_load_idx %arg18[%get3A_63] : memref<12000xf32, #tpu.memory_space<vmem>>[vector<16xi32>], vector<16xf32>,
        %sub3A_69 = arith.subf %gather3A_68, %gather3A_33 : vector<16xf32>
        %swap3A_70 = arith.index_cast %add3A_61 : i32 to index
        %swap3A_71 = tpu.vector_load %arg25[%swap3A_70] {strides = array<i32>} : memref<512xf32, #tpu.memory_space<vmem>>, vector<16xf32>,
        tpu.vector_store %arg25[%swap3A_70], %sub3A_69 {strides = array<i32>} : memref<512xf32, #tpu.memory_space<vmem>>, vector<16xf32>,
        %gather3A_72 = tpu.vector_load_idx %arg19[%get3A_63] : memref<12000xf32, #tpu.memory_space<vmem>>[vector<16xi32>], vector<16xf32>,
        %sub3A_73 = arith.subf %gather3A_72, %gather3A_34 : vector<16xf32>
        %swap3A_74 = arith.index_cast %add3A_61 : i32 to index
        %swap3A_75 = tpu.vector_load %arg26[%swap3A_74] {strides = array<i32>} : memref<512xf32, #tpu.memory_space<vmem>>, vector<16xf32>,
        tpu.vector_store %arg26[%swap3A_74], %sub3A_73 {strides = array<i32>} : memref<512xf32, #tpu.memory_space<vmem>>, vector<16xf32>,
      }
      %scan3A_22 = arith.constant 16 : i32
      %mul3A_23 = arith.constant 16 : i32
      %mul3A_24 = arith.muli %scan3A_16, %mul3A_23 : i32
      %add3A_25 = arith.addi %mul3A_7, %mul3A_24 : i32
      %mul3A_26 = arith.constant 32 : i32
      %mul3A_27 = arith.muli %add3A_25, %mul3A_26 : i32
      "tpu.region"() ({
        %run_scoped3A = tpu.sem_alloc : memref<!tpu.dma_semaphore, #tpu.memory_space<semaphore_mem>>
        %dma_start3A = tpu.memref_slice %arg10[%mul3A_27] : memref<327680xf32, #tpu.memory_space<hbm>> -> memref<512xf32, #tpu.memory_space<hbm>>
        %dma_start3A_28 = tpu.memref_slice %arg10[%mul3A_27] : memref<327680xf32, #tpu.memory_space<hbm>> -> memref<512xf32, #tpu.memory_space<hbm>>
        tpu.enqueue_dma source(%arg24 : memref<512xf32, #tpu.memory_space<vmem>>) target(%dma_start3A_28 : memref<512xf32, #tpu.memory_space<hbm>>) target_semaphore(%run_scoped3A : memref<!tpu.dma_semaphore, #tpu.memory_space<semaphore_mem>>)
        %dma_wait3A = tpu.memref_slice %arg10[%mul3A_27] : memref<327680xf32, #tpu.memory_space<hbm>> -> memref<512xf32, #tpu.memory_space<hbm>>
        %dma_wait3A_29 = tpu.memref_slice %arg10[%mul3A_27] : memref<327680xf32, #tpu.memory_space<hbm>> -> memref<512xf32, #tpu.memory_space<hbm>>
        tpu.wait_dma2 semaphore(%run_scoped3A : memref<!tpu.dma_semaphore, #tpu.memory_space<semaphore_mem>>) src(%arg24 : memref<512xf32, #tpu.memory_space<vmem>>) dst(%dma_wait3A_29 : memref<512xf32, #tpu.memory_space<hbm>>)
        tpu.yield
      }) : () -> ()
      "tpu.region"() ({
        %run_scoped3A = tpu.sem_alloc : memref<!tpu.dma_semaphore, #tpu.memory_space<semaphore_mem>>
        %dma_start3A = tpu.memref_slice %arg11[%mul3A_27] : memref<327680xf32, #tpu.memory_space<hbm>> -> memref<512xf32, #tpu.memory_space<hbm>>
        %dma_start3A_28 = tpu.memref_slice %arg11[%mul3A_27] : memref<327680xf32, #tpu.memory_space<hbm>> -> memref<512xf32, #tpu.memory_space<hbm>>
        tpu.enqueue_dma source(%arg25 : memref<512xf32, #tpu.memory_space<vmem>>) target(%dma_start3A_28 : memref<512xf32, #tpu.memory_space<hbm>>) target_semaphore(%run_scoped3A : memref<!tpu.dma_semaphore, #tpu.memory_space<semaphore_mem>>)
        %dma_wait3A = tpu.memref_slice %arg11[%mul3A_27] : memref<327680xf32, #tpu.memory_space<hbm>> -> memref<512xf32, #tpu.memory_space<hbm>>
        %dma_wait3A_29 = tpu.memref_slice %arg11[%mul3A_27] : memref<327680xf32, #tpu.memory_space<hbm>> -> memref<512xf32, #tpu.memory_space<hbm>>
        tpu.wait_dma2 semaphore(%run_scoped3A : memref<!tpu.dma_semaphore, #tpu.memory_space<semaphore_mem>>) src(%arg25 : memref<512xf32, #tpu.memory_space<vmem>>) dst(%dma_wait3A_29 : memref<512xf32, #tpu.memory_space<hbm>>)
        tpu.yield
      }) : () -> ()
      "tpu.region"() ({
        %run_scoped3A = tpu.sem_alloc : memref<!tpu.dma_semaphore, #tpu.memory_space<semaphore_mem>>
        %dma_start3A = tpu.memref_slice %arg12[%mul3A_27] : memref<327680xf32, #tpu.memory_space<hbm>> -> memref<512xf32, #tpu.memory_space<hbm>>
        %dma_start3A_28 = tpu.memref_slice %arg12[%mul3A_27] : memref<327680xf32, #tpu.memory_space<hbm>> -> memref<512xf32, #tpu.memory_space<hbm>>
        tpu.enqueue_dma source(%arg26 : memref<512xf32, #tpu.memory_space<vmem>>) target(%dma_start3A_28 : memref<512xf32, #tpu.memory_space<hbm>>) target_semaphore(%run_scoped3A : memref<!tpu.dma_semaphore, #tpu.memory_space<semaphore_mem>>)
        %dma_wait3A = tpu.memref_slice %arg12[%mul3A_27] : memref<327680xf32, #tpu.memory_space<hbm>> -> memref<512xf32, #tpu.memory_space<hbm>>
        %dma_wait3A_29 = tpu.memref_slice %arg12[%mul3A_27] : memref<327680xf32, #tpu.memory_space<hbm>> -> memref<512xf32, #tpu.memory_space<hbm>>
        tpu.wait_dma2 semaphore(%run_scoped3A : memref<!tpu.dma_semaphore, #tpu.memory_space<semaphore_mem>>) src(%arg26 : memref<512xf32, #tpu.memory_space<vmem>>) dst(%dma_wait3A_29 : memref<512xf32, #tpu.memory_space<hbm>>)
        tpu.yield
      }) : () -> ()
    }
    %scan3A_15 = arith.constant 20 : i32
    return
  }
}

#map = affine_map<(d0, d1) -> (0)>
module attributes {stable_mosaic.version = 14 : i64} {
  func.func @_sc_scatter_body(%arg0: i32, %arg1: i32, %arg2: memref<327680xf32, #tpu.memory_space<hbm>>, %arg3: memref<327680xf32, #tpu.memory_space<hbm>>, %arg4: memref<327680xf32, #tpu.memory_space<hbm>>, %arg5: memref<30720xf32, #tpu.memory_space<hbm>>, %arg6: memref<12000xi32, #tpu.memory_space<hbm>>, %arg7: memref<327680xi32, #tpu.memory_space<hbm>>, %arg8: memref<983040xf32, #tpu.memory_space<hbm>>, %arg9: memref<30720xf32, #tpu.memory_space<vmem>>, %arg10: memref<12000xi32, #tpu.memory_space<vmem>>, %arg11: memref<10240xi32, #tpu.memory_space<vmem>>, %arg12: memref<10240xf32, #tpu.memory_space<vmem>>, %arg13: memref<10240xf32, #tpu.memory_space<vmem>>, %arg14: memref<10240xf32, #tpu.memory_space<vmem>>, %arg15: memref<960xf32, #tpu.memory_space<vmem>>) attributes {dimension_semantics = [#tpu.dimension_semantics<core_parallel>, #tpu.dimension_semantics<subcore_parallel>], iteration_bounds = array<i64: 2, 16>, scalar_prefetch = 0 : i64, scratch_operands = 7 : i64, tpu.core_type = #tpu.core_type<sc_vector_subcore>, window_params = [{transform_indices = #map}, {transform_indices = #map}, {transform_indices = #map}, {transform_indices = #map}, {transform_indices = #map}, {transform_indices = #map}, {transform_indices = #map}]} {
    %mul3A = arith.constant 2 : i32
    %mul3A_0 = arith.muli %arg1, %mul3A : i32
    %add3A = arith.addi %mul3A_0, %arg0 : i32
    %mul3A_1 = arith.constant 320 : i32
    %mul3A_2 = arith.muli %add3A, %mul3A_1 : i32
    "tpu.region"() ({
      %run_scoped3A = tpu.sem_alloc : memref<!tpu.dma_semaphore, #tpu.memory_space<semaphore_mem>>
      tpu.enqueue_dma source(%arg6 : memref<12000xi32, #tpu.memory_space<hbm>>) target(%arg10 : memref<12000xi32, #tpu.memory_space<vmem>>) target_semaphore(%run_scoped3A : memref<!tpu.dma_semaphore, #tpu.memory_space<semaphore_mem>>)
      tpu.wait_dma2 semaphore(%run_scoped3A : memref<!tpu.dma_semaphore, #tpu.memory_space<semaphore_mem>>) src(%arg6 : memref<12000xi32, #tpu.memory_space<hbm>>) dst(%arg10 : memref<12000xi32, #tpu.memory_space<vmem>>)
      tpu.yield
    }) : () -> ()
    %mul3A_3 = arith.constant 32 : i32
    %mul3A_4 = arith.muli %mul3A_2, %mul3A_3 : i32
    "tpu.region"() ({
      %run_scoped3A = tpu.sem_alloc : memref<!tpu.dma_semaphore, #tpu.memory_space<semaphore_mem>>
      %dma_start3A = tpu.memref_slice %arg7[%mul3A_4] : memref<327680xi32, #tpu.memory_space<hbm>> -> memref<10240xi32, #tpu.memory_space<hbm>>
      %dma_start3A_84 = tpu.memref_slice %arg7[%mul3A_4] : memref<327680xi32, #tpu.memory_space<hbm>> -> memref<10240xi32, #tpu.memory_space<hbm>>
      tpu.enqueue_dma source(%dma_start3A_84 : memref<10240xi32, #tpu.memory_space<hbm>>) target(%arg11 : memref<10240xi32, #tpu.memory_space<vmem>>) target_semaphore(%run_scoped3A : memref<!tpu.dma_semaphore, #tpu.memory_space<semaphore_mem>>)
      %dma_wait3A = tpu.memref_slice %arg7[%mul3A_4] : memref<327680xi32, #tpu.memory_space<hbm>> -> memref<10240xi32, #tpu.memory_space<hbm>>
      %dma_wait3A_85 = tpu.memref_slice %arg7[%mul3A_4] : memref<327680xi32, #tpu.memory_space<hbm>> -> memref<10240xi32, #tpu.memory_space<hbm>>
      tpu.wait_dma2 semaphore(%run_scoped3A : memref<!tpu.dma_semaphore, #tpu.memory_space<semaphore_mem>>) src(%dma_wait3A_85 : memref<10240xi32, #tpu.memory_space<hbm>>) dst(%arg11 : memref<10240xi32, #tpu.memory_space<vmem>>)
      tpu.yield
    }) : () -> ()
    %mul3A_5 = arith.constant 32 : i32
    %mul3A_6 = arith.muli %mul3A_2, %mul3A_5 : i32
    "tpu.region"() ({
      %run_scoped3A = tpu.sem_alloc : memref<!tpu.dma_semaphore, #tpu.memory_space<semaphore_mem>>
      %dma_start3A = tpu.memref_slice %arg2[%mul3A_6] : memref<327680xf32, #tpu.memory_space<hbm>> -> memref<10240xf32, #tpu.memory_space<hbm>>
      %dma_start3A_84 = tpu.memref_slice %arg2[%mul3A_6] : memref<327680xf32, #tpu.memory_space<hbm>> -> memref<10240xf32, #tpu.memory_space<hbm>>
      tpu.enqueue_dma source(%dma_start3A_84 : memref<10240xf32, #tpu.memory_space<hbm>>) target(%arg12 : memref<10240xf32, #tpu.memory_space<vmem>>) target_semaphore(%run_scoped3A : memref<!tpu.dma_semaphore, #tpu.memory_space<semaphore_mem>>)
      %dma_wait3A = tpu.memref_slice %arg2[%mul3A_6] : memref<327680xf32, #tpu.memory_space<hbm>> -> memref<10240xf32, #tpu.memory_space<hbm>>
      %dma_wait3A_85 = tpu.memref_slice %arg2[%mul3A_6] : memref<327680xf32, #tpu.memory_space<hbm>> -> memref<10240xf32, #tpu.memory_space<hbm>>
      tpu.wait_dma2 semaphore(%run_scoped3A : memref<!tpu.dma_semaphore, #tpu.memory_space<semaphore_mem>>) src(%dma_wait3A_85 : memref<10240xf32, #tpu.memory_space<hbm>>) dst(%arg12 : memref<10240xf32, #tpu.memory_space<vmem>>)
      tpu.yield
    }) : () -> ()
    %mul3A_7 = arith.constant 32 : i32
    %mul3A_8 = arith.muli %mul3A_2, %mul3A_7 : i32
    "tpu.region"() ({
      %run_scoped3A = tpu.sem_alloc : memref<!tpu.dma_semaphore, #tpu.memory_space<semaphore_mem>>
      %dma_start3A = tpu.memref_slice %arg3[%mul3A_8] : memref<327680xf32, #tpu.memory_space<hbm>> -> memref<10240xf32, #tpu.memory_space<hbm>>
      %dma_start3A_84 = tpu.memref_slice %arg3[%mul3A_8] : memref<327680xf32, #tpu.memory_space<hbm>> -> memref<10240xf32, #tpu.memory_space<hbm>>
      tpu.enqueue_dma source(%dma_start3A_84 : memref<10240xf32, #tpu.memory_space<hbm>>) target(%arg13 : memref<10240xf32, #tpu.memory_space<vmem>>) target_semaphore(%run_scoped3A : memref<!tpu.dma_semaphore, #tpu.memory_space<semaphore_mem>>)
      %dma_wait3A = tpu.memref_slice %arg3[%mul3A_8] : memref<327680xf32, #tpu.memory_space<hbm>> -> memref<10240xf32, #tpu.memory_space<hbm>>
      %dma_wait3A_85 = tpu.memref_slice %arg3[%mul3A_8] : memref<327680xf32, #tpu.memory_space<hbm>> -> memref<10240xf32, #tpu.memory_space<hbm>>
      tpu.wait_dma2 semaphore(%run_scoped3A : memref<!tpu.dma_semaphore, #tpu.memory_space<semaphore_mem>>) src(%dma_wait3A_85 : memref<10240xf32, #tpu.memory_space<hbm>>) dst(%arg13 : memref<10240xf32, #tpu.memory_space<vmem>>)
      tpu.yield
    }) : () -> ()
    %mul3A_9 = arith.constant 32 : i32
    %mul3A_10 = arith.muli %mul3A_2, %mul3A_9 : i32
    "tpu.region"() ({
      %run_scoped3A = tpu.sem_alloc : memref<!tpu.dma_semaphore, #tpu.memory_space<semaphore_mem>>
      %dma_start3A = tpu.memref_slice %arg4[%mul3A_10] : memref<327680xf32, #tpu.memory_space<hbm>> -> memref<10240xf32, #tpu.memory_space<hbm>>
      %dma_start3A_84 = tpu.memref_slice %arg4[%mul3A_10] : memref<327680xf32, #tpu.memory_space<hbm>> -> memref<10240xf32, #tpu.memory_space<hbm>>
      tpu.enqueue_dma source(%dma_start3A_84 : memref<10240xf32, #tpu.memory_space<hbm>>) target(%arg14 : memref<10240xf32, #tpu.memory_space<vmem>>) target_semaphore(%run_scoped3A : memref<!tpu.dma_semaphore, #tpu.memory_space<semaphore_mem>>)
      %dma_wait3A = tpu.memref_slice %arg4[%mul3A_10] : memref<327680xf32, #tpu.memory_space<hbm>> -> memref<10240xf32, #tpu.memory_space<hbm>>
      %dma_wait3A_85 = tpu.memref_slice %arg4[%mul3A_10] : memref<327680xf32, #tpu.memory_space<hbm>> -> memref<10240xf32, #tpu.memory_space<hbm>>
      tpu.wait_dma2 semaphore(%run_scoped3A : memref<!tpu.dma_semaphore, #tpu.memory_space<semaphore_mem>>) src(%dma_wait3A_85 : memref<10240xf32, #tpu.memory_space<hbm>>) dst(%arg14 : memref<10240xf32, #tpu.memory_space<vmem>>)
      tpu.yield
    }) : () -> ()
    %jit3A = arith.constant 64 : i32
    %div3A = arith.divsi %mul3A_2, %jit3A : i32
    %sign3A = arith.constant 0 : i32
    %sign3A_11 = arith.cmpi sgt, %mul3A_2, %sign3A : i32
    %sign3A_12 = arith.extui %sign3A_11 : i1 to i32
    %sign3A_13 = arith.constant 0 : i32
    %sign3A_14 = arith.cmpi slt, %mul3A_2, %sign3A_13 : i32
    %sign3A_15 = arith.extui %sign3A_14 : i1 to i32
    %sign3A_16 = arith.subi %sign3A_12, %sign3A_15 : i32
    %sign3A_17 = arith.constant 0 : i32
    %sign3A_18 = arith.cmpi sgt, %jit3A, %sign3A_17 : i32
    %sign3A_19 = arith.extui %sign3A_18 : i1 to i32
    %sign3A_20 = arith.constant 0 : i32
    %sign3A_21 = arith.cmpi slt, %jit3A, %sign3A_20 : i32
    %sign3A_22 = arith.extui %sign3A_21 : i1 to i32
    %sign3A_23 = arith.subi %sign3A_19, %sign3A_22 : i32
    %ne3A = arith.cmpi ne, %sign3A_16, %sign3A_23 : i32
    %rem3A = arith.remsi %mul3A_2, %jit3A : i32
    %ne3A_24 = arith.constant 0 : i32
    %ne3A_25 = arith.cmpi ne, %rem3A, %ne3A_24 : i32
    %and3A = arith.andi %ne3A, %ne3A_25 : i1
    %sub3A = arith.constant 1 : i32
    %sub3A_26 = arith.subi %div3A, %sub3A : i32
    %select_n3A = arith.select %and3A, %sub3A_26, %div3A : i32
    %mul3A_27 = arith.constant 192 : i32
    %mul3A_28 = arith.muli %select_n3A, %mul3A_27 : i32
    "tpu.region"() ({
      %run_scoped3A = tpu.sem_alloc : memref<!tpu.dma_semaphore, #tpu.memory_space<semaphore_mem>>
      %dma_start3A = tpu.memref_slice %arg5[%mul3A_28] : memref<30720xf32, #tpu.memory_space<hbm>> -> memref<960xf32, #tpu.memory_space<hbm>>
      %dma_start3A_84 = tpu.memref_slice %arg5[%mul3A_28] : memref<30720xf32, #tpu.memory_space<hbm>> -> memref<960xf32, #tpu.memory_space<hbm>>
      tpu.enqueue_dma source(%dma_start3A_84 : memref<960xf32, #tpu.memory_space<hbm>>) target(%arg15 : memref<960xf32, #tpu.memory_space<vmem>>) target_semaphore(%run_scoped3A : memref<!tpu.dma_semaphore, #tpu.memory_space<semaphore_mem>>)
      %dma_wait3A = tpu.memref_slice %arg5[%mul3A_28] : memref<30720xf32, #tpu.memory_space<hbm>> -> memref<960xf32, #tpu.memory_space<hbm>>
      %dma_wait3A_85 = tpu.memref_slice %arg5[%mul3A_28] : memref<30720xf32, #tpu.memory_space<hbm>> -> memref<960xf32, #tpu.memory_space<hbm>>
      tpu.wait_dma2 semaphore(%run_scoped3A : memref<!tpu.dma_semaphore, #tpu.memory_space<semaphore_mem>>) src(%dma_wait3A_85 : memref<960xf32, #tpu.memory_space<hbm>>) dst(%arg15 : memref<960xf32, #tpu.memory_space<vmem>>)
      tpu.yield
    }) : () -> ()
    %broadcast_in_dim3A = arith.constant 0.000000e+00 : f32
    %broadcast_in_dim3A_29 = vector.broadcast %broadcast_in_dim3A : f32 to vector<16xf32>
    %scan3A = arith.constant 0 : i32
    %scan3A_30 = arith.constant 0 : i32
    %scan3A_31 = arith.constant 1920 : i32
    %scan3A_32 = arith.addi %scan3A_30, %scan3A_31 : i32
    %scan3A_33 = arith.constant 1 : i32
    scf.for %scan3A_84 = %scan3A_30 to %scan3A_32 step %scan3A_33  : i32 {
      %mul3A_85 = arith.constant 16 : i32
      %mul3A_86 = arith.muli %scan3A_84, %mul3A_85 : i32
      %swap3A = arith.index_cast %mul3A_86 : i32 to index
      %swap3A_87 = tpu.vector_load %arg9[%swap3A] {strides = array<i32>} : memref<30720xf32, #tpu.memory_space<vmem>>, vector<16xf32>,
      tpu.vector_store %arg9[%swap3A], %broadcast_in_dim3A_29 {strides = array<i32>} : memref<30720xf32, #tpu.memory_space<vmem>>, vector<16xf32>,
    }
    %scan3A_34 = arith.constant 1920 : i32
    %sub3A_35 = arith.constant 10000 : i32
    %sub3A_36 = arith.subi %sub3A_35, %mul3A_2 : i32
    %min3A = arith.constant 320 : i32
    %min3A_37 = arith.minsi %min3A, %sub3A_36 : i32
    %max3A = arith.constant 0 : i32
    %max3A_38 = arith.maxsi %max3A, %min3A_37 : i32
    %while3A = arith.constant 0 : i32
    %while3A_39 = arith.constant 0 : i32
    %while3A_40 = arith.subi %max3A_38, %while3A_39 : i32
    %while3A_41 = arith.addi %while3A_39, %while3A_40 : i32
    %while3A_42 = arith.constant 1 : i32
    %while3A_43 = arith.divsi %while3A_40, %while3A_42 : i32
    %while3A_44 = arith.muli %while3A_43, %while3A_42 : i32
    %while3A_45 = arith.addi %while3A_39, %while3A_44 : i32
    %while3A_46 = arith.constant 1 : i32
    scf.for %while3A_84 = %while3A_39 to %while3A_45 step %while3A_46  : i32 {
      %mul3A_85 = arith.constant 32 : i32
      %mul3A_86 = arith.muli %while3A_84, %mul3A_85 : i32
      %add3A_87 = arith.constant 0 : i32
      %add3A_88 = arith.addi %mul3A_86, %add3A_87 : i32
      %get3A = arith.index_cast %add3A_88 : i32 to index
      %get3A_89 = tpu.vector_load %arg11[%get3A] {strides = array<i32>} : memref<10240xi32, #tpu.memory_space<vmem>>, vector<16xi32>,
      %gather3A = tpu.vector_load_idx %arg10[%get3A_89] : memref<12000xi32, #tpu.memory_space<vmem>>[vector<16xi32>], vector<16xi32>,
      %get3A_90 = arith.index_cast %add3A_88 : i32 to index
      %get3A_91 = tpu.vector_load %arg12[%get3A_90] {strides = array<i32>} : memref<10240xf32, #tpu.memory_space<vmem>>, vector<16xf32>,
      %neg3A = arith.constant 0.000000e+00 : f32
      %neg3A_92 = vector.broadcast %neg3A : f32 to vector<16xf32>
      %neg3A_93 = arith.subf %neg3A_92, %get3A_91 : vector<16xf32>
      %get3A_94 = arith.index_cast %add3A_88 : i32 to index
      %get3A_95 = tpu.vector_load %arg13[%get3A_94] {strides = array<i32>} : memref<10240xf32, #tpu.memory_space<vmem>>, vector<16xf32>,
      %neg3A_96 = arith.constant 0.000000e+00 : f32
      %neg3A_97 = vector.broadcast %neg3A_96 : f32 to vector<16xf32>
      %neg3A_98 = arith.subf %neg3A_97, %get3A_95 : vector<16xf32>
      %get3A_99 = arith.index_cast %add3A_88 : i32 to index
      %get3A_100 = tpu.vector_load %arg14[%get3A_99] {strides = array<i32>} : memref<10240xf32, #tpu.memory_space<vmem>>, vector<16xf32>,
      %neg3A_101 = arith.constant 0.000000e+00 : f32
      %neg3A_102 = vector.broadcast %neg3A_101 : f32 to vector<16xf32>
      %neg3A_103 = arith.subf %neg3A_102, %get3A_100 : vector<16xf32>
      %broadcast_in_dim3A_104 = arith.constant true
      %broadcast_in_dim3A_105 = vector.broadcast %broadcast_in_dim3A_104 : i1 to vector<16xi1>
      %unique3A, %unique3A_106 = tpu.scan_count mask(%broadcast_in_dim3A_105 : vector<16xi1>) value(%gather3A : vector<16xi32>) : vector<16xi1>, vector<16xi32>
      %reduce_max3A = arith.constant true
      %reduce_max3A_107 = vector.broadcast %reduce_max3A : i1 to vector<16xi1>
      %reduce_max3A_108 = arith.constant -2147483648 : i32
      %reduce_max3A_109 = vector.broadcast %reduce_max3A_108 : i32 to vector<16xi32>
      %reduce_max3A_110 = arith.xori %unique3A_106, %reduce_max3A_109 : vector<16xi32>
      %reduce_max3A_111 = tpu.scan <max>, %reduce_max3A_110 masked %reduce_max3A_107 : vector<16xi32>, vector<16xi1> -> vector<16xi32>
      %reduce_max3A_112 = arith.xori %reduce_max3A_111, %reduce_max3A_109 : vector<16xi32>
      %reduce_max3A_113 = vector.extract %reduce_max3A_112[15] : i32 from vector<16xi32>
      %mul3A_114 = arith.constant 3 : i32
      %mul3A_115 = vector.broadcast %mul3A_114 : i32 to vector<16xi32>
      %mul3A_116 = arith.muli %gather3A, %mul3A_115 : vector<16xi32>
      %add3A_117 = arith.constant 1 : i32
      %add3A_118 = arith.addi %reduce_max3A_113, %add3A_117 : i32
      %while3A_119 = arith.constant 0 : i32
      %while3A_120 = arith.constant 1 : i32
      %while3A_121 = arith.subi %add3A_118, %while3A_120 : i32
      %while3A_122 = arith.addi %while3A_120, %while3A_121 : i32
      %while3A_123 = arith.constant 1 : i32
      %while3A_124 = arith.divsi %while3A_121, %while3A_123 : i32
      %while3A_125 = arith.muli %while3A_124, %while3A_123 : i32
      %while3A_126 = arith.addi %while3A_120, %while3A_125 : i32
      %while3A_127 = arith.constant 1 : i32
      scf.for %while3A_178 = %while3A_120 to %while3A_126 step %while3A_127  : i32 {
        %eq3A = vector.broadcast %while3A_178 : i32 to vector<16xi32>
        %eq3A_179 = arith.cmpi eq, %unique3A_106, %eq3A : vector<16xi32>
        tpu.vector_store_idx %arg9[%mul3A_116], %neg3A_93 masked %eq3A_179 {add = true} : memref<30720xf32, #tpu.memory_space<vmem>>[vector<16xi32>], vector<16xf32>, vector<16xi1>
        %add3A_180 = arith.constant 1 : i32
        %add3A_181 = vector.broadcast %add3A_180 : i32 to vector<16xi32>
        %add3A_182 = arith.addi %mul3A_116, %add3A_181 : vector<16xi32>
        tpu.vector_store_idx %arg9[%add3A_182], %neg3A_98 masked %eq3A_179 {add = true} : memref<30720xf32, #tpu.memory_space<vmem>>[vector<16xi32>], vector<16xf32>, vector<16xi1>
        %add3A_183 = arith.constant 2 : i32
        %add3A_184 = vector.broadcast %add3A_183 : i32 to vector<16xi32>
        %add3A_185 = arith.addi %mul3A_116, %add3A_184 : vector<16xi32>
        tpu.vector_store_idx %arg9[%add3A_185], %neg3A_103 masked %eq3A_179 {add = true} : memref<30720xf32, #tpu.memory_space<vmem>>[vector<16xi32>], vector<16xf32>, vector<16xi1>
      }
      %while3A_128 = arith.constant 1 : i32
      scf.for %while3A_178 = %while3A_126 to %while3A_122 step %while3A_128  : i32 {
        %eq3A = vector.broadcast %while3A_178 : i32 to vector<16xi32>
        %eq3A_179 = arith.cmpi eq, %unique3A_106, %eq3A : vector<16xi32>
        tpu.vector_store_idx %arg9[%mul3A_116], %neg3A_93 masked %eq3A_179 {add = true} : memref<30720xf32, #tpu.memory_space<vmem>>[vector<16xi32>], vector<16xf32>, vector<16xi1>
        %add3A_180 = arith.constant 1 : i32
        %add3A_181 = vector.broadcast %add3A_180 : i32 to vector<16xi32>
        %add3A_182 = arith.addi %mul3A_116, %add3A_181 : vector<16xi32>
        tpu.vector_store_idx %arg9[%add3A_182], %neg3A_98 masked %eq3A_179 {add = true} : memref<30720xf32, #tpu.memory_space<vmem>>[vector<16xi32>], vector<16xf32>, vector<16xi1>
        %add3A_183 = arith.constant 2 : i32
        %add3A_184 = vector.broadcast %add3A_183 : i32 to vector<16xi32>
        %add3A_185 = arith.addi %mul3A_116, %add3A_184 : vector<16xi32>
        tpu.vector_store_idx %arg9[%add3A_185], %neg3A_103 masked %eq3A_179 {add = true} : memref<30720xf32, #tpu.memory_space<vmem>>[vector<16xi32>], vector<16xf32>, vector<16xi1>
      }
      %mul3A_129 = arith.constant 32 : i32
      %mul3A_130 = arith.muli %while3A_84, %mul3A_129 : i32
      %add3A_131 = arith.constant 16 : i32
      %add3A_132 = arith.addi %mul3A_130, %add3A_131 : i32
      %get3A_133 = arith.index_cast %add3A_132 : i32 to index
      %get3A_134 = tpu.vector_load %arg11[%get3A_133] {strides = array<i32>} : memref<10240xi32, #tpu.memory_space<vmem>>, vector<16xi32>,
      %gather3A_135 = tpu.vector_load_idx %arg10[%get3A_134] : memref<12000xi32, #tpu.memory_space<vmem>>[vector<16xi32>], vector<16xi32>,
      %get3A_136 = arith.index_cast %add3A_132 : i32 to index
      %get3A_137 = tpu.vector_load %arg12[%get3A_136] {strides = array<i32>} : memref<10240xf32, #tpu.memory_space<vmem>>, vector<16xf32>,
      %neg3A_138 = arith.constant 0.000000e+00 : f32
      %neg3A_139 = vector.broadcast %neg3A_138 : f32 to vector<16xf32>
      %neg3A_140 = arith.subf %neg3A_139, %get3A_137 : vector<16xf32>
      %get3A_141 = arith.index_cast %add3A_132 : i32 to index
      %get3A_142 = tpu.vector_load %arg13[%get3A_141] {strides = array<i32>} : memref<10240xf32, #tpu.memory_space<vmem>>, vector<16xf32>,
      %neg3A_143 = arith.constant 0.000000e+00 : f32
      %neg3A_144 = vector.broadcast %neg3A_143 : f32 to vector<16xf32>
      %neg3A_145 = arith.subf %neg3A_144, %get3A_142 : vector<16xf32>
      %get3A_146 = arith.index_cast %add3A_132 : i32 to index
      %get3A_147 = tpu.vector_load %arg14[%get3A_146] {strides = array<i32>} : memref<10240xf32, #tpu.memory_space<vmem>>, vector<16xf32>,
      %neg3A_148 = arith.constant 0.000000e+00 : f32
      %neg3A_149 = vector.broadcast %neg3A_148 : f32 to vector<16xf32>
      %neg3A_150 = arith.subf %neg3A_149, %get3A_147 : vector<16xf32>
      %broadcast_in_dim3A_151 = arith.constant true
      %broadcast_in_dim3A_152 = vector.broadcast %broadcast_in_dim3A_151 : i1 to vector<16xi1>
      %unique3A_153, %unique3A_154 = tpu.scan_count mask(%broadcast_in_dim3A_152 : vector<16xi1>) value(%gather3A_135 : vector<16xi32>) : vector<16xi1>, vector<16xi32>
      %reduce_max3A_155 = arith.constant true
      %reduce_max3A_156 = vector.broadcast %reduce_max3A_155 : i1 to vector<16xi1>
      %reduce_max3A_157 = arith.constant -2147483648 : i32
      %reduce_max3A_158 = vector.broadcast %reduce_max3A_157 : i32 to vector<16xi32>
      %reduce_max3A_159 = arith.xori %unique3A_154, %reduce_max3A_158 : vector<16xi32>
      %reduce_max3A_160 = tpu.scan <max>, %reduce_max3A_159 masked %reduce_max3A_156 : vector<16xi32>, vector<16xi1> -> vector<16xi32>
      %reduce_max3A_161 = arith.xori %reduce_max3A_160, %reduce_max3A_158 : vector<16xi32>
      %reduce_max3A_162 = vector.extract %reduce_max3A_161[15] : i32 from vector<16xi32>
      %mul3A_163 = arith.constant 3 : i32
      %mul3A_164 = vector.broadcast %mul3A_163 : i32 to vector<16xi32>
      %mul3A_165 = arith.muli %gather3A_135, %mul3A_164 : vector<16xi32>
      %add3A_166 = arith.constant 1 : i32
      %add3A_167 = arith.addi %reduce_max3A_162, %add3A_166 : i32
      %while3A_168 = arith.constant 0 : i32
      %while3A_169 = arith.constant 1 : i32
      %while3A_170 = arith.subi %add3A_167, %while3A_169 : i32
      %while3A_171 = arith.addi %while3A_169, %while3A_170 : i32
      %while3A_172 = arith.constant 1 : i32
      %while3A_173 = arith.divsi %while3A_170, %while3A_172 : i32
      %while3A_174 = arith.muli %while3A_173, %while3A_172 : i32
      %while3A_175 = arith.addi %while3A_169, %while3A_174 : i32
      %while3A_176 = arith.constant 1 : i32
      scf.for %while3A_178 = %while3A_169 to %while3A_175 step %while3A_176  : i32 {
        %eq3A = vector.broadcast %while3A_178 : i32 to vector<16xi32>
        %eq3A_179 = arith.cmpi eq, %unique3A_154, %eq3A : vector<16xi32>
        tpu.vector_store_idx %arg9[%mul3A_165], %neg3A_140 masked %eq3A_179 {add = true} : memref<30720xf32, #tpu.memory_space<vmem>>[vector<16xi32>], vector<16xf32>, vector<16xi1>
        %add3A_180 = arith.constant 1 : i32
        %add3A_181 = vector.broadcast %add3A_180 : i32 to vector<16xi32>
        %add3A_182 = arith.addi %mul3A_165, %add3A_181 : vector<16xi32>
        tpu.vector_store_idx %arg9[%add3A_182], %neg3A_145 masked %eq3A_179 {add = true} : memref<30720xf32, #tpu.memory_space<vmem>>[vector<16xi32>], vector<16xf32>, vector<16xi1>
        %add3A_183 = arith.constant 2 : i32
        %add3A_184 = vector.broadcast %add3A_183 : i32 to vector<16xi32>
        %add3A_185 = arith.addi %mul3A_165, %add3A_184 : vector<16xi32>
        tpu.vector_store_idx %arg9[%add3A_185], %neg3A_150 masked %eq3A_179 {add = true} : memref<30720xf32, #tpu.memory_space<vmem>>[vector<16xi32>], vector<16xf32>, vector<16xi1>
      }
      %while3A_177 = arith.constant 1 : i32
      scf.for %while3A_178 = %while3A_175 to %while3A_171 step %while3A_177  : i32 {
        %eq3A = vector.broadcast %while3A_178 : i32 to vector<16xi32>
        %eq3A_179 = arith.cmpi eq, %unique3A_154, %eq3A : vector<16xi32>
        tpu.vector_store_idx %arg9[%mul3A_165], %neg3A_140 masked %eq3A_179 {add = true} : memref<30720xf32, #tpu.memory_space<vmem>>[vector<16xi32>], vector<16xf32>, vector<16xi1>
        %add3A_180 = arith.constant 1 : i32
        %add3A_181 = vector.broadcast %add3A_180 : i32 to vector<16xi32>
        %add3A_182 = arith.addi %mul3A_165, %add3A_181 : vector<16xi32>
        tpu.vector_store_idx %arg9[%add3A_182], %neg3A_145 masked %eq3A_179 {add = true} : memref<30720xf32, #tpu.memory_space<vmem>>[vector<16xi32>], vector<16xf32>, vector<16xi1>
        %add3A_183 = arith.constant 2 : i32
        %add3A_184 = vector.broadcast %add3A_183 : i32 to vector<16xi32>
        %add3A_185 = arith.addi %mul3A_165, %add3A_184 : vector<16xi32>
        tpu.vector_store_idx %arg9[%add3A_185], %neg3A_150 masked %eq3A_179 {add = true} : memref<30720xf32, #tpu.memory_space<vmem>>[vector<16xi32>], vector<16xf32>, vector<16xi1>
      }
    }
    %while3A_47 = arith.constant 1 : i32
    scf.for %while3A_84 = %while3A_45 to %while3A_41 step %while3A_47  : i32 {
      %mul3A_85 = arith.constant 32 : i32
      %mul3A_86 = arith.muli %while3A_84, %mul3A_85 : i32
      %add3A_87 = arith.constant 0 : i32
      %add3A_88 = arith.addi %mul3A_86, %add3A_87 : i32
      %get3A = arith.index_cast %add3A_88 : i32 to index
      %get3A_89 = tpu.vector_load %arg11[%get3A] {strides = array<i32>} : memref<10240xi32, #tpu.memory_space<vmem>>, vector<16xi32>,
      %gather3A = tpu.vector_load_idx %arg10[%get3A_89] : memref<12000xi32, #tpu.memory_space<vmem>>[vector<16xi32>], vector<16xi32>,
      %get3A_90 = arith.index_cast %add3A_88 : i32 to index
      %get3A_91 = tpu.vector_load %arg12[%get3A_90] {strides = array<i32>} : memref<10240xf32, #tpu.memory_space<vmem>>, vector<16xf32>,
      %neg3A = arith.constant 0.000000e+00 : f32
      %neg3A_92 = vector.broadcast %neg3A : f32 to vector<16xf32>
      %neg3A_93 = arith.subf %neg3A_92, %get3A_91 : vector<16xf32>
      %get3A_94 = arith.index_cast %add3A_88 : i32 to index
      %get3A_95 = tpu.vector_load %arg13[%get3A_94] {strides = array<i32>} : memref<10240xf32, #tpu.memory_space<vmem>>, vector<16xf32>,
      %neg3A_96 = arith.constant 0.000000e+00 : f32
      %neg3A_97 = vector.broadcast %neg3A_96 : f32 to vector<16xf32>
      %neg3A_98 = arith.subf %neg3A_97, %get3A_95 : vector<16xf32>
      %get3A_99 = arith.index_cast %add3A_88 : i32 to index
      %get3A_100 = tpu.vector_load %arg14[%get3A_99] {strides = array<i32>} : memref<10240xf32, #tpu.memory_space<vmem>>, vector<16xf32>,
      %neg3A_101 = arith.constant 0.000000e+00 : f32
      %neg3A_102 = vector.broadcast %neg3A_101 : f32 to vector<16xf32>
      %neg3A_103 = arith.subf %neg3A_102, %get3A_100 : vector<16xf32>
      %broadcast_in_dim3A_104 = arith.constant true
      %broadcast_in_dim3A_105 = vector.broadcast %broadcast_in_dim3A_104 : i1 to vector<16xi1>
      %unique3A, %unique3A_106 = tpu.scan_count mask(%broadcast_in_dim3A_105 : vector<16xi1>) value(%gather3A : vector<16xi32>) : vector<16xi1>, vector<16xi32>
      %reduce_max3A = arith.constant true
      %reduce_max3A_107 = vector.broadcast %reduce_max3A : i1 to vector<16xi1>
      %reduce_max3A_108 = arith.constant -2147483648 : i32
      %reduce_max3A_109 = vector.broadcast %reduce_max3A_108 : i32 to vector<16xi32>
      %reduce_max3A_110 = arith.xori %unique3A_106, %reduce_max3A_109 : vector<16xi32>
      %reduce_max3A_111 = tpu.scan <max>, %reduce_max3A_110 masked %reduce_max3A_107 : vector<16xi32>, vector<16xi1> -> vector<16xi32>
      %reduce_max3A_112 = arith.xori %reduce_max3A_111, %reduce_max3A_109 : vector<16xi32>
      %reduce_max3A_113 = vector.extract %reduce_max3A_112[15] : i32 from vector<16xi32>
      %mul3A_114 = arith.constant 3 : i32
      %mul3A_115 = vector.broadcast %mul3A_114 : i32 to vector<16xi32>
      %mul3A_116 = arith.muli %gather3A, %mul3A_115 : vector<16xi32>
      %add3A_117 = arith.constant 1 : i32
      %add3A_118 = arith.addi %reduce_max3A_113, %add3A_117 : i32
      %while3A_119 = arith.constant 0 : i32
      %while3A_120 = arith.constant 1 : i32
      %while3A_121 = arith.subi %add3A_118, %while3A_120 : i32
      %while3A_122 = arith.addi %while3A_120, %while3A_121 : i32
      %while3A_123 = arith.constant 1 : i32
      %while3A_124 = arith.divsi %while3A_121, %while3A_123 : i32
      %while3A_125 = arith.muli %while3A_124, %while3A_123 : i32
      %while3A_126 = arith.addi %while3A_120, %while3A_125 : i32
      %while3A_127 = arith.constant 1 : i32
      scf.for %while3A_178 = %while3A_120 to %while3A_126 step %while3A_127  : i32 {
        %eq3A = vector.broadcast %while3A_178 : i32 to vector<16xi32>
        %eq3A_179 = arith.cmpi eq, %unique3A_106, %eq3A : vector<16xi32>
        tpu.vector_store_idx %arg9[%mul3A_116], %neg3A_93 masked %eq3A_179 {add = true} : memref<30720xf32, #tpu.memory_space<vmem>>[vector<16xi32>], vector<16xf32>, vector<16xi1>
        %add3A_180 = arith.constant 1 : i32
        %add3A_181 = vector.broadcast %add3A_180 : i32 to vector<16xi32>
        %add3A_182 = arith.addi %mul3A_116, %add3A_181 : vector<16xi32>
        tpu.vector_store_idx %arg9[%add3A_182], %neg3A_98 masked %eq3A_179 {add = true} : memref<30720xf32, #tpu.memory_space<vmem>>[vector<16xi32>], vector<16xf32>, vector<16xi1>
        %add3A_183 = arith.constant 2 : i32
        %add3A_184 = vector.broadcast %add3A_183 : i32 to vector<16xi32>
        %add3A_185 = arith.addi %mul3A_116, %add3A_184 : vector<16xi32>
        tpu.vector_store_idx %arg9[%add3A_185], %neg3A_103 masked %eq3A_179 {add = true} : memref<30720xf32, #tpu.memory_space<vmem>>[vector<16xi32>], vector<16xf32>, vector<16xi1>
      }
      %while3A_128 = arith.constant 1 : i32
      scf.for %while3A_178 = %while3A_126 to %while3A_122 step %while3A_128  : i32 {
        %eq3A = vector.broadcast %while3A_178 : i32 to vector<16xi32>
        %eq3A_179 = arith.cmpi eq, %unique3A_106, %eq3A : vector<16xi32>
        tpu.vector_store_idx %arg9[%mul3A_116], %neg3A_93 masked %eq3A_179 {add = true} : memref<30720xf32, #tpu.memory_space<vmem>>[vector<16xi32>], vector<16xf32>, vector<16xi1>
        %add3A_180 = arith.constant 1 : i32
        %add3A_181 = vector.broadcast %add3A_180 : i32 to vector<16xi32>
        %add3A_182 = arith.addi %mul3A_116, %add3A_181 : vector<16xi32>
        tpu.vector_store_idx %arg9[%add3A_182], %neg3A_98 masked %eq3A_179 {add = true} : memref<30720xf32, #tpu.memory_space<vmem>>[vector<16xi32>], vector<16xf32>, vector<16xi1>
        %add3A_183 = arith.constant 2 : i32
        %add3A_184 = vector.broadcast %add3A_183 : i32 to vector<16xi32>
        %add3A_185 = arith.addi %mul3A_116, %add3A_184 : vector<16xi32>
        tpu.vector_store_idx %arg9[%add3A_185], %neg3A_103 masked %eq3A_179 {add = true} : memref<30720xf32, #tpu.memory_space<vmem>>[vector<16xi32>], vector<16xf32>, vector<16xi1>
      }
      %mul3A_129 = arith.constant 32 : i32
      %mul3A_130 = arith.muli %while3A_84, %mul3A_129 : i32
      %add3A_131 = arith.constant 16 : i32
      %add3A_132 = arith.addi %mul3A_130, %add3A_131 : i32
      %get3A_133 = arith.index_cast %add3A_132 : i32 to index
      %get3A_134 = tpu.vector_load %arg11[%get3A_133] {strides = array<i32>} : memref<10240xi32, #tpu.memory_space<vmem>>, vector<16xi32>,
      %gather3A_135 = tpu.vector_load_idx %arg10[%get3A_134] : memref<12000xi32, #tpu.memory_space<vmem>>[vector<16xi32>], vector<16xi32>,
      %get3A_136 = arith.index_cast %add3A_132 : i32 to index
      %get3A_137 = tpu.vector_load %arg12[%get3A_136] {strides = array<i32>} : memref<10240xf32, #tpu.memory_space<vmem>>, vector<16xf32>,
      %neg3A_138 = arith.constant 0.000000e+00 : f32
      %neg3A_139 = vector.broadcast %neg3A_138 : f32 to vector<16xf32>
      %neg3A_140 = arith.subf %neg3A_139, %get3A_137 : vector<16xf32>
      %get3A_141 = arith.index_cast %add3A_132 : i32 to index
      %get3A_142 = tpu.vector_load %arg13[%get3A_141] {strides = array<i32>} : memref<10240xf32, #tpu.memory_space<vmem>>, vector<16xf32>,
      %neg3A_143 = arith.constant 0.000000e+00 : f32
      %neg3A_144 = vector.broadcast %neg3A_143 : f32 to vector<16xf32>
      %neg3A_145 = arith.subf %neg3A_144, %get3A_142 : vector<16xf32>
      %get3A_146 = arith.index_cast %add3A_132 : i32 to index
      %get3A_147 = tpu.vector_load %arg14[%get3A_146] {strides = array<i32>} : memref<10240xf32, #tpu.memory_space<vmem>>, vector<16xf32>,
      %neg3A_148 = arith.constant 0.000000e+00 : f32
      %neg3A_149 = vector.broadcast %neg3A_148 : f32 to vector<16xf32>
      %neg3A_150 = arith.subf %neg3A_149, %get3A_147 : vector<16xf32>
      %broadcast_in_dim3A_151 = arith.constant true
      %broadcast_in_dim3A_152 = vector.broadcast %broadcast_in_dim3A_151 : i1 to vector<16xi1>
      %unique3A_153, %unique3A_154 = tpu.scan_count mask(%broadcast_in_dim3A_152 : vector<16xi1>) value(%gather3A_135 : vector<16xi32>) : vector<16xi1>, vector<16xi32>
      %reduce_max3A_155 = arith.constant true
      %reduce_max3A_156 = vector.broadcast %reduce_max3A_155 : i1 to vector<16xi1>
      %reduce_max3A_157 = arith.constant -2147483648 : i32
      %reduce_max3A_158 = vector.broadcast %reduce_max3A_157 : i32 to vector<16xi32>
      %reduce_max3A_159 = arith.xori %unique3A_154, %reduce_max3A_158 : vector<16xi32>
      %reduce_max3A_160 = tpu.scan <max>, %reduce_max3A_159 masked %reduce_max3A_156 : vector<16xi32>, vector<16xi1> -> vector<16xi32>
      %reduce_max3A_161 = arith.xori %reduce_max3A_160, %reduce_max3A_158 : vector<16xi32>
      %reduce_max3A_162 = vector.extract %reduce_max3A_161[15] : i32 from vector<16xi32>
      %mul3A_163 = arith.constant 3 : i32
      %mul3A_164 = vector.broadcast %mul3A_163 : i32 to vector<16xi32>
      %mul3A_165 = arith.muli %gather3A_135, %mul3A_164 : vector<16xi32>
      %add3A_166 = arith.constant 1 : i32
      %add3A_167 = arith.addi %reduce_max3A_162, %add3A_166 : i32
      %while3A_168 = arith.constant 0 : i32
      %while3A_169 = arith.constant 1 : i32
      %while3A_170 = arith.subi %add3A_167, %while3A_169 : i32
      %while3A_171 = arith.addi %while3A_169, %while3A_170 : i32
      %while3A_172 = arith.constant 1 : i32
      %while3A_173 = arith.divsi %while3A_170, %while3A_172 : i32
      %while3A_174 = arith.muli %while3A_173, %while3A_172 : i32
      %while3A_175 = arith.addi %while3A_169, %while3A_174 : i32
      %while3A_176 = arith.constant 1 : i32
      scf.for %while3A_178 = %while3A_169 to %while3A_175 step %while3A_176  : i32 {
        %eq3A = vector.broadcast %while3A_178 : i32 to vector<16xi32>
        %eq3A_179 = arith.cmpi eq, %unique3A_154, %eq3A : vector<16xi32>
        tpu.vector_store_idx %arg9[%mul3A_165], %neg3A_140 masked %eq3A_179 {add = true} : memref<30720xf32, #tpu.memory_space<vmem>>[vector<16xi32>], vector<16xf32>, vector<16xi1>
        %add3A_180 = arith.constant 1 : i32
        %add3A_181 = vector.broadcast %add3A_180 : i32 to vector<16xi32>
        %add3A_182 = arith.addi %mul3A_165, %add3A_181 : vector<16xi32>
        tpu.vector_store_idx %arg9[%add3A_182], %neg3A_145 masked %eq3A_179 {add = true} : memref<30720xf32, #tpu.memory_space<vmem>>[vector<16xi32>], vector<16xf32>, vector<16xi1>
        %add3A_183 = arith.constant 2 : i32
        %add3A_184 = vector.broadcast %add3A_183 : i32 to vector<16xi32>
        %add3A_185 = arith.addi %mul3A_165, %add3A_184 : vector<16xi32>
        tpu.vector_store_idx %arg9[%add3A_185], %neg3A_150 masked %eq3A_179 {add = true} : memref<30720xf32, #tpu.memory_space<vmem>>[vector<16xi32>], vector<16xf32>, vector<16xi1>
      }
      %while3A_177 = arith.constant 1 : i32
      scf.for %while3A_178 = %while3A_175 to %while3A_171 step %while3A_177  : i32 {
        %eq3A = vector.broadcast %while3A_178 : i32 to vector<16xi32>
        %eq3A_179 = arith.cmpi eq, %unique3A_154, %eq3A : vector<16xi32>
        tpu.vector_store_idx %arg9[%mul3A_165], %neg3A_140 masked %eq3A_179 {add = true} : memref<30720xf32, #tpu.memory_space<vmem>>[vector<16xi32>], vector<16xf32>, vector<16xi1>
        %add3A_180 = arith.constant 1 : i32
        %add3A_181 = vector.broadcast %add3A_180 : i32 to vector<16xi32>
        %add3A_182 = arith.addi %mul3A_165, %add3A_181 : vector<16xi32>
        tpu.vector_store_idx %arg9[%add3A_182], %neg3A_145 masked %eq3A_179 {add = true} : memref<30720xf32, #tpu.memory_space<vmem>>[vector<16xi32>], vector<16xf32>, vector<16xi1>
        %add3A_183 = arith.constant 2 : i32
        %add3A_184 = vector.broadcast %add3A_183 : i32 to vector<16xi32>
        %add3A_185 = arith.addi %mul3A_165, %add3A_184 : vector<16xi32>
        tpu.vector_store_idx %arg9[%add3A_185], %neg3A_150 masked %eq3A_179 {add = true} : memref<30720xf32, #tpu.memory_space<vmem>>[vector<16xi32>], vector<16xf32>, vector<16xi1>
      }
    }
    %jit3A_48 = arith.constant 16 : i32
    %div3A_49 = arith.divsi %max3A_38, %jit3A_48 : i32
    %sign3A_50 = arith.constant 0 : i32
    %sign3A_51 = arith.cmpi sgt, %max3A_38, %sign3A_50 : i32
    %sign3A_52 = arith.extui %sign3A_51 : i1 to i32
    %sign3A_53 = arith.constant 0 : i32
    %sign3A_54 = arith.cmpi slt, %max3A_38, %sign3A_53 : i32
    %sign3A_55 = arith.extui %sign3A_54 : i1 to i32
    %sign3A_56 = arith.subi %sign3A_52, %sign3A_55 : i32
    %sign3A_57 = arith.constant 0 : i32
    %sign3A_58 = arith.cmpi sgt, %jit3A_48, %sign3A_57 : i32
    %sign3A_59 = arith.extui %sign3A_58 : i1 to i32
    %sign3A_60 = arith.constant 0 : i32
    %sign3A_61 = arith.cmpi slt, %jit3A_48, %sign3A_60 : i32
    %sign3A_62 = arith.extui %sign3A_61 : i1 to i32
    %sign3A_63 = arith.subi %sign3A_59, %sign3A_62 : i32
    %ne3A_64 = arith.cmpi ne, %sign3A_56, %sign3A_63 : i32
    %rem3A_65 = arith.remsi %max3A_38, %jit3A_48 : i32
    %ne3A_66 = arith.constant 0 : i32
    %ne3A_67 = arith.cmpi ne, %rem3A_65, %ne3A_66 : i32
    %and3A_68 = arith.andi %ne3A_64, %ne3A_67 : i1
    %sub3A_69 = arith.constant 1 : i32
    %sub3A_70 = arith.subi %div3A_49, %sub3A_69 : i32
    %select_n3A_71 = arith.select %and3A_68, %sub3A_70, %div3A_49 : i32
    %while3A_72 = arith.constant 0 : i32
    %while3A_73 = arith.constant 0 : i32
    %while3A_74 = arith.subi %select_n3A_71, %while3A_73 : i32
    %while3A_75 = arith.addi %while3A_73, %while3A_74 : i32
    %while3A_76 = arith.constant 1 : i32
    %while3A_77 = arith.divsi %while3A_74, %while3A_76 : i32
    %while3A_78 = arith.muli %while3A_77, %while3A_76 : i32
    %while3A_79 = arith.addi %while3A_73, %while3A_78 : i32
    %while3A_80 = arith.constant 1 : i32
    scf.for %while3A_84 = %while3A_73 to %while3A_79 step %while3A_80  : i32 {
      %mul3A_85 = arith.constant 16 : i32
      %mul3A_86 = arith.muli %while3A_84, %mul3A_85 : i32
      %add3A_87 = arith.addi %mul3A_2, %mul3A_86 : i32
      %get3A = arith.index_cast %add3A_87 : i32 to index
      %get3A_88 = tpu.vector_load %arg10[%get3A] {strides = array<i32>} : memref<12000xi32, #tpu.memory_space<vmem>>, vector<16xi32>,
      %jit3A_89 = arith.constant 64 : i32
      %div3A_90 = arith.divsi %mul3A_86, %jit3A_89 : i32
      %sign3A_91 = arith.constant 0 : i32
      %sign3A_92 = arith.cmpi sgt, %mul3A_86, %sign3A_91 : i32
      %sign3A_93 = arith.extui %sign3A_92 : i1 to i32
      %sign3A_94 = arith.constant 0 : i32
      %sign3A_95 = arith.cmpi slt, %mul3A_86, %sign3A_94 : i32
      %sign3A_96 = arith.extui %sign3A_95 : i1 to i32
      %sign3A_97 = arith.subi %sign3A_93, %sign3A_96 : i32
      %sign3A_98 = arith.constant 0 : i32
      %sign3A_99 = arith.cmpi sgt, %jit3A_89, %sign3A_98 : i32
      %sign3A_100 = arith.extui %sign3A_99 : i1 to i32
      %sign3A_101 = arith.constant 0 : i32
      %sign3A_102 = arith.cmpi slt, %jit3A_89, %sign3A_101 : i32
      %sign3A_103 = arith.extui %sign3A_102 : i1 to i32
      %sign3A_104 = arith.subi %sign3A_100, %sign3A_103 : i32
      %ne3A_105 = arith.cmpi ne, %sign3A_97, %sign3A_104 : i32
      %rem3A_106 = arith.remsi %mul3A_86, %jit3A_89 : i32
      %ne3A_107 = arith.constant 0 : i32
      %ne3A_108 = arith.cmpi ne, %rem3A_106, %ne3A_107 : i32
      %and3A_109 = arith.andi %ne3A_105, %ne3A_108 : i1
      %sub3A_110 = arith.constant 1 : i32
      %sub3A_111 = arith.subi %div3A_90, %sub3A_110 : i32
      %select_n3A_112 = arith.select %and3A_109, %sub3A_111, %div3A_90 : i32
      %mul3A_113 = arith.constant 192 : i32
      %mul3A_114 = arith.muli %select_n3A_112, %mul3A_113 : i32
      %jit3A_115 = arith.constant 64 : i32
      %eq3A = arith.constant 0 : i32
      %eq3A_116 = arith.cmpi eq, %jit3A_115, %eq3A : i32
      %jit3A_117 = arith.constant 1 : i32
      %select_n3A_118 = arith.select %eq3A_116, %jit3A_117, %jit3A_115 : i32
      %rem3A_119 = arith.remsi %mul3A_86, %select_n3A_118 : i32
      %ne3A_120 = arith.constant 0 : i32
      %ne3A_121 = arith.cmpi ne, %rem3A_119, %ne3A_120 : i32
      %lt3A = arith.constant 0 : i32
      %lt3A_122 = arith.cmpi slt, %rem3A_119, %lt3A : i32
      %lt3A_123 = arith.constant 0 : i32
      %lt3A_124 = arith.cmpi slt, %select_n3A_118, %lt3A_123 : i32
      %ne3A_125 = arith.xori %lt3A_122, %lt3A_124 : i1
      %and3A_126 = arith.andi %ne3A_125, %ne3A_121 : i1
      %add3A_127 = arith.addi %rem3A_119, %select_n3A_118 : i32
      %select_n3A_128 = arith.select %and3A_126, %add3A_127, %rem3A_119 : i32
      %add3A_129 = arith.addi %mul3A_114, %select_n3A_128 : i32
      %get3A_130 = arith.index_cast %add3A_129 : i32 to index
      %get3A_131 = tpu.vector_load %arg15[%get3A_130] {strides = array<i32>} : memref<960xf32, #tpu.memory_space<vmem>>, vector<16xf32>,
      %add3A_132 = arith.constant 64 : i32
      %add3A_133 = arith.addi %mul3A_114, %add3A_132 : i32
      %add3A_134 = arith.addi %add3A_133, %select_n3A_128 : i32
      %get3A_135 = arith.index_cast %add3A_134 : i32 to index
      %get3A_136 = tpu.vector_load %arg15[%get3A_135] {strides = array<i32>} : memref<960xf32, #tpu.memory_space<vmem>>, vector<16xf32>,
      %add3A_137 = arith.constant 128 : i32
      %add3A_138 = arith.addi %mul3A_114, %add3A_137 : i32
      %add3A_139 = arith.addi %add3A_138, %select_n3A_128 : i32
      %get3A_140 = arith.index_cast %add3A_139 : i32 to index
      %get3A_141 = tpu.vector_load %arg15[%get3A_140] {strides = array<i32>} : memref<960xf32, #tpu.memory_space<vmem>>, vector<16xf32>,
      %broadcast_in_dim3A_142 = arith.constant true
      %broadcast_in_dim3A_143 = vector.broadcast %broadcast_in_dim3A_142 : i1 to vector<16xi1>
      %unique3A, %unique3A_144 = tpu.scan_count mask(%broadcast_in_dim3A_143 : vector<16xi1>) value(%get3A_88 : vector<16xi32>) : vector<16xi1>, vector<16xi32>
      %reduce_max3A = arith.constant true
      %reduce_max3A_145 = vector.broadcast %reduce_max3A : i1 to vector<16xi1>
      %reduce_max3A_146 = arith.constant -2147483648 : i32
      %reduce_max3A_147 = vector.broadcast %reduce_max3A_146 : i32 to vector<16xi32>
      %reduce_max3A_148 = arith.xori %unique3A_144, %reduce_max3A_147 : vector<16xi32>
      %reduce_max3A_149 = tpu.scan <max>, %reduce_max3A_148 masked %reduce_max3A_145 : vector<16xi32>, vector<16xi1> -> vector<16xi32>
      %reduce_max3A_150 = arith.xori %reduce_max3A_149, %reduce_max3A_147 : vector<16xi32>
      %reduce_max3A_151 = vector.extract %reduce_max3A_150[15] : i32 from vector<16xi32>
      %mul3A_152 = arith.constant 3 : i32
      %mul3A_153 = vector.broadcast %mul3A_152 : i32 to vector<16xi32>
      %mul3A_154 = arith.muli %get3A_88, %mul3A_153 : vector<16xi32>
      %add3A_155 = arith.constant 1 : i32
      %add3A_156 = arith.addi %reduce_max3A_151, %add3A_155 : i32
      %while3A_157 = arith.constant 0 : i32
      %while3A_158 = arith.constant 1 : i32
      %while3A_159 = arith.subi %add3A_156, %while3A_158 : i32
      %while3A_160 = arith.addi %while3A_158, %while3A_159 : i32
      %while3A_161 = arith.constant 1 : i32
      %while3A_162 = arith.divsi %while3A_159, %while3A_161 : i32
      %while3A_163 = arith.muli %while3A_162, %while3A_161 : i32
      %while3A_164 = arith.addi %while3A_158, %while3A_163 : i32
      %while3A_165 = arith.constant 1 : i32
      scf.for %while3A_167 = %while3A_158 to %while3A_164 step %while3A_165  : i32 {
        %eq3A_168 = vector.broadcast %while3A_167 : i32 to vector<16xi32>
        %eq3A_169 = arith.cmpi eq, %unique3A_144, %eq3A_168 : vector<16xi32>
        tpu.vector_store_idx %arg9[%mul3A_154], %get3A_131 masked %eq3A_169 {add = true} : memref<30720xf32, #tpu.memory_space<vmem>>[vector<16xi32>], vector<16xf32>, vector<16xi1>
        %add3A_170 = arith.constant 1 : i32
        %add3A_171 = vector.broadcast %add3A_170 : i32 to vector<16xi32>
        %add3A_172 = arith.addi %mul3A_154, %add3A_171 : vector<16xi32>
        tpu.vector_store_idx %arg9[%add3A_172], %get3A_136 masked %eq3A_169 {add = true} : memref<30720xf32, #tpu.memory_space<vmem>>[vector<16xi32>], vector<16xf32>, vector<16xi1>
        %add3A_173 = arith.constant 2 : i32
        %add3A_174 = vector.broadcast %add3A_173 : i32 to vector<16xi32>
        %add3A_175 = arith.addi %mul3A_154, %add3A_174 : vector<16xi32>
        tpu.vector_store_idx %arg9[%add3A_175], %get3A_141 masked %eq3A_169 {add = true} : memref<30720xf32, #tpu.memory_space<vmem>>[vector<16xi32>], vector<16xf32>, vector<16xi1>
      }
      %while3A_166 = arith.constant 1 : i32
      scf.for %while3A_167 = %while3A_164 to %while3A_160 step %while3A_166  : i32 {
        %eq3A_168 = vector.broadcast %while3A_167 : i32 to vector<16xi32>
        %eq3A_169 = arith.cmpi eq, %unique3A_144, %eq3A_168 : vector<16xi32>
        tpu.vector_store_idx %arg9[%mul3A_154], %get3A_131 masked %eq3A_169 {add = true} : memref<30720xf32, #tpu.memory_space<vmem>>[vector<16xi32>], vector<16xf32>, vector<16xi1>
        %add3A_170 = arith.constant 1 : i32
        %add3A_171 = vector.broadcast %add3A_170 : i32 to vector<16xi32>
        %add3A_172 = arith.addi %mul3A_154, %add3A_171 : vector<16xi32>
        tpu.vector_store_idx %arg9[%add3A_172], %get3A_136 masked %eq3A_169 {add = true} : memref<30720xf32, #tpu.memory_space<vmem>>[vector<16xi32>], vector<16xf32>, vector<16xi1>
        %add3A_173 = arith.constant 2 : i32
        %add3A_174 = vector.broadcast %add3A_173 : i32 to vector<16xi32>
        %add3A_175 = arith.addi %mul3A_154, %add3A_174 : vector<16xi32>
        tpu.vector_store_idx %arg9[%add3A_175], %get3A_141 masked %eq3A_169 {add = true} : memref<30720xf32, #tpu.memory_space<vmem>>[vector<16xi32>], vector<16xf32>, vector<16xi1>
      }
    }
    %while3A_81 = arith.constant 1 : i32
    scf.for %while3A_84 = %while3A_79 to %while3A_75 step %while3A_81  : i32 {
      %mul3A_85 = arith.constant 16 : i32
      %mul3A_86 = arith.muli %while3A_84, %mul3A_85 : i32
      %add3A_87 = arith.addi %mul3A_2, %mul3A_86 : i32
      %get3A = arith.index_cast %add3A_87 : i32 to index
      %get3A_88 = tpu.vector_load %arg10[%get3A] {strides = array<i32>} : memref<12000xi32, #tpu.memory_space<vmem>>, vector<16xi32>,
      %jit3A_89 = arith.constant 64 : i32
      %div3A_90 = arith.divsi %mul3A_86, %jit3A_89 : i32
      %sign3A_91 = arith.constant 0 : i32
      %sign3A_92 = arith.cmpi sgt, %mul3A_86, %sign3A_91 : i32
      %sign3A_93 = arith.extui %sign3A_92 : i1 to i32
      %sign3A_94 = arith.constant 0 : i32
      %sign3A_95 = arith.cmpi slt, %mul3A_86, %sign3A_94 : i32
      %sign3A_96 = arith.extui %sign3A_95 : i1 to i32
      %sign3A_97 = arith.subi %sign3A_93, %sign3A_96 : i32
      %sign3A_98 = arith.constant 0 : i32
      %sign3A_99 = arith.cmpi sgt, %jit3A_89, %sign3A_98 : i32
      %sign3A_100 = arith.extui %sign3A_99 : i1 to i32
      %sign3A_101 = arith.constant 0 : i32
      %sign3A_102 = arith.cmpi slt, %jit3A_89, %sign3A_101 : i32
      %sign3A_103 = arith.extui %sign3A_102 : i1 to i32
      %sign3A_104 = arith.subi %sign3A_100, %sign3A_103 : i32
      %ne3A_105 = arith.cmpi ne, %sign3A_97, %sign3A_104 : i32
      %rem3A_106 = arith.remsi %mul3A_86, %jit3A_89 : i32
      %ne3A_107 = arith.constant 0 : i32
      %ne3A_108 = arith.cmpi ne, %rem3A_106, %ne3A_107 : i32
      %and3A_109 = arith.andi %ne3A_105, %ne3A_108 : i1
      %sub3A_110 = arith.constant 1 : i32
      %sub3A_111 = arith.subi %div3A_90, %sub3A_110 : i32
      %select_n3A_112 = arith.select %and3A_109, %sub3A_111, %div3A_90 : i32
      %mul3A_113 = arith.constant 192 : i32
      %mul3A_114 = arith.muli %select_n3A_112, %mul3A_113 : i32
      %jit3A_115 = arith.constant 64 : i32
      %eq3A = arith.constant 0 : i32
      %eq3A_116 = arith.cmpi eq, %jit3A_115, %eq3A : i32
      %jit3A_117 = arith.constant 1 : i32
      %select_n3A_118 = arith.select %eq3A_116, %jit3A_117, %jit3A_115 : i32
      %rem3A_119 = arith.remsi %mul3A_86, %select_n3A_118 : i32
      %ne3A_120 = arith.constant 0 : i32
      %ne3A_121 = arith.cmpi ne, %rem3A_119, %ne3A_120 : i32
      %lt3A = arith.constant 0 : i32
      %lt3A_122 = arith.cmpi slt, %rem3A_119, %lt3A : i32
      %lt3A_123 = arith.constant 0 : i32
      %lt3A_124 = arith.cmpi slt, %select_n3A_118, %lt3A_123 : i32
      %ne3A_125 = arith.xori %lt3A_122, %lt3A_124 : i1
      %and3A_126 = arith.andi %ne3A_125, %ne3A_121 : i1
      %add3A_127 = arith.addi %rem3A_119, %select_n3A_118 : i32
      %select_n3A_128 = arith.select %and3A_126, %add3A_127, %rem3A_119 : i32
      %add3A_129 = arith.addi %mul3A_114, %select_n3A_128 : i32
      %get3A_130 = arith.index_cast %add3A_129 : i32 to index
      %get3A_131 = tpu.vector_load %arg15[%get3A_130] {strides = array<i32>} : memref<960xf32, #tpu.memory_space<vmem>>, vector<16xf32>,
      %add3A_132 = arith.constant 64 : i32
      %add3A_133 = arith.addi %mul3A_114, %add3A_132 : i32
      %add3A_134 = arith.addi %add3A_133, %select_n3A_128 : i32
      %get3A_135 = arith.index_cast %add3A_134 : i32 to index
      %get3A_136 = tpu.vector_load %arg15[%get3A_135] {strides = array<i32>} : memref<960xf32, #tpu.memory_space<vmem>>, vector<16xf32>,
      %add3A_137 = arith.constant 128 : i32
      %add3A_138 = arith.addi %mul3A_114, %add3A_137 : i32
      %add3A_139 = arith.addi %add3A_138, %select_n3A_128 : i32
      %get3A_140 = arith.index_cast %add3A_139 : i32 to index
      %get3A_141 = tpu.vector_load %arg15[%get3A_140] {strides = array<i32>} : memref<960xf32, #tpu.memory_space<vmem>>, vector<16xf32>,
      %broadcast_in_dim3A_142 = arith.constant true
      %broadcast_in_dim3A_143 = vector.broadcast %broadcast_in_dim3A_142 : i1 to vector<16xi1>
      %unique3A, %unique3A_144 = tpu.scan_count mask(%broadcast_in_dim3A_143 : vector<16xi1>) value(%get3A_88 : vector<16xi32>) : vector<16xi1>, vector<16xi32>
      %reduce_max3A = arith.constant true
      %reduce_max3A_145 = vector.broadcast %reduce_max3A : i1 to vector<16xi1>
      %reduce_max3A_146 = arith.constant -2147483648 : i32
      %reduce_max3A_147 = vector.broadcast %reduce_max3A_146 : i32 to vector<16xi32>
      %reduce_max3A_148 = arith.xori %unique3A_144, %reduce_max3A_147 : vector<16xi32>
      %reduce_max3A_149 = tpu.scan <max>, %reduce_max3A_148 masked %reduce_max3A_145 : vector<16xi32>, vector<16xi1> -> vector<16xi32>
      %reduce_max3A_150 = arith.xori %reduce_max3A_149, %reduce_max3A_147 : vector<16xi32>
      %reduce_max3A_151 = vector.extract %reduce_max3A_150[15] : i32 from vector<16xi32>
      %mul3A_152 = arith.constant 3 : i32
      %mul3A_153 = vector.broadcast %mul3A_152 : i32 to vector<16xi32>
      %mul3A_154 = arith.muli %get3A_88, %mul3A_153 : vector<16xi32>
      %add3A_155 = arith.constant 1 : i32
      %add3A_156 = arith.addi %reduce_max3A_151, %add3A_155 : i32
      %while3A_157 = arith.constant 0 : i32
      %while3A_158 = arith.constant 1 : i32
      %while3A_159 = arith.subi %add3A_156, %while3A_158 : i32
      %while3A_160 = arith.addi %while3A_158, %while3A_159 : i32
      %while3A_161 = arith.constant 1 : i32
      %while3A_162 = arith.divsi %while3A_159, %while3A_161 : i32
      %while3A_163 = arith.muli %while3A_162, %while3A_161 : i32
      %while3A_164 = arith.addi %while3A_158, %while3A_163 : i32
      %while3A_165 = arith.constant 1 : i32
      scf.for %while3A_167 = %while3A_158 to %while3A_164 step %while3A_165  : i32 {
        %eq3A_168 = vector.broadcast %while3A_167 : i32 to vector<16xi32>
        %eq3A_169 = arith.cmpi eq, %unique3A_144, %eq3A_168 : vector<16xi32>
        tpu.vector_store_idx %arg9[%mul3A_154], %get3A_131 masked %eq3A_169 {add = true} : memref<30720xf32, #tpu.memory_space<vmem>>[vector<16xi32>], vector<16xf32>, vector<16xi1>
        %add3A_170 = arith.constant 1 : i32
        %add3A_171 = vector.broadcast %add3A_170 : i32 to vector<16xi32>
        %add3A_172 = arith.addi %mul3A_154, %add3A_171 : vector<16xi32>
        tpu.vector_store_idx %arg9[%add3A_172], %get3A_136 masked %eq3A_169 {add = true} : memref<30720xf32, #tpu.memory_space<vmem>>[vector<16xi32>], vector<16xf32>, vector<16xi1>
        %add3A_173 = arith.constant 2 : i32
        %add3A_174 = vector.broadcast %add3A_173 : i32 to vector<16xi32>
        %add3A_175 = arith.addi %mul3A_154, %add3A_174 : vector<16xi32>
        tpu.vector_store_idx %arg9[%add3A_175], %get3A_141 masked %eq3A_169 {add = true} : memref<30720xf32, #tpu.memory_space<vmem>>[vector<16xi32>], vector<16xf32>, vector<16xi1>
      }
      %while3A_166 = arith.constant 1 : i32
      scf.for %while3A_167 = %while3A_164 to %while3A_160 step %while3A_166  : i32 {
        %eq3A_168 = vector.broadcast %while3A_167 : i32 to vector<16xi32>
        %eq3A_169 = arith.cmpi eq, %unique3A_144, %eq3A_168 : vector<16xi32>
        tpu.vector_store_idx %arg9[%mul3A_154], %get3A_131 masked %eq3A_169 {add = true} : memref<30720xf32, #tpu.memory_space<vmem>>[vector<16xi32>], vector<16xf32>, vector<16xi1>
        %add3A_170 = arith.constant 1 : i32
        %add3A_171 = vector.broadcast %add3A_170 : i32 to vector<16xi32>
        %add3A_172 = arith.addi %mul3A_154, %add3A_171 : vector<16xi32>
        tpu.vector_store_idx %arg9[%add3A_172], %get3A_136 masked %eq3A_169 {add = true} : memref<30720xf32, #tpu.memory_space<vmem>>[vector<16xi32>], vector<16xf32>, vector<16xi1>
        %add3A_173 = arith.constant 2 : i32
        %add3A_174 = vector.broadcast %add3A_173 : i32 to vector<16xi32>
        %add3A_175 = arith.addi %mul3A_154, %add3A_174 : vector<16xi32>
        tpu.vector_store_idx %arg9[%add3A_175], %get3A_141 masked %eq3A_169 {add = true} : memref<30720xf32, #tpu.memory_space<vmem>>[vector<16xi32>], vector<16xf32>, vector<16xi1>
      }
    }
    %mul3A_82 = arith.constant 30720 : i32
    %mul3A_83 = arith.muli %add3A, %mul3A_82 : i32
    "tpu.region"() ({
      %run_scoped3A = tpu.sem_alloc : memref<!tpu.dma_semaphore, #tpu.memory_space<semaphore_mem>>
      %dma_start3A = tpu.memref_slice %arg8[%mul3A_83] : memref<983040xf32, #tpu.memory_space<hbm>> -> memref<30720xf32, #tpu.memory_space<hbm>>
      %dma_start3A_84 = tpu.memref_slice %arg8[%mul3A_83] : memref<983040xf32, #tpu.memory_space<hbm>> -> memref<30720xf32, #tpu.memory_space<hbm>>
      tpu.enqueue_dma source(%arg9 : memref<30720xf32, #tpu.memory_space<vmem>>) target(%dma_start3A_84 : memref<30720xf32, #tpu.memory_space<hbm>>) target_semaphore(%run_scoped3A : memref<!tpu.dma_semaphore, #tpu.memory_space<semaphore_mem>>)
      %dma_wait3A = tpu.memref_slice %arg8[%mul3A_83] : memref<983040xf32, #tpu.memory_space<hbm>> -> memref<30720xf32, #tpu.memory_space<hbm>>
      %dma_wait3A_85 = tpu.memref_slice %arg8[%mul3A_83] : memref<983040xf32, #tpu.memory_space<hbm>> -> memref<30720xf32, #tpu.memory_space<hbm>>
      tpu.wait_dma2 semaphore(%run_scoped3A : memref<!tpu.dma_semaphore, #tpu.memory_space<semaphore_mem>>) src(%arg9 : memref<30720xf32, #tpu.memory_space<vmem>>) dst(%dma_wait3A_85 : memref<30720xf32, #tpu.memory_space<hbm>>)
      tpu.yield
    }) : () -> ()
    return
  }
}

module attributes {stable_mosaic.version = 14 : i64} {
  func.func @_tc_body(%arg0: i32, %arg1: memref<1x1x2048xf32, #tpu.memory_space<vmem>>, %arg2: memref<1x1x2048xf32, #tpu.memory_space<vmem>>, %arg3: memref<1x1x2048xf32, #tpu.memory_space<vmem>>, %arg4: memref<1x1x64xi32, #tpu.memory_space<vmem>>, %arg5: memref<16x1xf32, #tpu.memory_space<vmem>>, %arg6: memref<16x1xf32, #tpu.memory_space<vmem>>, %arg7: memref<16x32xf32, #tpu.memory_space<vmem>>, %arg8: memref<32x16xf32, #tpu.memory_space<vmem>>, %arg9: memref<32x1xf32, #tpu.memory_space<vmem>>, %arg10: memref<32x64xf32, #tpu.memory_space<vmem>>, %arg11: memref<64x32xf32, #tpu.memory_space<vmem>>, %arg12: memref<64x1xf32, #tpu.memory_space<vmem>>, %arg13: memref<8x64x128xf32, #tpu.memory_space<vmem>>, %arg14: memref<8x128x64xf32, #tpu.memory_space<vmem>>, %arg15: memref<128x1xf32, #tpu.memory_space<vmem>>, %arg16: memref<128x128xf32, #tpu.memory_space<vmem>>, %arg17: memref<128x128xf32, #tpu.memory_space<vmem>>, %arg18: memref<128x1xf32, #tpu.memory_space<vmem>>, %arg19: memref<128x1xf32, #tpu.memory_space<vmem>>, %arg20: memref<1x2xf32, #tpu.memory_space<vmem>>, %arg21: memref<2048x64xf32, #tpu.memory_space<vmem>>, %arg22: memref<64x2048xf32, #tpu.memory_space<vmem>>, %arg23: memref<1x1x2048xf32, #tpu.memory_space<vmem>>, %arg24: memref<1x1x2048xf32, #tpu.memory_space<vmem>>, %arg25: memref<1x1x2048xf32, #tpu.memory_space<vmem>>, %arg26: memref<1x1x192xf32, #tpu.memory_space<vmem>>, %arg27: memref<1x128xf32, #tpu.memory_space<vmem>>) attributes {dimension_semantics = [#tpu.dimension_semantics<arbitrary>], iteration_bounds = array<i64: 160>, scalar_prefetch = 0 : i64, scratch_operands = 0 : i64, tpu.core_type = #tpu.core_type<tc>, window_params = [{transform_indices = @transform_0, window_bounds = array<i64: 1, 1, 2048>}, {transform_indices = @transform_1, window_bounds = array<i64: 1, 1, 2048>}, {transform_indices = @transform_2, window_bounds = array<i64: 1, 1, 2048>}, {transform_indices = @transform_3, window_bounds = array<i64: 1, 1, 64>}, {pipeline_mode = #tpu.pipeline_mode<synchronous>, transform_indices = @transform_4, window_bounds = array<i64: 16, 1>}, {pipeline_mode = #tpu.pipeline_mode<synchronous>, transform_indices = @transform_5, window_bounds = array<i64: 16, 1>}, {pipeline_mode = #tpu.pipeline_mode<synchronous>, transform_indices = @transform_6, window_bounds = array<i64: 16, 32>}, {pipeline_mode = #tpu.pipeline_mode<synchronous>, transform_indices = @transform_7, window_bounds = array<i64: 32, 16>}, {pipeline_mode = #tpu.pipeline_mode<synchronous>, transform_indices = @transform_8, window_bounds = array<i64: 32, 1>}, {pipeline_mode = #tpu.pipeline_mode<synchronous>, transform_indices = @transform_9, window_bounds = array<i64: 32, 64>}, {pipeline_mode = #tpu.pipeline_mode<synchronous>, transform_indices = @transform_10, window_bounds = array<i64: 64, 32>}, {pipeline_mode = #tpu.pipeline_mode<synchronous>, transform_indices = @transform_11, window_bounds = array<i64: 64, 1>}, {pipeline_mode = #tpu.pipeline_mode<synchronous>, transform_indices = @transform_12, window_bounds = array<i64: 8, 64, 128>}, {pipeline_mode = #tpu.pipeline_mode<synchronous>, transform_indices = @transform_13, window_bounds = array<i64: 8, 128, 64>}, {pipeline_mode = #tpu.pipeline_mode<synchronous>, transform_indices = @transform_14, window_bounds = array<i64: 128, 1>}, {pipeline_mode = #tpu.pipeline_mode<synchronous>, transform_indices = @transform_15, window_bounds = array<i64: 128, 128>}, {pipeline_mode = #tpu.pipeline_mode<synchronous>, transform_indices = @transform_16, window_bounds = array<i64: 128, 128>}, {pipeline_mode = #tpu.pipeline_mode<synchronous>, transform_indices = @transform_17, window_bounds = array<i64: 128, 1>}, {pipeline_mode = #tpu.pipeline_mode<synchronous>, transform_indices = @transform_18, window_bounds = array<i64: 128, 1>}, {pipeline_mode = #tpu.pipeline_mode<synchronous>, transform_indices = @transform_19, window_bounds = array<i64: 1, 2>}, {pipeline_mode = #tpu.pipeline_mode<synchronous>, transform_indices = @transform_20, window_bounds = array<i64: 2048, 64>}, {pipeline_mode = #tpu.pipeline_mode<synchronous>, transform_indices = @transform_21, window_bounds = array<i64: 64, 2048>}, {transform_indices = @transform_22, window_bounds = array<i64: 1, 1, 2048>}, {transform_indices = @transform_23, window_bounds = array<i64: 1, 1, 2048>}, {transform_indices = @transform_24, window_bounds = array<i64: 1, 1, 2048>}, {transform_indices = @transform_25, window_bounds = array<i64: 1, 1, 192>}, {pipeline_mode = #tpu.pipeline_mode<synchronous>, transform_indices = @transform_26, window_bounds = array<i64: 1, 128>}]} {
    %iota3A = tpu.iota {dimensions = array<i32: 1>} : vector<1x2048xi32>
    %jit3A = arith.constant 32 : i32
    %div3A = vector.broadcast %jit3A : i32 to vector<1x2048xi32>
    %div3A_0 = arith.divsi %iota3A, %div3A : vector<1x2048xi32>
    %sign3A = arith.constant 0 : i32
    %sign3A_1 = vector.broadcast %sign3A : i32 to vector<1x2048xi32>
    %sign3A_2 = arith.cmpi sgt, %iota3A, %sign3A_1 : vector<1x2048xi32>
    %sign3A_3 = arith.extui %sign3A_2 : vector<1x2048xi1> to vector<1x2048xi32>
    %sign3A_4 = arith.constant 0 : i32
    %sign3A_5 = vector.broadcast %sign3A_4 : i32 to vector<1x2048xi32>
    %sign3A_6 = arith.cmpi slt, %iota3A, %sign3A_5 : vector<1x2048xi32>
    %sign3A_7 = arith.extui %sign3A_6 : vector<1x2048xi1> to vector<1x2048xi32>
    %sign3A_8 = arith.subi %sign3A_3, %sign3A_7 : vector<1x2048xi32>
    %sign3A_9 = arith.constant 0 : i32
    %sign3A_10 = arith.cmpi sgt, %jit3A, %sign3A_9 : i32
    %sign3A_11 = arith.extui %sign3A_10 : i1 to i32
    %sign3A_12 = arith.constant 0 : i32
    %sign3A_13 = arith.cmpi slt, %jit3A, %sign3A_12 : i32
    %sign3A_14 = arith.extui %sign3A_13 : i1 to i32
    %sign3A_15 = arith.subi %sign3A_11, %sign3A_14 : i32
    %ne3A = vector.broadcast %sign3A_15 : i32 to vector<1x2048xi32>
    %ne3A_16 = arith.cmpi ne, %sign3A_8, %ne3A : vector<1x2048xi32>
    %rem3A = vector.broadcast %jit3A : i32 to vector<1x2048xi32>
    %rem3A_17 = arith.remsi %iota3A, %rem3A : vector<1x2048xi32>
    %ne3A_18 = arith.constant 0 : i32
    %ne3A_19 = vector.broadcast %ne3A_18 : i32 to vector<1x2048xi32>
    %ne3A_20 = arith.cmpi ne, %rem3A_17, %ne3A_19 : vector<1x2048xi32>
    %and3A = arith.andi %ne3A_16, %ne3A_20 : vector<1x2048xi1>
    %sub3A = arith.constant 1 : i32
    %sub3A_21 = vector.broadcast %sub3A : i32 to vector<1x2048xi32>
    %sub3A_22 = arith.subi %div3A_0, %sub3A_21 : vector<1x2048xi32>
    %select_n3A = arith.select %and3A, %sub3A_22, %div3A_0 : vector<1x2048xi1>, vector<1x2048xi32>
    %mul3A = arith.constant 64 : i32
    %mul3A_23 = arith.muli %arg0, %mul3A : i32
    %add3A = vector.broadcast %mul3A_23 : i32 to vector<1x2048xi32>
    %add3A_24 = arith.addi %select_n3A, %add3A : vector<1x2048xi32>
    %lt3A = arith.constant 10000 : i32
    %lt3A_25 = vector.broadcast %lt3A : i32 to vector<1x2048xi32>
    %lt3A_26 = arith.cmpi slt, %add3A_24, %lt3A_25 : vector<1x2048xi32>
    %iota3A_27 = tpu.iota {dimensions = array<i32: 1>} : vector<1x64xi32>
    %mul3A_28 = arith.constant 64 : i32
    %mul3A_29 = arith.muli %arg0, %mul3A_28 : i32
    %add3A_30 = vector.broadcast %mul3A_29 : i32 to vector<1x64xi32>
    %add3A_31 = arith.addi %iota3A_27, %add3A_30 : vector<1x64xi32>
    %lt3A_32 = arith.constant 10000 : i32
    %lt3A_33 = vector.broadcast %lt3A_32 : i32 to vector<1x64xi32>
    %lt3A_34 = arith.cmpi slt, %add3A_31, %lt3A_33 : vector<1x64xi32>
    %get3A = arith.constant 0 : index
    %get3A_35 = arith.constant 0 : index
    %get3A_36 = arith.constant 0 : index
    %get3A_37 = vector.load %arg1[%get3A, %get3A_35, %get3A_36] : memref<1x1x2048xf32, #tpu.memory_space<vmem>>, vector<1x1x2048xf32>
    %get3A_38 = vector.shape_cast %get3A_37 : vector<1x1x2048xf32> to vector<1x2048xf32>
    %jit3A_39 = arith.constant 1.000000e+00 : f32
    %broadcast_in_dim3A = vector.broadcast %jit3A_39 : f32 to vector<1x2048xf32>
    %select_n3A_40 = arith.select %lt3A_26, %get3A_38, %broadcast_in_dim3A : vector<1x2048xi1>, vector<1x2048xf32>
    %get3A_41 = arith.constant 0 : index
    %get3A_42 = arith.constant 0 : index
    %get3A_43 = arith.constant 0 : index
    %get3A_44 = vector.load %arg2[%get3A_41, %get3A_42, %get3A_43] : memref<1x1x2048xf32, #tpu.memory_space<vmem>>, vector<1x1x2048xf32>
    %get3A_45 = vector.shape_cast %get3A_44 : vector<1x1x2048xf32> to vector<1x2048xf32>
    %jit3A_46 = arith.constant 1.000000e+00 : f32
    %broadcast_in_dim3A_47 = vector.broadcast %jit3A_46 : f32 to vector<1x2048xf32>
    %select_n3A_48 = arith.select %lt3A_26, %get3A_45, %broadcast_in_dim3A_47 : vector<1x2048xi1>, vector<1x2048xf32>
    %get3A_49 = arith.constant 0 : index
    %get3A_50 = arith.constant 0 : index
    %get3A_51 = arith.constant 0 : index
    %get3A_52 = vector.load %arg3[%get3A_49, %get3A_50, %get3A_51] : memref<1x1x2048xf32, #tpu.memory_space<vmem>>, vector<1x1x2048xf32>
    %get3A_53 = vector.shape_cast %get3A_52 : vector<1x1x2048xf32> to vector<1x2048xf32>
    %jit3A_54 = arith.constant 1.000000e+00 : f32
    %broadcast_in_dim3A_55 = vector.broadcast %jit3A_54 : f32 to vector<1x2048xf32>
    %select_n3A_56 = arith.select %lt3A_26, %get3A_53, %broadcast_in_dim3A_55 : vector<1x2048xi1>, vector<1x2048xf32>
    %mul3A_57 = arith.mulf %select_n3A_40, %select_n3A_40 : vector<1x2048xf32>
    %mul3A_58 = arith.mulf %select_n3A_48, %select_n3A_48 : vector<1x2048xf32>
    %add3A_59 = arith.addf %mul3A_57, %mul3A_58 : vector<1x2048xf32>
    %mul3A_60 = arith.mulf %select_n3A_56, %select_n3A_56 : vector<1x2048xf32>
    %add3A_61 = arith.addf %add3A_59, %mul3A_60 : vector<1x2048xf32>
    %add3A_62 = arith.constant 9.99999997E-7 : f32
    %add3A_63 = vector.broadcast %add3A_62 : f32 to vector<1x2048xf32>
    %add3A_64 = arith.addf %add3A_61, %add3A_63 : vector<1x2048xf32>
    %div3A_65 = arith.constant 1.000000e+00 : f32
    %div3A_66 = vector.broadcast %div3A_65 : f32 to vector<1x2048xf32>
    %div3A_67 = arith.divf %div3A_66, %add3A_64 : vector<1x2048xf32>
    %sqrt3A = math.sqrt %add3A_64 : vector<1x2048xf32>
    %div3A_68 = arith.constant 1.000000e+00 : f32
    %div3A_69 = vector.broadcast %div3A_68 : f32 to vector<1x2048xf32>
    %div3A_70 = arith.divf %div3A_69, %sqrt3A : vector<1x2048xf32>
    %get3A_71 = arith.constant 0 : index
    %get3A_72 = arith.constant 0 : index
    %get3A_73 = vector.load %arg5[%get3A_71, %get3A_72] : memref<16x1xf32, #tpu.memory_space<vmem>>, vector<16x1xf32>
    %broadcast_in_dim3A_74 = vector.shape_cast %get3A_73 : vector<16x1xf32> to vector<16x1xf32>
    %broadcast_in_dim3A_75 = vector.broadcast %broadcast_in_dim3A_74 : vector<16x1xf32> to vector<16x2048xf32>
    %broadcast_in_dim3A_76 = vector.shape_cast %div3A_70 : vector<1x2048xf32> to vector<1x2048xf32>
    %broadcast_in_dim3A_77 = vector.broadcast %broadcast_in_dim3A_76 : vector<1x2048xf32> to vector<16x2048xf32>
    %mul3A_78 = arith.mulf %broadcast_in_dim3A_75, %broadcast_in_dim3A_77 : vector<16x2048xf32>
    %get3A_79 = arith.constant 0 : index
    %get3A_80 = arith.constant 0 : index
    %get3A_81 = vector.load %arg6[%get3A_79, %get3A_80] : memref<16x1xf32, #tpu.memory_space<vmem>>, vector<16x1xf32>
    %broadcast_in_dim3A_82 = vector.shape_cast %get3A_81 : vector<16x1xf32> to vector<16x1xf32>
    %broadcast_in_dim3A_83 = vector.broadcast %broadcast_in_dim3A_82 : vector<16x1xf32> to vector<16x2048xf32>
    %add3A_84 = arith.addf %mul3A_78, %broadcast_in_dim3A_83 : vector<16x2048xf32>
    %tanh3A = math.tanh %add3A_84 : vector<16x2048xf32>
    %get3A_85 = arith.constant 0 : index
    %get3A_86 = arith.constant 0 : index
    %get3A_87 = vector.load %arg8[%get3A_85, %get3A_86] : memref<32x16xf32, #tpu.memory_space<vmem>>, vector<32x16xf32>
    %dot_general3A = arith.constant dense<0.000000e+00> : vector<32x2048xf32>
    %dot_general3A_88 = tpu.matmul %get3A_87, %tanh3A, %dot_general3A {dimension_numbers = #tpu.dot_dimension_numbers<[1], [0], [0], [1], [0, 0, 1, 1], [], []>, transpose_lhs_hint = false} : vector<32x16xf32>, vector<16x2048xf32>, vector<32x2048xf32> -> vector<32x2048xf32>
    %get3A_89 = arith.constant 0 : index
    %get3A_90 = arith.constant 0 : index
    %get3A_91 = vector.load %arg9[%get3A_89, %get3A_90] : memref<32x1xf32, #tpu.memory_space<vmem>>, vector<32x1xf32>
    %broadcast_in_dim3A_92 = vector.shape_cast %get3A_91 : vector<32x1xf32> to vector<32x1xf32>
    %broadcast_in_dim3A_93 = vector.broadcast %broadcast_in_dim3A_92 : vector<32x1xf32> to vector<32x2048xf32>
    %add3A_94 = arith.addf %dot_general3A_88, %broadcast_in_dim3A_93 : vector<32x2048xf32>
    %tanh3A_95 = math.tanh %add3A_94 : vector<32x2048xf32>
    %get3A_96 = arith.constant 0 : index
    %get3A_97 = arith.constant 0 : index
    %get3A_98 = vector.load %arg11[%get3A_96, %get3A_97] : memref<64x32xf32, #tpu.memory_space<vmem>>, vector<64x32xf32>
    %dot_general3A_99 = arith.constant dense<0.000000e+00> : vector<64x2048xf32>
    %dot_general3A_100 = tpu.matmul %get3A_98, %tanh3A_95, %dot_general3A_99 {dimension_numbers = #tpu.dot_dimension_numbers<[1], [0], [0], [1], [0, 0, 1, 1], [], []>, transpose_lhs_hint = false} : vector<64x32xf32>, vector<32x2048xf32>, vector<64x2048xf32> -> vector<64x2048xf32>
    %get3A_101 = arith.constant 0 : index
    %get3A_102 = arith.constant 0 : index
    %get3A_103 = vector.load %arg12[%get3A_101, %get3A_102] : memref<64x1xf32, #tpu.memory_space<vmem>>, vector<64x1xf32>
    %broadcast_in_dim3A_104 = vector.shape_cast %get3A_103 : vector<64x1xf32> to vector<64x1xf32>
    %broadcast_in_dim3A_105 = vector.broadcast %broadcast_in_dim3A_104 : vector<64x1xf32> to vector<64x2048xf32>
    %add3A_106 = arith.addf %dot_general3A_100, %broadcast_in_dim3A_105 : vector<64x2048xf32>
    %tanh3A_107 = math.tanh %add3A_106 : vector<64x2048xf32>
    %div3A_108 = arith.divf %select_n3A_40, %add3A_64 : vector<1x2048xf32>
    %div3A_109 = arith.divf %select_n3A_48, %add3A_64 : vector<1x2048xf32>
    %div3A_110 = arith.divf %select_n3A_56, %add3A_64 : vector<1x2048xf32>
    %get3A_111 = arith.constant 0 : index
    %get3A_112 = arith.constant 0 : index
    %get3A_113 = vector.load %arg21[%get3A_111, %get3A_112] : memref<2048x64xf32, #tpu.memory_space<vmem>>, vector<2048x64xf32>
    %get3A_114 = arith.constant 0 : index
    %get3A_115 = arith.constant 0 : index
    %get3A_116 = vector.load %arg22[%get3A_114, %get3A_115] : memref<64x2048xf32, #tpu.memory_space<vmem>>, vector<64x2048xf32>
    %broadcast_in_dim3A_117 = vector.shape_cast %div3A_70 : vector<1x2048xf32> to vector<1x2048xf32>
    %broadcast_in_dim3A_118 = vector.broadcast %broadcast_in_dim3A_117 : vector<1x2048xf32> to vector<64x2048xf32>
    %mul3A_119 = arith.mulf %tanh3A_107, %broadcast_in_dim3A_118 : vector<64x2048xf32>
    %dot_general3A_120 = arith.constant dense<0.000000e+00> : vector<64x64xf32>
    %dot_general3A_121 = tpu.matmul %mul3A_119, %get3A_113, %dot_general3A_120 {dimension_numbers = #tpu.dot_dimension_numbers<[1], [0], [0], [1], [0, 0, 1, 1], [], []>, transpose_lhs_hint = false} : vector<64x2048xf32>, vector<2048x64xf32>, vector<64x64xf32> -> vector<64x64xf32>
    %broadcast_in_dim3A_122 = vector.shape_cast %div3A_108 : vector<1x2048xf32> to vector<1x2048xf32>
    %broadcast_in_dim3A_123 = vector.broadcast %broadcast_in_dim3A_122 : vector<1x2048xf32> to vector<64x2048xf32>
    %mul3A_124 = arith.mulf %tanh3A_107, %broadcast_in_dim3A_123 : vector<64x2048xf32>
    %dot_general3A_125 = arith.constant dense<0.000000e+00> : vector<64x64xf32>
    %dot_general3A_126 = tpu.matmul %mul3A_124, %get3A_113, %dot_general3A_125 {dimension_numbers = #tpu.dot_dimension_numbers<[1], [0], [0], [1], [0, 0, 1, 1], [], []>, transpose_lhs_hint = false} : vector<64x2048xf32>, vector<2048x64xf32>, vector<64x64xf32> -> vector<64x64xf32>
    %broadcast_in_dim3A_127 = vector.shape_cast %div3A_109 : vector<1x2048xf32> to vector<1x2048xf32>
    %broadcast_in_dim3A_128 = vector.broadcast %broadcast_in_dim3A_127 : vector<1x2048xf32> to vector<64x2048xf32>
    %mul3A_129 = arith.mulf %tanh3A_107, %broadcast_in_dim3A_128 : vector<64x2048xf32>
    %dot_general3A_130 = arith.constant dense<0.000000e+00> : vector<64x64xf32>
    %dot_general3A_131 = tpu.matmul %mul3A_129, %get3A_113, %dot_general3A_130 {dimension_numbers = #tpu.dot_dimension_numbers<[1], [0], [0], [1], [0, 0, 1, 1], [], []>, transpose_lhs_hint = false} : vector<64x2048xf32>, vector<2048x64xf32>, vector<64x64xf32> -> vector<64x64xf32>
    %broadcast_in_dim3A_132 = vector.shape_cast %div3A_110 : vector<1x2048xf32> to vector<1x2048xf32>
    %broadcast_in_dim3A_133 = vector.broadcast %broadcast_in_dim3A_132 : vector<1x2048xf32> to vector<64x2048xf32>
    %mul3A_134 = arith.mulf %tanh3A_107, %broadcast_in_dim3A_133 : vector<64x2048xf32>
    %dot_general3A_135 = arith.constant dense<0.000000e+00> : vector<64x64xf32>
    %dot_general3A_136 = tpu.matmul %mul3A_134, %get3A_113, %dot_general3A_135 {dimension_numbers = #tpu.dot_dimension_numbers<[1], [0], [0], [1], [0, 0, 1, 1], [], []>, transpose_lhs_hint = false} : vector<64x2048xf32>, vector<2048x64xf32>, vector<64x64xf32> -> vector<64x64xf32>
    %get3A_137 = arith.constant 0 : index
    %get3A_138 = arith.constant 0 : index
    %get3A_139 = vector.load %arg15[%get3A_137, %get3A_138] : memref<128x1xf32, #tpu.memory_space<vmem>>, vector<128x1xf32>
    %broadcast_in_dim3A_140 = vector.shape_cast %get3A_139 : vector<128x1xf32> to vector<128x1xf32>
    %broadcast_in_dim3A_141 = vector.broadcast %broadcast_in_dim3A_140 : vector<128x1xf32> to vector<128x64xf32>
    %slice3A = vector.extract_strided_slice %dot_general3A_121 {offsets = [0, 0], sizes = [1, 64], strides = [1, 1]} : vector<64x64xf32> to vector<1x64xf32>
    %broadcast_in_dim3A_142 = vector.shape_cast %slice3A : vector<1x64xf32> to vector<1x64xf32>
    %broadcast_in_dim3A_143 = vector.broadcast %broadcast_in_dim3A_142 : vector<1x64xf32> to vector<64x64xf32>
    %mul3A_144 = arith.mulf %dot_general3A_121, %broadcast_in_dim3A_143 : vector<64x64xf32>
    %slice3A_145 = vector.extract_strided_slice %dot_general3A_126 {offsets = [0, 0], sizes = [1, 64], strides = [1, 1]} : vector<64x64xf32> to vector<1x64xf32>
    %broadcast_in_dim3A_146 = vector.shape_cast %slice3A_145 : vector<1x64xf32> to vector<1x64xf32>
    %broadcast_in_dim3A_147 = vector.broadcast %broadcast_in_dim3A_146 : vector<1x64xf32> to vector<64x64xf32>
    %mul3A_148 = arith.mulf %dot_general3A_126, %broadcast_in_dim3A_147 : vector<64x64xf32>
    %add3A_149 = arith.addf %mul3A_144, %mul3A_148 : vector<64x64xf32>
    %slice3A_150 = vector.extract_strided_slice %dot_general3A_131 {offsets = [0, 0], sizes = [1, 64], strides = [1, 1]} : vector<64x64xf32> to vector<1x64xf32>
    %broadcast_in_dim3A_151 = vector.shape_cast %slice3A_150 : vector<1x64xf32> to vector<1x64xf32>
    %broadcast_in_dim3A_152 = vector.broadcast %broadcast_in_dim3A_151 : vector<1x64xf32> to vector<64x64xf32>
    %mul3A_153 = arith.mulf %dot_general3A_131, %broadcast_in_dim3A_152 : vector<64x64xf32>
    %add3A_154 = arith.addf %add3A_149, %mul3A_153 : vector<64x64xf32>
    %slice3A_155 = vector.extract_strided_slice %dot_general3A_136 {offsets = [0, 0], sizes = [1, 64], strides = [1, 1]} : vector<64x64xf32> to vector<1x64xf32>
    %broadcast_in_dim3A_156 = vector.shape_cast %slice3A_155 : vector<1x64xf32> to vector<1x64xf32>
    %broadcast_in_dim3A_157 = vector.broadcast %broadcast_in_dim3A_156 : vector<1x64xf32> to vector<64x64xf32>
    %mul3A_158 = arith.mulf %dot_general3A_136, %broadcast_in_dim3A_157 : vector<64x64xf32>
    %add3A_159 = arith.addf %add3A_154, %mul3A_158 : vector<64x64xf32>
    %get3A_160 = arith.constant 0 : index
    %get3A_161 = arith.constant 0 : index
    %get3A_162 = arith.constant 0 : index
    %get3A_163 = vector.load %arg14[%get3A_160, %get3A_161, %get3A_162] : memref<8x128x64xf32, #tpu.memory_space<vmem>>, vector<1x128x64xf32>
    %get3A_164 = vector.shape_cast %get3A_163 : vector<1x128x64xf32> to vector<128x64xf32>
    %dot_general3A_165 = arith.constant dense<0.000000e+00> : vector<128x64xf32>
    %dot_general3A_166 = tpu.matmul %get3A_164, %add3A_159, %dot_general3A_165 {dimension_numbers = #tpu.dot_dimension_numbers<[1], [0], [0], [1], [0, 0, 1, 1], [], []>, transpose_lhs_hint = false} : vector<128x64xf32>, vector<64x64xf32>, vector<128x64xf32> -> vector<128x64xf32>
    %add3A_167 = arith.addf %broadcast_in_dim3A_141, %dot_general3A_166 : vector<128x64xf32>
    %slice3A_168 = vector.extract_strided_slice %dot_general3A_121 {offsets = [1, 0], sizes = [1, 64], strides = [1, 1]} : vector<64x64xf32> to vector<1x64xf32>
    %broadcast_in_dim3A_169 = vector.shape_cast %slice3A_168 : vector<1x64xf32> to vector<1x64xf32>
    %broadcast_in_dim3A_170 = vector.broadcast %broadcast_in_dim3A_169 : vector<1x64xf32> to vector<64x64xf32>
    %mul3A_171 = arith.mulf %dot_general3A_121, %broadcast_in_dim3A_170 : vector<64x64xf32>
    %slice3A_172 = vector.extract_strided_slice %dot_general3A_126 {offsets = [1, 0], sizes = [1, 64], strides = [1, 1]} : vector<64x64xf32> to vector<1x64xf32>
    %broadcast_in_dim3A_173 = vector.shape_cast %slice3A_172 : vector<1x64xf32> to vector<1x64xf32>
    %broadcast_in_dim3A_174 = vector.broadcast %broadcast_in_dim3A_173 : vector<1x64xf32> to vector<64x64xf32>
    %mul3A_175 = arith.mulf %dot_general3A_126, %broadcast_in_dim3A_174 : vector<64x64xf32>
    %add3A_176 = arith.addf %mul3A_171, %mul3A_175 : vector<64x64xf32>
    %slice3A_177 = vector.extract_strided_slice %dot_general3A_131 {offsets = [1, 0], sizes = [1, 64], strides = [1, 1]} : vector<64x64xf32> to vector<1x64xf32>
    %broadcast_in_dim3A_178 = vector.shape_cast %slice3A_177 : vector<1x64xf32> to vector<1x64xf32>
    %broadcast_in_dim3A_179 = vector.broadcast %broadcast_in_dim3A_178 : vector<1x64xf32> to vector<64x64xf32>
    %mul3A_180 = arith.mulf %dot_general3A_131, %broadcast_in_dim3A_179 : vector<64x64xf32>
    %add3A_181 = arith.addf %add3A_176, %mul3A_180 : vector<64x64xf32>
    %slice3A_182 = vector.extract_strided_slice %dot_general3A_136 {offsets = [1, 0], sizes = [1, 64], strides = [1, 1]} : vector<64x64xf32> to vector<1x64xf32>
    %broadcast_in_dim3A_183 = vector.shape_cast %slice3A_182 : vector<1x64xf32> to vector<1x64xf32>
    %broadcast_in_dim3A_184 = vector.broadcast %broadcast_in_dim3A_183 : vector<1x64xf32> to vector<64x64xf32>
    %mul3A_185 = arith.mulf %dot_general3A_136, %broadcast_in_dim3A_184 : vector<64x64xf32>
    %add3A_186 = arith.addf %add3A_181, %mul3A_185 : vector<64x64xf32>
    %get3A_187 = arith.constant 1 : index
    %get3A_188 = arith.constant 0 : index
    %get3A_189 = arith.constant 0 : index
    %get3A_190 = vector.load %arg14[%get3A_187, %get3A_188, %get3A_189] : memref<8x128x64xf32, #tpu.memory_space<vmem>>, vector<1x128x64xf32>
    %get3A_191 = vector.shape_cast %get3A_190 : vector<1x128x64xf32> to vector<128x64xf32>
    %dot_general3A_192 = arith.constant dense<0.000000e+00> : vector<128x64xf32>
    %dot_general3A_193 = tpu.matmul %get3A_191, %add3A_186, %dot_general3A_192 {dimension_numbers = #tpu.dot_dimension_numbers<[1], [0], [0], [1], [0, 0, 1, 1], [], []>, transpose_lhs_hint = false} : vector<128x64xf32>, vector<64x64xf32>, vector<128x64xf32> -> vector<128x64xf32>
    %add3A_194 = arith.addf %add3A_167, %dot_general3A_193 : vector<128x64xf32>
    %slice3A_195 = vector.extract_strided_slice %dot_general3A_121 {offsets = [2, 0], sizes = [1, 64], strides = [1, 1]} : vector<64x64xf32> to vector<1x64xf32>
    %broadcast_in_dim3A_196 = vector.shape_cast %slice3A_195 : vector<1x64xf32> to vector<1x64xf32>
    %broadcast_in_dim3A_197 = vector.broadcast %broadcast_in_dim3A_196 : vector<1x64xf32> to vector<64x64xf32>
    %mul3A_198 = arith.mulf %dot_general3A_121, %broadcast_in_dim3A_197 : vector<64x64xf32>
    %slice3A_199 = vector.extract_strided_slice %dot_general3A_126 {offsets = [2, 0], sizes = [1, 64], strides = [1, 1]} : vector<64x64xf32> to vector<1x64xf32>
    %broadcast_in_dim3A_200 = vector.shape_cast %slice3A_199 : vector<1x64xf32> to vector<1x64xf32>
    %broadcast_in_dim3A_201 = vector.broadcast %broadcast_in_dim3A_200 : vector<1x64xf32> to vector<64x64xf32>
    %mul3A_202 = arith.mulf %dot_general3A_126, %broadcast_in_dim3A_201 : vector<64x64xf32>
    %add3A_203 = arith.addf %mul3A_198, %mul3A_202 : vector<64x64xf32>
    %slice3A_204 = vector.extract_strided_slice %dot_general3A_131 {offsets = [2, 0], sizes = [1, 64], strides = [1, 1]} : vector<64x64xf32> to vector<1x64xf32>
    %broadcast_in_dim3A_205 = vector.shape_cast %slice3A_204 : vector<1x64xf32> to vector<1x64xf32>
    %broadcast_in_dim3A_206 = vector.broadcast %broadcast_in_dim3A_205 : vector<1x64xf32> to vector<64x64xf32>
    %mul3A_207 = arith.mulf %dot_general3A_131, %broadcast_in_dim3A_206 : vector<64x64xf32>
    %add3A_208 = arith.addf %add3A_203, %mul3A_207 : vector<64x64xf32>
    %slice3A_209 = vector.extract_strided_slice %dot_general3A_136 {offsets = [2, 0], sizes = [1, 64], strides = [1, 1]} : vector<64x64xf32> to vector<1x64xf32>
    %broadcast_in_dim3A_210 = vector.shape_cast %slice3A_209 : vector<1x64xf32> to vector<1x64xf32>
    %broadcast_in_dim3A_211 = vector.broadcast %broadcast_in_dim3A_210 : vector<1x64xf32> to vector<64x64xf32>
    %mul3A_212 = arith.mulf %dot_general3A_136, %broadcast_in_dim3A_211 : vector<64x64xf32>
    %add3A_213 = arith.addf %add3A_208, %mul3A_212 : vector<64x64xf32>
    %get3A_214 = arith.constant 2 : index
    %get3A_215 = arith.constant 0 : index
    %get3A_216 = arith.constant 0 : index
    %get3A_217 = vector.load %arg14[%get3A_214, %get3A_215, %get3A_216] : memref<8x128x64xf32, #tpu.memory_space<vmem>>, vector<1x128x64xf32>
    %get3A_218 = vector.shape_cast %get3A_217 : vector<1x128x64xf32> to vector<128x64xf32>
    %dot_general3A_219 = arith.constant dense<0.000000e+00> : vector<128x64xf32>
    %dot_general3A_220 = tpu.matmul %get3A_218, %add3A_213, %dot_general3A_219 {dimension_numbers = #tpu.dot_dimension_numbers<[1], [0], [0], [1], [0, 0, 1, 1], [], []>, transpose_lhs_hint = false} : vector<128x64xf32>, vector<64x64xf32>, vector<128x64xf32> -> vector<128x64xf32>
    %add3A_221 = arith.addf %add3A_194, %dot_general3A_220 : vector<128x64xf32>
    %slice3A_222 = vector.extract_strided_slice %dot_general3A_121 {offsets = [3, 0], sizes = [1, 64], strides = [1, 1]} : vector<64x64xf32> to vector<1x64xf32>
    %broadcast_in_dim3A_223 = vector.shape_cast %slice3A_222 : vector<1x64xf32> to vector<1x64xf32>
    %broadcast_in_dim3A_224 = vector.broadcast %broadcast_in_dim3A_223 : vector<1x64xf32> to vector<64x64xf32>
    %mul3A_225 = arith.mulf %dot_general3A_121, %broadcast_in_dim3A_224 : vector<64x64xf32>
    %slice3A_226 = vector.extract_strided_slice %dot_general3A_126 {offsets = [3, 0], sizes = [1, 64], strides = [1, 1]} : vector<64x64xf32> to vector<1x64xf32>
    %broadcast_in_dim3A_227 = vector.shape_cast %slice3A_226 : vector<1x64xf32> to vector<1x64xf32>
    %broadcast_in_dim3A_228 = vector.broadcast %broadcast_in_dim3A_227 : vector<1x64xf32> to vector<64x64xf32>
    %mul3A_229 = arith.mulf %dot_general3A_126, %broadcast_in_dim3A_228 : vector<64x64xf32>
    %add3A_230 = arith.addf %mul3A_225, %mul3A_229 : vector<64x64xf32>
    %slice3A_231 = vector.extract_strided_slice %dot_general3A_131 {offsets = [3, 0], sizes = [1, 64], strides = [1, 1]} : vector<64x64xf32> to vector<1x64xf32>
    %broadcast_in_dim3A_232 = vector.shape_cast %slice3A_231 : vector<1x64xf32> to vector<1x64xf32>
    %broadcast_in_dim3A_233 = vector.broadcast %broadcast_in_dim3A_232 : vector<1x64xf32> to vector<64x64xf32>
    %mul3A_234 = arith.mulf %dot_general3A_131, %broadcast_in_dim3A_233 : vector<64x64xf32>
    %add3A_235 = arith.addf %add3A_230, %mul3A_234 : vector<64x64xf32>
    %slice3A_236 = vector.extract_strided_slice %dot_general3A_136 {offsets = [3, 0], sizes = [1, 64], strides = [1, 1]} : vector<64x64xf32> to vector<1x64xf32>
    %broadcast_in_dim3A_237 = vector.shape_cast %slice3A_236 : vector<1x64xf32> to vector<1x64xf32>
    %broadcast_in_dim3A_238 = vector.broadcast %broadcast_in_dim3A_237 : vector<1x64xf32> to vector<64x64xf32>
    %mul3A_239 = arith.mulf %dot_general3A_136, %broadcast_in_dim3A_238 : vector<64x64xf32>
    %add3A_240 = arith.addf %add3A_235, %mul3A_239 : vector<64x64xf32>
    %get3A_241 = arith.constant 3 : index
    %get3A_242 = arith.constant 0 : index
    %get3A_243 = arith.constant 0 : index
    %get3A_244 = vector.load %arg14[%get3A_241, %get3A_242, %get3A_243] : memref<8x128x64xf32, #tpu.memory_space<vmem>>, vector<1x128x64xf32>
    %get3A_245 = vector.shape_cast %get3A_244 : vector<1x128x64xf32> to vector<128x64xf32>
    %dot_general3A_246 = arith.constant dense<0.000000e+00> : vector<128x64xf32>
    %dot_general3A_247 = tpu.matmul %get3A_245, %add3A_240, %dot_general3A_246 {dimension_numbers = #tpu.dot_dimension_numbers<[1], [0], [0], [1], [0, 0, 1, 1], [], []>, transpose_lhs_hint = false} : vector<128x64xf32>, vector<64x64xf32>, vector<128x64xf32> -> vector<128x64xf32>
    %add3A_248 = arith.addf %add3A_221, %dot_general3A_247 : vector<128x64xf32>
    %slice3A_249 = vector.extract_strided_slice %dot_general3A_121 {offsets = [4, 0], sizes = [1, 64], strides = [1, 1]} : vector<64x64xf32> to vector<1x64xf32>
    %broadcast_in_dim3A_250 = vector.shape_cast %slice3A_249 : vector<1x64xf32> to vector<1x64xf32>
    %broadcast_in_dim3A_251 = vector.broadcast %broadcast_in_dim3A_250 : vector<1x64xf32> to vector<64x64xf32>
    %mul3A_252 = arith.mulf %dot_general3A_121, %broadcast_in_dim3A_251 : vector<64x64xf32>
    %slice3A_253 = vector.extract_strided_slice %dot_general3A_126 {offsets = [4, 0], sizes = [1, 64], strides = [1, 1]} : vector<64x64xf32> to vector<1x64xf32>
    %broadcast_in_dim3A_254 = vector.shape_cast %slice3A_253 : vector<1x64xf32> to vector<1x64xf32>
    %broadcast_in_dim3A_255 = vector.broadcast %broadcast_in_dim3A_254 : vector<1x64xf32> to vector<64x64xf32>
    %mul3A_256 = arith.mulf %dot_general3A_126, %broadcast_in_dim3A_255 : vector<64x64xf32>
    %add3A_257 = arith.addf %mul3A_252, %mul3A_256 : vector<64x64xf32>
    %slice3A_258 = vector.extract_strided_slice %dot_general3A_131 {offsets = [4, 0], sizes = [1, 64], strides = [1, 1]} : vector<64x64xf32> to vector<1x64xf32>
    %broadcast_in_dim3A_259 = vector.shape_cast %slice3A_258 : vector<1x64xf32> to vector<1x64xf32>
    %broadcast_in_dim3A_260 = vector.broadcast %broadcast_in_dim3A_259 : vector<1x64xf32> to vector<64x64xf32>
    %mul3A_261 = arith.mulf %dot_general3A_131, %broadcast_in_dim3A_260 : vector<64x64xf32>
    %add3A_262 = arith.addf %add3A_257, %mul3A_261 : vector<64x64xf32>
    %slice3A_263 = vector.extract_strided_slice %dot_general3A_136 {offsets = [4, 0], sizes = [1, 64], strides = [1, 1]} : vector<64x64xf32> to vector<1x64xf32>
    %broadcast_in_dim3A_264 = vector.shape_cast %slice3A_263 : vector<1x64xf32> to vector<1x64xf32>
    %broadcast_in_dim3A_265 = vector.broadcast %broadcast_in_dim3A_264 : vector<1x64xf32> to vector<64x64xf32>
    %mul3A_266 = arith.mulf %dot_general3A_136, %broadcast_in_dim3A_265 : vector<64x64xf32>
    %add3A_267 = arith.addf %add3A_262, %mul3A_266 : vector<64x64xf32>
    %get3A_268 = arith.constant 4 : index
    %get3A_269 = arith.constant 0 : index
    %get3A_270 = arith.constant 0 : index
    %get3A_271 = vector.load %arg14[%get3A_268, %get3A_269, %get3A_270] : memref<8x128x64xf32, #tpu.memory_space<vmem>>, vector<1x128x64xf32>
    %get3A_272 = vector.shape_cast %get3A_271 : vector<1x128x64xf32> to vector<128x64xf32>
    %dot_general3A_273 = arith.constant dense<0.000000e+00> : vector<128x64xf32>
    %dot_general3A_274 = tpu.matmul %get3A_272, %add3A_267, %dot_general3A_273 {dimension_numbers = #tpu.dot_dimension_numbers<[1], [0], [0], [1], [0, 0, 1, 1], [], []>, transpose_lhs_hint = false} : vector<128x64xf32>, vector<64x64xf32>, vector<128x64xf32> -> vector<128x64xf32>
    %add3A_275 = arith.addf %add3A_248, %dot_general3A_274 : vector<128x64xf32>
    %slice3A_276 = vector.extract_strided_slice %dot_general3A_121 {offsets = [5, 0], sizes = [1, 64], strides = [1, 1]} : vector<64x64xf32> to vector<1x64xf32>
    %broadcast_in_dim3A_277 = vector.shape_cast %slice3A_276 : vector<1x64xf32> to vector<1x64xf32>
    %broadcast_in_dim3A_278 = vector.broadcast %broadcast_in_dim3A_277 : vector<1x64xf32> to vector<64x64xf32>
    %mul3A_279 = arith.mulf %dot_general3A_121, %broadcast_in_dim3A_278 : vector<64x64xf32>
    %slice3A_280 = vector.extract_strided_slice %dot_general3A_126 {offsets = [5, 0], sizes = [1, 64], strides = [1, 1]} : vector<64x64xf32> to vector<1x64xf32>
    %broadcast_in_dim3A_281 = vector.shape_cast %slice3A_280 : vector<1x64xf32> to vector<1x64xf32>
    %broadcast_in_dim3A_282 = vector.broadcast %broadcast_in_dim3A_281 : vector<1x64xf32> to vector<64x64xf32>
    %mul3A_283 = arith.mulf %dot_general3A_126, %broadcast_in_dim3A_282 : vector<64x64xf32>
    %add3A_284 = arith.addf %mul3A_279, %mul3A_283 : vector<64x64xf32>
    %slice3A_285 = vector.extract_strided_slice %dot_general3A_131 {offsets = [5, 0], sizes = [1, 64], strides = [1, 1]} : vector<64x64xf32> to vector<1x64xf32>
    %broadcast_in_dim3A_286 = vector.shape_cast %slice3A_285 : vector<1x64xf32> to vector<1x64xf32>
    %broadcast_in_dim3A_287 = vector.broadcast %broadcast_in_dim3A_286 : vector<1x64xf32> to vector<64x64xf32>
    %mul3A_288 = arith.mulf %dot_general3A_131, %broadcast_in_dim3A_287 : vector<64x64xf32>
    %add3A_289 = arith.addf %add3A_284, %mul3A_288 : vector<64x64xf32>
    %slice3A_290 = vector.extract_strided_slice %dot_general3A_136 {offsets = [5, 0], sizes = [1, 64], strides = [1, 1]} : vector<64x64xf32> to vector<1x64xf32>
    %broadcast_in_dim3A_291 = vector.shape_cast %slice3A_290 : vector<1x64xf32> to vector<1x64xf32>
    %broadcast_in_dim3A_292 = vector.broadcast %broadcast_in_dim3A_291 : vector<1x64xf32> to vector<64x64xf32>
    %mul3A_293 = arith.mulf %dot_general3A_136, %broadcast_in_dim3A_292 : vector<64x64xf32>
    %add3A_294 = arith.addf %add3A_289, %mul3A_293 : vector<64x64xf32>
    %get3A_295 = arith.constant 5 : index
    %get3A_296 = arith.constant 0 : index
    %get3A_297 = arith.constant 0 : index
    %get3A_298 = vector.load %arg14[%get3A_295, %get3A_296, %get3A_297] : memref<8x128x64xf32, #tpu.memory_space<vmem>>, vector<1x128x64xf32>
    %get3A_299 = vector.shape_cast %get3A_298 : vector<1x128x64xf32> to vector<128x64xf32>
    %dot_general3A_300 = arith.constant dense<0.000000e+00> : vector<128x64xf32>
    %dot_general3A_301 = tpu.matmul %get3A_299, %add3A_294, %dot_general3A_300 {dimension_numbers = #tpu.dot_dimension_numbers<[1], [0], [0], [1], [0, 0, 1, 1], [], []>, transpose_lhs_hint = false} : vector<128x64xf32>, vector<64x64xf32>, vector<128x64xf32> -> vector<128x64xf32>
    %add3A_302 = arith.addf %add3A_275, %dot_general3A_301 : vector<128x64xf32>
    %slice3A_303 = vector.extract_strided_slice %dot_general3A_121 {offsets = [6, 0], sizes = [1, 64], strides = [1, 1]} : vector<64x64xf32> to vector<1x64xf32>
    %broadcast_in_dim3A_304 = vector.shape_cast %slice3A_303 : vector<1x64xf32> to vector<1x64xf32>
    %broadcast_in_dim3A_305 = vector.broadcast %broadcast_in_dim3A_304 : vector<1x64xf32> to vector<64x64xf32>
    %mul3A_306 = arith.mulf %dot_general3A_121, %broadcast_in_dim3A_305 : vector<64x64xf32>
    %slice3A_307 = vector.extract_strided_slice %dot_general3A_126 {offsets = [6, 0], sizes = [1, 64], strides = [1, 1]} : vector<64x64xf32> to vector<1x64xf32>
    %broadcast_in_dim3A_308 = vector.shape_cast %slice3A_307 : vector<1x64xf32> to vector<1x64xf32>
    %broadcast_in_dim3A_309 = vector.broadcast %broadcast_in_dim3A_308 : vector<1x64xf32> to vector<64x64xf32>
    %mul3A_310 = arith.mulf %dot_general3A_126, %broadcast_in_dim3A_309 : vector<64x64xf32>
    %add3A_311 = arith.addf %mul3A_306, %mul3A_310 : vector<64x64xf32>
    %slice3A_312 = vector.extract_strided_slice %dot_general3A_131 {offsets = [6, 0], sizes = [1, 64], strides = [1, 1]} : vector<64x64xf32> to vector<1x64xf32>
    %broadcast_in_dim3A_313 = vector.shape_cast %slice3A_312 : vector<1x64xf32> to vector<1x64xf32>
    %broadcast_in_dim3A_314 = vector.broadcast %broadcast_in_dim3A_313 : vector<1x64xf32> to vector<64x64xf32>
    %mul3A_315 = arith.mulf %dot_general3A_131, %broadcast_in_dim3A_314 : vector<64x64xf32>
    %add3A_316 = arith.addf %add3A_311, %mul3A_315 : vector<64x64xf32>
    %slice3A_317 = vector.extract_strided_slice %dot_general3A_136 {offsets = [6, 0], sizes = [1, 64], strides = [1, 1]} : vector<64x64xf32> to vector<1x64xf32>
    %broadcast_in_dim3A_318 = vector.shape_cast %slice3A_317 : vector<1x64xf32> to vector<1x64xf32>
    %broadcast_in_dim3A_319 = vector.broadcast %broadcast_in_dim3A_318 : vector<1x64xf32> to vector<64x64xf32>
    %mul3A_320 = arith.mulf %dot_general3A_136, %broadcast_in_dim3A_319 : vector<64x64xf32>
    %add3A_321 = arith.addf %add3A_316, %mul3A_320 : vector<64x64xf32>
    %get3A_322 = arith.constant 6 : index
    %get3A_323 = arith.constant 0 : index
    %get3A_324 = arith.constant 0 : index
    %get3A_325 = vector.load %arg14[%get3A_322, %get3A_323, %get3A_324] : memref<8x128x64xf32, #tpu.memory_space<vmem>>, vector<1x128x64xf32>
    %get3A_326 = vector.shape_cast %get3A_325 : vector<1x128x64xf32> to vector<128x64xf32>
    %dot_general3A_327 = arith.constant dense<0.000000e+00> : vector<128x64xf32>
    %dot_general3A_328 = tpu.matmul %get3A_326, %add3A_321, %dot_general3A_327 {dimension_numbers = #tpu.dot_dimension_numbers<[1], [0], [0], [1], [0, 0, 1, 1], [], []>, transpose_lhs_hint = false} : vector<128x64xf32>, vector<64x64xf32>, vector<128x64xf32> -> vector<128x64xf32>
    %add3A_329 = arith.addf %add3A_302, %dot_general3A_328 : vector<128x64xf32>
    %slice3A_330 = vector.extract_strided_slice %dot_general3A_121 {offsets = [7, 0], sizes = [1, 64], strides = [1, 1]} : vector<64x64xf32> to vector<1x64xf32>
    %broadcast_in_dim3A_331 = vector.shape_cast %slice3A_330 : vector<1x64xf32> to vector<1x64xf32>
    %broadcast_in_dim3A_332 = vector.broadcast %broadcast_in_dim3A_331 : vector<1x64xf32> to vector<64x64xf32>
    %mul3A_333 = arith.mulf %dot_general3A_121, %broadcast_in_dim3A_332 : vector<64x64xf32>
    %slice3A_334 = vector.extract_strided_slice %dot_general3A_126 {offsets = [7, 0], sizes = [1, 64], strides = [1, 1]} : vector<64x64xf32> to vector<1x64xf32>
    %broadcast_in_dim3A_335 = vector.shape_cast %slice3A_334 : vector<1x64xf32> to vector<1x64xf32>
    %broadcast_in_dim3A_336 = vector.broadcast %broadcast_in_dim3A_335 : vector<1x64xf32> to vector<64x64xf32>
    %mul3A_337 = arith.mulf %dot_general3A_126, %broadcast_in_dim3A_336 : vector<64x64xf32>
    %add3A_338 = arith.addf %mul3A_333, %mul3A_337 : vector<64x64xf32>
    %slice3A_339 = vector.extract_strided_slice %dot_general3A_131 {offsets = [7, 0], sizes = [1, 64], strides = [1, 1]} : vector<64x64xf32> to vector<1x64xf32>
    %broadcast_in_dim3A_340 = vector.shape_cast %slice3A_339 : vector<1x64xf32> to vector<1x64xf32>
    %broadcast_in_dim3A_341 = vector.broadcast %broadcast_in_dim3A_340 : vector<1x64xf32> to vector<64x64xf32>
    %mul3A_342 = arith.mulf %dot_general3A_131, %broadcast_in_dim3A_341 : vector<64x64xf32>
    %add3A_343 = arith.addf %add3A_338, %mul3A_342 : vector<64x64xf32>
    %slice3A_344 = vector.extract_strided_slice %dot_general3A_136 {offsets = [7, 0], sizes = [1, 64], strides = [1, 1]} : vector<64x64xf32> to vector<1x64xf32>
    %broadcast_in_dim3A_345 = vector.shape_cast %slice3A_344 : vector<1x64xf32> to vector<1x64xf32>
    %broadcast_in_dim3A_346 = vector.broadcast %broadcast_in_dim3A_345 : vector<1x64xf32> to vector<64x64xf32>
    %mul3A_347 = arith.mulf %dot_general3A_136, %broadcast_in_dim3A_346 : vector<64x64xf32>
    %add3A_348 = arith.addf %add3A_343, %mul3A_347 : vector<64x64xf32>
    %get3A_349 = arith.constant 7 : index
    %get3A_350 = arith.constant 0 : index
    %get3A_351 = arith.constant 0 : index
    %get3A_352 = vector.load %arg14[%get3A_349, %get3A_350, %get3A_351] : memref<8x128x64xf32, #tpu.memory_space<vmem>>, vector<1x128x64xf32>
    %get3A_353 = vector.shape_cast %get3A_352 : vector<1x128x64xf32> to vector<128x64xf32>
    %dot_general3A_354 = arith.constant dense<0.000000e+00> : vector<128x64xf32>
    %dot_general3A_355 = tpu.matmul %get3A_353, %add3A_348, %dot_general3A_354 {dimension_numbers = #tpu.dot_dimension_numbers<[1], [0], [0], [1], [0, 0, 1, 1], [], []>, transpose_lhs_hint = false} : vector<128x64xf32>, vector<64x64xf32>, vector<128x64xf32> -> vector<128x64xf32>
    %add3A_356 = arith.addf %add3A_329, %dot_general3A_355 : vector<128x64xf32>
    %tanh3A_357 = math.tanh %add3A_356 : vector<128x64xf32>
    %get3A_358 = arith.constant 0 : index
    %get3A_359 = arith.constant 0 : index
    %get3A_360 = vector.load %arg17[%get3A_358, %get3A_359] : memref<128x128xf32, #tpu.memory_space<vmem>>, vector<128x128xf32>
    %dot_general3A_361 = arith.constant dense<0.000000e+00> : vector<128x64xf32>
    %dot_general3A_362 = tpu.matmul %get3A_360, %tanh3A_357, %dot_general3A_361 {dimension_numbers = #tpu.dot_dimension_numbers<[1], [0], [0], [1], [0, 0, 1, 1], [], []>, transpose_lhs_hint = false} : vector<128x128xf32>, vector<128x64xf32>, vector<128x64xf32> -> vector<128x64xf32>
    %get3A_363 = arith.constant 0 : index
    %get3A_364 = arith.constant 0 : index
    %get3A_365 = vector.load %arg18[%get3A_363, %get3A_364] : memref<128x1xf32, #tpu.memory_space<vmem>>, vector<128x1xf32>
    %broadcast_in_dim3A_366 = vector.shape_cast %get3A_365 : vector<128x1xf32> to vector<128x1xf32>
    %broadcast_in_dim3A_367 = vector.broadcast %broadcast_in_dim3A_366 : vector<128x1xf32> to vector<128x64xf32>
    %add3A_368 = arith.addf %dot_general3A_362, %broadcast_in_dim3A_367 : vector<128x64xf32>
    %tanh3A_369 = math.tanh %add3A_368 : vector<128x64xf32>
    %get3A_370 = arith.constant 0 : index
    %get3A_371 = arith.constant 0 : index
    %get3A_372 = vector.load %arg19[%get3A_370, %get3A_371] : memref<128x1xf32, #tpu.memory_space<vmem>>, vector<128x1xf32>
    %broadcast_in_dim3A_373 = vector.shape_cast %get3A_372 : vector<128x1xf32> to vector<128x1xf32>
    %broadcast_in_dim3A_374 = vector.broadcast %broadcast_in_dim3A_373 : vector<128x1xf32> to vector<128x64xf32>
    %mul3A_375 = arith.mulf %tanh3A_369, %broadcast_in_dim3A_374 : vector<128x64xf32>
    %reduce_sum3A = arith.constant dense<0.000000e+00> : vector<64xf32>
    %reduce_sum3A_376 = vector.multi_reduction <add>, %mul3A_375, %reduce_sum3A [0] : vector<128x64xf32> to vector<64xf32>
    %broadcast_in_dim3A_377 = vector.shape_cast %reduce_sum3A_376 : vector<64xf32> to vector<1x64xf32>
    %get3A_378 = arith.constant 0 : index
    %get3A_379 = arith.constant 0 : index
    %get3A_380 = vector.load %arg20[%get3A_378, %get3A_379] : memref<1x2xf32, #tpu.memory_space<vmem>>, vector<1x1xf32>
    %get3A_381 = vector.extract %get3A_380[0, 0] : f32 from vector<1x1xf32>
    %get3A_382 = arith.constant 0 : index
    %get3A_383 = arith.constant 1 : index
    %get3A_384 = vector.load %arg20[%get3A_382, %get3A_383] : memref<1x2xf32, #tpu.memory_space<vmem>>, vector<1x1xf32>
    %get3A_385 = vector.extract %get3A_384[0, 0] : f32 from vector<1x1xf32>
    %get3A_386 = arith.constant 0 : index
    %get3A_387 = arith.constant 0 : index
    %get3A_388 = arith.constant 0 : index
    %get3A_389 = vector.load %arg4[%get3A_386, %get3A_387, %get3A_388] : memref<1x1x64xi32, #tpu.memory_space<vmem>>, vector<1x1x64xi32>
    %get3A_390 = vector.shape_cast %get3A_389 : vector<1x1x64xi32> to vector<1x64xi32>
    %eq3A = arith.constant 0 : i32
    %eq3A_391 = vector.broadcast %eq3A : i32 to vector<1x64xi32>
    %eq3A_392 = arith.cmpi eq, %get3A_390, %eq3A_391 : vector<1x64xi32>
    %broadcast_in_dim3A_393 = vector.broadcast %get3A_381 : f32 to vector<1x64xf32>
    %broadcast_in_dim3A_394 = vector.broadcast %get3A_385 : f32 to vector<1x64xf32>
    %select_n3A_395 = arith.select %eq3A_392, %broadcast_in_dim3A_393, %broadcast_in_dim3A_394 : vector<1x64xi1>, vector<1x64xf32>
    %add3A_396 = arith.addf %broadcast_in_dim3A_377, %select_n3A_395 : vector<1x64xf32>
    %jit3A_397 = arith.constant 0.000000e+00 : f32
    %broadcast_in_dim3A_398 = vector.broadcast %jit3A_397 : f32 to vector<1x64xf32>
    %select_n3A_399 = arith.select %lt3A_34, %add3A_396, %broadcast_in_dim3A_398 : vector<1x64xi1>, vector<1x64xf32>
    %reduce_sum3A_400 = vector.shape_cast %select_n3A_399 : vector<1x64xf32> to vector<1x1x64xf32>
    %reduce_sum3A_401 = arith.constant dense<0.000000e+00> : vector<1xf32>
    %reduce_sum3A_402 = vector.multi_reduction <add>, %reduce_sum3A_400, %reduce_sum3A_401 [1, 2] : vector<1x1x64xf32> to vector<1xf32>
    %reduce_sum3A_403 = vector.shape_cast %reduce_sum3A_402 : vector<1xf32> to vector<1x1x1xf32>
    %reduce_sum3A_404 = vector.extract %reduce_sum3A_403[0, 0, 0] : f32 from vector<1x1x1xf32>
    %mul3A_405 = arith.mulf %tanh3A_369, %tanh3A_369 : vector<128x64xf32>
    %sub3A_406 = arith.constant 1.000000e+00 : f32
    %sub3A_407 = vector.broadcast %sub3A_406 : f32 to vector<128x64xf32>
    %sub3A_408 = arith.subf %sub3A_407, %mul3A_405 : vector<128x64xf32>
    %mul3A_409 = arith.mulf %sub3A_408, %broadcast_in_dim3A_374 : vector<128x64xf32>
    %get3A_410 = arith.constant 0 : index
    %get3A_411 = arith.constant 0 : index
    %get3A_412 = vector.load %arg16[%get3A_410, %get3A_411] : memref<128x128xf32, #tpu.memory_space<vmem>>, vector<128x128xf32>
    %dot_general3A_413 = arith.constant dense<0.000000e+00> : vector<128x64xf32>
    %dot_general3A_414 = tpu.matmul %get3A_412, %mul3A_409, %dot_general3A_413 {dimension_numbers = #tpu.dot_dimension_numbers<[1], [0], [0], [1], [0, 0, 1, 1], [], []>, transpose_lhs_hint = false} : vector<128x128xf32>, vector<128x64xf32>, vector<128x64xf32> -> vector<128x64xf32>
    %mul3A_415 = arith.mulf %tanh3A_357, %tanh3A_357 : vector<128x64xf32>
    %sub3A_416 = arith.constant 1.000000e+00 : f32
    %sub3A_417 = vector.broadcast %sub3A_416 : f32 to vector<128x64xf32>
    %sub3A_418 = arith.subf %sub3A_417, %mul3A_415 : vector<128x64xf32>
    %mul3A_419 = arith.mulf %dot_general3A_414, %sub3A_418 : vector<128x64xf32>
    %get3A_420 = arith.constant 0 : index
    %get3A_421 = arith.constant 0 : index
    %get3A_422 = arith.constant 0 : index
    %get3A_423 = vector.load %arg13[%get3A_420, %get3A_421, %get3A_422] : memref<8x64x128xf32, #tpu.memory_space<vmem>>, vector<1x64x128xf32>
    %get3A_424 = vector.shape_cast %get3A_423 : vector<1x64x128xf32> to vector<64x128xf32>
    %dot_general3A_425 = arith.constant dense<0.000000e+00> : vector<64x64xf32>
    %dot_general3A_426 = tpu.matmul %get3A_424, %mul3A_419, %dot_general3A_425 {dimension_numbers = #tpu.dot_dimension_numbers<[1], [0], [0], [1], [0, 0, 1, 1], [], []>, transpose_lhs_hint = false} : vector<64x128xf32>, vector<128x64xf32>, vector<64x64xf32> -> vector<64x64xf32>
    %get3A_427 = arith.constant 1 : index
    %get3A_428 = arith.constant 0 : index
    %get3A_429 = arith.constant 0 : index
    %get3A_430 = vector.load %arg13[%get3A_427, %get3A_428, %get3A_429] : memref<8x64x128xf32, #tpu.memory_space<vmem>>, vector<1x64x128xf32>
    %get3A_431 = vector.shape_cast %get3A_430 : vector<1x64x128xf32> to vector<64x128xf32>
    %dot_general3A_432 = arith.constant dense<0.000000e+00> : vector<64x64xf32>
    %dot_general3A_433 = tpu.matmul %get3A_431, %mul3A_419, %dot_general3A_432 {dimension_numbers = #tpu.dot_dimension_numbers<[1], [0], [0], [1], [0, 0, 1, 1], [], []>, transpose_lhs_hint = false} : vector<64x128xf32>, vector<128x64xf32>, vector<64x64xf32> -> vector<64x64xf32>
    %get3A_434 = arith.constant 2 : index
    %get3A_435 = arith.constant 0 : index
    %get3A_436 = arith.constant 0 : index
    %get3A_437 = vector.load %arg13[%get3A_434, %get3A_435, %get3A_436] : memref<8x64x128xf32, #tpu.memory_space<vmem>>, vector<1x64x128xf32>
    %get3A_438 = vector.shape_cast %get3A_437 : vector<1x64x128xf32> to vector<64x128xf32>
    %dot_general3A_439 = arith.constant dense<0.000000e+00> : vector<64x64xf32>
    %dot_general3A_440 = tpu.matmul %get3A_438, %mul3A_419, %dot_general3A_439 {dimension_numbers = #tpu.dot_dimension_numbers<[1], [0], [0], [1], [0, 0, 1, 1], [], []>, transpose_lhs_hint = false} : vector<64x128xf32>, vector<128x64xf32>, vector<64x64xf32> -> vector<64x64xf32>
    %get3A_441 = arith.constant 3 : index
    %get3A_442 = arith.constant 0 : index
    %get3A_443 = arith.constant 0 : index
    %get3A_444 = vector.load %arg13[%get3A_441, %get3A_442, %get3A_443] : memref<8x64x128xf32, #tpu.memory_space<vmem>>, vector<1x64x128xf32>
    %get3A_445 = vector.shape_cast %get3A_444 : vector<1x64x128xf32> to vector<64x128xf32>
    %dot_general3A_446 = arith.constant dense<0.000000e+00> : vector<64x64xf32>
    %dot_general3A_447 = tpu.matmul %get3A_445, %mul3A_419, %dot_general3A_446 {dimension_numbers = #tpu.dot_dimension_numbers<[1], [0], [0], [1], [0, 0, 1, 1], [], []>, transpose_lhs_hint = false} : vector<64x128xf32>, vector<128x64xf32>, vector<64x64xf32> -> vector<64x64xf32>
    %get3A_448 = arith.constant 4 : index
    %get3A_449 = arith.constant 0 : index
    %get3A_450 = arith.constant 0 : index
    %get3A_451 = vector.load %arg13[%get3A_448, %get3A_449, %get3A_450] : memref<8x64x128xf32, #tpu.memory_space<vmem>>, vector<1x64x128xf32>
    %get3A_452 = vector.shape_cast %get3A_451 : vector<1x64x128xf32> to vector<64x128xf32>
    %dot_general3A_453 = arith.constant dense<0.000000e+00> : vector<64x64xf32>
    %dot_general3A_454 = tpu.matmul %get3A_452, %mul3A_419, %dot_general3A_453 {dimension_numbers = #tpu.dot_dimension_numbers<[1], [0], [0], [1], [0, 0, 1, 1], [], []>, transpose_lhs_hint = false} : vector<64x128xf32>, vector<128x64xf32>, vector<64x64xf32> -> vector<64x64xf32>
    %get3A_455 = arith.constant 5 : index
    %get3A_456 = arith.constant 0 : index
    %get3A_457 = arith.constant 0 : index
    %get3A_458 = vector.load %arg13[%get3A_455, %get3A_456, %get3A_457] : memref<8x64x128xf32, #tpu.memory_space<vmem>>, vector<1x64x128xf32>
    %get3A_459 = vector.shape_cast %get3A_458 : vector<1x64x128xf32> to vector<64x128xf32>
    %dot_general3A_460 = arith.constant dense<0.000000e+00> : vector<64x64xf32>
    %dot_general3A_461 = tpu.matmul %get3A_459, %mul3A_419, %dot_general3A_460 {dimension_numbers = #tpu.dot_dimension_numbers<[1], [0], [0], [1], [0, 0, 1, 1], [], []>, transpose_lhs_hint = false} : vector<64x128xf32>, vector<128x64xf32>, vector<64x64xf32> -> vector<64x64xf32>
    %get3A_462 = arith.constant 6 : index
    %get3A_463 = arith.constant 0 : index
    %get3A_464 = arith.constant 0 : index
    %get3A_465 = vector.load %arg13[%get3A_462, %get3A_463, %get3A_464] : memref<8x64x128xf32, #tpu.memory_space<vmem>>, vector<1x64x128xf32>
    %get3A_466 = vector.shape_cast %get3A_465 : vector<1x64x128xf32> to vector<64x128xf32>
    %dot_general3A_467 = arith.constant dense<0.000000e+00> : vector<64x64xf32>
    %dot_general3A_468 = tpu.matmul %get3A_466, %mul3A_419, %dot_general3A_467 {dimension_numbers = #tpu.dot_dimension_numbers<[1], [0], [0], [1], [0, 0, 1, 1], [], []>, transpose_lhs_hint = false} : vector<64x128xf32>, vector<128x64xf32>, vector<64x64xf32> -> vector<64x64xf32>
    %get3A_469 = arith.constant 7 : index
    %get3A_470 = arith.constant 0 : index
    %get3A_471 = arith.constant 0 : index
    %get3A_472 = vector.load %arg13[%get3A_469, %get3A_470, %get3A_471] : memref<8x64x128xf32, #tpu.memory_space<vmem>>, vector<1x64x128xf32>
    %get3A_473 = vector.shape_cast %get3A_472 : vector<1x64x128xf32> to vector<64x128xf32>
    %dot_general3A_474 = arith.constant dense<0.000000e+00> : vector<64x64xf32>
    %dot_general3A_475 = tpu.matmul %get3A_473, %mul3A_419, %dot_general3A_474 {dimension_numbers = #tpu.dot_dimension_numbers<[1], [0], [0], [1], [0, 0, 1, 1], [], []>, transpose_lhs_hint = false} : vector<64x128xf32>, vector<128x64xf32>, vector<64x64xf32> -> vector<64x64xf32>
    %slice3A_476 = vector.extract_strided_slice %dot_general3A_121 {offsets = [0, 0], sizes = [1, 64], strides = [1, 1]} : vector<64x64xf32> to vector<1x64xf32>
    %broadcast_in_dim3A_477 = vector.shape_cast %slice3A_476 : vector<1x64xf32> to vector<1x64xf32>
    %broadcast_in_dim3A_478 = vector.broadcast %broadcast_in_dim3A_477 : vector<1x64xf32> to vector<64x64xf32>
    %mul3A_479 = arith.mulf %dot_general3A_426, %broadcast_in_dim3A_478 : vector<64x64xf32>
    %slice3A_480 = vector.extract_strided_slice %dot_general3A_121 {offsets = [1, 0], sizes = [1, 64], strides = [1, 1]} : vector<64x64xf32> to vector<1x64xf32>
    %broadcast_in_dim3A_481 = vector.shape_cast %slice3A_480 : vector<1x64xf32> to vector<1x64xf32>
    %broadcast_in_dim3A_482 = vector.broadcast %broadcast_in_dim3A_481 : vector<1x64xf32> to vector<64x64xf32>
    %mul3A_483 = arith.mulf %dot_general3A_433, %broadcast_in_dim3A_482 : vector<64x64xf32>
    %add3A_484 = arith.addf %mul3A_479, %mul3A_483 : vector<64x64xf32>
    %slice3A_485 = vector.extract_strided_slice %dot_general3A_121 {offsets = [2, 0], sizes = [1, 64], strides = [1, 1]} : vector<64x64xf32> to vector<1x64xf32>
    %broadcast_in_dim3A_486 = vector.shape_cast %slice3A_485 : vector<1x64xf32> to vector<1x64xf32>
    %broadcast_in_dim3A_487 = vector.broadcast %broadcast_in_dim3A_486 : vector<1x64xf32> to vector<64x64xf32>
    %mul3A_488 = arith.mulf %dot_general3A_440, %broadcast_in_dim3A_487 : vector<64x64xf32>
    %add3A_489 = arith.addf %add3A_484, %mul3A_488 : vector<64x64xf32>
    %slice3A_490 = vector.extract_strided_slice %dot_general3A_121 {offsets = [3, 0], sizes = [1, 64], strides = [1, 1]} : vector<64x64xf32> to vector<1x64xf32>
    %broadcast_in_dim3A_491 = vector.shape_cast %slice3A_490 : vector<1x64xf32> to vector<1x64xf32>
    %broadcast_in_dim3A_492 = vector.broadcast %broadcast_in_dim3A_491 : vector<1x64xf32> to vector<64x64xf32>
    %mul3A_493 = arith.mulf %dot_general3A_447, %broadcast_in_dim3A_492 : vector<64x64xf32>
    %add3A_494 = arith.addf %add3A_489, %mul3A_493 : vector<64x64xf32>
    %slice3A_495 = vector.extract_strided_slice %dot_general3A_121 {offsets = [4, 0], sizes = [1, 64], strides = [1, 1]} : vector<64x64xf32> to vector<1x64xf32>
    %broadcast_in_dim3A_496 = vector.shape_cast %slice3A_495 : vector<1x64xf32> to vector<1x64xf32>
    %broadcast_in_dim3A_497 = vector.broadcast %broadcast_in_dim3A_496 : vector<1x64xf32> to vector<64x64xf32>
    %mul3A_498 = arith.mulf %dot_general3A_454, %broadcast_in_dim3A_497 : vector<64x64xf32>
    %add3A_499 = arith.addf %add3A_494, %mul3A_498 : vector<64x64xf32>
    %slice3A_500 = vector.extract_strided_slice %dot_general3A_121 {offsets = [5, 0], sizes = [1, 64], strides = [1, 1]} : vector<64x64xf32> to vector<1x64xf32>
    %broadcast_in_dim3A_501 = vector.shape_cast %slice3A_500 : vector<1x64xf32> to vector<1x64xf32>
    %broadcast_in_dim3A_502 = vector.broadcast %broadcast_in_dim3A_501 : vector<1x64xf32> to vector<64x64xf32>
    %mul3A_503 = arith.mulf %dot_general3A_461, %broadcast_in_dim3A_502 : vector<64x64xf32>
    %add3A_504 = arith.addf %add3A_499, %mul3A_503 : vector<64x64xf32>
    %slice3A_505 = vector.extract_strided_slice %dot_general3A_121 {offsets = [6, 0], sizes = [1, 64], strides = [1, 1]} : vector<64x64xf32> to vector<1x64xf32>
    %broadcast_in_dim3A_506 = vector.shape_cast %slice3A_505 : vector<1x64xf32> to vector<1x64xf32>
    %broadcast_in_dim3A_507 = vector.broadcast %broadcast_in_dim3A_506 : vector<1x64xf32> to vector<64x64xf32>
    %mul3A_508 = arith.mulf %dot_general3A_468, %broadcast_in_dim3A_507 : vector<64x64xf32>
    %add3A_509 = arith.addf %add3A_504, %mul3A_508 : vector<64x64xf32>
    %slice3A_510 = vector.extract_strided_slice %dot_general3A_121 {offsets = [7, 0], sizes = [1, 64], strides = [1, 1]} : vector<64x64xf32> to vector<1x64xf32>
    %broadcast_in_dim3A_511 = vector.shape_cast %slice3A_510 : vector<1x64xf32> to vector<1x64xf32>
    %broadcast_in_dim3A_512 = vector.broadcast %broadcast_in_dim3A_511 : vector<1x64xf32> to vector<64x64xf32>
    %mul3A_513 = arith.mulf %dot_general3A_475, %broadcast_in_dim3A_512 : vector<64x64xf32>
    %add3A_514 = arith.addf %add3A_509, %mul3A_513 : vector<64x64xf32>
    %mul3A_515 = arith.mulf %dot_general3A_426, %dot_general3A_121 : vector<64x64xf32>
    %reduce_sum3A_516 = arith.constant dense<0.000000e+00> : vector<64xf32>
    %reduce_sum3A_517 = vector.multi_reduction <add>, %mul3A_515, %reduce_sum3A_516 [0] : vector<64x64xf32> to vector<64xf32>
    %broadcast_in_dim3A_518 = vector.shape_cast %reduce_sum3A_517 : vector<64xf32> to vector<1x64xf32>
    %mul3A_519 = arith.mulf %dot_general3A_433, %dot_general3A_121 : vector<64x64xf32>
    %reduce_sum3A_520 = arith.constant dense<0.000000e+00> : vector<64xf32>
    %reduce_sum3A_521 = vector.multi_reduction <add>, %mul3A_519, %reduce_sum3A_520 [0] : vector<64x64xf32> to vector<64xf32>
    %broadcast_in_dim3A_522 = vector.shape_cast %reduce_sum3A_521 : vector<64xf32> to vector<1x64xf32>
    %mul3A_523 = arith.mulf %dot_general3A_440, %dot_general3A_121 : vector<64x64xf32>
    %reduce_sum3A_524 = arith.constant dense<0.000000e+00> : vector<64xf32>
    %reduce_sum3A_525 = vector.multi_reduction <add>, %mul3A_523, %reduce_sum3A_524 [0] : vector<64x64xf32> to vector<64xf32>
    %broadcast_in_dim3A_526 = vector.shape_cast %reduce_sum3A_525 : vector<64xf32> to vector<1x64xf32>
    %mul3A_527 = arith.mulf %dot_general3A_447, %dot_general3A_121 : vector<64x64xf32>
    %reduce_sum3A_528 = arith.constant dense<0.000000e+00> : vector<64xf32>
    %reduce_sum3A_529 = vector.multi_reduction <add>, %mul3A_527, %reduce_sum3A_528 [0] : vector<64x64xf32> to vector<64xf32>
    %broadcast_in_dim3A_530 = vector.shape_cast %reduce_sum3A_529 : vector<64xf32> to vector<1x64xf32>
    %mul3A_531 = arith.mulf %dot_general3A_454, %dot_general3A_121 : vector<64x64xf32>
    %reduce_sum3A_532 = arith.constant dense<0.000000e+00> : vector<64xf32>
    %reduce_sum3A_533 = vector.multi_reduction <add>, %mul3A_531, %reduce_sum3A_532 [0] : vector<64x64xf32> to vector<64xf32>
    %broadcast_in_dim3A_534 = vector.shape_cast %reduce_sum3A_533 : vector<64xf32> to vector<1x64xf32>
    %mul3A_535 = arith.mulf %dot_general3A_461, %dot_general3A_121 : vector<64x64xf32>
    %reduce_sum3A_536 = arith.constant dense<0.000000e+00> : vector<64xf32>
    %reduce_sum3A_537 = vector.multi_reduction <add>, %mul3A_535, %reduce_sum3A_536 [0] : vector<64x64xf32> to vector<64xf32>
    %broadcast_in_dim3A_538 = vector.shape_cast %reduce_sum3A_537 : vector<64xf32> to vector<1x64xf32>
    %mul3A_539 = arith.mulf %dot_general3A_468, %dot_general3A_121 : vector<64x64xf32>
    %reduce_sum3A_540 = arith.constant dense<0.000000e+00> : vector<64xf32>
    %reduce_sum3A_541 = vector.multi_reduction <add>, %mul3A_539, %reduce_sum3A_540 [0] : vector<64x64xf32> to vector<64xf32>
    %broadcast_in_dim3A_542 = vector.shape_cast %reduce_sum3A_541 : vector<64xf32> to vector<1x64xf32>
    %mul3A_543 = arith.mulf %dot_general3A_475, %dot_general3A_121 : vector<64x64xf32>
    %reduce_sum3A_544 = arith.constant dense<0.000000e+00> : vector<64xf32>
    %reduce_sum3A_545 = vector.multi_reduction <add>, %mul3A_543, %reduce_sum3A_544 [0] : vector<64x64xf32> to vector<64xf32>
    %broadcast_in_dim3A_546 = vector.shape_cast %reduce_sum3A_545 : vector<64xf32> to vector<1x64xf32>
    %broadcast_in_dim3A_547 = arith.constant 0.000000e+00 : f32
    %broadcast_in_dim3A_548 = vector.broadcast %broadcast_in_dim3A_547 : f32 to vector<56x64xf32>
    %concatenate3A = tpu.concatenate %broadcast_in_dim3A_518, %broadcast_in_dim3A_522, %broadcast_in_dim3A_526, %broadcast_in_dim3A_530, %broadcast_in_dim3A_534, %broadcast_in_dim3A_538, %broadcast_in_dim3A_542, %broadcast_in_dim3A_546, %broadcast_in_dim3A_548 in 0 : vector<1x64xf32>, vector<1x64xf32>, vector<1x64xf32>, vector<1x64xf32>, vector<1x64xf32>, vector<1x64xf32>, vector<1x64xf32>, vector<1x64xf32>, vector<56x64xf32> -> vector<64x64xf32>
    %add3A_549 = arith.addf %add3A_514, %concatenate3A : vector<64x64xf32>
    %slice3A_550 = vector.extract_strided_slice %dot_general3A_126 {offsets = [0, 0], sizes = [1, 64], strides = [1, 1]} : vector<64x64xf32> to vector<1x64xf32>
    %broadcast_in_dim3A_551 = vector.shape_cast %slice3A_550 : vector<1x64xf32> to vector<1x64xf32>
    %broadcast_in_dim3A_552 = vector.broadcast %broadcast_in_dim3A_551 : vector<1x64xf32> to vector<64x64xf32>
    %mul3A_553 = arith.mulf %dot_general3A_426, %broadcast_in_dim3A_552 : vector<64x64xf32>
    %slice3A_554 = vector.extract_strided_slice %dot_general3A_126 {offsets = [1, 0], sizes = [1, 64], strides = [1, 1]} : vector<64x64xf32> to vector<1x64xf32>
    %broadcast_in_dim3A_555 = vector.shape_cast %slice3A_554 : vector<1x64xf32> to vector<1x64xf32>
    %broadcast_in_dim3A_556 = vector.broadcast %broadcast_in_dim3A_555 : vector<1x64xf32> to vector<64x64xf32>
    %mul3A_557 = arith.mulf %dot_general3A_433, %broadcast_in_dim3A_556 : vector<64x64xf32>
    %add3A_558 = arith.addf %mul3A_553, %mul3A_557 : vector<64x64xf32>
    %slice3A_559 = vector.extract_strided_slice %dot_general3A_126 {offsets = [2, 0], sizes = [1, 64], strides = [1, 1]} : vector<64x64xf32> to vector<1x64xf32>
    %broadcast_in_dim3A_560 = vector.shape_cast %slice3A_559 : vector<1x64xf32> to vector<1x64xf32>
    %broadcast_in_dim3A_561 = vector.broadcast %broadcast_in_dim3A_560 : vector<1x64xf32> to vector<64x64xf32>
    %mul3A_562 = arith.mulf %dot_general3A_440, %broadcast_in_dim3A_561 : vector<64x64xf32>
    %add3A_563 = arith.addf %add3A_558, %mul3A_562 : vector<64x64xf32>
    %slice3A_564 = vector.extract_strided_slice %dot_general3A_126 {offsets = [3, 0], sizes = [1, 64], strides = [1, 1]} : vector<64x64xf32> to vector<1x64xf32>
    %broadcast_in_dim3A_565 = vector.shape_cast %slice3A_564 : vector<1x64xf32> to vector<1x64xf32>
    %broadcast_in_dim3A_566 = vector.broadcast %broadcast_in_dim3A_565 : vector<1x64xf32> to vector<64x64xf32>
    %mul3A_567 = arith.mulf %dot_general3A_447, %broadcast_in_dim3A_566 : vector<64x64xf32>
    %add3A_568 = arith.addf %add3A_563, %mul3A_567 : vector<64x64xf32>
    %slice3A_569 = vector.extract_strided_slice %dot_general3A_126 {offsets = [4, 0], sizes = [1, 64], strides = [1, 1]} : vector<64x64xf32> to vector<1x64xf32>
    %broadcast_in_dim3A_570 = vector.shape_cast %slice3A_569 : vector<1x64xf32> to vector<1x64xf32>
    %broadcast_in_dim3A_571 = vector.broadcast %broadcast_in_dim3A_570 : vector<1x64xf32> to vector<64x64xf32>
    %mul3A_572 = arith.mulf %dot_general3A_454, %broadcast_in_dim3A_571 : vector<64x64xf32>
    %add3A_573 = arith.addf %add3A_568, %mul3A_572 : vector<64x64xf32>
    %slice3A_574 = vector.extract_strided_slice %dot_general3A_126 {offsets = [5, 0], sizes = [1, 64], strides = [1, 1]} : vector<64x64xf32> to vector<1x64xf32>
    %broadcast_in_dim3A_575 = vector.shape_cast %slice3A_574 : vector<1x64xf32> to vector<1x64xf32>
    %broadcast_in_dim3A_576 = vector.broadcast %broadcast_in_dim3A_575 : vector<1x64xf32> to vector<64x64xf32>
    %mul3A_577 = arith.mulf %dot_general3A_461, %broadcast_in_dim3A_576 : vector<64x64xf32>
    %add3A_578 = arith.addf %add3A_573, %mul3A_577 : vector<64x64xf32>
    %slice3A_579 = vector.extract_strided_slice %dot_general3A_126 {offsets = [6, 0], sizes = [1, 64], strides = [1, 1]} : vector<64x64xf32> to vector<1x64xf32>
    %broadcast_in_dim3A_580 = vector.shape_cast %slice3A_579 : vector<1x64xf32> to vector<1x64xf32>
    %broadcast_in_dim3A_581 = vector.broadcast %broadcast_in_dim3A_580 : vector<1x64xf32> to vector<64x64xf32>
    %mul3A_582 = arith.mulf %dot_general3A_468, %broadcast_in_dim3A_581 : vector<64x64xf32>
    %add3A_583 = arith.addf %add3A_578, %mul3A_582 : vector<64x64xf32>
    %slice3A_584 = vector.extract_strided_slice %dot_general3A_126 {offsets = [7, 0], sizes = [1, 64], strides = [1, 1]} : vector<64x64xf32> to vector<1x64xf32>
    %broadcast_in_dim3A_585 = vector.shape_cast %slice3A_584 : vector<1x64xf32> to vector<1x64xf32>
    %broadcast_in_dim3A_586 = vector.broadcast %broadcast_in_dim3A_585 : vector<1x64xf32> to vector<64x64xf32>
    %mul3A_587 = arith.mulf %dot_general3A_475, %broadcast_in_dim3A_586 : vector<64x64xf32>
    %add3A_588 = arith.addf %add3A_583, %mul3A_587 : vector<64x64xf32>
    %mul3A_589 = arith.mulf %dot_general3A_426, %dot_general3A_126 : vector<64x64xf32>
    %reduce_sum3A_590 = arith.constant dense<0.000000e+00> : vector<64xf32>
    %reduce_sum3A_591 = vector.multi_reduction <add>, %mul3A_589, %reduce_sum3A_590 [0] : vector<64x64xf32> to vector<64xf32>
    %broadcast_in_dim3A_592 = vector.shape_cast %reduce_sum3A_591 : vector<64xf32> to vector<1x64xf32>
    %mul3A_593 = arith.mulf %dot_general3A_433, %dot_general3A_126 : vector<64x64xf32>
    %reduce_sum3A_594 = arith.constant dense<0.000000e+00> : vector<64xf32>
    %reduce_sum3A_595 = vector.multi_reduction <add>, %mul3A_593, %reduce_sum3A_594 [0] : vector<64x64xf32> to vector<64xf32>
    %broadcast_in_dim3A_596 = vector.shape_cast %reduce_sum3A_595 : vector<64xf32> to vector<1x64xf32>
    %mul3A_597 = arith.mulf %dot_general3A_440, %dot_general3A_126 : vector<64x64xf32>
    %reduce_sum3A_598 = arith.constant dense<0.000000e+00> : vector<64xf32>
    %reduce_sum3A_599 = vector.multi_reduction <add>, %mul3A_597, %reduce_sum3A_598 [0] : vector<64x64xf32> to vector<64xf32>
    %broadcast_in_dim3A_600 = vector.shape_cast %reduce_sum3A_599 : vector<64xf32> to vector<1x64xf32>
    %mul3A_601 = arith.mulf %dot_general3A_447, %dot_general3A_126 : vector<64x64xf32>
    %reduce_sum3A_602 = arith.constant dense<0.000000e+00> : vector<64xf32>
    %reduce_sum3A_603 = vector.multi_reduction <add>, %mul3A_601, %reduce_sum3A_602 [0] : vector<64x64xf32> to vector<64xf32>
    %broadcast_in_dim3A_604 = vector.shape_cast %reduce_sum3A_603 : vector<64xf32> to vector<1x64xf32>
    %mul3A_605 = arith.mulf %dot_general3A_454, %dot_general3A_126 : vector<64x64xf32>
    %reduce_sum3A_606 = arith.constant dense<0.000000e+00> : vector<64xf32>
    %reduce_sum3A_607 = vector.multi_reduction <add>, %mul3A_605, %reduce_sum3A_606 [0] : vector<64x64xf32> to vector<64xf32>
    %broadcast_in_dim3A_608 = vector.shape_cast %reduce_sum3A_607 : vector<64xf32> to vector<1x64xf32>
    %mul3A_609 = arith.mulf %dot_general3A_461, %dot_general3A_126 : vector<64x64xf32>
    %reduce_sum3A_610 = arith.constant dense<0.000000e+00> : vector<64xf32>
    %reduce_sum3A_611 = vector.multi_reduction <add>, %mul3A_609, %reduce_sum3A_610 [0] : vector<64x64xf32> to vector<64xf32>
    %broadcast_in_dim3A_612 = vector.shape_cast %reduce_sum3A_611 : vector<64xf32> to vector<1x64xf32>
    %mul3A_613 = arith.mulf %dot_general3A_468, %dot_general3A_126 : vector<64x64xf32>
    %reduce_sum3A_614 = arith.constant dense<0.000000e+00> : vector<64xf32>
    %reduce_sum3A_615 = vector.multi_reduction <add>, %mul3A_613, %reduce_sum3A_614 [0] : vector<64x64xf32> to vector<64xf32>
    %broadcast_in_dim3A_616 = vector.shape_cast %reduce_sum3A_615 : vector<64xf32> to vector<1x64xf32>
    %mul3A_617 = arith.mulf %dot_general3A_475, %dot_general3A_126 : vector<64x64xf32>
    %reduce_sum3A_618 = arith.constant dense<0.000000e+00> : vector<64xf32>
    %reduce_sum3A_619 = vector.multi_reduction <add>, %mul3A_617, %reduce_sum3A_618 [0] : vector<64x64xf32> to vector<64xf32>
    %broadcast_in_dim3A_620 = vector.shape_cast %reduce_sum3A_619 : vector<64xf32> to vector<1x64xf32>
    %broadcast_in_dim3A_621 = arith.constant 0.000000e+00 : f32
    %broadcast_in_dim3A_622 = vector.broadcast %broadcast_in_dim3A_621 : f32 to vector<56x64xf32>
    %concatenate3A_623 = tpu.concatenate %broadcast_in_dim3A_592, %broadcast_in_dim3A_596, %broadcast_in_dim3A_600, %broadcast_in_dim3A_604, %broadcast_in_dim3A_608, %broadcast_in_dim3A_612, %broadcast_in_dim3A_616, %broadcast_in_dim3A_620, %broadcast_in_dim3A_622 in 0 : vector<1x64xf32>, vector<1x64xf32>, vector<1x64xf32>, vector<1x64xf32>, vector<1x64xf32>, vector<1x64xf32>, vector<1x64xf32>, vector<1x64xf32>, vector<56x64xf32> -> vector<64x64xf32>
    %add3A_624 = arith.addf %add3A_588, %concatenate3A_623 : vector<64x64xf32>
    %slice3A_625 = vector.extract_strided_slice %dot_general3A_131 {offsets = [0, 0], sizes = [1, 64], strides = [1, 1]} : vector<64x64xf32> to vector<1x64xf32>
    %broadcast_in_dim3A_626 = vector.shape_cast %slice3A_625 : vector<1x64xf32> to vector<1x64xf32>
    %broadcast_in_dim3A_627 = vector.broadcast %broadcast_in_dim3A_626 : vector<1x64xf32> to vector<64x64xf32>
    %mul3A_628 = arith.mulf %dot_general3A_426, %broadcast_in_dim3A_627 : vector<64x64xf32>
    %slice3A_629 = vector.extract_strided_slice %dot_general3A_131 {offsets = [1, 0], sizes = [1, 64], strides = [1, 1]} : vector<64x64xf32> to vector<1x64xf32>
    %broadcast_in_dim3A_630 = vector.shape_cast %slice3A_629 : vector<1x64xf32> to vector<1x64xf32>
    %broadcast_in_dim3A_631 = vector.broadcast %broadcast_in_dim3A_630 : vector<1x64xf32> to vector<64x64xf32>
    %mul3A_632 = arith.mulf %dot_general3A_433, %broadcast_in_dim3A_631 : vector<64x64xf32>
    %add3A_633 = arith.addf %mul3A_628, %mul3A_632 : vector<64x64xf32>
    %slice3A_634 = vector.extract_strided_slice %dot_general3A_131 {offsets = [2, 0], sizes = [1, 64], strides = [1, 1]} : vector<64x64xf32> to vector<1x64xf32>
    %broadcast_in_dim3A_635 = vector.shape_cast %slice3A_634 : vector<1x64xf32> to vector<1x64xf32>
    %broadcast_in_dim3A_636 = vector.broadcast %broadcast_in_dim3A_635 : vector<1x64xf32> to vector<64x64xf32>
    %mul3A_637 = arith.mulf %dot_general3A_440, %broadcast_in_dim3A_636 : vector<64x64xf32>
    %add3A_638 = arith.addf %add3A_633, %mul3A_637 : vector<64x64xf32>
    %slice3A_639 = vector.extract_strided_slice %dot_general3A_131 {offsets = [3, 0], sizes = [1, 64], strides = [1, 1]} : vector<64x64xf32> to vector<1x64xf32>
    %broadcast_in_dim3A_640 = vector.shape_cast %slice3A_639 : vector<1x64xf32> to vector<1x64xf32>
    %broadcast_in_dim3A_641 = vector.broadcast %broadcast_in_dim3A_640 : vector<1x64xf32> to vector<64x64xf32>
    %mul3A_642 = arith.mulf %dot_general3A_447, %broadcast_in_dim3A_641 : vector<64x64xf32>
    %add3A_643 = arith.addf %add3A_638, %mul3A_642 : vector<64x64xf32>
    %slice3A_644 = vector.extract_strided_slice %dot_general3A_131 {offsets = [4, 0], sizes = [1, 64], strides = [1, 1]} : vector<64x64xf32> to vector<1x64xf32>
    %broadcast_in_dim3A_645 = vector.shape_cast %slice3A_644 : vector<1x64xf32> to vector<1x64xf32>
    %broadcast_in_dim3A_646 = vector.broadcast %broadcast_in_dim3A_645 : vector<1x64xf32> to vector<64x64xf32>
    %mul3A_647 = arith.mulf %dot_general3A_454, %broadcast_in_dim3A_646 : vector<64x64xf32>
    %add3A_648 = arith.addf %add3A_643, %mul3A_647 : vector<64x64xf32>
    %slice3A_649 = vector.extract_strided_slice %dot_general3A_131 {offsets = [5, 0], sizes = [1, 64], strides = [1, 1]} : vector<64x64xf32> to vector<1x64xf32>
    %broadcast_in_dim3A_650 = vector.shape_cast %slice3A_649 : vector<1x64xf32> to vector<1x64xf32>
    %broadcast_in_dim3A_651 = vector.broadcast %broadcast_in_dim3A_650 : vector<1x64xf32> to vector<64x64xf32>
    %mul3A_652 = arith.mulf %dot_general3A_461, %broadcast_in_dim3A_651 : vector<64x64xf32>
    %add3A_653 = arith.addf %add3A_648, %mul3A_652 : vector<64x64xf32>
    %slice3A_654 = vector.extract_strided_slice %dot_general3A_131 {offsets = [6, 0], sizes = [1, 64], strides = [1, 1]} : vector<64x64xf32> to vector<1x64xf32>
    %broadcast_in_dim3A_655 = vector.shape_cast %slice3A_654 : vector<1x64xf32> to vector<1x64xf32>
    %broadcast_in_dim3A_656 = vector.broadcast %broadcast_in_dim3A_655 : vector<1x64xf32> to vector<64x64xf32>
    %mul3A_657 = arith.mulf %dot_general3A_468, %broadcast_in_dim3A_656 : vector<64x64xf32>
    %add3A_658 = arith.addf %add3A_653, %mul3A_657 : vector<64x64xf32>
    %slice3A_659 = vector.extract_strided_slice %dot_general3A_131 {offsets = [7, 0], sizes = [1, 64], strides = [1, 1]} : vector<64x64xf32> to vector<1x64xf32>
    %broadcast_in_dim3A_660 = vector.shape_cast %slice3A_659 : vector<1x64xf32> to vector<1x64xf32>
    %broadcast_in_dim3A_661 = vector.broadcast %broadcast_in_dim3A_660 : vector<1x64xf32> to vector<64x64xf32>
    %mul3A_662 = arith.mulf %dot_general3A_475, %broadcast_in_dim3A_661 : vector<64x64xf32>
    %add3A_663 = arith.addf %add3A_658, %mul3A_662 : vector<64x64xf32>
    %mul3A_664 = arith.mulf %dot_general3A_426, %dot_general3A_131 : vector<64x64xf32>
    %reduce_sum3A_665 = arith.constant dense<0.000000e+00> : vector<64xf32>
    %reduce_sum3A_666 = vector.multi_reduction <add>, %mul3A_664, %reduce_sum3A_665 [0] : vector<64x64xf32> to vector<64xf32>
    %broadcast_in_dim3A_667 = vector.shape_cast %reduce_sum3A_666 : vector<64xf32> to vector<1x64xf32>
    %mul3A_668 = arith.mulf %dot_general3A_433, %dot_general3A_131 : vector<64x64xf32>
    %reduce_sum3A_669 = arith.constant dense<0.000000e+00> : vector<64xf32>
    %reduce_sum3A_670 = vector.multi_reduction <add>, %mul3A_668, %reduce_sum3A_669 [0] : vector<64x64xf32> to vector<64xf32>
    %broadcast_in_dim3A_671 = vector.shape_cast %reduce_sum3A_670 : vector<64xf32> to vector<1x64xf32>
    %mul3A_672 = arith.mulf %dot_general3A_440, %dot_general3A_131 : vector<64x64xf32>
    %reduce_sum3A_673 = arith.constant dense<0.000000e+00> : vector<64xf32>
    %reduce_sum3A_674 = vector.multi_reduction <add>, %mul3A_672, %reduce_sum3A_673 [0] : vector<64x64xf32> to vector<64xf32>
    %broadcast_in_dim3A_675 = vector.shape_cast %reduce_sum3A_674 : vector<64xf32> to vector<1x64xf32>
    %mul3A_676 = arith.mulf %dot_general3A_447, %dot_general3A_131 : vector<64x64xf32>
    %reduce_sum3A_677 = arith.constant dense<0.000000e+00> : vector<64xf32>
    %reduce_sum3A_678 = vector.multi_reduction <add>, %mul3A_676, %reduce_sum3A_677 [0] : vector<64x64xf32> to vector<64xf32>
    %broadcast_in_dim3A_679 = vector.shape_cast %reduce_sum3A_678 : vector<64xf32> to vector<1x64xf32>
    %mul3A_680 = arith.mulf %dot_general3A_454, %dot_general3A_131 : vector<64x64xf32>
    %reduce_sum3A_681 = arith.constant dense<0.000000e+00> : vector<64xf32>
    %reduce_sum3A_682 = vector.multi_reduction <add>, %mul3A_680, %reduce_sum3A_681 [0] : vector<64x64xf32> to vector<64xf32>
    %broadcast_in_dim3A_683 = vector.shape_cast %reduce_sum3A_682 : vector<64xf32> to vector<1x64xf32>
    %mul3A_684 = arith.mulf %dot_general3A_461, %dot_general3A_131 : vector<64x64xf32>
    %reduce_sum3A_685 = arith.constant dense<0.000000e+00> : vector<64xf32>
    %reduce_sum3A_686 = vector.multi_reduction <add>, %mul3A_684, %reduce_sum3A_685 [0] : vector<64x64xf32> to vector<64xf32>
    %broadcast_in_dim3A_687 = vector.shape_cast %reduce_sum3A_686 : vector<64xf32> to vector<1x64xf32>
    %mul3A_688 = arith.mulf %dot_general3A_468, %dot_general3A_131 : vector<64x64xf32>
    %reduce_sum3A_689 = arith.constant dense<0.000000e+00> : vector<64xf32>
    %reduce_sum3A_690 = vector.multi_reduction <add>, %mul3A_688, %reduce_sum3A_689 [0] : vector<64x64xf32> to vector<64xf32>
    %broadcast_in_dim3A_691 = vector.shape_cast %reduce_sum3A_690 : vector<64xf32> to vector<1x64xf32>
    %mul3A_692 = arith.mulf %dot_general3A_475, %dot_general3A_131 : vector<64x64xf32>
    %reduce_sum3A_693 = arith.constant dense<0.000000e+00> : vector<64xf32>
    %reduce_sum3A_694 = vector.multi_reduction <add>, %mul3A_692, %reduce_sum3A_693 [0] : vector<64x64xf32> to vector<64xf32>
    %broadcast_in_dim3A_695 = vector.shape_cast %reduce_sum3A_694 : vector<64xf32> to vector<1x64xf32>
    %broadcast_in_dim3A_696 = arith.constant 0.000000e+00 : f32
    %broadcast_in_dim3A_697 = vector.broadcast %broadcast_in_dim3A_696 : f32 to vector<56x64xf32>
    %concatenate3A_698 = tpu.concatenate %broadcast_in_dim3A_667, %broadcast_in_dim3A_671, %broadcast_in_dim3A_675, %broadcast_in_dim3A_679, %broadcast_in_dim3A_683, %broadcast_in_dim3A_687, %broadcast_in_dim3A_691, %broadcast_in_dim3A_695, %broadcast_in_dim3A_697 in 0 : vector<1x64xf32>, vector<1x64xf32>, vector<1x64xf32>, vector<1x64xf32>, vector<1x64xf32>, vector<1x64xf32>, vector<1x64xf32>, vector<1x64xf32>, vector<56x64xf32> -> vector<64x64xf32>
    %add3A_699 = arith.addf %add3A_663, %concatenate3A_698 : vector<64x64xf32>
    %slice3A_700 = vector.extract_strided_slice %dot_general3A_136 {offsets = [0, 0], sizes = [1, 64], strides = [1, 1]} : vector<64x64xf32> to vector<1x64xf32>
    %broadcast_in_dim3A_701 = vector.shape_cast %slice3A_700 : vector<1x64xf32> to vector<1x64xf32>
    %broadcast_in_dim3A_702 = vector.broadcast %broadcast_in_dim3A_701 : vector<1x64xf32> to vector<64x64xf32>
    %mul3A_703 = arith.mulf %dot_general3A_426, %broadcast_in_dim3A_702 : vector<64x64xf32>
    %slice3A_704 = vector.extract_strided_slice %dot_general3A_136 {offsets = [1, 0], sizes = [1, 64], strides = [1, 1]} : vector<64x64xf32> to vector<1x64xf32>
    %broadcast_in_dim3A_705 = vector.shape_cast %slice3A_704 : vector<1x64xf32> to vector<1x64xf32>
    %broadcast_in_dim3A_706 = vector.broadcast %broadcast_in_dim3A_705 : vector<1x64xf32> to vector<64x64xf32>
    %mul3A_707 = arith.mulf %dot_general3A_433, %broadcast_in_dim3A_706 : vector<64x64xf32>
    %add3A_708 = arith.addf %mul3A_703, %mul3A_707 : vector<64x64xf32>
    %slice3A_709 = vector.extract_strided_slice %dot_general3A_136 {offsets = [2, 0], sizes = [1, 64], strides = [1, 1]} : vector<64x64xf32> to vector<1x64xf32>
    %broadcast_in_dim3A_710 = vector.shape_cast %slice3A_709 : vector<1x64xf32> to vector<1x64xf32>
    %broadcast_in_dim3A_711 = vector.broadcast %broadcast_in_dim3A_710 : vector<1x64xf32> to vector<64x64xf32>
    %mul3A_712 = arith.mulf %dot_general3A_440, %broadcast_in_dim3A_711 : vector<64x64xf32>
    %add3A_713 = arith.addf %add3A_708, %mul3A_712 : vector<64x64xf32>
    %slice3A_714 = vector.extract_strided_slice %dot_general3A_136 {offsets = [3, 0], sizes = [1, 64], strides = [1, 1]} : vector<64x64xf32> to vector<1x64xf32>
    %broadcast_in_dim3A_715 = vector.shape_cast %slice3A_714 : vector<1x64xf32> to vector<1x64xf32>
    %broadcast_in_dim3A_716 = vector.broadcast %broadcast_in_dim3A_715 : vector<1x64xf32> to vector<64x64xf32>
    %mul3A_717 = arith.mulf %dot_general3A_447, %broadcast_in_dim3A_716 : vector<64x64xf32>
    %add3A_718 = arith.addf %add3A_713, %mul3A_717 : vector<64x64xf32>
    %slice3A_719 = vector.extract_strided_slice %dot_general3A_136 {offsets = [4, 0], sizes = [1, 64], strides = [1, 1]} : vector<64x64xf32> to vector<1x64xf32>
    %broadcast_in_dim3A_720 = vector.shape_cast %slice3A_719 : vector<1x64xf32> to vector<1x64xf32>
    %broadcast_in_dim3A_721 = vector.broadcast %broadcast_in_dim3A_720 : vector<1x64xf32> to vector<64x64xf32>
    %mul3A_722 = arith.mulf %dot_general3A_454, %broadcast_in_dim3A_721 : vector<64x64xf32>
    %add3A_723 = arith.addf %add3A_718, %mul3A_722 : vector<64x64xf32>
    %slice3A_724 = vector.extract_strided_slice %dot_general3A_136 {offsets = [5, 0], sizes = [1, 64], strides = [1, 1]} : vector<64x64xf32> to vector<1x64xf32>
    %broadcast_in_dim3A_725 = vector.shape_cast %slice3A_724 : vector<1x64xf32> to vector<1x64xf32>
    %broadcast_in_dim3A_726 = vector.broadcast %broadcast_in_dim3A_725 : vector<1x64xf32> to vector<64x64xf32>
    %mul3A_727 = arith.mulf %dot_general3A_461, %broadcast_in_dim3A_726 : vector<64x64xf32>
    %add3A_728 = arith.addf %add3A_723, %mul3A_727 : vector<64x64xf32>
    %slice3A_729 = vector.extract_strided_slice %dot_general3A_136 {offsets = [6, 0], sizes = [1, 64], strides = [1, 1]} : vector<64x64xf32> to vector<1x64xf32>
    %broadcast_in_dim3A_730 = vector.shape_cast %slice3A_729 : vector<1x64xf32> to vector<1x64xf32>
    %broadcast_in_dim3A_731 = vector.broadcast %broadcast_in_dim3A_730 : vector<1x64xf32> to vector<64x64xf32>
    %mul3A_732 = arith.mulf %dot_general3A_468, %broadcast_in_dim3A_731 : vector<64x64xf32>
    %add3A_733 = arith.addf %add3A_728, %mul3A_732 : vector<64x64xf32>
    %slice3A_734 = vector.extract_strided_slice %dot_general3A_136 {offsets = [7, 0], sizes = [1, 64], strides = [1, 1]} : vector<64x64xf32> to vector<1x64xf32>
    %broadcast_in_dim3A_735 = vector.shape_cast %slice3A_734 : vector<1x64xf32> to vector<1x64xf32>
    %broadcast_in_dim3A_736 = vector.broadcast %broadcast_in_dim3A_735 : vector<1x64xf32> to vector<64x64xf32>
    %mul3A_737 = arith.mulf %dot_general3A_475, %broadcast_in_dim3A_736 : vector<64x64xf32>
    %add3A_738 = arith.addf %add3A_733, %mul3A_737 : vector<64x64xf32>
    %mul3A_739 = arith.mulf %dot_general3A_426, %dot_general3A_136 : vector<64x64xf32>
    %reduce_sum3A_740 = arith.constant dense<0.000000e+00> : vector<64xf32>
    %reduce_sum3A_741 = vector.multi_reduction <add>, %mul3A_739, %reduce_sum3A_740 [0] : vector<64x64xf32> to vector<64xf32>
    %broadcast_in_dim3A_742 = vector.shape_cast %reduce_sum3A_741 : vector<64xf32> to vector<1x64xf32>
    %mul3A_743 = arith.mulf %dot_general3A_433, %dot_general3A_136 : vector<64x64xf32>
    %reduce_sum3A_744 = arith.constant dense<0.000000e+00> : vector<64xf32>
    %reduce_sum3A_745 = vector.multi_reduction <add>, %mul3A_743, %reduce_sum3A_744 [0] : vector<64x64xf32> to vector<64xf32>
    %broadcast_in_dim3A_746 = vector.shape_cast %reduce_sum3A_745 : vector<64xf32> to vector<1x64xf32>
    %mul3A_747 = arith.mulf %dot_general3A_440, %dot_general3A_136 : vector<64x64xf32>
    %reduce_sum3A_748 = arith.constant dense<0.000000e+00> : vector<64xf32>
    %reduce_sum3A_749 = vector.multi_reduction <add>, %mul3A_747, %reduce_sum3A_748 [0] : vector<64x64xf32> to vector<64xf32>
    %broadcast_in_dim3A_750 = vector.shape_cast %reduce_sum3A_749 : vector<64xf32> to vector<1x64xf32>
    %mul3A_751 = arith.mulf %dot_general3A_447, %dot_general3A_136 : vector<64x64xf32>
    %reduce_sum3A_752 = arith.constant dense<0.000000e+00> : vector<64xf32>
    %reduce_sum3A_753 = vector.multi_reduction <add>, %mul3A_751, %reduce_sum3A_752 [0] : vector<64x64xf32> to vector<64xf32>
    %broadcast_in_dim3A_754 = vector.shape_cast %reduce_sum3A_753 : vector<64xf32> to vector<1x64xf32>
    %mul3A_755 = arith.mulf %dot_general3A_454, %dot_general3A_136 : vector<64x64xf32>
    %reduce_sum3A_756 = arith.constant dense<0.000000e+00> : vector<64xf32>
    %reduce_sum3A_757 = vector.multi_reduction <add>, %mul3A_755, %reduce_sum3A_756 [0] : vector<64x64xf32> to vector<64xf32>
    %broadcast_in_dim3A_758 = vector.shape_cast %reduce_sum3A_757 : vector<64xf32> to vector<1x64xf32>
    %mul3A_759 = arith.mulf %dot_general3A_461, %dot_general3A_136 : vector<64x64xf32>
    %reduce_sum3A_760 = arith.constant dense<0.000000e+00> : vector<64xf32>
    %reduce_sum3A_761 = vector.multi_reduction <add>, %mul3A_759, %reduce_sum3A_760 [0] : vector<64x64xf32> to vector<64xf32>
    %broadcast_in_dim3A_762 = vector.shape_cast %reduce_sum3A_761 : vector<64xf32> to vector<1x64xf32>
    %mul3A_763 = arith.mulf %dot_general3A_468, %dot_general3A_136 : vector<64x64xf32>
    %reduce_sum3A_764 = arith.constant dense<0.000000e+00> : vector<64xf32>
    %reduce_sum3A_765 = vector.multi_reduction <add>, %mul3A_763, %reduce_sum3A_764 [0] : vector<64x64xf32> to vector<64xf32>
    %broadcast_in_dim3A_766 = vector.shape_cast %reduce_sum3A_765 : vector<64xf32> to vector<1x64xf32>
    %mul3A_767 = arith.mulf %dot_general3A_475, %dot_general3A_136 : vector<64x64xf32>
    %reduce_sum3A_768 = arith.constant dense<0.000000e+00> : vector<64xf32>
    %reduce_sum3A_769 = vector.multi_reduction <add>, %mul3A_767, %reduce_sum3A_768 [0] : vector<64x64xf32> to vector<64xf32>
    %broadcast_in_dim3A_770 = vector.shape_cast %reduce_sum3A_769 : vector<64xf32> to vector<1x64xf32>
    %broadcast_in_dim3A_771 = arith.constant 0.000000e+00 : f32
    %broadcast_in_dim3A_772 = vector.broadcast %broadcast_in_dim3A_771 : f32 to vector<56x64xf32>
    %concatenate3A_773 = tpu.concatenate %broadcast_in_dim3A_742, %broadcast_in_dim3A_746, %broadcast_in_dim3A_750, %broadcast_in_dim3A_754, %broadcast_in_dim3A_758, %broadcast_in_dim3A_762, %broadcast_in_dim3A_766, %broadcast_in_dim3A_770, %broadcast_in_dim3A_772 in 0 : vector<1x64xf32>, vector<1x64xf32>, vector<1x64xf32>, vector<1x64xf32>, vector<1x64xf32>, vector<1x64xf32>, vector<1x64xf32>, vector<1x64xf32>, vector<56x64xf32> -> vector<64x64xf32>
    %add3A_774 = arith.addf %add3A_738, %concatenate3A_773 : vector<64x64xf32>
    %dot_general3A_775 = arith.constant dense<0.000000e+00> : vector<64x2048xf32>
    %dot_general3A_776 = tpu.matmul %add3A_549, %get3A_116, %dot_general3A_775 {dimension_numbers = #tpu.dot_dimension_numbers<[1], [0], [0], [1], [0, 0, 1, 1], [], []>, transpose_lhs_hint = false} : vector<64x64xf32>, vector<64x2048xf32>, vector<64x2048xf32> -> vector<64x2048xf32>
    %dot_general3A_777 = arith.constant dense<0.000000e+00> : vector<64x2048xf32>
    %dot_general3A_778 = tpu.matmul %add3A_624, %get3A_116, %dot_general3A_777 {dimension_numbers = #tpu.dot_dimension_numbers<[1], [0], [0], [1], [0, 0, 1, 1], [], []>, transpose_lhs_hint = false} : vector<64x64xf32>, vector<64x2048xf32>, vector<64x2048xf32> -> vector<64x2048xf32>
    %dot_general3A_779 = arith.constant dense<0.000000e+00> : vector<64x2048xf32>
    %dot_general3A_780 = tpu.matmul %add3A_699, %get3A_116, %dot_general3A_779 {dimension_numbers = #tpu.dot_dimension_numbers<[1], [0], [0], [1], [0, 0, 1, 1], [], []>, transpose_lhs_hint = false} : vector<64x64xf32>, vector<64x2048xf32>, vector<64x2048xf32> -> vector<64x2048xf32>
    %dot_general3A_781 = arith.constant dense<0.000000e+00> : vector<64x2048xf32>
    %dot_general3A_782 = tpu.matmul %add3A_774, %get3A_116, %dot_general3A_781 {dimension_numbers = #tpu.dot_dimension_numbers<[1], [0], [0], [1], [0, 0, 1, 1], [], []>, transpose_lhs_hint = false} : vector<64x64xf32>, vector<64x2048xf32>, vector<64x2048xf32> -> vector<64x2048xf32>
    %broadcast_in_dim3A_783 = vector.shape_cast %div3A_70 : vector<1x2048xf32> to vector<1x2048xf32>
    %broadcast_in_dim3A_784 = vector.broadcast %broadcast_in_dim3A_783 : vector<1x2048xf32> to vector<64x2048xf32>
    %mul3A_785 = arith.mulf %dot_general3A_776, %broadcast_in_dim3A_784 : vector<64x2048xf32>
    %broadcast_in_dim3A_786 = vector.shape_cast %div3A_108 : vector<1x2048xf32> to vector<1x2048xf32>
    %broadcast_in_dim3A_787 = vector.broadcast %broadcast_in_dim3A_786 : vector<1x2048xf32> to vector<64x2048xf32>
    %mul3A_788 = arith.mulf %dot_general3A_778, %broadcast_in_dim3A_787 : vector<64x2048xf32>
    %add3A_789 = arith.addf %mul3A_785, %mul3A_788 : vector<64x2048xf32>
    %broadcast_in_dim3A_790 = vector.shape_cast %div3A_109 : vector<1x2048xf32> to vector<1x2048xf32>
    %broadcast_in_dim3A_791 = vector.broadcast %broadcast_in_dim3A_790 : vector<1x2048xf32> to vector<64x2048xf32>
    %mul3A_792 = arith.mulf %dot_general3A_780, %broadcast_in_dim3A_791 : vector<64x2048xf32>
    %add3A_793 = arith.addf %add3A_789, %mul3A_792 : vector<64x2048xf32>
    %broadcast_in_dim3A_794 = vector.shape_cast %div3A_110 : vector<1x2048xf32> to vector<1x2048xf32>
    %broadcast_in_dim3A_795 = vector.broadcast %broadcast_in_dim3A_794 : vector<1x2048xf32> to vector<64x2048xf32>
    %mul3A_796 = arith.mulf %dot_general3A_782, %broadcast_in_dim3A_795 : vector<64x2048xf32>
    %add3A_797 = arith.addf %add3A_793, %mul3A_796 : vector<64x2048xf32>
    %mul3A_798 = arith.mulf %dot_general3A_776, %tanh3A_107 : vector<64x2048xf32>
    %reduce_sum3A_799 = arith.constant dense<0.000000e+00> : vector<2048xf32>
    %reduce_sum3A_800 = vector.multi_reduction <add>, %mul3A_798, %reduce_sum3A_799 [0] : vector<64x2048xf32> to vector<2048xf32>
    %broadcast_in_dim3A_801 = vector.shape_cast %reduce_sum3A_800 : vector<2048xf32> to vector<1x2048xf32>
    %mul3A_802 = arith.mulf %dot_general3A_778, %tanh3A_107 : vector<64x2048xf32>
    %reduce_sum3A_803 = arith.constant dense<0.000000e+00> : vector<2048xf32>
    %reduce_sum3A_804 = vector.multi_reduction <add>, %mul3A_802, %reduce_sum3A_803 [0] : vector<64x2048xf32> to vector<2048xf32>
    %broadcast_in_dim3A_805 = vector.shape_cast %reduce_sum3A_804 : vector<2048xf32> to vector<1x2048xf32>
    %mul3A_806 = arith.mulf %dot_general3A_780, %tanh3A_107 : vector<64x2048xf32>
    %reduce_sum3A_807 = arith.constant dense<0.000000e+00> : vector<2048xf32>
    %reduce_sum3A_808 = vector.multi_reduction <add>, %mul3A_806, %reduce_sum3A_807 [0] : vector<64x2048xf32> to vector<2048xf32>
    %broadcast_in_dim3A_809 = vector.shape_cast %reduce_sum3A_808 : vector<2048xf32> to vector<1x2048xf32>
    %mul3A_810 = arith.mulf %dot_general3A_782, %tanh3A_107 : vector<64x2048xf32>
    %reduce_sum3A_811 = arith.constant dense<0.000000e+00> : vector<2048xf32>
    %reduce_sum3A_812 = vector.multi_reduction <add>, %mul3A_810, %reduce_sum3A_811 [0] : vector<64x2048xf32> to vector<2048xf32>
    %broadcast_in_dim3A_813 = vector.shape_cast %reduce_sum3A_812 : vector<2048xf32> to vector<1x2048xf32>
    %mul3A_814 = arith.mulf %tanh3A_107, %tanh3A_107 : vector<64x2048xf32>
    %sub3A_815 = arith.constant 1.000000e+00 : f32
    %sub3A_816 = vector.broadcast %sub3A_815 : f32 to vector<64x2048xf32>
    %sub3A_817 = arith.subf %sub3A_816, %mul3A_814 : vector<64x2048xf32>
    %mul3A_818 = arith.mulf %add3A_797, %sub3A_817 : vector<64x2048xf32>
    %get3A_819 = arith.constant 0 : index
    %get3A_820 = arith.constant 0 : index
    %get3A_821 = vector.load %arg10[%get3A_819, %get3A_820] : memref<32x64xf32, #tpu.memory_space<vmem>>, vector<32x64xf32>
    %dot_general3A_822 = arith.constant dense<0.000000e+00> : vector<32x2048xf32>
    %dot_general3A_823 = tpu.matmul %get3A_821, %mul3A_818, %dot_general3A_822 {dimension_numbers = #tpu.dot_dimension_numbers<[1], [0], [0], [1], [0, 0, 1, 1], [], []>, transpose_lhs_hint = false} : vector<32x64xf32>, vector<64x2048xf32>, vector<32x2048xf32> -> vector<32x2048xf32>
    %mul3A_824 = arith.mulf %tanh3A_95, %tanh3A_95 : vector<32x2048xf32>
    %sub3A_825 = arith.constant 1.000000e+00 : f32
    %sub3A_826 = vector.broadcast %sub3A_825 : f32 to vector<32x2048xf32>
    %sub3A_827 = arith.subf %sub3A_826, %mul3A_824 : vector<32x2048xf32>
    %mul3A_828 = arith.mulf %dot_general3A_823, %sub3A_827 : vector<32x2048xf32>
    %get3A_829 = arith.constant 0 : index
    %get3A_830 = arith.constant 0 : index
    %get3A_831 = vector.load %arg7[%get3A_829, %get3A_830] : memref<16x32xf32, #tpu.memory_space<vmem>>, vector<16x32xf32>
    %dot_general3A_832 = arith.constant dense<0.000000e+00> : vector<16x2048xf32>
    %dot_general3A_833 = tpu.matmul %get3A_831, %mul3A_828, %dot_general3A_832 {dimension_numbers = #tpu.dot_dimension_numbers<[1], [0], [0], [1], [0, 0, 1, 1], [], []>, transpose_lhs_hint = false} : vector<16x32xf32>, vector<32x2048xf32>, vector<16x2048xf32> -> vector<16x2048xf32>
    %mul3A_834 = arith.mulf %tanh3A, %tanh3A : vector<16x2048xf32>
    %sub3A_835 = arith.constant 1.000000e+00 : f32
    %sub3A_836 = vector.broadcast %sub3A_835 : f32 to vector<16x2048xf32>
    %sub3A_837 = arith.subf %sub3A_836, %mul3A_834 : vector<16x2048xf32>
    %mul3A_838 = arith.mulf %dot_general3A_833, %sub3A_837 : vector<16x2048xf32>
    %get3A_839 = arith.constant 0 : index
    %get3A_840 = arith.constant 0 : index
    %get3A_841 = vector.load %arg5[%get3A_839, %get3A_840] : memref<16x1xf32, #tpu.memory_space<vmem>>, vector<16x1xf32>
    %broadcast_in_dim3A_842 = vector.shape_cast %get3A_841 : vector<16x1xf32> to vector<16x1xf32>
    %broadcast_in_dim3A_843 = vector.broadcast %broadcast_in_dim3A_842 : vector<16x1xf32> to vector<16x2048xf32>
    %mul3A_844 = arith.mulf %mul3A_838, %broadcast_in_dim3A_843 : vector<16x2048xf32>
    %reduce_sum3A_845 = arith.constant dense<0.000000e+00> : vector<2048xf32>
    %reduce_sum3A_846 = vector.multi_reduction <add>, %mul3A_844, %reduce_sum3A_845 [0] : vector<16x2048xf32> to vector<2048xf32>
    %broadcast_in_dim3A_847 = vector.shape_cast %reduce_sum3A_846 : vector<2048xf32> to vector<1x2048xf32>
    %add3A_848 = arith.addf %broadcast_in_dim3A_801, %broadcast_in_dim3A_847 : vector<1x2048xf32>
    %mul3A_849 = arith.mulf %broadcast_in_dim3A_805, %select_n3A_40 : vector<1x2048xf32>
    %mul3A_850 = arith.mulf %broadcast_in_dim3A_809, %select_n3A_48 : vector<1x2048xf32>
    %add3A_851 = arith.addf %mul3A_849, %mul3A_850 : vector<1x2048xf32>
    %mul3A_852 = arith.mulf %broadcast_in_dim3A_813, %select_n3A_56 : vector<1x2048xf32>
    %add3A_853 = arith.addf %add3A_851, %mul3A_852 : vector<1x2048xf32>
    %mul3A_854 = arith.mulf %div3A_70, %div3A_67 : vector<1x2048xf32>
    %mul3A_855 = arith.constant 2.000000e+00 : f32
    %mul3A_856 = vector.broadcast %mul3A_855 : f32 to vector<1x2048xf32>
    %mul3A_857 = arith.mulf %mul3A_856, %add3A_853 : vector<1x2048xf32>
    %mul3A_858 = arith.mulf %mul3A_857, %div3A_67 : vector<1x2048xf32>
    %mul3A_859 = arith.mulf %mul3A_858, %div3A_67 : vector<1x2048xf32>
    %mul3A_860 = arith.mulf %broadcast_in_dim3A_805, %div3A_67 : vector<1x2048xf32>
    %mul3A_861 = arith.mulf %select_n3A_40, %mul3A_859 : vector<1x2048xf32>
    %sub3A_862 = arith.subf %mul3A_860, %mul3A_861 : vector<1x2048xf32>
    %mul3A_863 = arith.mulf %add3A_848, %select_n3A_40 : vector<1x2048xf32>
    %mul3A_864 = arith.mulf %mul3A_863, %mul3A_854 : vector<1x2048xf32>
    %sub3A_865 = arith.subf %sub3A_862, %mul3A_864 : vector<1x2048xf32>
    %mul3A_866 = arith.mulf %broadcast_in_dim3A_809, %div3A_67 : vector<1x2048xf32>
    %mul3A_867 = arith.mulf %select_n3A_48, %mul3A_859 : vector<1x2048xf32>
    %sub3A_868 = arith.subf %mul3A_866, %mul3A_867 : vector<1x2048xf32>
    %mul3A_869 = arith.mulf %add3A_848, %select_n3A_48 : vector<1x2048xf32>
    %mul3A_870 = arith.mulf %mul3A_869, %mul3A_854 : vector<1x2048xf32>
    %sub3A_871 = arith.subf %sub3A_868, %mul3A_870 : vector<1x2048xf32>
    %mul3A_872 = arith.mulf %broadcast_in_dim3A_813, %div3A_67 : vector<1x2048xf32>
    %mul3A_873 = arith.mulf %select_n3A_56, %mul3A_859 : vector<1x2048xf32>
    %sub3A_874 = arith.subf %mul3A_872, %mul3A_873 : vector<1x2048xf32>
    %mul3A_875 = arith.mulf %add3A_848, %select_n3A_56 : vector<1x2048xf32>
    %mul3A_876 = arith.mulf %mul3A_875, %mul3A_854 : vector<1x2048xf32>
    %sub3A_877 = arith.subf %sub3A_874, %mul3A_876 : vector<1x2048xf32>
    %jit3A_878 = arith.constant 0.000000e+00 : f32
    %broadcast_in_dim3A_879 = vector.broadcast %jit3A_878 : f32 to vector<1x2048xf32>
    %select_n3A_880 = arith.select %lt3A_26, %sub3A_865, %broadcast_in_dim3A_879 : vector<1x2048xi1>, vector<1x2048xf32>
    %jit3A_881 = arith.constant 0.000000e+00 : f32
    %broadcast_in_dim3A_882 = vector.broadcast %jit3A_881 : f32 to vector<1x2048xf32>
    %select_n3A_883 = arith.select %lt3A_26, %sub3A_871, %broadcast_in_dim3A_882 : vector<1x2048xi1>, vector<1x2048xf32>
    %jit3A_884 = arith.constant 0.000000e+00 : f32
    %broadcast_in_dim3A_885 = vector.broadcast %jit3A_884 : f32 to vector<1x2048xf32>
    %select_n3A_886 = arith.select %lt3A_26, %sub3A_877, %broadcast_in_dim3A_885 : vector<1x2048xi1>, vector<1x2048xf32>
    %broadcast_in_dim3A_887 = vector.shape_cast %select_n3A_880 : vector<1x2048xf32> to vector<1x1x2048xf32>
    %swap3A = arith.constant 0 : index
    %swap3A_888 = arith.constant 0 : index
    %swap3A_889 = arith.constant 0 : index
    %swap3A_890 = vector.load %arg23[%swap3A, %swap3A_888, %swap3A_889] : memref<1x1x2048xf32, #tpu.memory_space<vmem>>, vector<1x1x2048xf32>
    tpu.vector_store %arg23[%swap3A, %swap3A_888, %swap3A_889], %broadcast_in_dim3A_887 {strides = array<i32>} : memref<1x1x2048xf32, #tpu.memory_space<vmem>>, vector<1x1x2048xf32>,
    %broadcast_in_dim3A_891 = vector.shape_cast %select_n3A_883 : vector<1x2048xf32> to vector<1x1x2048xf32>
    %swap3A_892 = arith.constant 0 : index
    %swap3A_893 = arith.constant 0 : index
    %swap3A_894 = arith.constant 0 : index
    %swap3A_895 = vector.load %arg24[%swap3A_892, %swap3A_893, %swap3A_894] : memref<1x1x2048xf32, #tpu.memory_space<vmem>>, vector<1x1x2048xf32>
    tpu.vector_store %arg24[%swap3A_892, %swap3A_893, %swap3A_894], %broadcast_in_dim3A_891 {strides = array<i32>} : memref<1x1x2048xf32, #tpu.memory_space<vmem>>, vector<1x1x2048xf32>,
    %broadcast_in_dim3A_896 = vector.shape_cast %select_n3A_886 : vector<1x2048xf32> to vector<1x1x2048xf32>
    %swap3A_897 = arith.constant 0 : index
    %swap3A_898 = arith.constant 0 : index
    %swap3A_899 = arith.constant 0 : index
    %swap3A_900 = vector.load %arg25[%swap3A_897, %swap3A_898, %swap3A_899] : memref<1x1x2048xf32, #tpu.memory_space<vmem>>, vector<1x1x2048xf32>
    tpu.vector_store %arg25[%swap3A_897, %swap3A_898, %swap3A_899], %broadcast_in_dim3A_896 {strides = array<i32>} : memref<1x1x2048xf32, #tpu.memory_space<vmem>>, vector<1x1x2048xf32>,
    %dot_general3A_901 = arith.constant dense<0.000000e+00> : vector<1x64xf32>
    %dot_general3A_902 = tpu.matmul %select_n3A_880, %get3A_113, %dot_general3A_901 {dimension_numbers = #tpu.dot_dimension_numbers<[1], [0], [0], [1], [0, 0, 1, 1], [], []>, precision = #tpu.contract_precision<fp32>, transpose_lhs_hint = false} : vector<1x2048xf32>, vector<2048x64xf32>, vector<1x64xf32> -> vector<1x64xf32>
    %mul3A_903 = arith.constant 3.200000e+01 : f32
    %mul3A_904 = vector.broadcast %mul3A_903 : f32 to vector<1x64xf32>
    %mul3A_905 = arith.mulf %dot_general3A_902, %mul3A_904 : vector<1x64xf32>
    %dot_general3A_906 = arith.constant dense<0.000000e+00> : vector<1x64xf32>
    %dot_general3A_907 = tpu.matmul %select_n3A_883, %get3A_113, %dot_general3A_906 {dimension_numbers = #tpu.dot_dimension_numbers<[1], [0], [0], [1], [0, 0, 1, 1], [], []>, precision = #tpu.contract_precision<fp32>, transpose_lhs_hint = false} : vector<1x2048xf32>, vector<2048x64xf32>, vector<1x64xf32> -> vector<1x64xf32>
    %mul3A_908 = arith.constant 3.200000e+01 : f32
    %mul3A_909 = vector.broadcast %mul3A_908 : f32 to vector<1x64xf32>
    %mul3A_910 = arith.mulf %dot_general3A_907, %mul3A_909 : vector<1x64xf32>
    %dot_general3A_911 = arith.constant dense<0.000000e+00> : vector<1x64xf32>
    %dot_general3A_912 = tpu.matmul %select_n3A_886, %get3A_113, %dot_general3A_911 {dimension_numbers = #tpu.dot_dimension_numbers<[1], [0], [0], [1], [0, 0, 1, 1], [], []>, precision = #tpu.contract_precision<fp32>, transpose_lhs_hint = false} : vector<1x2048xf32>, vector<2048x64xf32>, vector<1x64xf32> -> vector<1x64xf32>
    %mul3A_913 = arith.constant 3.200000e+01 : f32
    %mul3A_914 = vector.broadcast %mul3A_913 : f32 to vector<1x64xf32>
    %mul3A_915 = arith.mulf %dot_general3A_912, %mul3A_914 : vector<1x64xf32>
    %concatenate3A_916 = tpu.concatenate %mul3A_905, %mul3A_910, %mul3A_915 in 1 : vector<1x64xf32>, vector<1x64xf32>, vector<1x64xf32> -> vector<1x192xf32>
    %broadcast_in_dim3A_917 = vector.shape_cast %concatenate3A_916 : vector<1x192xf32> to vector<1x1x192xf32>
    %swap3A_918 = arith.constant 0 : index
    %swap3A_919 = arith.constant 0 : index
    %swap3A_920 = arith.constant 0 : index
    %swap3A_921 = vector.load %arg26[%swap3A_918, %swap3A_919, %swap3A_920] : memref<1x1x192xf32, #tpu.memory_space<vmem>>, vector<1x1x192xf32>
    tpu.vector_store %arg26[%swap3A_918, %swap3A_919, %swap3A_920], %broadcast_in_dim3A_917 {strides = array<i32>} : memref<1x1x192xf32, #tpu.memory_space<vmem>>, vector<1x1x192xf32>,
    %mul3A_922 = arith.mulf %select_n3A_40, %select_n3A_880 : vector<1x2048xf32>
    %reduce_sum3A_923 = vector.shape_cast %mul3A_922 : vector<1x2048xf32> to vector<1x1x2048xf32>
    %reduce_sum3A_924 = arith.constant dense<0.000000e+00> : vector<1xf32>
    %reduce_sum3A_925 = vector.multi_reduction <add>, %reduce_sum3A_923, %reduce_sum3A_924 [1, 2] : vector<1x1x2048xf32> to vector<1xf32>
    %reduce_sum3A_926 = vector.shape_cast %reduce_sum3A_925 : vector<1xf32> to vector<1x1x1xf32>
    %reduce_sum3A_927 = vector.extract %reduce_sum3A_926[0, 0, 0] : f32 from vector<1x1x1xf32>
    %neg3A = arith.constant 0.000000e+00 : f32
    %neg3A_928 = arith.subf %neg3A, %reduce_sum3A_927 : f32
    %mul3A_929 = arith.mulf %select_n3A_40, %select_n3A_883 : vector<1x2048xf32>
    %reduce_sum3A_930 = vector.shape_cast %mul3A_929 : vector<1x2048xf32> to vector<1x1x2048xf32>
    %reduce_sum3A_931 = arith.constant dense<0.000000e+00> : vector<1xf32>
    %reduce_sum3A_932 = vector.multi_reduction <add>, %reduce_sum3A_930, %reduce_sum3A_931 [1, 2] : vector<1x1x2048xf32> to vector<1xf32>
    %reduce_sum3A_933 = vector.shape_cast %reduce_sum3A_932 : vector<1xf32> to vector<1x1x1xf32>
    %reduce_sum3A_934 = vector.extract %reduce_sum3A_933[0, 0, 0] : f32 from vector<1x1x1xf32>
    %neg3A_935 = arith.constant 0.000000e+00 : f32
    %neg3A_936 = arith.subf %neg3A_935, %reduce_sum3A_934 : f32
    %mul3A_937 = arith.mulf %select_n3A_40, %select_n3A_886 : vector<1x2048xf32>
    %reduce_sum3A_938 = vector.shape_cast %mul3A_937 : vector<1x2048xf32> to vector<1x1x2048xf32>
    %reduce_sum3A_939 = arith.constant dense<0.000000e+00> : vector<1xf32>
    %reduce_sum3A_940 = vector.multi_reduction <add>, %reduce_sum3A_938, %reduce_sum3A_939 [1, 2] : vector<1x1x2048xf32> to vector<1xf32>
    %reduce_sum3A_941 = vector.shape_cast %reduce_sum3A_940 : vector<1xf32> to vector<1x1x1xf32>
    %reduce_sum3A_942 = vector.extract %reduce_sum3A_941[0, 0, 0] : f32 from vector<1x1x1xf32>
    %neg3A_943 = arith.constant 0.000000e+00 : f32
    %neg3A_944 = arith.subf %neg3A_943, %reduce_sum3A_942 : f32
    %mul3A_945 = arith.mulf %select_n3A_48, %select_n3A_880 : vector<1x2048xf32>
    %reduce_sum3A_946 = vector.shape_cast %mul3A_945 : vector<1x2048xf32> to vector<1x1x2048xf32>
    %reduce_sum3A_947 = arith.constant dense<0.000000e+00> : vector<1xf32>
    %reduce_sum3A_948 = vector.multi_reduction <add>, %reduce_sum3A_946, %reduce_sum3A_947 [1, 2] : vector<1x1x2048xf32> to vector<1xf32>
    %reduce_sum3A_949 = vector.shape_cast %reduce_sum3A_948 : vector<1xf32> to vector<1x1x1xf32>
    %reduce_sum3A_950 = vector.extract %reduce_sum3A_949[0, 0, 0] : f32 from vector<1x1x1xf32>
    %neg3A_951 = arith.constant 0.000000e+00 : f32
    %neg3A_952 = arith.subf %neg3A_951, %reduce_sum3A_950 : f32
    %mul3A_953 = arith.mulf %select_n3A_48, %select_n3A_883 : vector<1x2048xf32>
    %reduce_sum3A_954 = vector.shape_cast %mul3A_953 : vector<1x2048xf32> to vector<1x1x2048xf32>
    %reduce_sum3A_955 = arith.constant dense<0.000000e+00> : vector<1xf32>
    %reduce_sum3A_956 = vector.multi_reduction <add>, %reduce_sum3A_954, %reduce_sum3A_955 [1, 2] : vector<1x1x2048xf32> to vector<1xf32>
    %reduce_sum3A_957 = vector.shape_cast %reduce_sum3A_956 : vector<1xf32> to vector<1x1x1xf32>
    %reduce_sum3A_958 = vector.extract %reduce_sum3A_957[0, 0, 0] : f32 from vector<1x1x1xf32>
    %neg3A_959 = arith.constant 0.000000e+00 : f32
    %neg3A_960 = arith.subf %neg3A_959, %reduce_sum3A_958 : f32
    %mul3A_961 = arith.mulf %select_n3A_48, %select_n3A_886 : vector<1x2048xf32>
    %reduce_sum3A_962 = vector.shape_cast %mul3A_961 : vector<1x2048xf32> to vector<1x1x2048xf32>
    %reduce_sum3A_963 = arith.constant dense<0.000000e+00> : vector<1xf32>
    %reduce_sum3A_964 = vector.multi_reduction <add>, %reduce_sum3A_962, %reduce_sum3A_963 [1, 2] : vector<1x1x2048xf32> to vector<1xf32>
    %reduce_sum3A_965 = vector.shape_cast %reduce_sum3A_964 : vector<1xf32> to vector<1x1x1xf32>
    %reduce_sum3A_966 = vector.extract %reduce_sum3A_965[0, 0, 0] : f32 from vector<1x1x1xf32>
    %neg3A_967 = arith.constant 0.000000e+00 : f32
    %neg3A_968 = arith.subf %neg3A_967, %reduce_sum3A_966 : f32
    %mul3A_969 = arith.mulf %select_n3A_56, %select_n3A_880 : vector<1x2048xf32>
    %reduce_sum3A_970 = vector.shape_cast %mul3A_969 : vector<1x2048xf32> to vector<1x1x2048xf32>
    %reduce_sum3A_971 = arith.constant dense<0.000000e+00> : vector<1xf32>
    %reduce_sum3A_972 = vector.multi_reduction <add>, %reduce_sum3A_970, %reduce_sum3A_971 [1, 2] : vector<1x1x2048xf32> to vector<1xf32>
    %reduce_sum3A_973 = vector.shape_cast %reduce_sum3A_972 : vector<1xf32> to vector<1x1x1xf32>
    %reduce_sum3A_974 = vector.extract %reduce_sum3A_973[0, 0, 0] : f32 from vector<1x1x1xf32>
    %neg3A_975 = arith.constant 0.000000e+00 : f32
    %neg3A_976 = arith.subf %neg3A_975, %reduce_sum3A_974 : f32
    %mul3A_977 = arith.mulf %select_n3A_56, %select_n3A_883 : vector<1x2048xf32>
    %reduce_sum3A_978 = vector.shape_cast %mul3A_977 : vector<1x2048xf32> to vector<1x1x2048xf32>
    %reduce_sum3A_979 = arith.constant dense<0.000000e+00> : vector<1xf32>
    %reduce_sum3A_980 = vector.multi_reduction <add>, %reduce_sum3A_978, %reduce_sum3A_979 [1, 2] : vector<1x1x2048xf32> to vector<1xf32>
    %reduce_sum3A_981 = vector.shape_cast %reduce_sum3A_980 : vector<1xf32> to vector<1x1x1xf32>
    %reduce_sum3A_982 = vector.extract %reduce_sum3A_981[0, 0, 0] : f32 from vector<1x1x1xf32>
    %neg3A_983 = arith.constant 0.000000e+00 : f32
    %neg3A_984 = arith.subf %neg3A_983, %reduce_sum3A_982 : f32
    %mul3A_985 = arith.mulf %select_n3A_56, %select_n3A_886 : vector<1x2048xf32>
    %reduce_sum3A_986 = vector.shape_cast %mul3A_985 : vector<1x2048xf32> to vector<1x1x2048xf32>
    %reduce_sum3A_987 = arith.constant dense<0.000000e+00> : vector<1xf32>
    %reduce_sum3A_988 = vector.multi_reduction <add>, %reduce_sum3A_986, %reduce_sum3A_987 [1, 2] : vector<1x1x2048xf32> to vector<1xf32>
    %reduce_sum3A_989 = vector.shape_cast %reduce_sum3A_988 : vector<1xf32> to vector<1x1x1xf32>
    %reduce_sum3A_990 = vector.extract %reduce_sum3A_989[0, 0, 0] : f32 from vector<1x1x1xf32>
    %neg3A_991 = arith.constant 0.000000e+00 : f32
    %neg3A_992 = arith.subf %neg3A_991, %reduce_sum3A_990 : f32
    %reshape3A = vector.broadcast %reduce_sum3A_404 : f32 to vector<1x1xf32>
    %reshape3A_993 = vector.broadcast %neg3A_928 : f32 to vector<1x1xf32>
    %reshape3A_994 = vector.broadcast %neg3A_936 : f32 to vector<1x1xf32>
    %reshape3A_995 = vector.broadcast %neg3A_944 : f32 to vector<1x1xf32>
    %reshape3A_996 = vector.broadcast %neg3A_952 : f32 to vector<1x1xf32>
    %reshape3A_997 = vector.broadcast %neg3A_960 : f32 to vector<1x1xf32>
    %reshape3A_998 = vector.broadcast %neg3A_968 : f32 to vector<1x1xf32>
    %reshape3A_999 = vector.broadcast %neg3A_976 : f32 to vector<1x1xf32>
    %reshape3A_1000 = vector.broadcast %neg3A_984 : f32 to vector<1x1xf32>
    %reshape3A_1001 = vector.broadcast %neg3A_992 : f32 to vector<1x1xf32>
    %concatenate3A_1002 = tpu.concatenate %reshape3A, %reshape3A_993, %reshape3A_994, %reshape3A_995, %reshape3A_996, %reshape3A_997, %reshape3A_998, %reshape3A_999, %reshape3A_1000, %reshape3A_1001 in 1 : vector<1x1xf32>, vector<1x1xf32>, vector<1x1xf32>, vector<1x1xf32>, vector<1x1xf32>, vector<1x1xf32>, vector<1x1xf32>, vector<1x1xf32>, vector<1x1xf32>, vector<1x1xf32> -> vector<1x10xf32>
    %broadcast_in_dim3A_1003 = arith.constant 0.000000e+00 : f32
    %broadcast_in_dim3A_1004 = vector.broadcast %broadcast_in_dim3A_1003 : f32 to vector<1x118xf32>
    %concatenate3A_1005 = tpu.concatenate %concatenate3A_1002, %broadcast_in_dim3A_1004 in 1 : vector<1x10xf32>, vector<1x118xf32> -> vector<1x128xf32>
    %eq3A_1006 = arith.constant 0 : i32
    %eq3A_1007 = arith.cmpi eq, %arg0, %eq3A_1006 : i32
    %convert_element_type3A = arith.extui %eq3A_1007 : i1 to i32
    %cond3A = arith.constant 0 : i32
    %cond3A_1008 = arith.cmpi ne, %convert_element_type3A, %cond3A : i32
    scf.if %cond3A_1008 {
      %broadcast_in_dim3A_1016 = arith.constant 0.000000e+00 : f32
      %broadcast_in_dim3A_1017 = vector.broadcast %broadcast_in_dim3A_1016 : f32 to vector<1x128xf32>
      %swap3A_1018 = arith.constant 0 : index
      %swap3A_1019 = arith.constant 0 : index
      %swap3A_1020 = vector.load %arg27[%swap3A_1018, %swap3A_1019] : memref<1x128xf32, #tpu.memory_space<vmem>>, vector<1x128xf32>
      tpu.vector_store %arg27[%swap3A_1018, %swap3A_1019], %broadcast_in_dim3A_1017 {strides = array<i32>} : memref<1x128xf32, #tpu.memory_space<vmem>>, vector<1x128xf32>,
    } else {
    }
    %get3A_1009 = arith.constant 0 : index
    %get3A_1010 = arith.constant 0 : index
    %get3A_1011 = vector.load %arg27[%get3A_1009, %get3A_1010] : memref<1x128xf32, #tpu.memory_space<vmem>>, vector<1x128xf32>
    %add3A_1012 = arith.addf %get3A_1011, %concatenate3A_1005 : vector<1x128xf32>
    %swap3A_1013 = arith.constant 0 : index
    %swap3A_1014 = arith.constant 0 : index
    %swap3A_1015 = vector.load %arg27[%swap3A_1013, %swap3A_1014] : memref<1x128xf32, #tpu.memory_space<vmem>>, vector<1x128xf32>
    tpu.vector_store %arg27[%swap3A_1013, %swap3A_1014], %add3A_1012 {strides = array<i32>} : memref<1x128xf32, #tpu.memory_space<vmem>>, vector<1x128xf32>,
    return
  }
  func.func @transform_0(%arg0: i32) -> (i32, i32, i32) {
    %c0_i32 = arith.constant 0 : i32
    %c0_i32_0 = arith.constant 0 : i32
    %c0_i32_1 = arith.constant 0 : i32
    return %arg0, %c0_i32, %c0_i32_0 : i32, i32, i32
  }
  func.func @transform_1(%arg0: i32) -> (i32, i32, i32) {
    %c0_i32 = arith.constant 0 : i32
    %c0_i32_0 = arith.constant 0 : i32
    %c0_i32_1 = arith.constant 0 : i32
    return %arg0, %c0_i32, %c0_i32_0 : i32, i32, i32
  }
  func.func @transform_2(%arg0: i32) -> (i32, i32, i32) {
    %c0_i32 = arith.constant 0 : i32
    %c0_i32_0 = arith.constant 0 : i32
    %c0_i32_1 = arith.constant 0 : i32
    return %arg0, %c0_i32, %c0_i32_0 : i32, i32, i32
  }
  func.func @transform_3(%arg0: i32) -> (i32, i32, i32) {
    %c0_i32 = arith.constant 0 : i32
    %c0_i32_0 = arith.constant 0 : i32
    %c0_i32_1 = arith.constant 0 : i32
    return %arg0, %c0_i32, %c0_i32_0 : i32, i32, i32
  }
  func.func @transform_4(%arg0: i32) -> (i32, i32) {
    %c0_i32 = arith.constant 0 : i32
    %c0_i32_0 = arith.constant 0 : i32
    %c0_i32_1 = arith.constant 0 : i32
    return %c0_i32, %c0_i32_0 : i32, i32
  }
  func.func @transform_5(%arg0: i32) -> (i32, i32) {
    %c0_i32 = arith.constant 0 : i32
    %c0_i32_0 = arith.constant 0 : i32
    %c0_i32_1 = arith.constant 0 : i32
    return %c0_i32, %c0_i32_0 : i32, i32
  }
  func.func @transform_6(%arg0: i32) -> (i32, i32) {
    %c0_i32 = arith.constant 0 : i32
    %c0_i32_0 = arith.constant 0 : i32
    %c0_i32_1 = arith.constant 0 : i32
    return %c0_i32, %c0_i32_0 : i32, i32
  }
  func.func @transform_7(%arg0: i32) -> (i32, i32) {
    %c0_i32 = arith.constant 0 : i32
    %c0_i32_0 = arith.constant 0 : i32
    %c0_i32_1 = arith.constant 0 : i32
    return %c0_i32, %c0_i32_0 : i32, i32
  }
  func.func @transform_8(%arg0: i32) -> (i32, i32) {
    %c0_i32 = arith.constant 0 : i32
    %c0_i32_0 = arith.constant 0 : i32
    %c0_i32_1 = arith.constant 0 : i32
    return %c0_i32, %c0_i32_0 : i32, i32
  }
  func.func @transform_9(%arg0: i32) -> (i32, i32) {
    %c0_i32 = arith.constant 0 : i32
    %c0_i32_0 = arith.constant 0 : i32
    %c0_i32_1 = arith.constant 0 : i32
    return %c0_i32, %c0_i32_0 : i32, i32
  }
  func.func @transform_10(%arg0: i32) -> (i32, i32) {
    %c0_i32 = arith.constant 0 : i32
    %c0_i32_0 = arith.constant 0 : i32
    %c0_i32_1 = arith.constant 0 : i32
    return %c0_i32, %c0_i32_0 : i32, i32
  }
  func.func @transform_11(%arg0: i32) -> (i32, i32) {
    %c0_i32 = arith.constant 0 : i32
    %c0_i32_0 = arith.constant 0 : i32
    %c0_i32_1 = arith.constant 0 : i32
    return %c0_i32, %c0_i32_0 : i32, i32
  }
  func.func @transform_12(%arg0: i32) -> (i32, i32, i32) {
    %c0_i32 = arith.constant 0 : i32
    %c0_i32_0 = arith.constant 0 : i32
    %c0_i32_1 = arith.constant 0 : i32
    %c0_i32_2 = arith.constant 0 : i32
    return %c0_i32, %c0_i32_0, %c0_i32_1 : i32, i32, i32
  }
  func.func @transform_13(%arg0: i32) -> (i32, i32, i32) {
    %c0_i32 = arith.constant 0 : i32
    %c0_i32_0 = arith.constant 0 : i32
    %c0_i32_1 = arith.constant 0 : i32
    %c0_i32_2 = arith.constant 0 : i32
    return %c0_i32, %c0_i32_0, %c0_i32_1 : i32, i32, i32
  }
  func.func @transform_14(%arg0: i32) -> (i32, i32) {
    %c0_i32 = arith.constant 0 : i32
    %c0_i32_0 = arith.constant 0 : i32
    %c0_i32_1 = arith.constant 0 : i32
    return %c0_i32, %c0_i32_0 : i32, i32
  }
  func.func @transform_15(%arg0: i32) -> (i32, i32) {
    %c0_i32 = arith.constant 0 : i32
    %c0_i32_0 = arith.constant 0 : i32
    %c0_i32_1 = arith.constant 0 : i32
    return %c0_i32, %c0_i32_0 : i32, i32
  }
  func.func @transform_16(%arg0: i32) -> (i32, i32) {
    %c0_i32 = arith.constant 0 : i32
    %c0_i32_0 = arith.constant 0 : i32
    %c0_i32_1 = arith.constant 0 : i32
    return %c0_i32, %c0_i32_0 : i32, i32
  }
  func.func @transform_17(%arg0: i32) -> (i32, i32) {
    %c0_i32 = arith.constant 0 : i32
    %c0_i32_0 = arith.constant 0 : i32
    %c0_i32_1 = arith.constant 0 : i32
    return %c0_i32, %c0_i32_0 : i32, i32
  }
  func.func @transform_18(%arg0: i32) -> (i32, i32) {
    %c0_i32 = arith.constant 0 : i32
    %c0_i32_0 = arith.constant 0 : i32
    %c0_i32_1 = arith.constant 0 : i32
    return %c0_i32, %c0_i32_0 : i32, i32
  }
  func.func @transform_19(%arg0: i32) -> (i32, i32) {
    %c0_i32 = arith.constant 0 : i32
    %c0_i32_0 = arith.constant 0 : i32
    %c0_i32_1 = arith.constant 0 : i32
    return %c0_i32, %c0_i32_0 : i32, i32
  }
  func.func @transform_20(%arg0: i32) -> (i32, i32) {
    %c0_i32 = arith.constant 0 : i32
    %c0_i32_0 = arith.constant 0 : i32
    %c0_i32_1 = arith.constant 0 : i32
    return %c0_i32, %c0_i32_0 : i32, i32
  }
  func.func @transform_21(%arg0: i32) -> (i32, i32) {
    %c0_i32 = arith.constant 0 : i32
    %c0_i32_0 = arith.constant 0 : i32
    %c0_i32_1 = arith.constant 0 : i32
    return %c0_i32, %c0_i32_0 : i32, i32
  }
  func.func @transform_22(%arg0: i32) -> (i32, i32, i32) {
    %c0_i32 = arith.constant 0 : i32
    %c0_i32_0 = arith.constant 0 : i32
    %c0_i32_1 = arith.constant 0 : i32
    return %arg0, %c0_i32, %c0_i32_0 : i32, i32, i32
  }
  func.func @transform_23(%arg0: i32) -> (i32, i32, i32) {
    %c0_i32 = arith.constant 0 : i32
    %c0_i32_0 = arith.constant 0 : i32
    %c0_i32_1 = arith.constant 0 : i32
    return %arg0, %c0_i32, %c0_i32_0 : i32, i32, i32
  }
  func.func @transform_24(%arg0: i32) -> (i32, i32, i32) {
    %c0_i32 = arith.constant 0 : i32
    %c0_i32_0 = arith.constant 0 : i32
    %c0_i32_1 = arith.constant 0 : i32
    return %arg0, %c0_i32, %c0_i32_0 : i32, i32, i32
  }
  func.func @transform_25(%arg0: i32) -> (i32, i32, i32) {
    %c0_i32 = arith.constant 0 : i32
    %c0_i32_0 = arith.constant 0 : i32
    %c0_i32_1 = arith.constant 0 : i32
    return %arg0, %c0_i32, %c0_i32_0 : i32, i32, i32
  }
  func.func @transform_26(%arg0: i32) -> (i32, i32) {
    %c0_i32 = arith.constant 0 : i32
    %c0_i32_0 = arith.constant 0 : i32
    %c0_i32_1 = arith.constant 0 : i32
    return %c0_i32, %c0_i32_0 : i32, i32
  }
}

</mosaic_0001>

<sc_bundles>
// kernel: kernel.12.cloned.1.call-start
scs
__scs_entry_jumppad:
0x0: {  	(pc) =	sbr.rel $0x88, $3  }
0x1: {  	(tag) =	ssettag $0x0;
	lr =	simm.s32 $0x1  }
0x2: {  	[smem:$0x3F8F] =	sst lr;
	_ =	strace $0xD0000000  }
0x3: {  	_ = 	snop  }
0x4: {  	_ = 	snop  }
0x5: {  	_ = 	snop  }
0x6: {  	_ = 	snop  }
0x7: {  	_ = 	snop  }
__scs_overlays_trampoline_lowered:
0x8: {  	[smem:$0x3F9E] =	sst s0  }
0x9: {  	[smem:$0x3F9F] =	sst s1  }
0xa: {  	[smem:$0x3FA0] =	sst s2  }
0xb: {  	[smem:$0x3FA1] =	sst s3  }
0xc: {  	[smem:$0x3FA2] =	sst s4  }
0xd: {  	[smem:$0x3FA3] =	sst s5  }
0xe: {  	[smem:$0x3FA4] =	sst s6  }
0xf: {  	[smem:$0x3FA5] =	sst s7  }
0x10: {  	[smem:$0x3FA6] =	sst s8  }
0x11: {  	[smem:$0x3FA7] =	sst s9;
	s0 =	simm.s32 @!p0 $0x0  }
0x12: {  	s1 =	sld [smem:$0x3F8D];
	s0 =	simm.s32 @p0 $0x1  }
0x13: {  	[smem:$0x3FA8] =	sst s0;
	s0 =	simm.s32 @!p1 $0x0  }
0x14: {  	s2 =	sld [smem:$0x3F8C];
	s0 =	simm.s32 @p1 $0x1  }
0x15: {  	[smem:$0x3FA9] =	sst s0;
	s0 =	simm.s32 @!p2 $0x0  }
0x16: {  	s3 =	sld [smem:$0x3FDB];
	s0 =	simm.s32 @p2 $0x1  }
0x17: {  	s4 =	simm.s32 $0x1BF5;
	[smem:$0x3FAB] =	sst s0  }
0x18: {  	s0 =	sld [smem:$0x3F8E];
	_ =	swait.ge [sflag:s4], $0x0  }
0x19: {  	s7 =	sld [smem:$0x3F8F]  }
0x1a: {  	s8 =	sadd.s32 $0xFFFFE003, lr  }
0x1b: {  	s9 =	sadd.s32 $0xFFFFFEF7, lr;
	s5 =	simm.s32 $0xFFFFFFFF;
	p2 =	slt.u32 s8, $0xFFFFF086  }
0x1c: {  	p1 =	slt.u32 s9, $0xF7A;
	s5 =	simm.s32 @!p2 $0x0  }
0x1d: {  	s5 =	simm.s32 @p1 $0x1;
	p0 =	seq.s32 s7, s2  }
0x1e: {  	s7 =	smul.u32 @!p0 $0xF7A, s2;
	p2 =	seq.s32 @!p0 s5, $0x0  }
0x1f: {  	s9 =	smul.u32 $0xF7A, s1;
	s8 =	simm.s32 @!p0 $0x1BF5;
	p2 =	por !p2, p0  }
0x20: {  	[sflag:s8] =	ssyncset.s32 @!p0 $0xFFFFF086;
	s6 =	sadd.s32 @!p0 s3, s7;
	s7 =	simm.s32 @!p0 $0x108  }
0x21: {  	s3 =	sadd.s32 s3, s9;
	s6 =	sadd.s32 @!p0 $0x88, s6;
	s7 =	simm.s32 @p2 $0x1082  }
0x22: {  	[simem:s7], [sflag:s8] =	dma.local @!p0 [hbm:s6], $0xF7A  }
0x23: {  	s9 =	sor.u32 $0xD0000000, s2;
	s6 =	simm.s32 $0x108;
	_ =	swait.ge @!p0 [sflag:s8], $0x0  }
0x24: {  	s3 =	sadd.s32 $0x88, s3;
	s6 =	simm.s32 @!p1 $0x1082;
	[sflag:s4] =	ssyncset.s32 $0xFFFFF086  }
0x25: {  	[simem:s6], [sflag:s4] =	dma.local [hbm:s3], $0xF7A  }
0x26: {  	[smem:$0x3F8F] =	sst s1;
	(tag) =	ssettag s2;
	_ =	strace s9  }
0x27: {  	s1 =	sld [smem:$0x3F9F]  }
0x28: {  	s2 =	sld [smem:$0x3FA0]  }
0x29: {  	s4 =	sld [smem:$0x3FA2]  }
0x2a: {  	p0 =	seq.s32 s5, $0x0;
	s5 =	sld [smem:$0x3FA3]  }
0x2b: {  	s6 =	sld [smem:$0x3FA4]  }
0x2c: {  	s7 =	sld [smem:$0x3FA5]  }
0x2d: {  	s3 =	simm.s32 $0x108;
	s8 =	sld [smem:$0x3FA6]  }
0x2e: {  	s3 =	simm.s32 @!p0 $0x1082;
	s9 =	sld [smem:$0x3FA7]  }
0x2f: {  	lr =	sadd.s32 s0, s3;
	s0 =	sld [smem:$0x3F9E]  }
0x30: {  	s3 =	sld [smem:$0x3FA1]  }
0x31: {  	[smem:$0x3FAA] =	sst s10  }
0x32: {  	s10 =	sld [smem:$0x3FA8];
	_ =	sdelay $0x3  }
0x33: {  	p0 =	seq.s32 s10, $0x1;
	s10 =	sld [smem:$0x3FAA];
	_ =	sdelay $0x3  }
0x34: {  	[smem:$0x3FAA] =	sst s10  }
0x35: {  	s10 =	sld [smem:$0x3FA9];
	_ =	sdelay $0x3  }
0x36: {  	p1 =	seq.s32 s10, $0x1;
	s10 =	sld [smem:$0x3FAA];
	_ =	sdelay $0x3  }
0x37: {  	[smem:$0x3FAA] =	sst s10  }
0x38: {  	s10 =	sld [smem:$0x3FAB]  }
0x39: {  	_ = 	snop;
	(pc) =	sbr.ind lr, $3  }
0x3a: {  	_ = 	snop  }
0x3b: {  	_ = 	snop  }
0x3c: {  	p2 =	seq.s32 s10, $0x1;
	s10 =	sld [smem:$0x3FAA]  }
0x3d: {  	_ =	shalt  }
0x3e: {  	_ =	shalt  }
0x3f: {  	_ =	shalt  }
0x40: {  	_ =	shalt  }
0x41: {  	_ =	shalt  }
0x42: {  	_ =	shalt  }
0x43: {  	_ =	shalt  }
0x44: {  	_ =	shalt  }
0x45: {  	_ =	shalt  }
0x46: {  	_ =	shalt  }
0x47: {  	_ =	shalt  }
0x48: {  	_ =	shalt  }
0x49: {  	_ =	shalt  }
0x4a: {  	_ =	shalt  }
0x4b: {  	_ =	shalt  }
0x4c: {  	_ =	shalt  }
0x4d: {  	_ =	shalt  }
0x4e: {  	_ =	shalt  }
0x4f: {  	_ =	shalt  }
0x50: {  	_ =	shalt  }
0x51: {  	_ =	shalt  }
0x52: {  	_ =	shalt  }
0x53: {  	_ =	shalt  }
0x54: {  	_ =	shalt  }
0x55: {  	_ =	shalt  }
0x56: {  	_ =	shalt  }
0x57: {  	_ =	shalt  }
0x58: {  	_ =	shalt  }
0x59: {  	_ =	shalt  }
0x5a: {  	_ =	shalt  }
0x5b: {  	_ =	shalt  }
0x5c: {  	_ =	shalt  }
0x5d: {  	_ =	shalt  }
0x5e: {  	_ =	shalt  }
0x5f: {  	_ =	shalt  }
0x60: {  	_ =	shalt  }
0x61: {  	_ =	shalt  }
0x62: {  	_ =	shalt  }
0x63: {  	_ =	shalt  }
0x64: {  	_ =	shalt  }
0x65: {  	_ =	shalt  }
0x66: {  	_ =	shalt  }
0x67: {  	_ =	shalt  }
0x68: {  	_ =	shalt  }
0x69: {  	_ =	shalt  }
0x6a: {  	_ =	shalt  }
0x6b: {  	_ =	shalt  }
0x6c: {  	_ =	shalt  }
0x6d: {  	_ =	shalt  }
0x6e: {  	_ =	shalt  }
0x6f: {  	_ =	shalt  }
0x70: {  	_ =	shalt  }
0x71: {  	_ =	shalt  }
0x72: {  	_ =	shalt  }
0x73: {  	_ =	shalt  }
0x74: {  	_ =	shalt  }
0x75: {  	_ =	shalt  }
0x76: {  	_ =	shalt  }
0x77: {  	_ =	shalt  }
0x78: {  	_ =	shalt  }
0x79: {  	_ =	shalt  }
0x7a: {  	_ =	shalt  }
0x7b: {  	_ =	shalt  }
0x7c: {  	_ =	shalt  }
0x7d: {  	_ =	shalt  }
0x7e: {  	_ =	shalt  }
0x7f: {  	_ =	shalt  }
0x80: {  	_ =	shalt  }
0x81: {  	_ =	shalt  }
0x82: {  	_ =	shalt  }
0x83: {  	_ =	shalt  }
0x84: {  	_ =	shalt  }
0x85: {  	_ =	shalt  }
0x86: {  	_ =	shalt  }
0x87: {  	_ =	shalt  }
.Lfunc_end0:
.L_simem_size_0:
called_computation.2_lowered:
.L_overlay_start_0:
0x88: {  	s2 =	sld [smem:$0x3FD9]  }
0x89: {  	s3 =	sld [smem:$0x3FFE];
	_ =	sdelay $0x1  }
0x8a: {  	s1 =	srdreg.scid  }
0x8b: {  	s0 =	sand.u32 $0x1, s1  }
0x8c: {  	s16 =	sshll.u32 s0, $0xA;
	s2 =	sadd.s32 s3, s2  }
0x8d: {  	s2 =	sadd.s32 s2, s16  }
0x8e: {  	[smem:$0x3FB6] =	sst s2  }
0x8f: {  	_ = 	snop  }
0x90: {  	(tm) =	ssettm $0x1  }
0x91: {  	s17 =	sld [smem:$0x3FFB];
	_ =	sdelay $0x3  }
0x92: {  	_ =	strace s17  }
0x93: {  	s2 =	sld [smem:$0x3FFC];
	_ =	sdelay $0x3  }
0x94: {  	_ =	strace s2  }
0x95: {  	s2 =	sld [smem:$0x3FFD];
	_ =	sdelay $0x3  }
0x96: {  	_ =	strace s2  }
0x97: {  	_ =	strace $0x8FFFFFFF  }
0x98: {  	s18 =	sld [smem:$0x3FDB];
	_ =	sdelay $0x1  }
0x99: {  	s19 =	simm.s32 $_scs_section_size  }
0x9a: {  	s4 =	simm.s32 $_size__tile_overlayer_lowered;
	s5 =	simm.s32 $_tile_overlayer_lowered  }
0x9b: {  	s22 =	simm.s32 $0x1BFF;
	s21 =	sshll.u32 s5, $0x1;
	s2 =	sadd.s32 s19, s18  }
0x9c: {  	s6 =	simm.s32 $0x0;
	s20 =	sshll.u32 s4, $0x1;
	s4 =	sadd.s32 s21, s2  }
0x9d: {  	[timem:s6], [sflag:s22] =	dma.local [hbm:s4], s20  }
0x9e: {  	_ =	swait.ge [sflag:s22], s20  }
0x9f: {  	s3 =	ssub.s32 $0x0, s20;
	[sflag:s22] =	ssyncset.done $0x0  }
0xa0: {  	[sflag:s22] =	ssyncadd.s32 s3;
	_ =	sdelay $0x1  }
0xa1: {  	s23 =	simm.s32 $0x1B8B  }
0xa2: {  	_ =	swait.ge [sflag:s23], $0x1  }
0xa3: {  	[sflag:s23] =	ssyncset.done $0x0  }
0xa4: {  	s25 =	simm.s32 $0x1B8E;
	s24 =	sld [smem:$0x3FFE];
	[sflag:s23] =	ssyncadd.s32 $0xFFFFFFFF  }
0xa5: {  	s26 =	simm.s32 $execute0_lowered;
	[smem:$0x3FD2] =	sst s25  }
0xa6: {  	s4 =	sshll.u32 s26, $0x1;
	_ =	strace $0x8000004C;
	[dreg:$0x1] =	wrdreg $0xFFFFFFFF  }
0xa7: {  	s28 =	simm.s32 $_size_execute0_lowered;
	s2 =	sadd.s32 s2, s4;
	[dreg:$0x0] =	wrdreg $0x0  }
0xa8: {  	s4 =	sshll.u32 s28, $0x1;
	[dreg:$0x2] =	wrdreg s2  }
0xa9: {  	[dreg:$0x3] =	wrdreg s4  }
0xaa: {  	[dreg:$0x4] =	wrdreg $0xC0  }
0xab: {  	_ =	task [dreg:s6], $0x5FFFF  }
0xac: {  	[dreg:$0x1] =	wrdreg $0xFFFFFFFF  }
0xad: {  	[dreg:$0x0] =	wrdreg $0x60  }
0xae: {  	[dreg:$0x2] =	wrdreg s24  }
0xaf: {  	[dreg:$0x3] =	wrdreg $0x9  }
0xb0: {  	_ =	task.clear_ibuf [dreg:s6], $0x4FFFF;
	_ =	strace $0x9000004C  }
0xb1: {  	s29 =	simm.s32 $0x9;
	_ =	strace $0x8000004E  }
0xb2: {  	_ =	swait.ge [sflag:s29], $0x1  }
0xb3: {  	[sflag:s29] =	ssyncadd.s32 $0xFFFFFFFF  }
0xb4: {  	_ =	strace $0x9000004E  }
0xb5: {  	_ =	sfence  }
0xb6: {  	s30 =	sld [smem:$0x0];
	_ =	sdelay $0x2  }
0xb7: {  	s31 =	sshll.u32 s1, $0xD;
	s1 =	sshrl.u32 s1, $0x2  }
0xb8: {  	s3 =	sand.u32 $0x4000, s31;
	s1 =	sadd.s32 s1, s30  }
0xb9: {  	s0 =	sor.u32 s3, s0;
	s1 =	sshll.u32 s1, $0x11  }
0xba: {  	s0 =	sor.u32 s1, s0  }
0xbb: {  	s0 =	sadd.s32 $0x8F2B, s0  }
0xbc: {  	[sflag:s0] =	ssyncadd.remote.s32 $0x1  }
0xbd: {  	_ =	sfence.sel $0xFFFF  }
0xbe: {  	[dreg:$0x0] =	wrdreg $0xFFFFFFFF;
	(pc) =	sbr.abs _section_cstart, $3  }
0xbf: {  	[dreg:$0x1] =	wrdreg $0xFFFFFFFF  }
0xc0: {  	_ =	task.clear_ibuf [dreg:s6], $0x2FFFF;
	_ =	strace $0x9FFFFFFF  }
0xc1: {  	(tm) =	ssettm $0x7FFFFFFF  }
tec
execute0_lowered:
.L_overlay_start_1:
0x0: {  	(tag) =	ssettag $0x1  }
0x1: {  	s0 =	srdreg.scid;
	s1 =	stileid.u32  }
0x2: {  	s0 =	sand.u32 $0x1, s0;
	s1 =	sshll.u32 s1, $0x1  }
0x3: {  	s1 =	sor.u32 s0, s1  }
0x4: {  	s1 =	smul.u32 $0x3C0, s1  }
0x5: {  	s3 =	rddreg [dreg:$0x0];
	s2 =	simm.s32 $0x0  }
0x6: {  	s7 =	simm.s32 $0x1;
	s8 =	simm.s32 $0x0;
	s1 =	sshrl.u32 s1, $0x3  }
0x7: {  	[smem:$0x7FF] =	sst s2;
	s0 =	ssub.s32 $0x2, s0;
	s5 =	sadd.s32 s1, s3  }
0x8: {  	_ =	strace $0x8000004D;
	s15 =	sshrl.u32 s0, $0x1;
	s16 =	sadd.s32 $0x2AA00, s5  }
0x9: {  	s6 =	ssub.s32 s0, s15;
	s17 =	sadd.s32 $0x2B900, s5;
	[dreg:$0x2] =	wrdreg s16  }
0xa: {  	s6 =	smax.u32 s6, $0x1;
	s18 =	sadd.s32 $0x2C800, s5;
	[dreg:$0x3] =	wrdreg s17  }
0xb: {  	s19 =	sadd.s32 $0x2D700, s5;
	s20 =	sadd.s32 $0x2E600, s5;
	[dreg:$0x4] =	wrdreg s18  }
0xc: {  	s21 =	sadd.s32 $0x2F500, s5;
	s22 =	sadd.s32 $0x30400, s5;
	[dreg:$0x5] =	wrdreg s19  }
0xd: {  	s23 =	sadd.s32 $0x31300, s5;
	s24 =	sadd.s32 $0x32200, s5;
	[dreg:$0x6] =	wrdreg s20  }
0xe: {  	s25 =	sadd.s32 $0x33100, s5;
	s26 =	sadd.s32 $0x34000, s5;
	[dreg:$0x7] =	wrdreg s21  }
0xf: {  	s14 =	sadd.s32 $0x34F00, s5;
	s15 =	sadd.s32 $0x35E00, s5;
	[dreg:$0x8] =	wrdreg s22  }
0x10: {  	s28 =	sadd.s32 $0x41200, s5;
	s29 =	sadd.s32 $0x42100, s5;
	[dreg:$0x9] =	wrdreg s23  }
0x11: {  	s30 =	sadd.s32 $0x43000, s5;
	s31 =	sadd.s32 $0x43F00, s5;
	[dreg:$0xa] =	wrdreg s24  }
0x12: {  	s1 =	sadd.s32 $0x44E00, s5;
	s0 =	sadd.s32 $0x45D00, s5;
	[dreg:$0xb] =	wrdreg s25  }
0x13: {  	s3 =	sadd.s32 $0x46C00, s5;
	s4 =	sadd.s32 $0x47B00, s5;
	[dreg:$0xc] =	wrdreg s26  }
0x14: {  	s16 =	sadd.s32 $0x36D00, s5;
	s17 =	sadd.s32 $0x37C00, s5;
	s18 =	sadd.s32 $0x38B00, s5  }
0x15: {  	s19 =	sadd.s32 $0x39A00, s5;
	s20 =	sadd.s32 $0x3A900, s5;
	s21 =	sadd.s32 $0x3B800, s5  }
0x16: {  	s22 =	sadd.s32 $0x3C700, s5;
	s23 =	sadd.s32 $0x3D600, s5;
	s24 =	sadd.s32 $0x3E500, s5  }
0x17: {  	s25 =	sadd.s32 $0x3F400, s5;
	s26 =	sadd.s32 $0x40300, s5;
	s5 =	sadd.s32 $0x600, s5  }
.LBB2_1:
0x18: {  	s9 =	rddreg [dreg:$0x2]  }
0x19: {  	[tilespmem:s2], [sflag:$0x1] =	stream.linear.gather [hbm4b:s9+s2], $0x3C0, $0x38;
	[tilespmem:$0x7C00] =	vst v63  }
0x1a: {  	_ =	swait.ge [sflag:s7], $0x3C0  }
0x1b: {  	[sflag:s7] =	ssyncset.done $0x0  }
0x1c: {  	s10 =	simm.s32 $0x3C0;
	s13 =	rddreg [dreg:$0x3];
	[sflag:s7] =	ssyncadd.s32 $0xFFFFFC40  }
0x1d: {  	[tilespmem:s10], [sflag:$0x1] =	stream.linear.gather [hbm4b:s13+s2], $0x3C0, $0x38;
	[tilespmem:$0x7C00] =	vst v63  }
0x1e: {  	_ =	swait.ge [sflag:s7], $0x3C0  }
0x1f: {  	[sflag:s7] =	ssyncset.done $0x0  }
0x20: {  	s11 =	simm.s32 $0x780;
	s10 =	rddreg [dreg:$0x4];
	[sflag:s7] =	ssyncadd.s32 $0xFFFFFC40  }
0x21: {  	[tilespmem:s11], [sflag:$0x1] =	stream.linear.gather [hbm4b:s10+s2], $0x3C0, $0x38;
	[tilespmem:$0x7C00] =	vst v63  }
0x22: {  	_ =	swait.ge [sflag:s7], $0x3C0  }
0x23: {  	[sflag:s7] =	ssyncset.done $0x0  }
0x24: {  	s13 =	simm.s32 $0xB40;
	s12 =	rddreg [dreg:$0x5];
	[sflag:s7] =	ssyncadd.s32 $0xFFFFFC40  }
0x25: {  	[tilespmem:s13], [sflag:$0x1] =	stream.linear.gather [hbm4b:s12+s2], $0x3C0, $0x38;
	[tilespmem:$0x7C00] =	vst v63  }
0x26: {  	_ =	swait.ge [sflag:s7], $0x3C0  }
0x27: {  	[sflag:s7] =	ssyncset.done $0x0  }
0x28: {  	s11 =	simm.s32 $0xF00;
	s10 =	rddreg [dreg:$0x6];
	[sflag:s7] =	ssyncadd.s32 $0xFFFFFC40  }
0x29: {  	[tilespmem:s11], [sflag:$0x1] =	stream.linear.gather [hbm4b:s10+s2], $0x3C0, $0x38;
	[tilespmem:$0x7C00] =	vst v63  }
0x2a: {  	_ =	swait.ge [sflag:s7], $0x3C0  }
0x2b: {  	[sflag:s7] =	ssyncset.done $0x0  }
0x2c: {  	s13 =	simm.s32 $0x12C0;
	s12 =	rddreg [dreg:$0x7];
	[sflag:s7] =	ssyncadd.s32 $0xFFFFFC40  }
0x2d: {  	[tilespmem:s13], [sflag:$0x1] =	stream.linear.gather [hbm4b:s12+s2], $0x3C0, $0x38;
	[tilespmem:$0x7C00] =	vst v63  }
0x2e: {  	_ =	swait.ge [sflag:s7], $0x3C0  }
0x2f: {  	[sflag:s7] =	ssyncset.done $0x0  }
0x30: {  	s11 =	simm.s32 $0x1680;
	s10 =	rddreg [dreg:$0x8];
	[sflag:s7] =	ssyncadd.s32 $0xFFFFFC40  }
0x31: {  	[tilespmem:s11], [sflag:$0x1] =	stream.linear.gather [hbm4b:s10+s2], $0x3C0, $0x38;
	[tilespmem:$0x7C00] =	vst v63  }
0x32: {  	_ =	swait.ge [sflag:s7], $0x3C0  }
0x33: {  	[sflag:s7] =	ssyncset.done $0x0  }
0x34: {  	s13 =	simm.s32 $0x1A40;
	s12 =	rddreg [dreg:$0x9];
	[sflag:s7] =	ssyncadd.s32 $0xFFFFFC40  }
0x35: {  	[tilespmem:s13], [sflag:$0x1] =	stream.linear.gather [hbm4b:s12+s2], $0x3C0, $0x38;
	[tilespmem:$0x7C00] =	vst v63  }
0x36: {  	_ =	swait.ge [sflag:s7], $0x3C0  }
0x37: {  	[sflag:s7] =	ssyncset.done $0x0  }
0x38: {  	s11 =	simm.s32 $0x1E00;
	s10 =	rddreg [dreg:$0xa];
	[sflag:s7] =	ssyncadd.s32 $0xFFFFFC40  }
0x39: {  	[tilespmem:s11], [sflag:$0x1] =	stream.linear.gather [hbm4b:s10+s2], $0x3C0, $0x38;
	[tilespmem:$0x7C00] =	vst v63  }
0x3a: {  	_ =	swait.ge [sflag:s7], $0x3C0  }
0x3b: {  	[sflag:s7] =	ssyncset.done $0x0  }
0x3c: {  	s13 =	simm.s32 $0x21C0;
	s12 =	rddreg [dreg:$0xb];
	[sflag:s7] =	ssyncadd.s32 $0xFFFFFC40  }
0x3d: {  	[tilespmem:s13], [sflag:$0x1] =	stream.linear.gather [hbm4b:s12+s2], $0x3C0, $0x38;
	[tilespmem:$0x7C00] =	vst v63  }
0x3e: {  	_ =	swait.ge [sflag:s7], $0x3C0  }
0x3f: {  	[sflag:s7] =	ssyncset.done $0x0  }
0x40: {  	s11 =	simm.s32 $0x2580;
	s10 =	rddreg [dreg:$0xc];
	[sflag:s7] =	ssyncadd.s32 $0xFFFFFC40  }
0x41: {  	[tilespmem:s11], [sflag:$0x1] =	stream.linear.gather [hbm4b:s10+s2], $0x3C0, $0x38;
	[tilespmem:$0x7C00] =	vst v63  }
0x42: {  	_ =	swait.ge [sflag:s7], $0x3C0  }
0x43: {  	[sflag:s7] =	ssyncset.done $0x0  }
0x44: {  	s12 =	simm.s32 $0x2940;
	[sflag:s7] =	ssyncadd.s32 $0xFFFFFC40  }
0x45: {  	[tilespmem:s12], [sflag:$0x1] =	stream.linear.gather [hbm4b:s14+s2], $0x3C0, $0x38;
	[tilespmem:$0x7C00] =	vst v63  }
0x46: {  	_ =	swait.ge [sflag:s7], $0x3C0  }
0x47: {  	[sflag:s7] =	ssyncset.done $0x0  }
0x48: {  	s13 =	simm.s32 $0x2D00;
	[sflag:s7] =	ssyncadd.s32 $0xFFFFFC40  }
0x49: {  	[tilespmem:s13], [sflag:$0x1] =	stream.linear.gather [hbm4b:s15+s2], $0x3C0, $0x38;
	[tilespmem:$0x7C00] =	vst v63  }
0x4a: {  	_ =	swait.ge [sflag:s7], $0x3C0  }
0x4b: {  	[sflag:s7] =	ssyncset.done $0x0  }
0x4c: {  	s10 =	simm.s32 $0x30C0;
	[sflag:s7] =	ssyncadd.s32 $0xFFFFFC40  }
0x4d: {  	[tilespmem:s10], [sflag:$0x1] =	stream.linear.gather [hbm4b:s16+s2], $0x3C0, $0x38;
	[tilespmem:$0x7C00] =	vst v63  }
0x4e: {  	_ =	swait.ge [sflag:s7], $0x3C0  }
0x4f: {  	[sflag:s7] =	ssyncset.done $0x0  }
0x50: {  	s11 =	simm.s32 $0x3480;
	[sflag:s7] =	ssyncadd.s32 $0xFFFFFC40  }
0x51: {  	[tilespmem:s11], [sflag:$0x1] =	stream.linear.gather [hbm4b:s17+s2], $0x3C0, $0x38;
	[tilespmem:$0x7C00] =	vst v63  }
0x52: {  	_ =	swait.ge [sflag:s7], $0x3C0  }
0x53: {  	[sflag:s7] =	ssyncset.done $0x0  }
0x54: {  	s12 =	simm.s32 $0x3840;
	[sflag:s7] =	ssyncadd.s32 $0xFFFFFC40  }
0x55: {  	[tilespmem:s12], [sflag:$0x1] =	stream.linear.gather [hbm4b:s18+s2], $0x3C0, $0x38;
	[tilespmem:$0x7C00] =	vst v63  }
0x56: {  	_ =	swait.ge [sflag:s7], $0x3C0  }
0x57: {  	[sflag:s7] =	ssyncset.done $0x0  }
0x58: {  	s13 =	simm.s32 $0x3C00;
	[sflag:s7] =	ssyncadd.s32 $0xFFFFFC40  }
0x59: {  	[tilespmem:s13], [sflag:$0x1] =	stream.linear.gather [hbm4b:s19+s2], $0x3C0, $0x38;
	[tilespmem:$0x7C00] =	vst v63  }
0x5a: {  	_ =	swait.ge [sflag:s7], $0x3C0  }
0x5b: {  	[sflag:s7] =	ssyncset.done $0x0  }
0x5c: {  	s10 =	simm.s32 $0x3FC0;
	[sflag:s7] =	ssyncadd.s32 $0xFFFFFC40  }
0x5d: {  	[tilespmem:s10], [sflag:$0x1] =	stream.linear.gather [hbm4b:s20+s2], $0x3C0, $0x38;
	[tilespmem:$0x7C00] =	vst v63  }
0x5e: {  	_ =	swait.ge [sflag:s7], $0x3C0  }
0x5f: {  	[sflag:s7] =	ssyncset.done $0x0  }
0x60: {  	s11 =	simm.s32 $0x4380;
	[sflag:s7] =	ssyncadd.s32 $0xFFFFFC40  }
0x61: {  	[tilespmem:s11], [sflag:$0x1] =	stream.linear.gather [hbm4b:s21+s2], $0x3C0, $0x38;
	[tilespmem:$0x7C00] =	vst v63  }
0x62: {  	_ =	swait.ge [sflag:s7], $0x3C0  }
0x63: {  	[sflag:s7] =	ssyncset.done $0x0  }
0x64: {  	s12 =	simm.s32 $0x4740;
	[sflag:s7] =	ssyncadd.s32 $0xFFFFFC40  }
0x65: {  	[tilespmem:s12], [sflag:$0x1] =	stream.linear.gather [hbm4b:s22+s2], $0x3C0, $0x38;
	[tilespmem:$0x7C00] =	vst v63  }
0x66: {  	_ =	swait.ge [sflag:s7], $0x3C0  }
0x67: {  	[sflag:s7] =	ssyncset.done $0x0  }
0x68: {  	s13 =	simm.s32 $0x4B00;
	[sflag:s7] =	ssyncadd.s32 $0xFFFFFC40  }
0x69: {  	[tilespmem:s13], [sflag:$0x1] =	stream.linear.gather [hbm4b:s23+s2], $0x3C0, $0x38;
	[tilespmem:$0x7C00] =	vst v63  }
0x6a: {  	_ =	swait.ge [sflag:s7], $0x3C0  }
0x6b: {  	[sflag:s7] =	ssyncset.done $0x0  }
0x6c: {  	s10 =	simm.s32 $0x4EC0;
	[sflag:s7] =	ssyncadd.s32 $0xFFFFFC40  }
0x6d: {  	[tilespmem:s10], [sflag:$0x1] =	stream.linear.gather [hbm4b:s24+s2], $0x3C0, $0x38;
	[tilespmem:$0x7C00] =	vst v63  }
0x6e: {  	_ =	swait.ge [sflag:s7], $0x3C0  }
0x6f: {  	[sflag:s7] =	ssyncset.done $0x0  }
0x70: {  	s11 =	simm.s32 $0x5280;
	[sflag:s7] =	ssyncadd.s32 $0xFFFFFC40  }
0x71: {  	[tilespmem:s11], [sflag:$0x1] =	stream.linear.gather [hbm4b:s25+s2], $0x3C0, $0x38;
	[tilespmem:$0x7C00] =	vst v63  }
0x72: {  	_ =	swait.ge [sflag:s7], $0x3C0  }
0x73: {  	[sflag:s7] =	ssyncset.done $0x0  }
0x74: {  	s12 =	simm.s32 $0x5640;
	[sflag:s7] =	ssyncadd.s32 $0xFFFFFC40  }
0x75: {  	[tilespmem:s12], [sflag:$0x1] =	stream.linear.gather [hbm4b:s26+s2], $0x3C0, $0x38;
	[tilespmem:$0x7C00] =	vst v63  }
0x76: {  	_ =	swait.ge [sflag:s7], $0x3C0  }
0x77: {  	[sflag:s7] =	ssyncset.done $0x0  }
0x78: {  	s13 =	simm.s32 $0x5A00;
	[sflag:s7] =	ssyncadd.s32 $0xFFFFFC40  }
0x79: {  	[tilespmem:s13], [sflag:$0x1] =	stream.linear.gather [hbm4b:s28+s2], $0x3C0, $0x38;
	[tilespmem:$0x7C00] =	vst v63  }
0x7a: {  	_ =	swait.ge [sflag:s7], $0x3C0  }
0x7b: {  	[sflag:s7] =	ssyncset.done $0x0  }
0x7c: {  	s10 =	simm.s32 $0x5DC0;
	[sflag:s7] =	ssyncadd.s32 $0xFFFFFC40  }
0x7d: {  	[tilespmem:s10], [sflag:$0x1] =	stream.linear.gather [hbm4b:s29+s2], $0x3C0, $0x38;
	[tilespmem:$0x7C00] =	vst v63  }
0x7e: {  	_ =	swait.ge [sflag:s7], $0x3C0  }
0x7f: {  	[sflag:s7] =	ssyncset.done $0x0  }
0x80: {  	s11 =	simm.s32 $0x6180;
	[sflag:s7] =	ssyncadd.s32 $0xFFFFFC40  }
0x81: {  	[tilespmem:s11], [sflag:$0x1] =	stream.linear.gather [hbm4b:s30+s2], $0x3C0, $0x38;
	[tilespmem:$0x7C00] =	vst v63  }
0x82: {  	_ =	swait.ge [sflag:s7], $0x3C0  }
0x83: {  	[sflag:s7] =	ssyncset.done $0x0  }
0x84: {  	s12 =	simm.s32 $0x6540;
	[sflag:s7] =	ssyncadd.s32 $0xFFFFFC40  }
0x85: {  	[tilespmem:s12], [sflag:$0x1] =	stream.linear.gather [hbm4b:s31+s2], $0x3C0, $0x38;
	[tilespmem:$0x7C00] =	vst v63  }
0x86: {  	_ =	swait.ge [sflag:s7], $0x3C0  }
0x87: {  	[sflag:s7] =	ssyncset.done $0x0  }
0x88: {  	s13 =	simm.s32 $0x6900;
	[sflag:s7] =	ssyncadd.s32 $0xFFFFFC40  }
0x89: {  	[tilespmem:s13], [sflag:$0x1] =	stream.linear.gather [hbm4b:s1+s2], $0x3C0, $0x38;
	[tilespmem:$0x7C00] =	vst v63  }
0x8a: {  	_ =	swait.ge [sflag:s7], $0x3C0  }
0x8b: {  	[sflag:s7] =	ssyncset.done $0x0  }
0x8c: {  	s10 =	simm.s32 $0x6CC0;
	[sflag:s7] =	ssyncadd.s32 $0xFFFFFC40  }
0x8d: {  	[tilespmem:s10], [sflag:$0x1] =	stream.linear.gather [hbm4b:s0+s2], $0x3C0, $0x38;
	[tilespmem:$0x7C00] =	vst v63  }
0x8e: {  	_ =	swait.ge [sflag:s7], $0x3C0  }
0x8f: {  	[sflag:s7] =	ssyncset.done $0x0  }
0x90: {  	s11 =	simm.s32 $0x7080;
	[sflag:s7] =	ssyncadd.s32 $0xFFFFFC40  }
0x91: {  	[tilespmem:s11], [sflag:$0x1] =	stream.linear.gather [hbm4b:s3+s2], $0x3C0, $0x38;
	[tilespmem:$0x7C00] =	vst v63  }
0x92: {  	_ =	swait.ge [sflag:s7], $0x3C0  }
0x93: {  	[sflag:s7] =	ssyncset.done $0x0  }
0x94: {  	s12 =	simm.s32 $0x7440;
	[sflag:s7] =	ssyncadd.s32 $0xFFFFFC40  }
0x95: {  	[tilespmem:s12], [sflag:$0x1] =	stream.linear.gather [hbm4b:s4+s2], $0x3C0, $0x38;
	[tilespmem:$0x7C00] =	vst v63  }
0x96: {  	_ =	swait.ge [sflag:s7], $0x3C0  }
0x97: {  	[sflag:s7] =	ssyncset.done $0x0  }
0x98: {  	s9 =	simm.s32 $0x0;
	[sflag:s7] =	ssyncadd.s32 $0xFFFFFC40  }
0x99: {  	v0 =	vld [tilespmem:s9+$0x0]  }
0x9a: {  	v1 =	vld [tilespmem:s9+$0x3C0]  }
0x9b: {  	s13 =	sand.u32 $0x3F0, s2  }
0x9c: {  	v2 =	vld [tilespmem:s13+$0x780];
	_ =	sdelay $0x1  }
0x9d: {  	v3 =	vld [tilespmem:s9+$0xB40]  }
0x9e: {  	v0 =	vadd.f32 v1, v0  }
0x9f: {  	v1 =	vld [tilespmem:s13+$0xF00]  }
0xa0: {  	v0 =	vadd.f32 v2, v0  }
0xa1: {  	v2 =	vld [tilespmem:s9+$0x12C0]  }
0xa2: {  	v0 =	vadd.f32 v3, v0  }
0xa3: {  	v3 =	vld [tilespmem:s13+$0x1680]  }
0xa4: {  	v0 =	vadd.f32 v1, v0  }
0xa5: {  	v1 =	vld [tilespmem:s9+$0x1A40]  }
0xa6: {  	v0 =	vadd.f32 v2, v0  }
0xa7: {  	v2 =	vld [tilespmem:s13+$0x1E00]  }
0xa8: {  	v0 =	vadd.f32 v3, v0  }
0xa9: {  	v3 =	vld [tilespmem:s9+$0x21C0]  }
0xaa: {  	v0 =	vadd.f32 v1, v0  }
0xab: {  	v1 =	vld [tilespmem:s13+$0x2580]  }
0xac: {  	v0 =	vadd.f32 v2, v0  }
0xad: {  	v2 =	vld [tilespmem:s9+$0x2940]  }
0xae: {  	v0 =	vadd.f32 v3, v0  }
0xaf: {  	v3 =	vld [tilespmem:s13+$0x2D00]  }
0xb0: {  	v0 =	vadd.f32 v1, v0  }
0xb1: {  	v1 =	vld [tilespmem:s9+$0x30C0]  }
0xb2: {  	v0 =	vadd.f32 v2, v0  }
0xb3: {  	v2 =	vld [tilespmem:s13+$0x3480]  }
0xb4: {  	v0 =	vadd.f32 v3, v0  }
0xb5: {  	v3 =	vld [tilespmem:s9+$0x3840]  }
0xb6: {  	v0 =	vadd.f32 v1, v0  }
0xb7: {  	v1 =	vld [tilespmem:s13+$0x3C00]  }
0xb8: {  	v0 =	vadd.f32 v2, v0  }
0xb9: {  	v2 =	vld [tilespmem:s9+$0x3FC0]  }
0xba: {  	v0 =	vadd.f32 v3, v0  }
0xbb: {  	v3 =	vld [tilespmem:s13+$0x4380]  }
0xbc: {  	v0 =	vadd.f32 v1, v0  }
0xbd: {  	v1 =	vld [tilespmem:s9+$0x4740]  }
0xbe: {  	v0 =	vadd.f32 v2, v0  }
0xbf: {  	v2 =	vld [tilespmem:s13+$0x4B00]  }
0xc0: {  	v0 =	vadd.f32 v3, v0  }
0xc1: {  	v3 =	vld [tilespmem:s9+$0x4EC0]  }
0xc2: {  	v0 =	vadd.f32 v1, v0  }
0xc3: {  	v1 =	vld [tilespmem:s13+$0x5280]  }
0xc4: {  	v0 =	vadd.f32 v2, v0  }
0xc5: {  	v2 =	vld [tilespmem:s9+$0x5640]  }
0xc6: {  	v0 =	vadd.f32 v3, v0  }
0xc7: {  	v3 =	vld [tilespmem:s13+$0x5A00]  }
0xc8: {  	v0 =	vadd.f32 v1, v0  }
0xc9: {  	v1 =	vld [tilespmem:s9+$0x5DC0]  }
0xca: {  	v0 =	vadd.f32 v2, v0  }
0xcb: {  	v2 =	vld [tilespmem:s13+$0x6180]  }
0xcc: {  	v0 =	vadd.f32 v3, v0  }
0xcd: {  	v3 =	vld [tilespmem:s9+$0x6540]  }
0xce: {  	v0 =	vadd.f32 v1, v0  }
0xcf: {  	v1 =	vld [tilespmem:s13+$0x6900]  }
0xd0: {  	v0 =	vadd.f32 v2, v0  }
0xd1: {  	v2 =	vld [tilespmem:s9+$0x6CC0]  }
0xd2: {  	v0 =	vadd.f32 v3, v0  }
0xd3: {  	v3 =	vld [tilespmem:s13+$0x7080]  }
0xd4: {  	v0 =	vadd.f32 v1, v0  }
0xd5: {  	v1 =	vld [tilespmem:s9+$0x7440]  }
0xd6: {  	v0 =	vadd.f32 v2, v0;
	_ =	sdelay $0x1  }
0xd7: {  	v2 =	vadd.f32 v3, v0  }
0xd8: {  	s13 =	simm.s32 $0x10  }
0xd9: {  	s10 =	simm.s32 $0x0;
	s11 =	simm.s32 $0x80;
	v0 =	vld [tilespmem:s13+$0x0];
	v1 =	vadd.f32 v1, v2  }
.LBB2_2:
0xda: {  	p0 =	sne.s32 s11, $0xEC0;
	v2 =	vld [tilespmem:s13+$0x3C0];
	s10 =	sadd.s32 $0x10, s10  }
0xdb: {  	s12 =	sand.u32 $0x3F0, s10;
	[tilespmem:s9+$0x7800] =	vst v1;
	s9 =	smov.u32 s13  }
0xdc: {  	v1 =	vld [tilespmem:s12+$0x780];
	_ =	sdelay $0x1  }
0xdd: {  	v3 =	vld [tilespmem:s9+$0xB40]  }
0xde: {  	v0 =	vadd.f32 v2, v0  }
0xdf: {  	v2 =	vld [tilespmem:s12+$0xF00]  }
0xe0: {  	v0 =	vadd.f32 v1, v0  }
0xe1: {  	v1 =	vld [tilespmem:s9+$0x12C0]  }
0xe2: {  	v0 =	vadd.f32 v3, v0  }
0xe3: {  	v3 =	vld [tilespmem:s12+$0x1680]  }
0xe4: {  	v0 =	vadd.f32 v2, v0  }
0xe5: {  	v2 =	vld [tilespmem:s9+$0x1A40]  }
0xe6: {  	v0 =	vadd.f32 v1, v0  }
0xe7: {  	v1 =	vld [tilespmem:s12+$0x1E00]  }
0xe8: {  	v0 =	vadd.f32 v3, v0  }
0xe9: {  	v3 =	vld [tilespmem:s9+$0x21C0]  }
0xea: {  	v0 =	vadd.f32 v2, v0  }
0xeb: {  	v2 =	vld [tilespmem:s12+$0x2580]  }
0xec: {  	v0 =	vadd.f32 v1, v0  }
0xed: {  	v1 =	vld [tilespmem:s9+$0x2940]  }
0xee: {  	v0 =	vadd.f32 v3, v0  }
0xef: {  	v3 =	vld [tilespmem:s12+$0x2D00]  }
0xf0: {  	v0 =	vadd.f32 v2, v0  }
0xf1: {  	v2 =	vld [tilespmem:s9+$0x30C0]  }
0xf2: {  	v0 =	vadd.f32 v1, v0  }
0xf3: {  	v1 =	vld [tilespmem:s12+$0x3480]  }
0xf4: {  	v0 =	vadd.f32 v3, v0  }
0xf5: {  	v3 =	vld [tilespmem:s9+$0x3840]  }
0xf6: {  	v0 =	vadd.f32 v2, v0  }
0xf7: {  	v2 =	vld [tilespmem:s12+$0x3C00]  }
0xf8: {  	v0 =	vadd.f32 v1, v0  }
0xf9: {  	v1 =	vld [tilespmem:s9+$0x3FC0]  }
0xfa: {  	v0 =	vadd.f32 v3, v0  }
0xfb: {  	v3 =	vld [tilespmem:s12+$0x4380]  }
0xfc: {  	v0 =	vadd.f32 v2, v0  }
0xfd: {  	v2 =	vld [tilespmem:s9+$0x4740]  }
0xfe: {  	v0 =	vadd.f32 v1, v0  }
0xff: {  	v1 =	vld [tilespmem:s12+$0x4B00]  }
0x100: {  	v0 =	vadd.f32 v3, v0  }
0x101: {  	v3 =	vld [tilespmem:s9+$0x4EC0]  }
0x102: {  	v0 =	vadd.f32 v2, v0  }
0x103: {  	v2 =	vld [tilespmem:s12+$0x5280]  }
0x104: {  	v0 =	vadd.f32 v1, v0  }
0x105: {  	v1 =	vld [tilespmem:s9+$0x5640]  }
0x106: {  	v0 =	vadd.f32 v3, v0  }
0x107: {  	v3 =	vld [tilespmem:s12+$0x5A00]  }
0x108: {  	v0 =	vadd.f32 v2, v0  }
0x109: {  	v2 =	vld [tilespmem:s9+$0x5DC0]  }
0x10a: {  	v0 =	vadd.f32 v1, v0  }
0x10b: {  	v1 =	vld [tilespmem:s12+$0x6180]  }
0x10c: {  	v0 =	vadd.f32 v3, v0  }
0x10d: {  	v3 =	vld [tilespmem:s9+$0x6540]  }
0x10e: {  	v0 =	vadd.f32 v2, v0  }
0x10f: {  	v2 =	vld [tilespmem:s12+$0x6900]  }
0x110: {  	v0 =	vadd.f32 v1, v0  }
0x111: {  	v1 =	vld [tilespmem:s9+$0x6CC0]  }
0x112: {  	v0 =	vadd.f32 v3, v0  }
0x113: {  	v3 =	vld [tilespmem:s12+$0x7080]  }
0x114: {  	v0 =	vadd.f32 v2, v0  }
0x115: {  	v2 =	vld [tilespmem:s9+$0x7440]  }
.Ltmp0:
0x116: {  	v0 =	vadd.f32 v1, v0;
	(pc) =	sbr.rel @p0 .LBB2_2-.Ltmp0, $4  }
0x117: {  	_ = 	snop  }
0x118: {  	v1 =	vadd.f32 v3, v0  }
0x119: {  	s13 =	sshra.s32 s11, $0x2  }
0x11a: {  	s11 =	sadd.s32 $0x40, s11;
	v0 =	vld [tilespmem:s13+$0x0];
	v1 =	vadd.f32 v2, v1  }
0x11b: {  	v2 =	vld [tilespmem:s13+$0x3C0];
	s10 =	sadd.s32 $0x10, s10  }
0x11c: {  	s10 =	sand.u32 $0x3F0, s10;
	[tilespmem:s9+$0x7800] =	vst v1  }
0x11d: {  	v1 =	vld [tilespmem:s10+$0x780];
	_ =	sdelay $0x1  }
0x11e: {  	v3 =	vld [tilespmem:s13+$0xB40]  }
0x11f: {  	v0 =	vadd.f32 v2, v0  }
0x120: {  	v36 =	vld [tilespmem:s10+$0xF00]  }
0x121: {  	v0 =	vadd.f32 v1, v0  }
0x122: {  	v37 =	vld [tilespmem:s13+$0x12C0]  }
0x123: {  	v0 =	vadd.f32 v3, v0  }
0x124: {  	v38 =	vld [tilespmem:s10+$0x1680]  }
0x125: {  	v0 =	vadd.f32 v36, v0  }
0x126: {  	v39 =	vld [tilespmem:s13+$0x1A40]  }
0x127: {  	v0 =	vadd.f32 v37, v0  }
0x128: {  	v40 =	vld [tilespmem:s10+$0x1E00]  }
0x129: {  	v0 =	vadd.f32 v38, v0  }
0x12a: {  	v41 =	vld [tilespmem:s13+$0x21C0]  }
0x12b: {  	v0 =	vadd.f32 v39, v0  }
0x12c: {  	v42 =	vld [tilespmem:s10+$0x2580]  }
0x12d: {  	v0 =	vadd.f32 v40, v0  }
0x12e: {  	v43 =	vld [tilespmem:s13+$0x2940]  }
0x12f: {  	v0 =	vadd.f32 v41, v0  }
0x130: {  	v44 =	vld [tilespmem:s10+$0x2D00]  }
0x131: {  	v0 =	vadd.f32 v42, v0  }
0x132: {  	v45 =	vld [tilespmem:s13+$0x30C0]  }
0x133: {  	v0 =	vadd.f32 v43, v0  }
0x134: {  	v46 =	vld [tilespmem:s10+$0x3480]  }
0x135: {  	v0 =	vadd.f32 v44, v0  }
0x136: {  	v47 =	vld [tilespmem:s13+$0x3840]  }
0x137: {  	v0 =	vadd.f32 v45, v0  }
0x138: {  	v48 =	vld [tilespmem:s10+$0x3C00]  }
0x139: {  	v0 =	vadd.f32 v46, v0  }
0x13a: {  	v49 =	vld [tilespmem:s13+$0x3FC0]  }
0x13b: {  	v0 =	vadd.f32 v47, v0  }
0x13c: {  	v50 =	vld [tilespmem:s10+$0x4380]  }
0x13d: {  	v0 =	vadd.f32 v48, v0  }
0x13e: {  	v51 =	vld [tilespmem:s13+$0x4740]  }
0x13f: {  	v0 =	vadd.f32 v49, v0  }
0x140: {  	v52 =	vld [tilespmem:s10+$0x4B00]  }
0x141: {  	v0 =	vadd.f32 v50, v0  }
0x142: {  	v53 =	vld [tilespmem:s13+$0x4EC0]  }
0x143: {  	v0 =	vadd.f32 v51, v0  }
0x144: {  	v54 =	vld [tilespmem:s10+$0x5280]  }
0x145: {  	v0 =	vadd.f32 v52, v0  }
0x146: {  	v55 =	vld [tilespmem:s13+$0x5640]  }
0x147: {  	v0 =	vadd.f32 v53, v0  }
0x148: {  	v56 =	vld [tilespmem:s10+$0x5A00]  }
0x149: {  	v0 =	vadd.f32 v54, v0  }
0x14a: {  	v57 =	vld [tilespmem:s13+$0x5DC0]  }
0x14b: {  	v0 =	vadd.f32 v55, v0  }
0x14c: {  	v58 =	vld [tilespmem:s10+$0x6180]  }
0x14d: {  	v0 =	vadd.f32 v56, v0  }
0x14e: {  	v59 =	vld [tilespmem:s13+$0x6540]  }
0x14f: {  	v0 =	vadd.f32 v57, v0  }
0x150: {  	v60 =	vld [tilespmem:s10+$0x6900]  }
0x151: {  	v0 =	vadd.f32 v58, v0  }
0x152: {  	v61 =	vld [tilespmem:s13+$0x6CC0]  }
0x153: {  	v0 =	vadd.f32 v59, v0  }
0x154: {  	v62 =	vld [tilespmem:s10+$0x7080]  }
0x155: {  	v0 =	vadd.f32 v60, v0  }
0x156: {  	v63 =	vld [tilespmem:s13+$0x7440]  }
0x157: {  	v0 =	vadd.f32 v61, v0;
	_ =	sdelay $0x1  }
0x158: {  	v0 =	vadd.f32 v62, v0;
	_ =	sdelay $0x1  }
0x159: {  	s8 =	sadd.s32 $0x1, s8;
	v0 =	vadd.f32 v63, v0  }
0x15a: {  	p0 =	sne.s32 s8, s6  }
.Ltmp1:
0x15b: {  	[tilespmem:s13+$0x7800] =	vst v0;
	s13 =	simm.s32 $0x7800;
	(pc) =	sbr.rel @p0 .LBB2_1-.Ltmp1, $4  }
0x15c: {  	[hbm4b:s5+s2] =	stream.linear.scatter [tilespmem:s13], [sflag:$0x1], $0x3C0, $0x38;
	[tilespmem:$0x7C00] =	vst v63  }
0x15d: {  	_ =	swait.ge [sflag:s7], $0x3C0  }
0x15e: {  	[sflag:s7] =	ssyncset.done $0x0  }
0x15f: {  	[sflag:s7] =	ssyncadd.s32 $0xFFFFFC40  }
0x160: {  	_ =	sfence.sel $0x180000  }
0x161: {  	[bflag:$0x0] =	sbarrier.arrive $0xFFFF  }
0x162: {  	_ =	strace $0x9000004D  }
0x163: {  	s0 =	stileid.u32;
	[bflag:$0x2] =	sbarrier.arrive $0xFFFF  }
0x164: {  	p0 =	sne.s32 s0, $0x0;
	s0 =	rddreg [dreg:$0x1]  }
0x165: {  	s0 =	sadd.s32 @!p0 $0x100000, s0  }
0x166: {  	[sflag:s0] =	ssyncadd.tile.s32 @!p0 $0x1;
	_ =	shalt  }
.Lfunc_end2:
_tile_overlayer_lowered:
.L_overlay_start_2:
0x167: {  	(tag) =	ssettag $0x2  }
0x168: {  	s0 =	rddreg [dreg:$0x0];
	s2 =	stileid.u32  }
0x169: {  	s1 =	rddreg [dreg:$0x1];
	p0 =	sne.s32 s2, $0x0  }
0x16a: {  	s3 =	rddreg [dreg:$0x2];
	[bflag:$0x3] =	sbarrier.arrive $0xFFFF;
	s2 =	simm.s32 @!p0 $0x1C01  }
0x16b: {  	[timem:s3], [sflag:s2] =	dma.local @!p0 [hbm:s0], s1  }
0x16c: {  	s0 =	simm.s32 @!p0 $0x1  }
0x16d: {  	_ =	swait.ge @!p0 [sflag:s0], s1  }
0x16e: {  	s1 =	ssub.s32 @!p0 $0x0, s1;
	[sflag:s0] =	ssyncset.done @!p0 $0x0  }
0x16f: {  	[sflag:s0] =	ssyncadd.s32 @!p0 s1  }
0x170: {  	[bflag:$0x3] =	sbarrier.arrive $0xFFFF  }
0x171: {  	_ =	shalt  }

// kernel: kernel.6.cloned.1.call-start
scs
__scs_entry_jumppad:
0x0: {  	(pc) =	sbr.rel $0x88, $3  }
0x1: {  	(tag) =	ssettag $0x0;
	lr =	simm.s32 $0x1  }
0x2: {  	[smem:$0x3F8F] =	sst lr;
	_ =	strace $0xD0000000  }
0x3: {  	_ = 	snop  }
0x4: {  	_ = 	snop  }
0x5: {  	_ = 	snop  }
0x6: {  	_ = 	snop  }
0x7: {  	_ = 	snop  }
__scs_overlays_trampoline_lowered:
0x8: {  	[smem:$0x3F9E] =	sst s0  }
0x9: {  	[smem:$0x3F9F] =	sst s1  }
0xa: {  	[smem:$0x3FA0] =	sst s2  }
0xb: {  	[smem:$0x3FA1] =	sst s3  }
0xc: {  	[smem:$0x3FA2] =	sst s4  }
0xd: {  	[smem:$0x3FA3] =	sst s5  }
0xe: {  	[smem:$0x3FA4] =	sst s6  }
0xf: {  	[smem:$0x3FA5] =	sst s7  }
0x10: {  	[smem:$0x3FA6] =	sst s8  }
0x11: {  	[smem:$0x3FA7] =	sst s9;
	s0 =	simm.s32 @!p0 $0x0  }
0x12: {  	s1 =	sld [smem:$0x3F8D];
	s0 =	simm.s32 @p0 $0x1  }
0x13: {  	[smem:$0x3FA8] =	sst s0;
	s0 =	simm.s32 @!p1 $0x0  }
0x14: {  	s2 =	sld [smem:$0x3F8C];
	s0 =	simm.s32 @p1 $0x1  }
0x15: {  	[smem:$0x3FA9] =	sst s0;
	s0 =	simm.s32 @!p2 $0x0  }
0x16: {  	s3 =	sld [smem:$0x3FDB];
	s0 =	simm.s32 @p2 $0x1  }
0x17: {  	s4 =	simm.s32 $0x1BF5;
	[smem:$0x3FAB] =	sst s0  }
0x18: {  	s0 =	sld [smem:$0x3F8E];
	_ =	swait.ge [sflag:s4], $0x0  }
0x19: {  	s7 =	sld [smem:$0x3F8F]  }
0x1a: {  	s8 =	sadd.s32 $0xFFFFE003, lr  }
0x1b: {  	s9 =	sadd.s32 $0xFFFFFEF7, lr;
	s5 =	simm.s32 $0xFFFFFFFF;
	p2 =	slt.u32 s8, $0xFFFFF086  }
0x1c: {  	p1 =	slt.u32 s9, $0xF7A;
	s5 =	simm.s32 @!p2 $0x0  }
0x1d: {  	s5 =	simm.s32 @p1 $0x1;
	p0 =	seq.s32 s7, s2  }
0x1e: {  	s7 =	smul.u32 @!p0 $0xF7A, s2;
	p2 =	seq.s32 @!p0 s5, $0x0  }
0x1f: {  	s9 =	smul.u32 $0xF7A, s1;
	s8 =	simm.s32 @!p0 $0x1BF5;
	p2 =	por !p2, p0  }
0x20: {  	[sflag:s8] =	ssyncset.s32 @!p0 $0xFFFFF086;
	s6 =	sadd.s32 @!p0 s3, s7;
	s7 =	simm.s32 @!p0 $0x108  }
0x21: {  	s3 =	sadd.s32 s3, s9;
	s6 =	sadd.s32 @!p0 $0x88, s6;
	s7 =	simm.s32 @p2 $0x1082  }
0x22: {  	[simem:s7], [sflag:s8] =	dma.local @!p0 [hbm:s6], $0xF7A  }
0x23: {  	s9 =	sor.u32 $0xD0000000, s2;
	s6 =	simm.s32 $0x108;
	_ =	swait.ge @!p0 [sflag:s8], $0x0  }
0x24: {  	s3 =	sadd.s32 $0x88, s3;
	s6 =	simm.s32 @!p1 $0x1082;
	[sflag:s4] =	ssyncset.s32 $0xFFFFF086  }
0x25: {  	[simem:s6], [sflag:s4] =	dma.local [hbm:s3], $0xF7A  }
0x26: {  	[smem:$0x3F8F] =	sst s1;
	(tag) =	ssettag s2;
	_ =	strace s9  }
0x27: {  	s1 =	sld [smem:$0x3F9F]  }
0x28: {  	s2 =	sld [smem:$0x3FA0]  }
0x29: {  	s4 =	sld [smem:$0x3FA2]  }
0x2a: {  	p0 =	seq.s32 s5, $0x0;
	s5 =	sld [smem:$0x3FA3]  }
0x2b: {  	s6 =	sld [smem:$0x3FA4]  }
0x2c: {  	s7 =	sld [smem:$0x3FA5]  }
0x2d: {  	s3 =	simm.s32 $0x108;
	s8 =	sld [smem:$0x3FA6]  }
0x2e: {  	s3 =	simm.s32 @!p0 $0x1082;
	s9 =	sld [smem:$0x3FA7]  }
0x2f: {  	lr =	sadd.s32 s0, s3;
	s0 =	sld [smem:$0x3F9E]  }
0x30: {  	s3 =	sld [smem:$0x3FA1]  }
0x31: {  	[smem:$0x3FAA] =	sst s10  }
0x32: {  	s10 =	sld [smem:$0x3FA8];
	_ =	sdelay $0x3  }
0x33: {  	p0 =	seq.s32 s10, $0x1;
	s10 =	sld [smem:$0x3FAA];
	_ =	sdelay $0x3  }
0x34: {  	[smem:$0x3FAA] =	sst s10  }
0x35: {  	s10 =	sld [smem:$0x3FA9];
	_ =	sdelay $0x3  }
0x36: {  	p1 =	seq.s32 s10, $0x1;
	s10 =	sld [smem:$0x3FAA];
	_ =	sdelay $0x3  }
0x37: {  	[smem:$0x3FAA] =	sst s10  }
0x38: {  	s10 =	sld [smem:$0x3FAB]  }
0x39: {  	_ = 	snop;
	(pc) =	sbr.ind lr, $3  }
0x3a: {  	_ = 	snop  }
0x3b: {  	_ = 	snop  }
0x3c: {  	p2 =	seq.s32 s10, $0x1;
	s10 =	sld [smem:$0x3FAA]  }
0x3d: {  	_ =	shalt  }
0x3e: {  	_ =	shalt  }
0x3f: {  	_ =	shalt  }
0x40: {  	_ =	shalt  }
0x41: {  	_ =	shalt  }
0x42: {  	_ =	shalt  }
0x43: {  	_ =	shalt  }
0x44: {  	_ =	shalt  }
0x45: {  	_ =	shalt  }
0x46: {  	_ =	shalt  }
0x47: {  	_ =	shalt  }
0x48: {  	_ =	shalt  }
0x49: {  	_ =	shalt  }
0x4a: {  	_ =	shalt  }
0x4b: {  	_ =	shalt  }
0x4c: {  	_ =	shalt  }
0x4d: {  	_ =	shalt  }
0x4e: {  	_ =	shalt  }
0x4f: {  	_ =	shalt  }
0x50: {  	_ =	shalt  }
0x51: {  	_ =	shalt  }
0x52: {  	_ =	shalt  }
0x53: {  	_ =	shalt  }
0x54: {  	_ =	shalt  }
0x55: {  	_ =	shalt  }
0x56: {  	_ =	shalt  }
0x57: {  	_ =	shalt  }
0x58: {  	_ =	shalt  }
0x59: {  	_ =	shalt  }
0x5a: {  	_ =	shalt  }
0x5b: {  	_ =	shalt  }
0x5c: {  	_ =	shalt  }
0x5d: {  	_ =	shalt  }
0x5e: {  	_ =	shalt  }
0x5f: {  	_ =	shalt  }
0x60: {  	_ =	shalt  }
0x61: {  	_ =	shalt  }
0x62: {  	_ =	shalt  }
0x63: {  	_ =	shalt  }
0x64: {  	_ =	shalt  }
0x65: {  	_ =	shalt  }
0x66: {  	_ =	shalt  }
0x67: {  	_ =	shalt  }
0x68: {  	_ =	shalt  }
0x69: {  	_ =	shalt  }
0x6a: {  	_ =	shalt  }
0x6b: {  	_ =	shalt  }
0x6c: {  	_ =	shalt  }
0x6d: {  	_ =	shalt  }
0x6e: {  	_ =	shalt  }
0x6f: {  	_ =	shalt  }
0x70: {  	_ =	shalt  }
0x71: {  	_ =	shalt  }
0x72: {  	_ =	shalt  }
0x73: {  	_ =	shalt  }
0x74: {  	_ =	shalt  }
0x75: {  	_ =	shalt  }
0x76: {  	_ =	shalt  }
0x77: {  	_ =	shalt  }
0x78: {  	_ =	shalt  }
0x79: {  	_ =	shalt  }
0x7a: {  	_ =	shalt  }
0x7b: {  	_ =	shalt  }
0x7c: {  	_ =	shalt  }
0x7d: {  	_ =	shalt  }
0x7e: {  	_ =	shalt  }
0x7f: {  	_ =	shalt  }
0x80: {  	_ =	shalt  }
0x81: {  	_ =	shalt  }
0x82: {  	_ =	shalt  }
0x83: {  	_ =	shalt  }
0x84: {  	_ =	shalt  }
0x85: {  	_ =	shalt  }
0x86: {  	_ =	shalt  }
0x87: {  	_ =	shalt  }
.Lfunc_end0:
.L_simem_size_0:
called_computation_lowered:
.L_overlay_start_0:
0x88: {  	s2 =	sld [smem:$0x3FD9]  }
0x89: {  	s3 =	sld [smem:$0x3FFE];
	_ =	sdelay $0x1  }
0x8a: {  	s1 =	srdreg.scid  }
0x8b: {  	s0 =	sand.u32 $0x1, s1  }
0x8c: {  	s14 =	sshll.u32 s0, $0xA;
	s2 =	sadd.s32 s3, s2  }
0x8d: {  	s2 =	sadd.s32 s2, s14  }
0x8e: {  	[smem:$0x3FB6] =	sst s2  }
0x8f: {  	_ = 	snop  }
0x90: {  	s2 =	sld [smem:$0x3FD0];
	_ =	sdelay $0x2  }
0x91: {  	s15 =	simm.s32 $0xA;
	s4 =	simm.s32 $0x10  }
0x92: {  	[smem:s4], [sflag:s15] =	dma.local [hbm:s2], $0x1  }
0x93: {  	_ =	swait.eq [sflag:s15], $0x1  }
0x94: {  	[sflag:s15] =	ssyncset.done $0x0  }
0x95: {  	[sflag:s15] =	ssyncadd.s32 $0xFFFFFFFF  }
0x96: {  	s16 =	sld [smem:$0x11];
	(tm) =	ssettm $0x1  }
0x97: {  	s17 =	sld [smem:$0x3FFB];
	_ =	sdelay $0x3  }
0x98: {  	_ =	strace s17  }
0x99: {  	s3 =	sld [smem:$0x3FFC];
	_ =	sdelay $0x3  }
0x9a: {  	_ =	strace s3  }
0x9b: {  	s3 =	sld [smem:$0x3FFD];
	_ =	sdelay $0x3  }
0x9c: {  	_ =	strace s3  }
0x9d: {  	_ =	strace $0x8FFFFFFF  }
0x9e: {  	s18 =	sld [smem:$0x3FDB];
	_ =	sdelay $0x1  }
0x9f: {  	s19 =	simm.s32 $_scs_section_size  }
0xa0: {  	s5 =	simm.s32 $_size__tile_overlayer_lowered;
	s6 =	simm.s32 $_tile_overlayer_lowered  }
0xa1: {  	s22 =	simm.s32 $0x1BFF;
	s21 =	sshll.u32 s6, $0x1;
	s3 =	sadd.s32 s19, s18  }
0xa2: {  	s7 =	simm.s32 $0x0;
	s20 =	sshll.u32 s5, $0x1;
	s5 =	sadd.s32 s21, s3  }
0xa3: {  	[timem:s7], [sflag:s22] =	dma.local [hbm:s5], s20  }
0xa4: {  	_ =	swait.ge [sflag:s22], s20  }
0xa5: {  	s4 =	ssub.s32 $0x0, s20;
	[sflag:s22] =	ssyncset.done $0x0  }
0xa6: {  	[sflag:s22] =	ssyncadd.s32 s4;
	_ =	sdelay $0x1  }
0xa7: {  	s23 =	simm.s32 $0x1B8B  }
0xa8: {  	_ =	swait.ge [sflag:s23], $0x1  }
0xa9: {  	[sflag:s23] =	ssyncset.done $0x0  }
0xaa: {  	s25 =	simm.s32 $0x1B8E;
	s24 =	sld [smem:$0x3FFE];
	[sflag:s23] =	ssyncadd.s32 $0xFFFFFFFF  }
0xab: {  	s26 =	simm.s32 $execute0_lowered;
	[smem:$0x3FD2] =	sst s25  }
0xac: {  	s5 =	sshll.u32 s26, $0x1;
	_ =	strace $0x80000046;
	[dreg:$0x1] =	wrdreg $0xFFFFFFFF  }
0xad: {  	s28 =	simm.s32 $_size_execute0_lowered;
	s3 =	sadd.s32 s3, s5;
	[dreg:$0x0] =	wrdreg $0x0  }
0xae: {  	s5 =	sshll.u32 s28, $0x1;
	[dreg:$0x2] =	wrdreg s3  }
0xaf: {  	[dreg:$0x3] =	wrdreg s5  }
0xb0: {  	[dreg:$0x4] =	wrdreg $0xC0  }
0xb1: {  	_ =	task [dreg:s7], $0x5FFFF  }
0xb2: {  	[dreg:$0x1] =	wrdreg $0xFFFFFFFF  }
0xb3: {  	[dreg:$0x0] =	wrdreg $0x60  }
0xb4: {  	[dreg:$0x2] =	wrdreg s24  }
0xb5: {  	[dreg:$0x3] =	wrdreg s16  }
0xb6: {  	[dreg:$0x4] =	wrdreg $0x9  }
0xb7: {  	_ =	task.clear_ibuf [dreg:s7], $0x5FFFF;
	_ =	strace $0x90000046  }
0xb8: {  	s29 =	simm.s32 $0x9;
	_ =	strace $0x80000048  }
0xb9: {  	_ =	swait.ge [sflag:s29], $0x1  }
0xba: {  	[sflag:s29] =	ssyncadd.s32 $0xFFFFFFFF  }
0xbb: {  	_ =	strace $0x90000048  }
0xbc: {  	_ =	sfence  }
0xbd: {  	s30 =	sld [smem:$0x0];
	_ =	sdelay $0x2  }
0xbe: {  	s31 =	sshll.u32 s1, $0xD;
	s1 =	sshrl.u32 s1, $0x2  }
0xbf: {  	s3 =	sand.u32 $0x4000, s31;
	s1 =	sadd.s32 s1, s30  }
0xc0: {  	s0 =	sor.u32 s3, s0;
	s1 =	sshll.u32 s1, $0x11  }
0xc1: {  	s0 =	sor.u32 s1, s0  }
0xc2: {  	s0 =	sadd.s32 $0x8F2B, s0  }
0xc3: {  	[sflag:s0] =	ssyncadd.remote.s32 $0x1  }
0xc4: {  	_ =	sfence.sel $0xFFFF  }
0xc5: {  	[dreg:$0x0] =	wrdreg $0xFFFFFFFF;
	(pc) =	sbr.abs _section_cstart, $3  }
0xc6: {  	[dreg:$0x1] =	wrdreg $0xFFFFFFFF  }
0xc7: {  	_ =	task.clear_ibuf [dreg:s7], $0x2FFFF;
	_ =	strace $0x9FFFFFFF  }
0xc8: {  	(tm) =	ssettm $0x7FFFFFFF  }
0xc9: {  	_ =	shalt  }
tec
execute0_lowered:
.L_overlay_start_1:
0x0: {  	(tag) =	ssettag $0x1  }
0x1: {  	s0 =	rddreg [dreg:$0x0]  }
0x2: {  	s3 =	simm.s32 $0x0;
	s1 =	srdreg.scid;
	s6 =	stileid.u32  }
0x3: {  	s17 =	simm.s32 $0x1;
	s18 =	simm.s32 $0x2780;
	s19 =	simm.s32 $0x4F00  }
0x4: {  	s20 =	simm.s32 $0x13280;
	s21 =	simm.s32 $0x13780;
	s22 =	simm.s32 $0x13C80  }
0x5: {  	s23 =	simm.s32 $0xA580;
	s28 =	simm.s32 $0x16B80;
	s29 =	simm.s32 $0x16D80  }
0x6: {  	s30 =	simm.s32 $0x0;
	[smem:$0x7FF] =	sst s3;
	s1 =	sand.u32 $0x1, s1  }
0x7: {  	s2 =	sshll.u32 s6, $0x1;
	s4 =	sadd.s32 $0x1200, s0;
	s24 =	sadd.s32 $0xC00, s0  }
0x8: {  	s5 =	sadd.s32 $0x600, s0;
	s7 =	sadd.s32 $0x2400, s0;
	s8 =	sadd.s32 $0x1E00, s0  }
0x9: {  	s9 =	sadd.s32 $0x1800, s0;
	s10 =	sadd.s32 $0xCA00, s0;
	s11 =	sadd.s32 $0x16A00, s0  }
0xa: {  	s6 =	smul.u32 $0x280, s6;
	_ =	strace $0x80000047;
	[dreg:$0x3] =	wrdreg s4  }
0xb: {  	s12 =	sadd.s32 $0x20A00, s0;
	s2 =	sor.u32 s1, s2;
	[dreg:$0x4] =	wrdreg s24  }
0xc: {  	[dreg:$0x5] =	wrdreg s5;
	s26 =	ssub.s32 $0x2, s1;
	s25 =	smul.u32 $0x500, s2  }
0xd: {  	s1 =	smul.u32 $0x140, s1;
	s24 =	simm.s32 $0xD480;
	s31 =	sshrl.u32 s26, $0x1  }
0xe: {  	s14 =	smul.u32 $0x2800, s2;
	s4 =	sadd.s32 s25, s0;
	s0 =	ssub.s32 s26, s31  }
0xf: {  	s25 =	simm.s32 $0x10380;
	s26 =	simm.s32 $0x16980;
	s4 =	sadd.s32 $0x2A00, s4  }
0x10: {  	s15 =	smax.u32 s0, $0x1;
	[dreg:$0x6] =	wrdreg s4;
	s4 =	sadd.s32 s1, s6  }
.LBB2_1:
0x11: {  	s0 =	rddreg [dreg:$0x3]  }
0x12: {  	[tilespmem:s3], [sflag:$0x1] =	stream.linear.gather [hbm4b:s0+s3], $0x2780, $0x38;
	[tilespmem:$0x16F80] =	vst v63  }
0x13: {  	_ =	swait.ge [sflag:s17], $0x2780  }
0x14: {  	[sflag:s17] =	ssyncset.done $0x0  }
0x15: {  	s16 =	rddreg [dreg:$0x4];
	[sflag:s17] =	ssyncadd.s32 $0xFFFFD880  }
0x16: {  	[tilespmem:s18], [sflag:$0x1] =	stream.linear.gather [hbm4b:s16+s3], $0x2780, $0x38;
	[tilespmem:$0x16F80] =	vst v63  }
0x17: {  	_ =	swait.ge [sflag:s17], $0x2780  }
0x18: {  	[sflag:s17] =	ssyncset.done $0x0  }
0x19: {  	s31 =	rddreg [dreg:$0x5];
	[sflag:s17] =	ssyncadd.s32 $0xFFFFD880  }
0x1a: {  	[tilespmem:s19], [sflag:$0x1] =	stream.linear.gather [hbm4b:s31+s3], $0x2780, $0x38;
	[tilespmem:$0x16F80] =	vst v63  }
0x1b: {  	_ =	swait.ge [sflag:s17], $0x2780  }
0x1c: {  	[sflag:s17] =	ssyncset.done $0x0  }
0x1d: {  	[sflag:s17] =	ssyncadd.s32 $0xFFFFD880  }
0x1e: {  	s0 =	simm.s32 $0x7680;
	s1 =	rddreg [dreg:$0x1]  }
0x1f: {  	[tilespmem:s0], [sflag:$0x1] =	stream.linear.gather [hbm4b:s1+s3], $0x2F00, $0x38;
	[tilespmem:$0x16F80] =	vst v63  }
0x20: {  	_ =	swait.ge [sflag:s17], $0x2F00  }
0x21: {  	s2 =	simm.s32 $0xD480;
	s5 =	simm.s32 $0xA580;
	[sflag:s17] =	ssyncset.done $0x0  }
0x22: {  	s16 =	simm.s32 $0x0;
	s1 =	simm.s32 $0x10380;
	[sflag:s17] =	ssyncadd.s32 $0xFFFFD100  }
.LBB2_2:
0x23: {  	s6 =	smul.u32 $0x4B0, s16;
	_ =	sdelay $0x1  }
0x24: {  	s6 =	sshrl.u32 s6, $0x3  }
0x25: {  	s31 =	simm.s32 $0x0;
	s13 =	sadd.s32 s7, s6  }
0x26: {  	[tilespmem:s20], [sflag:$0x1] =	stream.linear.gather [hbm4b:s13+s31], $0x4B0, $0x38;
	[tilespmem:$0x16F80] =	vst v63  }
0x27: {  	_ =	swait.ge [sflag:s17], $0x4B0  }
0x28: {  	[sflag:s17] =	ssyncset.done $0x0  }
0x29: {  	s13 =	sadd.s32 s8, s6;
	[sflag:s17] =	ssyncadd.s32 $0xFFFFFB50  }
0x2a: {  	[tilespmem:s21], [sflag:$0x1] =	stream.linear.gather [hbm4b:s13+s31], $0x4B0, $0x38;
	[tilespmem:$0x16F80] =	vst v63  }
0x2b: {  	_ =	swait.ge [sflag:s17], $0x4B0  }
0x2c: {  	[sflag:s17] =	ssyncset.done $0x0  }
0x2d: {  	v3 =	vmov s0;
	s6 =	sadd.s32 s9, s6;
	[sflag:s17] =	ssyncadd.s32 $0xFFFFFB50  }
0x2e: {  	[tilespmem:s22], [sflag:$0x1] =	stream.linear.gather [hbm4b:s6+s31], $0x4B0, $0x38;
	[tilespmem:$0x16F80] =	vst v63  }
0x2f: {  	_ =	swait.ge [sflag:s17], $0x4B0  }
0x30: {  	[sflag:s17] =	ssyncset.done $0x0  }
0x31: {  	v2 =	vmov s5;
	v1 =	vmov s2;
	v0 =	vmov s1;
	s6 =	simm.s32 $0x0;
	s31 =	simm.s32 $0x40;
	[sflag:s17] =	ssyncadd.s32 $0xFFFFFB50  }
.LBB2_3:
0x32: {  	p0 =	sne.s32 s31, $0x1280;
	v4 =	vld.idx.msk [tilespmem:v3+s6+$0x0 ss:$0x1], $0xffff  }
0x33: {  	v5 =	vld [tilespmem:s6+$0x13280];
	_ =	sdelay $0x6  }
0x34: {  	v6 =	vld.idx.msk [tilespmem:v4+s3+$0x0], $0xffff;
	_ =	sdelay $0x5  }
0x35: {  	v5 =	vsub.f32 v6, v5;
	_ =	sdelay $0x1  }
0x36: {  	[tilespmem:v2+s6+$0x0 ss:$0x1] =	vst.idx.msk $0xffff, v5  }
0x37: {  	v5 =	vld.idx.msk [tilespmem:v4+s18+$0x0], $0xffff  }
0x38: {  	v6 =	vld [tilespmem:s6+$0x13780];
	_ =	sdelay $0x4  }
0x39: {  	v5 =	vsub.f32 v5, v6;
	_ =	sdelay $0x1  }
0x3a: {  	[tilespmem:v1+s6+$0x0 ss:$0x1] =	vst.idx.msk $0xffff, v5  }
0x3b: {  	v4 =	vld.idx.msk [tilespmem:v4+s19+$0x0], $0xffff  }
0x3c: {  	v5 =	vld [tilespmem:s6+$0x13C80];
	_ =	sdelay $0x2  }
.Ltmp0:
0x3d: {  	(pc) =	sbr.rel @p0 .LBB2_3-.Ltmp0, $3  }
0x3e: {  	_ = 	snop  }
0x3f: {  	v4 =	vsub.f32 v4, v5;
	_ =	sdelay $0x1  }
0x40: {  	[tilespmem:v0+s6+$0x0 ss:$0x1] =	vst.idx.msk $0xffff, v4;
	s6 =	sshra.s32 s31, $0x2;
	s31 =	sadd.s32 $0x40, s31  }
0x41: {  	_ =	sdelay $0x3  }
0x42: {  	v3 =	vld.idx.msk [tilespmem:v3+s6+$0x0 ss:$0x1], $0xffff;
	_ =	sdelay $0x6  }
0x43: {  	v4 =	vld [tilespmem:s6+$0x13280]  }
0x44: {  	v5 =	vld.idx.msk [tilespmem:v3+s3+$0x0], $0xffff;
	_ =	sdelay $0x4  }
0x45: {  	v4 =	vsub.f32 v5, v4;
	_ =	sdelay $0x1  }
0x46: {  	[tilespmem:v2+s6+$0x0 ss:$0x1] =	vst.idx.msk $0xffff, v4  }
0x47: {  	v2 =	vld.idx.msk [tilespmem:v3+s18+$0x0], $0xffff  }
0x48: {  	v4 =	vld [tilespmem:s6+$0x13780];
	_ =	sdelay $0x4  }
0x49: {  	v2 =	vsub.f32 v2, v4;
	_ =	sdelay $0x1  }
0x4a: {  	[tilespmem:v1+s6+$0x0 ss:$0x1] =	vst.idx.msk $0xffff, v2  }
0x4b: {  	v1 =	vld.idx.msk [tilespmem:v3+s19+$0x0], $0xffff  }
0x4c: {  	v2 =	vld [tilespmem:s6+$0x13C80]  }
0x4d: {  	s16 =	sadd.s32 $0x1, s16  }
0x4e: {  	p0 =	sne.s32 s16, $0xA  }
.Ltmp1:
0x4f: {  	_ = 	snop;
	(pc) =	sbr.rel @p0 .LBB2_2-.Ltmp1, $4  }
0x50: {  	_ = 	snop  }
0x51: {  	v1 =	vsub.f32 v1, v2  }
0x52: {  	s0 =	sadd.s32 $0x4B0, s0  }
0x53: {  	s5 =	sadd.s32 $0x4B0, s5;
	s2 =	sadd.s32 $0x4B0, s2;
	s1 =	sadd.s32 $0x4B0, s1;
	[tilespmem:v0+s6+$0x0 ss:$0x1] =	vst.idx.msk $0xffff, v1  }
0x54: {  	s31 =	simm.s32 $0x0;
	s0 =	simm.s32 $0x14180;
	s1 =	rddreg [dreg:$0x6]  }
0x55: {  	[tilespmem:s0], [sflag:$0x1] =	stream.linear.gather [hbm4b:s1+s31], $0x2800, $0x38;
	[tilespmem:$0x16F80] =	vst v63  }
0x56: {  	_ =	swait.ge [sflag:s17], $0x2800  }
0x57: {  	[sflag:s17] =	ssyncset.done $0x0  }
0x58: {  	s1 =	smov.u32 s4;
	[sflag:s17] =	ssyncadd.s32 $0xFFFFD800  }
.LBB2_6:
0x59: {  	v0 =	vmov s0;
	_ =	sdelay $0x3  }
0x5a: {  	s2 =	simm.s32 $0x0  }
0x5b: {  	v1 =	vld.idx.msk [tilespmem:v0+s2+$0x0 ss:$0x1], $0xffff;
	_ =	sdelay $0x1  }
0x5c: {  	v2 =	vmov s1;
	_ =	sdelay $0x4  }
0x5d: {  	v3 =	vld.idx.msk [tilespmem:v2+s23+$0x0], $0xffff  }
0x5e: {  	v4 =	vld.idx.msk [tilespmem:v1+s23+$0x0], $0xffff;
	_ =	sdelay $0x4  }
0x5f: {  	v4 =	vsub.f32 v4, v3  }
0x60: {  	v5 =	vld.idx.msk [tilespmem:v2+s25+$0x0], $0xffff  }
0x61: {  	v2 =	vld.idx.msk [tilespmem:v2+s24+$0x0], $0xffff;
	[tilespmem:s2+$0x16980] =	vst v4  }
0x62: {  	v4 =	vld.idx.msk [tilespmem:v1+s24+$0x0], $0xffff;
	_ =	sdelay $0x4  }
0x63: {  	v4 =	vsub.f32 v4, v2;
	_ =	sdelay $0x1  }
0x64: {  	[tilespmem:s2+$0x16B80] =	vst v4  }
0x65: {  	v1 =	vld.idx.msk [tilespmem:v1+s25+$0x0], $0xffff;
	_ =	sdelay $0x4  }
0x66: {  	v1 =	vsub.f32 v1, v5;
	_ =	sdelay $0x1  }
0x67: {  	[tilespmem:s2+$0x16D80] =	vst v1  }
0x68: {  	v1 =	vld.idx.msk [tilespmem:v0+s2+$0x10 ss:$0x1], $0xffff;
	_ =	sdelay $0x7  }
0x69: {  	v4 =	vld.idx.msk [tilespmem:v1+s23+$0x0], $0xffff;
	_ =	sdelay $0x4  }
0x6a: {  	v3 =	vsub.f32 v4, v3;
	_ =	sdelay $0x1  }
0x6b: {  	[tilespmem:s2+$0x16990] =	vst v3  }
0x6c: {  	v3 =	vld.idx.msk [tilespmem:v1+s24+$0x0], $0xffff;
	_ =	sdelay $0x4  }
0x6d: {  	v2 =	vsub.f32 v3, v2;
	_ =	sdelay $0x1  }
0x6e: {  	[tilespmem:s2+$0x16B90] =	vst v2  }
0x6f: {  	v1 =	vld.idx.msk [tilespmem:v1+s25+$0x0], $0xffff;
	_ =	sdelay $0x4  }
0x70: {  	s5 =	simm.s32 $0x80;
	s6 =	simm.s32 $0x100;
	s16 =	smov.u32 s1;
	v1 =	vsub.f32 v1, v5  }
.LBB2_7:
0x71: {  	s16 =	sadd.s32 $0x1, s16  }
0x72: {  	s13 =	sadd.s32 $0x80, s6;
	[tilespmem:s2+$0x16D90] =	vst v1;
	s2 =	sshra.s32 s5, $0x2;
	s5 =	smov.u32 s6  }
0x73: {  	p0 =	sne.s32 s6, $0x780;
	v1 =	vld.idx.msk [tilespmem:v0+s2+$0x0 ss:$0x1], $0xffff;
	_ =	sdelay $0x1  }
0x74: {  	v2 =	vmov s16;
	_ =	sdelay $0x4  }
0x75: {  	v3 =	vld.idx.msk [tilespmem:v2+s23+$0x0], $0xffff  }
0x76: {  	v4 =	vld.idx.msk [tilespmem:v1+s23+$0x0], $0xffff;
	_ =	sdelay $0x5  }
0x77: {  	v4 =	vsub.f32 v4, v3;
	v5 =	vld.idx.msk [tilespmem:v2+s25+$0x0], $0xffff  }
0x78: {  	v2 =	vld.idx.msk [tilespmem:v2+s24+$0x0], $0xffff  }
0x79: {  	[tilespmem:s2+$0x16980] =	vst v4  }
0x7a: {  	v4 =	vld.idx.msk [tilespmem:v1+s24+$0x0], $0xffff;
	_ =	sdelay $0x5  }
0x7b: {  	v4 =	vsub.f32 v4, v2;
	_ =	sdelay $0x1  }
0x7c: {  	[tilespmem:s2+$0x16B80] =	vst v4  }
0x7d: {  	v1 =	vld.idx.msk [tilespmem:v1+s25+$0x0], $0xffff;
	_ =	sdelay $0x5  }
0x7e: {  	v1 =	vsub.f32 v1, v5;
	_ =	sdelay $0x1  }
0x7f: {  	[tilespmem:s2+$0x16D80] =	vst v1  }
0x80: {  	v1 =	vld.idx.msk [tilespmem:v0+s2+$0x10 ss:$0x1], $0xffff;
	_ =	sdelay $0x7  }
0x81: {  	v4 =	vld.idx.msk [tilespmem:v1+s23+$0x0], $0xffff;
	_ =	sdelay $0x5  }
0x82: {  	v3 =	vsub.f32 v4, v3;
	_ =	sdelay $0x1  }
0x83: {  	[tilespmem:s2+$0x16990] =	vst v3  }
0x84: {  	v3 =	vld.idx.msk [tilespmem:v1+s24+$0x0], $0xffff;
	_ =	sdelay $0x5  }
0x85: {  	v2 =	vsub.f32 v3, v2;
	_ =	sdelay $0x1  }
0x86: {  	[tilespmem:s2+$0x16B90] =	vst v2  }
0x87: {  	v1 =	vld.idx.msk [tilespmem:v1+s25+$0x0], $0xffff;
	_ =	sdelay $0x1  }
.Ltmp2:
0x88: {  	(pc) =	sbr.rel @p0 .LBB2_7-.Ltmp2, $2  }
0x89: {  	_ =	sdelay $0x2  }
0x8a: {  	s6 =	smov.u32 s13;
	v1 =	vsub.f32 v1, v5  }
0x8b: {  	_ =	sdelay $0x2  }
0x8c: {  	s5 =	sshra.s32 s5, $0x2;
	[tilespmem:s2+$0x16D90] =	vst v1  }
0x8d: {  	v1 =	vld.idx.msk [tilespmem:v0+s5+$0x0 ss:$0x1], $0xffff  }
0x8e: {  	s16 =	sadd.s32 $0x1, s16  }
0x8f: {  	v2 =	vmov s16;
	_ =	sdelay $0x4  }
0x90: {  	v3 =	vld.idx.msk [tilespmem:v2+s23+$0x0], $0xffff  }
0x91: {  	v4 =	vld.idx.msk [tilespmem:v1+s23+$0x0], $0xffff;
	_ =	sdelay $0x4  }
0x92: {  	v4 =	vsub.f32 v4, v3  }
0x93: {  	v5 =	vld.idx.msk [tilespmem:v2+s25+$0x0], $0xffff  }
0x94: {  	v2 =	vld.idx.msk [tilespmem:v2+s24+$0x0], $0xffff;
	[tilespmem:s5+$0x16980] =	vst v4  }
0x95: {  	v4 =	vld.idx.msk [tilespmem:v1+s24+$0x0], $0xffff;
	_ =	sdelay $0x4  }
0x96: {  	v4 =	vsub.f32 v4, v2;
	_ =	sdelay $0x1  }
0x97: {  	[tilespmem:s5+$0x16B80] =	vst v4  }
0x98: {  	v1 =	vld.idx.msk [tilespmem:v1+s25+$0x0], $0xffff;
	_ =	sdelay $0x4  }
0x99: {  	v1 =	vsub.f32 v1, v5;
	_ =	sdelay $0x1  }
0x9a: {  	[tilespmem:s5+$0x16D80] =	vst v1  }
0x9b: {  	v63 =	vld.idx.msk [tilespmem:v0+s5+$0x10 ss:$0x1], $0xffff;
	_ =	sdelay $0x7  }
0x9c: {  	v1 =	vld.idx.msk [tilespmem:v63+s23+$0x0], $0xffff;
	_ =	sdelay $0x4  }
0x9d: {  	v1 =	vsub.f32 v1, v3;
	_ =	sdelay $0x1  }
0x9e: {  	[tilespmem:s5+$0x16990] =	vst v1  }
0x9f: {  	v1 =	vld.idx.msk [tilespmem:v63+s24+$0x0], $0xffff;
	_ =	sdelay $0x4  }
0xa0: {  	v1 =	vsub.f32 v1, v2;
	_ =	sdelay $0x1  }
0xa1: {  	[tilespmem:s5+$0x16B90] =	vst v1  }
0xa2: {  	v0 =	vld.idx.msk [tilespmem:v63+s25+$0x0], $0xffff;
	_ =	sdelay $0x3  }
0xa3: {  	s6 =	sshll.u32 s31, $0x9  }
0xa4: {  	s2 =	sadd.s32 s14, s6;
	v0 =	vsub.f32 v0, v5  }
0xa5: {  	s2 =	sshrl.u32 s2, $0x3  }
0xa6: {  	s13 =	sadd.s32 s10, s2;
	[tilespmem:s5+$0x16D90] =	vst v0  }
0xa7: {  	[hbm4b:s13+s3] =	stream.linear.scatter [tilespmem:s26], [sflag:$0x1], $0x200, $0x38;
	[tilespmem:$0x16F80] =	vst v63  }
0xa8: {  	_ =	swait.ge [sflag:s17], $0x200  }
0xa9: {  	[sflag:s17] =	ssyncset.done $0x0  }
0xaa: {  	s16 =	sadd.s32 s11, s2;
	[sflag:s17] =	ssyncadd.s32 $0xFFFFFE00  }
0xab: {  	[hbm4b:s16+s3] =	stream.linear.scatter [tilespmem:s28], [sflag:$0x1], $0x200, $0x38;
	[tilespmem:$0x16F80] =	vst v63  }
0xac: {  	s31 =	sadd.s32 $0x1, s31;
	_ =	swait.ge [sflag:s17], $0x200  }
0xad: {  	p0 =	sne.s32 s31, $0x14;
	[sflag:s17] =	ssyncset.done $0x0  }
.Ltmp3:
0xae: {  	s2 =	sadd.s32 s12, s2;
	[sflag:s17] =	ssyncadd.s32 $0xFFFFFE00;
	(pc) =	sbr.rel @p0 .LBB2_6-.Ltmp3, $4  }
0xaf: {  	[hbm4b:s2+s3] =	stream.linear.scatter [tilespmem:s29], [sflag:$0x1], $0x200, $0x38;
	[tilespmem:$0x16F80] =	vst v63  }
0xb0: {  	_ =	swait.ge [sflag:s17], $0x200  }
0xb1: {  	[sflag:s17] =	ssyncset.done $0x0  }
0xb2: {  	s0 =	sadd.s32 $0x200, s0;
	s1 =	sadd.s32 $0x10, s1;
	[sflag:s17] =	ssyncadd.s32 $0xFFFFFE00  }
0xb3: {  	s30 =	sadd.s32 $0x1, s30  }
0xb4: {  	p0 =	sne.s32 s30, s15  }
.Ltmp4:
0xb5: {  	_ = 	snop;
	(pc) =	sbr.rel @p0 .LBB2_1-.Ltmp4, $1  }
0xb6: {  	_ =	sdelay $0x3  }
0xb7: {  	_ =	sfence.sel $0x180000  }
0xb8: {  	[bflag:$0x0] =	sbarrier.arrive $0xFFFF  }
0xb9: {  	_ =	strace $0x90000047  }
0xba: {  	s0 =	stileid.u32;
	[bflag:$0x2] =	sbarrier.arrive $0xFFFF  }
0xbb: {  	p0 =	sne.s32 s0, $0x0;
	s0 =	rddreg [dreg:$0x2]  }
0xbc: {  	s0 =	sadd.s32 @!p0 $0x100000, s0  }
0xbd: {  	[sflag:s0] =	ssyncadd.tile.s32 @!p0 $0x1;
	_ =	shalt  }
.Lfunc_end2:
_tile_overlayer_lowered:
.L_overlay_start_2:
0xbe: {  	(tag) =	ssettag $0x2  }
0xbf: {  	s0 =	rddreg [dreg:$0x0];
	s2 =	stileid.u32  }
0xc0: {  	s1 =	rddreg [dreg:$0x1];
	p0 =	sne.s32 s2, $0x0  }
0xc1: {  	s3 =	rddreg [dreg:$0x2];
	[bflag:$0x3] =	sbarrier.arrive $0xFFFF;
	s2 =	simm.s32 @!p0 $0x1C01  }
0xc2: {  	[timem:s3], [sflag:s2] =	dma.local @!p0 [hbm:s0], s1  }
0xc3: {  	s0 =	simm.s32 @!p0 $0x1  }
0xc4: {  	_ =	swait.ge @!p0 [sflag:s0], s1  }
0xc5: {  	s1 =	ssub.s32 @!p0 $0x0, s1;
	[sflag:s0] =	ssyncset.done @!p0 $0x0  }
0xc6: {  	[sflag:s0] =	ssyncadd.s32 @!p0 s1  }
0xc7: {  	[bflag:$0x3] =	sbarrier.arrive $0xFFFF  }
0xc8: {  	_ =	shalt  }

// kernel: kernel.9.cloned.1.call-start
scs
__scs_entry_jumppad:
0x0: {  	(pc) =	sbr.rel $0x88, $3  }
0x1: {  	(tag) =	ssettag $0x0;
	lr =	simm.s32 $0x1  }
0x2: {  	[smem:$0x3F8F] =	sst lr;
	_ =	strace $0xD0000000  }
0x3: {  	_ = 	snop  }
0x4: {  	_ = 	snop  }
0x5: {  	_ = 	snop  }
0x6: {  	_ = 	snop  }
0x7: {  	_ = 	snop  }
__scs_overlays_trampoline_lowered:
0x8: {  	[smem:$0x3F9E] =	sst s0  }
0x9: {  	[smem:$0x3F9F] =	sst s1  }
0xa: {  	[smem:$0x3FA0] =	sst s2  }
0xb: {  	[smem:$0x3FA1] =	sst s3  }
0xc: {  	[smem:$0x3FA2] =	sst s4  }
0xd: {  	[smem:$0x3FA3] =	sst s5  }
0xe: {  	[smem:$0x3FA4] =	sst s6  }
0xf: {  	[smem:$0x3FA5] =	sst s7  }
0x10: {  	[smem:$0x3FA6] =	sst s8  }
0x11: {  	[smem:$0x3FA7] =	sst s9;
	s0 =	simm.s32 @!p0 $0x0  }
0x12: {  	s1 =	sld [smem:$0x3F8D];
	s0 =	simm.s32 @p0 $0x1  }
0x13: {  	[smem:$0x3FA8] =	sst s0;
	s0 =	simm.s32 @!p1 $0x0  }
0x14: {  	s2 =	sld [smem:$0x3F8C];
	s0 =	simm.s32 @p1 $0x1  }
0x15: {  	[smem:$0x3FA9] =	sst s0;
	s0 =	simm.s32 @!p2 $0x0  }
0x16: {  	s3 =	sld [smem:$0x3FDB];
	s0 =	simm.s32 @p2 $0x1  }
0x17: {  	s4 =	simm.s32 $0x1BF5;
	[smem:$0x3FAB] =	sst s0  }
0x18: {  	s0 =	sld [smem:$0x3F8E];
	_ =	swait.ge [sflag:s4], $0x0  }
0x19: {  	s7 =	sld [smem:$0x3F8F]  }
0x1a: {  	s8 =	sadd.s32 $0xFFFFE003, lr  }
0x1b: {  	s9 =	sadd.s32 $0xFFFFFEF7, lr;
	s5 =	simm.s32 $0xFFFFFFFF;
	p2 =	slt.u32 s8, $0xFFFFF086  }
0x1c: {  	p1 =	slt.u32 s9, $0xF7A;
	s5 =	simm.s32 @!p2 $0x0  }
0x1d: {  	s5 =	simm.s32 @p1 $0x1;
	p0 =	seq.s32 s7, s2  }
0x1e: {  	s7 =	smul.u32 @!p0 $0xF7A, s2;
	p2 =	seq.s32 @!p0 s5, $0x0  }
0x1f: {  	s9 =	smul.u32 $0xF7A, s1;
	s8 =	simm.s32 @!p0 $0x1BF5;
	p2 =	por !p2, p0  }
0x20: {  	[sflag:s8] =	ssyncset.s32 @!p0 $0xFFFFF086;
	s6 =	sadd.s32 @!p0 s3, s7;
	s7 =	simm.s32 @!p0 $0x108  }
0x21: {  	s3 =	sadd.s32 s3, s9;
	s6 =	sadd.s32 @!p0 $0x88, s6;
	s7 =	simm.s32 @p2 $0x1082  }
0x22: {  	[simem:s7], [sflag:s8] =	dma.local @!p0 [hbm:s6], $0xF7A  }
0x23: {  	s9 =	sor.u32 $0xD0000000, s2;
	s6 =	simm.s32 $0x108;
	_ =	swait.ge @!p0 [sflag:s8], $0x0  }
0x24: {  	s3 =	sadd.s32 $0x88, s3;
	s6 =	simm.s32 @!p1 $0x1082;
	[sflag:s4] =	ssyncset.s32 $0xFFFFF086  }
0x25: {  	[simem:s6], [sflag:s4] =	dma.local [hbm:s3], $0xF7A  }
0x26: {  	[smem:$0x3F8F] =	sst s1;
	(tag) =	ssettag s2;
	_ =	strace s9  }
0x27: {  	s1 =	sld [smem:$0x3F9F]  }
0x28: {  	s2 =	sld [smem:$0x3FA0]  }
0x29: {  	s4 =	sld [smem:$0x3FA2]  }
0x2a: {  	p0 =	seq.s32 s5, $0x0;
	s5 =	sld [smem:$0x3FA3]  }
0x2b: {  	s6 =	sld [smem:$0x3FA4]  }
0x2c: {  	s7 =	sld [smem:$0x3FA5]  }
0x2d: {  	s3 =	simm.s32 $0x108;
	s8 =	sld [smem:$0x3FA6]  }
0x2e: {  	s3 =	simm.s32 @!p0 $0x1082;
	s9 =	sld [smem:$0x3FA7]  }
0x2f: {  	lr =	sadd.s32 s0, s3;
	s0 =	sld [smem:$0x3F9E]  }
0x30: {  	s3 =	sld [smem:$0x3FA1]  }
0x31: {  	[smem:$0x3FAA] =	sst s10  }
0x32: {  	s10 =	sld [smem:$0x3FA8];
	_ =	sdelay $0x3  }
0x33: {  	p0 =	seq.s32 s10, $0x1;
	s10 =	sld [smem:$0x3FAA];
	_ =	sdelay $0x3  }
0x34: {  	[smem:$0x3FAA] =	sst s10  }
0x35: {  	s10 =	sld [smem:$0x3FA9];
	_ =	sdelay $0x3  }
0x36: {  	p1 =	seq.s32 s10, $0x1;
	s10 =	sld [smem:$0x3FAA];
	_ =	sdelay $0x3  }
0x37: {  	[smem:$0x3FAA] =	sst s10  }
0x38: {  	s10 =	sld [smem:$0x3FAB]  }
0x39: {  	_ = 	snop;
	(pc) =	sbr.ind lr, $3  }
0x3a: {  	_ = 	snop  }
0x3b: {  	_ = 	snop  }
0x3c: {  	p2 =	seq.s32 s10, $0x1;
	s10 =	sld [smem:$0x3FAA]  }
0x3d: {  	_ =	shalt  }
0x3e: {  	_ =	shalt  }
0x3f: {  	_ =	shalt  }
0x40: {  	_ =	shalt  }
0x41: {  	_ =	shalt  }
0x42: {  	_ =	shalt  }
0x43: {  	_ =	shalt  }
0x44: {  	_ =	shalt  }
0x45: {  	_ =	shalt  }
0x46: {  	_ =	shalt  }
0x47: {  	_ =	shalt  }
0x48: {  	_ =	shalt  }
0x49: {  	_ =	shalt  }
0x4a: {  	_ =	shalt  }
0x4b: {  	_ =	shalt  }
0x4c: {  	_ =	shalt  }
0x4d: {  	_ =	shalt  }
0x4e: {  	_ =	shalt  }
0x4f: {  	_ =	shalt  }
0x50: {  	_ =	shalt  }
0x51: {  	_ =	shalt  }
0x52: {  	_ =	shalt  }
0x53: {  	_ =	shalt  }
0x54: {  	_ =	shalt  }
0x55: {  	_ =	shalt  }
0x56: {  	_ =	shalt  }
0x57: {  	_ =	shalt  }
0x58: {  	_ =	shalt  }
0x59: {  	_ =	shalt  }
0x5a: {  	_ =	shalt  }
0x5b: {  	_ =	shalt  }
0x5c: {  	_ =	shalt  }
0x5d: {  	_ =	shalt  }
0x5e: {  	_ =	shalt  }
0x5f: {  	_ =	shalt  }
0x60: {  	_ =	shalt  }
0x61: {  	_ =	shalt  }
0x62: {  	_ =	shalt  }
0x63: {  	_ =	shalt  }
0x64: {  	_ =	shalt  }
0x65: {  	_ =	shalt  }
0x66: {  	_ =	shalt  }
0x67: {  	_ =	shalt  }
0x68: {  	_ =	shalt  }
0x69: {  	_ =	shalt  }
0x6a: {  	_ =	shalt  }
0x6b: {  	_ =	shalt  }
0x6c: {  	_ =	shalt  }
0x6d: {  	_ =	shalt  }
0x6e: {  	_ =	shalt  }
0x6f: {  	_ =	shalt  }
0x70: {  	_ =	shalt  }
0x71: {  	_ =	shalt  }
0x72: {  	_ =	shalt  }
0x73: {  	_ =	shalt  }
0x74: {  	_ =	shalt  }
0x75: {  	_ =	shalt  }
0x76: {  	_ =	shalt  }
0x77: {  	_ =	shalt  }
0x78: {  	_ =	shalt  }
0x79: {  	_ =	shalt  }
0x7a: {  	_ =	shalt  }
0x7b: {  	_ =	shalt  }
0x7c: {  	_ =	shalt  }
0x7d: {  	_ =	shalt  }
0x7e: {  	_ =	shalt  }
0x7f: {  	_ =	shalt  }
0x80: {  	_ =	shalt  }
0x81: {  	_ =	shalt  }
0x82: {  	_ =	shalt  }
0x83: {  	_ =	shalt  }
0x84: {  	_ =	shalt  }
0x85: {  	_ =	shalt  }
0x86: {  	_ =	shalt  }
0x87: {  	_ =	shalt  }
.Lfunc_end0:
.L_simem_size_0:
called_computation.1_lowered:
.L_overlay_start_0:
0x88: {  	s2 =	sld [smem:$0x3FD9]  }
0x89: {  	s3 =	sld [smem:$0x3FFE];
	_ =	sdelay $0x1  }
0x8a: {  	s1 =	srdreg.scid  }
0x8b: {  	s0 =	sand.u32 $0x1, s1  }
0x8c: {  	s14 =	sshll.u32 s0, $0xA;
	s2 =	sadd.s32 s3, s2  }
0x8d: {  	s2 =	sadd.s32 s2, s14  }
0x8e: {  	[smem:$0x3FB6] =	sst s2  }
0x8f: {  	_ = 	snop  }
0x90: {  	s2 =	sld [smem:$0x3FD0];
	_ =	sdelay $0x2  }
0x91: {  	s15 =	simm.s32 $0xA;
	s4 =	simm.s32 $0x10  }
0x92: {  	[smem:s4], [sflag:s15] =	dma.local [hbm:s2], $0x1  }
0x93: {  	_ =	swait.eq [sflag:s15], $0x1  }
0x94: {  	[sflag:s15] =	ssyncset.done $0x0  }
0x95: {  	[sflag:s15] =	ssyncadd.s32 $0xFFFFFFFF  }
0x96: {  	s16 =	sld [smem:$0x11];
	(tm) =	ssettm $0x1  }
0x97: {  	s17 =	sld [smem:$0x3FFB];
	_ =	sdelay $0x3  }
0x98: {  	_ =	strace s17  }
0x99: {  	s3 =	sld [smem:$0x3FFC];
	_ =	sdelay $0x3  }
0x9a: {  	_ =	strace s3  }
0x9b: {  	s3 =	sld [smem:$0x3FFD];
	_ =	sdelay $0x3  }
0x9c: {  	_ =	strace s3  }
0x9d: {  	_ =	strace $0x8FFFFFFF  }
0x9e: {  	s18 =	sld [smem:$0x3FDB];
	_ =	sdelay $0x1  }
0x9f: {  	s19 =	simm.s32 $_scs_section_size  }
0xa0: {  	s5 =	simm.s32 $_size__tile_overlayer_lowered;
	s6 =	simm.s32 $_tile_overlayer_lowered  }
0xa1: {  	s22 =	simm.s32 $0x1BFF;
	s21 =	sshll.u32 s6, $0x1;
	s3 =	sadd.s32 s19, s18  }
0xa2: {  	s7 =	simm.s32 $0x0;
	s20 =	sshll.u32 s5, $0x1;
	s5 =	sadd.s32 s21, s3  }
0xa3: {  	[timem:s7], [sflag:s22] =	dma.local [hbm:s5], s20  }
0xa4: {  	_ =	swait.ge [sflag:s22], s20  }
0xa5: {  	s4 =	ssub.s32 $0x0, s20;
	[sflag:s22] =	ssyncset.done $0x0  }
0xa6: {  	[sflag:s22] =	ssyncadd.s32 s4;
	_ =	sdelay $0x1  }
0xa7: {  	s23 =	simm.s32 $0x1B8B  }
0xa8: {  	_ =	swait.ge [sflag:s23], $0x1  }
0xa9: {  	[sflag:s23] =	ssyncset.done $0x0  }
0xaa: {  	s25 =	simm.s32 $0x1B8E;
	s24 =	sld [smem:$0x3FFE];
	[sflag:s23] =	ssyncadd.s32 $0xFFFFFFFF  }
0xab: {  	s26 =	simm.s32 $execute0_lowered;
	[smem:$0x3FD2] =	sst s25  }
0xac: {  	s5 =	sshll.u32 s26, $0x1;
	_ =	strace $0x80000049;
	[dreg:$0x1] =	wrdreg $0xFFFFFFFF  }
0xad: {  	s28 =	simm.s32 $_size_execute0_lowered;
	s3 =	sadd.s32 s3, s5;
	[dreg:$0x0] =	wrdreg $0x0  }
0xae: {  	s5 =	sshll.u32 s28, $0x1;
	[dreg:$0x2] =	wrdreg s3  }
0xaf: {  	[dreg:$0x3] =	wrdreg s5  }
0xb0: {  	[dreg:$0x4] =	wrdreg $0xC0  }
0xb1: {  	_ =	task [dreg:s7], $0x5FFFF  }
0xb2: {  	[dreg:$0x1] =	wrdreg $0xFFFFFFFF  }
0xb3: {  	[dreg:$0x0] =	wrdreg $0x60  }
0xb4: {  	[dreg:$0x2] =	wrdreg s24  }
0xb5: {  	[dreg:$0x3] =	wrdreg s16  }
0xb6: {  	[dreg:$0x4] =	wrdreg $0x9  }
0xb7: {  	_ =	task.clear_ibuf [dreg:s7], $0x5FFFF;
	_ =	strace $0x90000049  }
0xb8: {  	s29 =	simm.s32 $0x9;
	_ =	strace $0x8000004B  }
0xb9: {  	_ =	swait.ge [sflag:s29], $0x1  }
0xba: {  	[sflag:s29] =	ssyncadd.s32 $0xFFFFFFFF  }
0xbb: {  	_ =	strace $0x9000004B  }
0xbc: {  	_ =	sfence  }
0xbd: {  	s30 =	sld [smem:$0x0];
	_ =	sdelay $0x2  }
0xbe: {  	s31 =	sshll.u32 s1, $0xD;
	s1 =	sshrl.u32 s1, $0x2  }
0xbf: {  	s3 =	sand.u32 $0x4000, s31;
	s1 =	sadd.s32 s1, s30  }
0xc0: {  	s0 =	sor.u32 s3, s0;
	s1 =	sshll.u32 s1, $0x11  }
0xc1: {  	s0 =	sor.u32 s1, s0  }
0xc2: {  	s0 =	sadd.s32 $0x8F2B, s0  }
0xc3: {  	[sflag:s0] =	ssyncadd.remote.s32 $0x1  }
0xc4: {  	_ =	sfence.sel $0xFFFF  }
0xc5: {  	[dreg:$0x0] =	wrdreg $0xFFFFFFFF;
	(pc) =	sbr.abs _section_cstart, $3  }
0xc6: {  	[dreg:$0x1] =	wrdreg $0xFFFFFFFF  }
0xc7: {  	_ =	task.clear_ibuf [dreg:s7], $0x2FFFF;
	_ =	strace $0x9FFFFFFF  }
0xc8: {  	(tm) =	ssettm $0x7FFFFFFF  }
0xc9: {  	_ =	shalt  }
tec
execute0_lowered:
.L_overlay_start_1:
0x0: {  	(tag) =	ssettag $0x1  }
0x1: {  	s1 =	srdreg.scid  }
0x2: {  	s0 =	stileid.u32;
	s6 =	rddreg [dreg:$0x0]  }
0x3: {  	s2 =	rddreg [dreg:$0x1];
	s3 =	simm.s32 $0x0;
	s14 =	simm.s32 $0x1  }
0x4: {  	s15 =	simm.s32 $0xA700;
	s16 =	simm.s32 $0xCF00;
	s17 =	simm.s32 $0xF700  }
0x5: {  	s4 =	sand.u32 $0x1, s1;
	s30 =	sshll.u32 s0, $0x1;
	s11 =	smul.u32 $0xFFFFFD80, s0  }
0x6: {  	s18 =	simm.s32 $0x11F00;
	s5 =	sor.u32 s4, s30;
	s9 =	smul.u32 $0xFFFFFEC0, s4  }
0x7: {  	s19 =	simm.s32 $0x14700;
	s1 =	rddreg [dreg:$0x2];
	s10 =	smul.u32 $0x140, s5  }
0x8: {  	[smem:$0x7FF] =	sst s3;
	s4 =	ssub.s32 $0x2, s4;
	s7 =	smul.u32 $0x500, s5  }
0x9: {  	_ =	strace $0x8000004A;
	s5 =	smul.u32 $0xF00, s5;
	s31 =	sshrl.u32 s4, $0x1  }
0xa: {  	s13 =	ssub.s32 s4, s31;
	s9 =	sadd.s32 s11, s9;
	s8 =	sshrl.u32 s10, $0x6  }
0xb: {  	s7 =	sadd.s32 s7, s6;
	s12 =	sadd.s32 s5, s6;
	s8 =	smul.u32 $0x18, s8  }
.Ltmp0:
0xc: {  	s9 =	sadd.s32 $0x2710, s9;
	s20 =	sadd.s32 $0x7800, s10;
	(pc) =	sbr.rel .LBB2_1-.Ltmp0, $4  }
0xd: {  	s4 =	sadd.s32 $0x2A00, s7;
	s5 =	sadd.s32 $0xCA00, s7;
	s9 =	smin.u32 s9, $0x140  }
0xe: {  	s10 =	sadd.s32 $0x2AA00, s12;
	s12 =	smax.u32 s13, $0x1;
	s13 =	simm.s32 $0x7800  }
0xf: {  	v1 =	vmov s20;
	s20 =	simm.s32 $0x0;
	s11 =	sshrl.u32 s9, $0x4;
	s8 =	sadd.s32 s8, s6  }
0x10: {  	v0 =	vimm.f32 $0.0e+00;
	s6 =	sadd.s32 $0x16A00, s7;
	s7 =	sadd.s32 $0x20A00, s7;
	s8 =	sadd.s32 $0x600, s8  }
.LBB2_31:
0x11: {  	s20 =	sadd.s32 $0x1, s20  }
0x12: {  	p0 =	sne.s32 s20, s12  }
.Ltmp1:
0x13: {  	_ = 	snop;
	(pc) =	sbr.rel @!p0 .LBB2_32-.Ltmp1, $4  }
0x14: {  	[hbm4b:s10+s3] =	stream.linear.scatter [tilespmem:s3], [sflag:$0x1], $0x7800, $0x38;
	[tilespmem:$0x14B00] =	vst v63  }
0x15: {  	_ =	swait.ge [sflag:s14], $0x7800  }
0x16: {  	[sflag:s14] =	ssyncset.done $0x0  }
0x17: {  	[sflag:s14] =	ssyncadd.s32 $0xFFFF8800  }
.LBB2_1:
0x18: {  	[tilespmem:s13], [sflag:$0x1] =	stream.linear.gather [hbm4b:s2+s3], $0x2F00, $0x38;
	[tilespmem:$0x14B00] =	vst v63  }
0x19: {  	_ =	swait.ge [sflag:s14], $0x2F00  }
0x1a: {  	[sflag:s14] =	ssyncset.done $0x0  }
0x1b: {  	[sflag:s14] =	ssyncadd.s32 $0xFFFFD100  }
0x1c: {  	[tilespmem:s15], [sflag:$0x1] =	stream.linear.gather [hbm4b:s4+s3], $0x2800, $0x38;
	[tilespmem:$0x14B00] =	vst v63  }
0x1d: {  	_ =	swait.ge [sflag:s14], $0x2800  }
0x1e: {  	[sflag:s14] =	ssyncset.done $0x0  }
0x1f: {  	[sflag:s14] =	ssyncadd.s32 $0xFFFFD800  }
0x20: {  	[tilespmem:s16], [sflag:$0x1] =	stream.linear.gather [hbm4b:s5+s3], $0x2800, $0x38;
	[tilespmem:$0x14B00] =	vst v63  }
0x21: {  	_ =	swait.ge [sflag:s14], $0x2800  }
0x22: {  	[sflag:s14] =	ssyncset.done $0x0  }
0x23: {  	[sflag:s14] =	ssyncadd.s32 $0xFFFFD800  }
0x24: {  	[tilespmem:s17], [sflag:$0x1] =	stream.linear.gather [hbm4b:s6+s3], $0x2800, $0x38;
	[tilespmem:$0x14B00] =	vst v63  }
0x25: {  	_ =	swait.ge [sflag:s14], $0x2800  }
0x26: {  	[sflag:s14] =	ssyncset.done $0x0  }
0x27: {  	[sflag:s14] =	ssyncadd.s32 $0xFFFFD800  }
0x28: {  	[tilespmem:s18], [sflag:$0x1] =	stream.linear.gather [hbm4b:s7+s3], $0x2800, $0x38;
	[tilespmem:$0x14B00] =	vst v63  }
0x29: {  	_ =	swait.ge [sflag:s14], $0x2800  }
0x2a: {  	[sflag:s14] =	ssyncset.done $0x0  }
0x2b: {  	[sflag:s14] =	ssyncadd.s32 $0xFFFFD800  }
0x2c: {  	[tilespmem:s19], [sflag:$0x1] =	stream.linear.gather [hbm4b:s8+s3], $0x3C0, $0x38;
	[tilespmem:$0x14B00] =	vst v63  }
0x2d: {  	_ =	swait.ge [sflag:s14], $0x3C0  }
0x2e: {  	[sflag:s14] =	ssyncset.done $0x0  }
0x2f: {  	s21 =	simm.s32 $0x0;
	[sflag:s14] =	ssyncadd.s32 $0xFFFFFC40  }
.LBB2_2:
0x30: {  	p0 =	sne.s32 s21, $0x1DFC0  }
.Ltmp2:
0x31: {  	_ = 	snop;
	(pc) =	sbr.rel @p0 .LBB2_2-.Ltmp2, $3  }
0x32: {  	_ =	sdelay $0x1  }
0x33: {  	s22 =	sshra.s32 s21, $0x2  }
0x34: {  	s21 =	sadd.s32 $0x40, s21;
	[tilespmem:s22+$0x0] =	vst v0  }
.Ltmp3:
0x35: {  	(pc) =	sbr.rel .LBB2_4-.Ltmp3, $2  }
0x36: {  	_ =	sdelay $0x2  }
0x37: {  	s21 =	simm.s32 $0x0  }
.LBB2_14:
0x38: {  	_ = 	snop  }
.LBB2_19:
0x39: {  	_ =	sdelay $0x4  }
0x3a: {  	[tilespmem:v8+s3+$0x0] =	vst.idx.add.f32.msk @p0 vm4, v6  }
0x3b: {  	[tilespmem:v3+s3+$0x0] =	vst.idx.add.f32.msk vm3, v2  }
0x3c: {  	[tilespmem:v7+s3+$0x0] =	vst.idx.add.f32.msk vm0, v5  }
0x3d: {  	vm1 =	vmmov vm3;
	[tilespmem:v8+s3+$0x0] =	vst.idx.add.f32.msk vm3, v6  }
.LBB2_20:
0x3e: {  	s21 =	sadd.s32 $0x1, s21  }
0x3f: {  	p0 =	sne.s32 s21, s9  }
.Ltmp4:
0x40: {  	_ = 	snop;
	(pc) =	sbr.rel @!p0 .LBB2_21-.Ltmp4, $1  }
0x41: {  	_ =	sdelay $0x3  }
.LBB2_4:
0x42: {  	s22 =	sshll.u32 s21, $0x5  }
0x43: {  	v2 =	vld [tilespmem:s22+$0xA700];
	_ =	sdelay $0x7  }
0x44: {  	v3 =	vld.idx.msk [tilespmem:v2+s13+$0x0], $0xffff;
	_ =	sdelay $0x4  }
0x45: {  	(xrf1) =	vunique.msk.u32 $0xffff, v3;
	_ =	sdelay $0xd  }
0x46: {  	_, v4, _ =	vpop (xrf1)  }
0x47: {  	v2 =	vxor.u32 $0x80000000, v4  }
0x48: {  	(xrf0) =	vmax.scan.msk.u32 $0xffff, v2;
	_ =	sdelay $0x5  }
0x49: {  	v2, _, _ =	vpop (xrf0)  }
0x4a: {  	(v2sf) =	vpush v2, $0xF;
	_ =	sdelay $0xe  }
0x4b: {  	s23 =	spop (v2sf)  }
0x4c: {  	s24 =	sadd.s32 $0x80000001, s23  }
0x4d: {  	p0 =	slt.s32 s24, $0x2  }
.Ltmp5:
0x4e: {  	_ = 	snop;
	(pc) =	sbr.rel @p0 .LBB2_12-.Ltmp5, $4  }
0x4f: {  	_ = 	snop  }
0x50: {  	v5 =	vld [tilespmem:s22+$0xF700]  }
0x51: {  	v6 =	vld [tilespmem:s22+$0x11F00]  }
0x52: {  	v2 =	vld [tilespmem:s22+$0xCF00]  }
0x53: {  	s24 =	simm.s32 $0x1  }
0x54: {  	v3 =	vmul.u32 $0x3, v3;
	p1 =	sne.s32 s23, $0x80000001;
	vm3 =	veq.s32 v4, s24  }
.Ltmp6:
0x55: {  	vm0 =	vmmov vm3;
	(pc) =	sbr.rel @!p1 .LBB2_6-.Ltmp6, $3  }
0x56: {  	v8 =	vadd.s32 $0x2, v3;
	_ =	sdelay $0x1  }
0x57: {  	v5 =	vsub.f32 $0.0e+00, v5  }
0x58: {  	p0 =	por $0x0, $0x0;
	v7 =	vadd.s32 $0x1, v3;
	v6 =	vsub.f32 $0.0e+00, v6;
	v2 =	vsub.f32 $0.0e+00, v2  }
0x59: {  	_ = 	snop  }
0x5a: {  	p1 =	sne.s32 s23, $0x80000002  }
.Ltmp7:
0x5b: {  	_ = 	snop;
	(pc) =	sbr.rel @!p1 .LBB2_8-.Ltmp7, $4  }
0x5c: {  	_ = 	snop  }
0x5d: {  	s24 =	simm.s32 $0x2  }
0x5e: {  	vm1 =	veq.s32 v4, s24;
	[tilespmem:v3+s3+$0x0] =	vst.idx.add.f32.msk vm3, v2  }
0x5f: {  	p0 =	por $0x1, $0x1;
	s24 =	simm.s32 $0x80000002;
	[tilespmem:v7+s3+$0x0] =	vst.idx.add.f32.msk vm0, v5;
	vm2 =	vmmov vm1  }
.LBB2_9:
0x60: {  	s25 =	smov.u32 s24;
	s24 =	sadd.s32 $0x1, s24  }
0x61: {  	[tilespmem:v8+s3+$0x0] =	vst.idx.add.f32.msk vm0, v6;
	vm0 =	vmmov vm1;
	p1 =	sne.s32 s23, s24  }
.Ltmp8:
0x62: {  	(pc) =	sbr.rel @p1 .LBB2_9-.Ltmp8, $4  }
0x63: {  	_ = 	snop  }
0x64: {  	s25 =	sadd.s32 $0x80000001, s25  }
0x65: {  	[tilespmem:v3+s3+$0x0] =	vst.idx.add.f32.msk vm1, v2;
	vm1 =	veq.s32 v4, s25  }
0x66: {  	[tilespmem:v7+s3+$0x0] =	vst.idx.add.f32.msk vm2, v5;
	vm2 =	vmmov vm1  }
0x67: {  	vm4 =	vmmov vm0;
	vm3 =	vmmov vm1;
	vm0 =	vmmov vm2  }
.LBB2_11:
0x68: {  	_ =	sdelay $0x4  }
0x69: {  	[tilespmem:v8+s3+$0x0] =	vst.idx.add.f32.msk @p0 vm4, v6  }
0x6a: {  	[tilespmem:v3+s3+$0x0] =	vst.idx.add.f32.msk vm3, v2  }
0x6b: {  	[tilespmem:v7+s3+$0x0] =	vst.idx.add.f32.msk vm0, v5  }
0x6c: {  	vm1 =	vmmov vm3;
	[tilespmem:v8+s3+$0x0] =	vst.idx.add.f32.msk vm3, v6  }
.LBB2_12:
0x6d: {  	v2 =	vld [tilespmem:s22+$0xA710];
	_ =	sdelay $0x7  }
0x6e: {  	v3 =	vld.idx.msk [tilespmem:v2+s13+$0x0], $0xffff;
	_ =	sdelay $0x4  }
0x6f: {  	(xrf1) =	vunique.msk.u32 $0xffff, v3;
	_ =	sdelay $0xd  }
0x70: {  	_, v4, _ =	vpop (xrf1)  }
0x71: {  	v2 =	vxor.u32 $0x80000000, v4  }
0x72: {  	(xrf0) =	vmax.scan.msk.u32 $0xffff, v2;
	_ =	sdelay $0x5  }
0x73: {  	v2, _, _ =	vpop (xrf0)  }
0x74: {  	(v2sf) =	vpush v2, $0xF;
	_ =	sdelay $0xe  }
0x75: {  	s23 =	spop (v2sf)  }
0x76: {  	s24 =	sadd.s32 $0x80000001, s23  }
0x77: {  	p0 =	slt.s32 s24, $0x2  }
.Ltmp9:
0x78: {  	_ = 	snop;
	(pc) =	sbr.rel @p0 .LBB2_20-.Ltmp9, $4  }
0x79: {  	_ = 	snop  }
0x7a: {  	v5 =	vld [tilespmem:s22+$0xF710]  }
0x7b: {  	v6 =	vld [tilespmem:s22+$0x11F10]  }
0x7c: {  	v2 =	vld [tilespmem:s22+$0xCF10]  }
0x7d: {  	s22 =	simm.s32 $0x1  }
0x7e: {  	v3 =	vmul.u32 $0x3, v3;
	p1 =	sne.s32 s23, $0x80000001;
	vm3 =	veq.s32 v4, s22  }
.Ltmp10:
0x7f: {  	vm0 =	vmmov vm3;
	(pc) =	sbr.rel @!p1 .LBB2_14-.Ltmp10, $3  }
0x80: {  	v8 =	vadd.s32 $0x2, v3;
	_ =	sdelay $0x1  }
0x81: {  	v5 =	vsub.f32 $0.0e+00, v5  }
0x82: {  	p0 =	por $0x0, $0x0;
	v7 =	vadd.s32 $0x1, v3;
	v6 =	vsub.f32 $0.0e+00, v6;
	v2 =	vsub.f32 $0.0e+00, v2  }
0x83: {  	_ = 	snop  }
0x84: {  	p1 =	sne.s32 s23, $0x80000002  }
.Ltmp11:
0x85: {  	_ = 	snop;
	(pc) =	sbr.rel @!p1 .LBB2_16-.Ltmp11, $4  }
0x86: {  	_ = 	snop  }
0x87: {  	s22 =	simm.s32 $0x2  }
0x88: {  	vm1 =	veq.s32 v4, s22;
	[tilespmem:v3+s3+$0x0] =	vst.idx.add.f32.msk vm3, v2  }
0x89: {  	p0 =	por $0x1, $0x1;
	s22 =	simm.s32 $0x80000002;
	[tilespmem:v7+s3+$0x0] =	vst.idx.add.f32.msk vm0, v5;
	vm2 =	vmmov vm1  }
.LBB2_17:
0x8a: {  	s24 =	smov.u32 s22;
	s22 =	sadd.s32 $0x1, s22  }
0x8b: {  	[tilespmem:v8+s3+$0x0] =	vst.idx.add.f32.msk vm0, v6;
	vm0 =	vmmov vm1;
	p1 =	sne.s32 s23, s22  }
.Ltmp12:
0x8c: {  	(pc) =	sbr.rel @p1 .LBB2_17-.Ltmp12, $4  }
0x8d: {  	_ = 	snop  }
0x8e: {  	s24 =	sadd.s32 $0x80000001, s24  }
0x8f: {  	[tilespmem:v3+s3+$0x0] =	vst.idx.add.f32.msk vm1, v2;
	vm1 =	veq.s32 v4, s24  }
0x90: {  	[tilespmem:v7+s3+$0x0] =	vst.idx.add.f32.msk vm2, v5;
	vm2 =	vmmov vm1  }
.Ltmp13:
0x91: {  	(pc) =	sbr.rel .LBB2_19-.Ltmp13, $2  }
0x92: {  	_ =	sdelay $0x2  }
0x93: {  	vm4 =	vmmov vm0;
	vm3 =	vmmov vm1;
	vm0 =	vmmov vm2  }
.LBB2_6:
.Ltmp14:
0x94: {  	(pc) =	sbr.rel .LBB2_11-.Ltmp14, $2  }
0x95: {  	_ =	sdelay $0x2  }
0x96: {  	_ = 	snop  }
.LBB2_8:
.Ltmp15:
0x97: {  	(pc) =	sbr.rel .LBB2_11-.Ltmp15, $2  }
0x98: {  	_ =	sdelay $0x2  }
0x99: {  	vm4 =	vmmov vm0;
	vm3 =	vmmov vm1;
	vm0 =	vmmov vm2  }
.LBB2_16:
.Ltmp16:
0x9a: {  	(pc) =	sbr.rel .LBB2_19-.Ltmp16, $2  }
0x9b: {  	_ =	sdelay $0x2  }
0x9c: {  	vm4 =	vmmov vm0;
	vm3 =	vmmov vm1;
	vm0 =	vmmov vm2  }
.LBB2_21:
.Ltmp17:
0x9d: {  	(pc) =	sbr.rel .LBB2_22-.Ltmp17, $2  }
0x9e: {  	_ =	sdelay $0x2  }
0x9f: {  	s21 =	simm.s32 $0x0  }
.LBB2_24:
0xa0: {  	_ = 	snop  }
.LBB2_29:
0xa1: {  	_ =	sdelay $0x4  }
0xa2: {  	[tilespmem:v8+s3+$0x0] =	vst.idx.add.f32.msk @p0 vm4, v4  }
0xa3: {  	[tilespmem:v6+s3+$0x0] =	vst.idx.add.f32.msk vm3, v2  }
0xa4: {  	[tilespmem:v7+s3+$0x0] =	vst.idx.add.f32.msk vm0, v3  }
0xa5: {  	vm1 =	vmmov vm3;
	[tilespmem:v8+s3+$0x0] =	vst.idx.add.f32.msk vm3, v4  }
.LBB2_30:
0xa6: {  	s21 =	sadd.s32 $0x1, s21  }
0xa7: {  	p0 =	sne.s32 s21, s11  }
.Ltmp18:
0xa8: {  	_ = 	snop;
	(pc) =	sbr.rel @!p0 .LBB2_31-.Ltmp18, $1  }
0xa9: {  	_ =	sdelay $0x3  }
.LBB2_22:
0xaa: {  	_ =	sdelay $0x2  }
0xab: {  	s22 =	sshll.u32 s21, $0x4  }
0xac: {  	v6 =	vld.idx.msk [tilespmem:v1+s22+$0x0 ss:$0x1], $0xffff;
	_ =	sdelay $0x4  }
0xad: {  	(xrf1) =	vunique.msk.u32 $0xffff, v6;
	_ =	sdelay $0xd  }
0xae: {  	_, v5, _ =	vpop (xrf1)  }
0xaf: {  	v2 =	vxor.u32 $0x80000000, v5  }
0xb0: {  	(xrf0) =	vmax.scan.msk.u32 $0xffff, v2;
	_ =	sdelay $0x5  }
0xb1: {  	v2, _, _ =	vpop (xrf0)  }
0xb2: {  	(v2sf) =	vpush v2, $0xF;
	_ =	sdelay $0xb  }
0xb3: {  	s23 =	sshrl.u32 s21, $0x2  }
0xb4: {  	s23 =	smul.u32 $0xC0, s23  }
0xb5: {  	s22 =	sand.u32 $0x30, s22  }
0xb6: {  	s23 =	sor.u32 s22, s23;
	s22 =	spop (v2sf)  }
0xb7: {  	s24 =	sadd.s32 $0x80000001, s22  }
0xb8: {  	p0 =	slt.s32 s24, $0x2  }
.Ltmp19:
0xb9: {  	_ = 	snop;
	(pc) =	sbr.rel @p0 .LBB2_30-.Ltmp19, $3  }
0xba: {  	v4 =	vld [tilespmem:s23+$0x14780];
	_ =	sdelay $0x1  }
0xbb: {  	v3 =	vld [tilespmem:s23+$0x14740]  }
0xbc: {  	v2 =	vld [tilespmem:s23+$0x14700]  }
0xbd: {  	s23 =	simm.s32 $0x1  }
0xbe: {  	v6 =	vmul.u32 $0x3, v6;
	p1 =	sne.s32 s22, $0x80000001;
	vm3 =	veq.s32 v5, s23  }
.Ltmp20:
0xbf: {  	vm0 =	vmmov vm3;
	(pc) =	sbr.rel @!p1 .LBB2_24-.Ltmp20, $2  }
0xc0: {  	v8 =	vadd.s32 $0x2, v6;
	_ =	sdelay $0x2  }
0xc1: {  	p0 =	por $0x0, $0x0;
	v7 =	vadd.s32 $0x1, v6  }
0xc2: {  	_ = 	snop  }
0xc3: {  	p1 =	sne.s32 s22, $0x80000002  }
.Ltmp21:
0xc4: {  	_ = 	snop;
	(pc) =	sbr.rel @!p1 .LBB2_26-.Ltmp21, $4  }
0xc5: {  	_ = 	snop  }
0xc6: {  	s23 =	simm.s32 $0x2  }
0xc7: {  	[tilespmem:v6+s3+$0x0] =	vst.idx.add.f32.msk vm3, v2;
	vm1 =	veq.s32 v5, s23  }
0xc8: {  	p0 =	por $0x1, $0x1;
	s23 =	simm.s32 $0x80000002;
	[tilespmem:v7+s3+$0x0] =	vst.idx.add.f32.msk vm0, v3;
	vm2 =	vmmov vm1  }
.LBB2_27:
0xc9: {  	s24 =	smov.u32 s23;
	s23 =	sadd.s32 $0x1, s23  }
0xca: {  	[tilespmem:v8+s3+$0x0] =	vst.idx.add.f32.msk vm0, v4;
	vm0 =	vmmov vm1;
	p1 =	sne.s32 s22, s23  }
.Ltmp22:
0xcb: {  	(pc) =	sbr.rel @p1 .LBB2_27-.Ltmp22, $4  }
0xcc: {  	_ = 	snop  }
0xcd: {  	s24 =	sadd.s32 $0x80000001, s24  }
0xce: {  	[tilespmem:v6+s3+$0x0] =	vst.idx.add.f32.msk vm1, v2;
	vm1 =	veq.s32 v5, s24  }
0xcf: {  	[tilespmem:v7+s3+$0x0] =	vst.idx.add.f32.msk vm2, v3;
	vm2 =	vmmov vm1  }
.Ltmp23:
0xd0: {  	(pc) =	sbr.rel .LBB2_29-.Ltmp23, $2  }
0xd1: {  	_ =	sdelay $0x2  }
0xd2: {  	vm4 =	vmmov vm0;
	vm3 =	vmmov vm1;
	vm0 =	vmmov vm2  }
.LBB2_26:
.Ltmp24:
0xd3: {  	(pc) =	sbr.rel .LBB2_29-.Ltmp24, $2  }
0xd4: {  	_ =	sdelay $0x2  }
0xd5: {  	vm4 =	vmmov vm0;
	vm3 =	vmmov vm1;
	vm0 =	vmmov vm2  }
.LBB2_32:
0xd6: {  	_ =	sfence.sel $0x180000  }
0xd7: {  	[bflag:$0x0] =	sbarrier.arrive $0xFFFF  }
0xd8: {  	p0 =	sne.s32 s0, $0x0;
	_ =	strace $0x9000004A  }
0xd9: {  	s0 =	sadd.s32 @!p0 $0x100000, s1;
	[bflag:$0x2] =	sbarrier.arrive $0xFFFF  }
0xda: {  	[sflag:s0] =	ssyncadd.tile.s32 @!p0 $0x1;
	_ =	shalt  }
.Lfunc_end2:
_tile_overlayer_lowered:
.L_overlay_start_2:
0xdb: {  	(tag) =	ssettag $0x2  }
0xdc: {  	s0 =	rddreg [dreg:$0x0];
	s2 =	stileid.u32  }
0xdd: {  	s1 =	rddreg [dreg:$0x1];
	p0 =	sne.s32 s2, $0x0  }
0xde: {  	s3 =	rddreg [dreg:$0x2];
	[bflag:$0x3] =	sbarrier.arrive $0xFFFF;
	s2 =	simm.s32 @!p0 $0x1C01  }
0xdf: {  	[timem:s3], [sflag:s2] =	dma.local @!p0 [hbm:s0], s1  }
0xe0: {  	s0 =	simm.s32 @!p0 $0x1  }
0xe1: {  	_ =	swait.ge @!p0 [sflag:s0], s1  }
0xe2: {  	s1 =	ssub.s32 @!p0 $0x0, s1;
	[sflag:s0] =	ssyncset.done @!p0 $0x0  }
0xe3: {  	[sflag:s0] =	ssyncadd.s32 @!p0 s1  }
0xe4: {  	[bflag:$0x3] =	sbarrier.arrive $0xFFFF  }
0xe5: {  	_ =	shalt  }

</sc_bundles>
